<compile_context>
chip_gen: v7x
topology: tpu7x:2x2x1
jax: 0.10.2.dev20260603
libtpu: 0.0.44.dev20260713+nightly
codegen_flags: <defaults>
</compile_context>

<pallas_src>
import functools

import jax
import jax.numpy as jnp
from jax import lax
from jax.experimental import pallas as pl
from jax.experimental.pallas import tpu as pltpu
from jax.experimental.pallas import tpu_sc as plsc

_N = 10000
_E = 320000
_NF = 128
_NORM = 100.0

_NC = 2
_NS = 16
_NW = _NC * _NS
_EPW = _E // _NW
_K = 80
_NCH = _EPW // _K
_RPT = 624


def _sc_gather_combine(ta, tb, row, col, D, sign, dtype, tct=True):
    bf16 = dtype == jnp.bfloat16
    W = D // 2 if bf16 else D
    G = D // 32 if bf16 else D // 16
    sdt = jnp.int32 if bf16 else jnp.float32
    mesh = plsc.VectorSubcoreMesh(core_axis_name="c", subcore_axis_name="s")

    @functools.partial(
        pl.kernel,
        out_type=jax.ShapeDtypeStruct((_E, W), sdt),
        mesh=mesh,
        scratch_types=[
            pltpu.VMEM((_K,), jnp.int32), pltpu.VMEM((_K,), jnp.int32),
            pltpu.VMEM((_K,), jnp.int32), pltpu.VMEM((_K,), jnp.int32),
            pltpu.VMEM((_K, W), sdt), pltpu.VMEM((_K, W), sdt),
            pltpu.VMEM((_K, W), sdt), pltpu.VMEM((_K, W), sdt),
            pltpu.SemaphoreType.DMA, pltpu.SemaphoreType.DMA,
            pltpu.SemaphoreType.DMA, pltpu.SemaphoreType.DMA,
        ],
        compiler_params=pltpu.CompilerParams(
            needs_layout_passes=not bf16, use_tc_tiling_on_sc=tct),
    )
    def kern(ta_h, tb_h, row_h, col_h, out_h,
             ir0, ir1, ic0, ic1, a0, a1, b0, b1, s0, s1, w0, w1):
        wid = lax.axis_index("c") * _NS + lax.axis_index("s")
        base = wid * _EPW
        irs = (ir0, ir1)
        ics = (ic0, ic1)
        abufs = (a0, a1)
        bbufs = (b0, b1)
        sems = (s0, s1)
        wsems = (w0, w1)

        def fire(ci, t):
            off = base + ci * _K

            @pl.when(ci >= 2)
            def _():
                pltpu.make_async_copy(out_h.at[pl.ds(base, _K)],
                                      abufs[t], wsems[t]).wait()

            pltpu.sync_copy(row_h.at[pl.ds(off, _K)], irs[t])
            pltpu.sync_copy(col_h.at[pl.ds(off, _K)], ics[t])
            pltpu.async_copy(ta_h.at[irs[t]], abufs[t], sems[t])
            pltpu.async_copy(tb_h.at[ics[t]], bbufs[t], sems[t])

        def waitproc(ci, t):
            pltpu.make_async_copy(ta_h.at[irs[t]], abufs[t], sems[t]).wait()
            pltpu.make_async_copy(tb_h.at[ics[t]], bbufs[t], sems[t]).wait()
            a = abufs[t]
            b = bbufs[t]

            def addrow(r, carry):
                for g in range(G):
                    av = a[r, pl.ds(g * 16, 16)]
                    bv = b[r, pl.ds(g * 16, 16)]
                    if bf16:
                        av = plsc.bitcast(av, jnp.bfloat16)
                        bv = plsc.bitcast(bv, jnp.bfloat16)
                    res = av + bv if sign > 0 else av - bv
                    if bf16:
                        res = plsc.bitcast(res, jnp.int32)
                    a[r, pl.ds(g * 16, 16)] = res
                return carry

            lax.fori_loop(0, _K, addrow, 0)
            off = base + ci * _K
            pltpu.async_copy(a, out_h.at[pl.ds(off, _K)], wsems[t])

        fire(0, 0)

        def body(i, carry):
            j = i * 2
            fire(j + 1, 1)
            waitproc(j, 0)
            fire(j + 2, 0)
            waitproc(j + 1, 1)
            return carry

        lax.fori_loop(0, (_NCH - 1) // 2, body, 0)
        waitproc(_NCH - 1, 0)
        for t in range(2):
            pltpu.make_async_copy(out_h.at[pl.ds(base, _K)],
                                  abufs[t], wsems[t]).wait()

    return kern(ta, tb, row, col)



def _sc_gather_l0(ha, hb, xp, row, col):
    mesh = plsc.VectorSubcoreMesh(core_axis_name="c", subcore_axis_name="s")
    f32 = jnp.float32

    @functools.partial(
        pl.kernel,
        out_type=[jax.ShapeDtypeStruct((_E, _NF), f32),
                  jax.ShapeDtypeStruct((_E, _NF), f32)],
        mesh=mesh,
        scratch_types=[
            pltpu.VMEM((_K,), jnp.int32), pltpu.VMEM((_K,), jnp.int32),
            pltpu.VMEM((_K,), jnp.int32), pltpu.VMEM((_K,), jnp.int32),
            pltpu.VMEM((_K, _NF), f32), pltpu.VMEM((_K, _NF), f32),
            pltpu.VMEM((_K, _NF), f32), pltpu.VMEM((_K, _NF), f32),
            pltpu.VMEM((_K, _NF), f32), pltpu.VMEM((_K, _NF), f32),
            pltpu.VMEM((_K, _NF), f32), pltpu.VMEM((_K, _NF), f32),
            pltpu.SemaphoreType.DMA, pltpu.SemaphoreType.DMA,
            pltpu.SemaphoreType.DMA, pltpu.SemaphoreType.DMA,
        ],
    )
    def kern(ha_h, hb_h, xp_h, row_h, col_h, e0_h, xd_h,
             ir0, ir1, ic0, ic1, a0, a1, b0, b1, xa0, xa1, xb0, xb1, s0, s1,
             w0, w1):
        wid = lax.axis_index("c") * _NS + lax.axis_index("s")
        base = wid * _EPW
        irs = (ir0, ir1)
        ics = (ic0, ic1)
        abufs = (a0, a1)
        bbufs = (b0, b1)
        xabufs = (xa0, xa1)
        xbbufs = (xb0, xb1)
        sems = (s0, s1)
        wsems = (w0, w1)

        def fire(ci, t):
            off = base + ci * _K

            @pl.when(ci >= 2)
            def _():
                pltpu.make_async_copy(e0_h.at[pl.ds(base, _K)],
                                      abufs[t], wsems[t]).wait()
                pltpu.make_async_copy(xd_h.at[pl.ds(base, _K)],
                                      xabufs[t], wsems[t]).wait()

            pltpu.sync_copy(row_h.at[pl.ds(off, _K)], irs[t])
            pltpu.sync_copy(col_h.at[pl.ds(off, _K)], ics[t])
            pltpu.async_copy(ha_h.at[irs[t]], abufs[t], sems[t])
            pltpu.async_copy(hb_h.at[ics[t]], bbufs[t], sems[t])
            pltpu.async_copy(xp_h.at[irs[t]], xabufs[t], sems[t])
            pltpu.async_copy(xp_h.at[ics[t]], xbbufs[t], sems[t])

        def waitproc(ci, t):
            pltpu.make_async_copy(ha_h.at[irs[t]], abufs[t], sems[t]).wait()
            pltpu.make_async_copy(hb_h.at[ics[t]], bbufs[t], sems[t]).wait()
            pltpu.make_async_copy(xp_h.at[irs[t]], xabufs[t], sems[t]).wait()
            pltpu.make_async_copy(xp_h.at[ics[t]], xbbufs[t], sems[t]).wait()
            a = abufs[t]
            b = bbufs[t]
            xa = xabufs[t]
            xb = xbbufs[t]

            def addrow(r, carry):
                for g in range(_NF // 16):
                    sl = pl.ds(g * 16, 16)
                    a[r, sl] = a[r, sl] + b[r, sl]
                for g in range(2):
                    sl = pl.ds(g * 16, 16)
                    xa[r, sl] = xa[r, sl] - xb[r, sl]
                return carry

            lax.fori_loop(0, _K, addrow, 0)
            off = base + ci * _K
            pltpu.async_copy(a, e0_h.at[pl.ds(off, _K)], wsems[t])
            pltpu.async_copy(xa, xd_h.at[pl.ds(off, _K)], wsems[t])

        fire(0, 0)

        def body(i, carry):
            j = i * 2
            fire(j + 1, 1)
            waitproc(j, 0)
            fire(j + 2, 0)
            waitproc(j + 1, 1)
            return carry

        lax.fori_loop(0, (_NCH - 1) // 2, body, 0)
        waitproc(_NCH - 1, 0)
        for t in range(2):
            pltpu.make_async_copy(e0_h.at[pl.ds(base, _K)],
                                  abufs[t], wsems[t]).wait()
            pltpu.make_async_copy(xd_h.at[pl.ds(base, _K)],
                                  xabufs[t], wsems[t]).wait()

    return kern(ha, hb, xp, row, col)


def _sc_scatter_add(feat, row, zeros_tile, D, dtype, tct=True):
    mesh = plsc.VectorSubcoreMesh(core_axis_name="c", subcore_axis_name="s")

    @functools.partial(
        pl.kernel,
        out_type=jax.ShapeDtypeStruct((_NC, _N, D), dtype),
        mesh=mesh,
        scratch_types=[
            pltpu.VMEM((_K,), jnp.int32), pltpu.VMEM((_K,), jnp.int32),
            pltpu.VMEM((_K, D), dtype), pltpu.VMEM((_K, D), dtype),
            pltpu.VMEM_SHARED((_N, D), dtype),
            pltpu.SemaphoreType.DMA, pltpu.SemaphoreType.DMA,
            pltpu.SemaphoreType.DMA, pltpu.SemaphoreType.DMA,
        ],
        compiler_params=pltpu.CompilerParams(use_tc_tiling_on_sc=tct),
    )
    def kern(feat_h, row_h, z_h, out_h, i0, i1, f0, f1, acc, s0, s1, w0, w1):
        c = lax.axis_index("c")
        s = lax.axis_index("s")
        base = (c * _NS + s) * _EPW
        idxs = (i0, i1)
        fbufs = (f0, f1)
        sems = (s0, s1)
        wsems = (w0, w1)

        pltpu.sync_copy(z_h.at[pl.ds(0, _RPT)], acc.at[pl.ds(s * _RPT, _RPT)])

        @pl.when(s == _NS - 1)
        def _():
            pltpu.sync_copy(z_h.at[pl.ds(_RPT, 16)],
                            acc.at[pl.ds(_NS * _RPT, 16)])

        plsc.subcore_barrier()

        def fire(ci, t):
            off = base + ci * _K

            @pl.when(ci >= 2)
            def _():
                pltpu.make_async_copy(feat_h.at[pl.ds(base, _K)],
                                      fbufs[t], wsems[t]).wait()

            pltpu.sync_copy(row_h.at[pl.ds(off, _K)], idxs[t])
            pltpu.async_copy(feat_h.at[pl.ds(off, _K)], fbufs[t], sems[t])

        def proc(ci, t):
            pltpu.make_async_copy(feat_h.at[pl.ds(0, _K)], fbufs[t], sems[t]).wait()
            pltpu.async_copy(fbufs[t], acc.at[idxs[t]], wsems[t], add=True)

        fire(0, 0)

        def body(i, carry):
            j = i * 2
            fire(j + 1, 1)
            proc(j, 0)
            fire(j + 2, 0)
            proc(j + 1, 1)
            return carry

        lax.fori_loop(0, (_NCH - 1) // 2, body, 0)
        proc(_NCH - 1, 0)
        for t in range(2):
            pltpu.make_async_copy(feat_h.at[pl.ds(base, _K)],
                                  fbufs[t], wsems[t]).wait()
        plsc.subcore_barrier()

        pltpu.sync_copy(acc.at[pl.ds(s * _RPT, _RPT)],
                        out_h.at[c, pl.ds(s * _RPT, _RPT)])

        @pl.when(s == _NS - 1)
        def _():
            pltpu.sync_copy(acc.at[pl.ds(_NS * _RPT, 16)],
                            out_h.at[c, pl.ds(_NS * _RPT, 16)])

    return kern(feat, row, zeros_tile)


_BN = 2000
_BE = 2000


def _node_pre_body(h_ref, at_ref, bt_ref, ba_ref, ha_ref, hb_ref):
    h = h_ref[...]
    ha_ref[...] = jnp.dot(h, at_ref[...], preferred_element_type=jnp.float32) + ba_ref[...]
    hb_ref[...] = jnp.dot(h, bt_ref[...], preferred_element_type=jnp.float32)


def _tc_node_pre(h, at, bt, ba):
    return pl.pallas_call(
        _node_pre_body,
        grid=(_N // _BN,),
        in_specs=[
            pl.BlockSpec((_BN, _NF), lambda i: (i, 0)),
            pl.BlockSpec((_NF, _NF), lambda i: (0, 0)),
            pl.BlockSpec((_NF, _NF), lambda i: (0, 0)),
            pl.BlockSpec((1, _NF), lambda i: (0, 0)),
        ],
        out_specs=[
            pl.BlockSpec((_BN, _NF), lambda i: (i, 0)),
            pl.BlockSpec((_BN, _NF), lambda i: (i, 0)),
        ],
        out_shape=[jax.ShapeDtypeStruct((_N, _NF), jnp.float32)] * 2,
    )(h, at, bt, ba)


def _geom_body(xd_ref, eat_ref, geo_ref):
    xd = xd_ref[...]
    r2 = jnp.sum(xd * xd, axis=1, keepdims=True)
    cd = xd / (jnp.sqrt(r2 + 1e-8) + 1.0)
    z = jnp.zeros((xd.shape[0], 11), jnp.float32)
    geo_ref[...] = jnp.concatenate([r2, eat_ref[...], cd[:, 0:3], z], axis=1)


def _tc_geom(xd, eattr):
    return pl.pallas_call(
        _geom_body,
        grid=(_E // _BE,),
        in_specs=[
            pl.BlockSpec((_BE, 16), lambda i: (i, 0)),
            pl.BlockSpec((_BE, 1), lambda i: (i, 0)),
        ],
        out_specs=pl.BlockSpec((_BE, 16), lambda i: (i, 0)),
        out_shape=jax.ShapeDtypeStruct((_E, 16), jnp.float32),
    )(xd, eattr)



def _edge_l0_body(xd_ref, eat_ref, e0_ref, ct_ref, w1t_ref, b1_ref,
                  aw_ref, ab_ref, out_ref, geo_ref):
    xd = xd_ref[...]
    r2 = jnp.sum(xd * xd, axis=1, keepdims=True)
    cd = xd / (jnp.sqrt(r2 + 1e-8) + 1.0)
    z = jnp.zeros((xd.shape[0], 11), jnp.float32)
    ea = jnp.concatenate([r2, eat_ref[...]], axis=1)
    geo_ref[...] = jnp.concatenate([ea, cd[:, 0:3], z], axis=1)
    t0 = e0_ref[...] + jnp.dot(ea, ct_ref[...], preferred_element_type=jnp.float32)
    t0 = t0 * jax.nn.sigmoid(t0)
    t1 = jnp.dot(t0, w1t_ref[...], preferred_element_type=jnp.float32) + b1_ref[...]
    t1 = t1 * jax.nn.sigmoid(t1)
    av = jnp.dot(t1, aw_ref[...], preferred_element_type=jnp.float32) + ab_ref[...]
    out_ref[...] = t1 * jax.nn.sigmoid(av)


def _tc_edge_l0(xd, eattr, e0, ct, w1t, b1, aw, ab):
    return pl.pallas_call(
        _edge_l0_body,
        grid=(_E // _BE,),
        in_specs=[
            pl.BlockSpec((_BE, _NF), lambda i: (i, 0)),
            pl.BlockSpec((_BE, 1), lambda i: (i, 0)),
            pl.BlockSpec((_BE, _NF), lambda i: (i, 0)),
            pl.BlockSpec((2, _NF), lambda i: (0, 0)),
            pl.BlockSpec((_NF, _NF), lambda i: (0, 0)),
            pl.BlockSpec((1, _NF), lambda i: (0, 0)),
            pl.BlockSpec((_NF, 1), lambda i: (0, 0)),
            pl.BlockSpec((1, 1), lambda i: (0, 0)),
        ],
        out_specs=[
            pl.BlockSpec((_BE, _NF), lambda i: (i, 0)),
            pl.BlockSpec((_BE, 16), lambda i: (i, 0)),
        ],
        out_shape=[jax.ShapeDtypeStruct((_E, _NF), jnp.float32),
                   jax.ShapeDtypeStruct((_E, 16), jnp.float32)],
    )(xd, eattr, e0, ct, w1t, b1, aw, ab)


def _node_mlp_fused_body(h_ref, p0_ref, p1_ref, ut_ref, vt_ref, b0_ref,
                         w1t_ref, b1_ref, at2_ref, bt2_ref, ba2_ref,
                         out_ref, ha2_ref, hb2_ref):
    h = h_ref[...]
    agg = (p0_ref[...].astype(jnp.float32)
           + p1_ref[...].astype(jnp.float32)) * (1.0 / _NORM)
    t = (jnp.dot(h, ut_ref[...], preferred_element_type=jnp.float32)
         + jnp.dot(agg, vt_ref[...], preferred_element_type=jnp.float32)
         + b0_ref[...])
    t = t * jax.nn.sigmoid(t)
    dh = jnp.dot(t, w1t_ref[...], preferred_element_type=jnp.float32) + b1_ref[...]
    hn = h + dh
    out_ref[...] = hn
    ha2_ref[...] = jnp.dot(hn, at2_ref[...], preferred_element_type=jnp.float32) + ba2_ref[...]
    hb2_ref[...] = jnp.dot(hn, bt2_ref[...], preferred_element_type=jnp.float32)


def _tc_node_mlp_fused(h, p0, p1, ut, vt, b0, w1t, b1, at2, bt2, ba2):
    return pl.pallas_call(
        _node_mlp_fused_body,
        grid=(_N // _BN,),
        in_specs=[
            pl.BlockSpec((_BN, _NF), lambda i: (i, 0)),
            pl.BlockSpec((_BN, _NF), lambda i: (i, 0)),
            pl.BlockSpec((_BN, _NF), lambda i: (i, 0)),
            pl.BlockSpec((_NF, _NF), lambda i: (0, 0)),
            pl.BlockSpec((_NF, _NF), lambda i: (0, 0)),
            pl.BlockSpec((1, _NF), lambda i: (0, 0)),
            pl.BlockSpec((_NF, _NF), lambda i: (0, 0)),
            pl.BlockSpec((1, _NF), lambda i: (0, 0)),
            pl.BlockSpec((_NF, _NF), lambda i: (0, 0)),
            pl.BlockSpec((_NF, _NF), lambda i: (0, 0)),
            pl.BlockSpec((1, _NF), lambda i: (0, 0)),
        ],
        out_specs=[pl.BlockSpec((_BN, _NF), lambda i: (i, 0))] * 3,
        out_shape=[jax.ShapeDtypeStruct((_N, _NF), jnp.float32)] * 3,
    )(h, p0, p1, ut, vt, b0, w1t, b1, at2, bt2, ba2)


def _edge_mlp_body(e0_ref, geo_ref, ct_ref, w1t_ref, b1_ref, aw_ref, ab_ref, out_ref):
    e0 = e0_ref[...].astype(jnp.float32)
    ea = geo_ref[...][:, 0:2]
    t0 = e0 + jnp.dot(ea, ct_ref[...], preferred_element_type=jnp.float32)
    t0 = t0 * jax.nn.sigmoid(t0)
    t1 = jnp.dot(t0, w1t_ref[...], preferred_element_type=jnp.float32) + b1_ref[...]
    t1 = t1 * jax.nn.sigmoid(t1)
    av = jnp.dot(t1, aw_ref[...], preferred_element_type=jnp.float32) + ab_ref[...]
    out_ref[...] = t1 * jax.nn.sigmoid(av)


def _tc_edge_mlp(e0, geo, ct, w1t, b1, aw, ab):
    return pl.pallas_call(
        _edge_mlp_body,
        grid=(_E // _BE,),
        in_specs=[
            pl.BlockSpec((_BE, _NF), lambda i: (i, 0)),
            pl.BlockSpec((_BE, 16), lambda i: (i, 0)),
            pl.BlockSpec((2, _NF), lambda i: (0, 0)),
            pl.BlockSpec((_NF, _NF), lambda i: (0, 0)),
            pl.BlockSpec((1, _NF), lambda i: (0, 0)),
            pl.BlockSpec((_NF, 1), lambda i: (0, 0)),
            pl.BlockSpec((1, 1), lambda i: (0, 0)),
        ],
        out_specs=pl.BlockSpec((_BE, _NF), lambda i: (i, 0)),
        out_shape=jax.ShapeDtypeStruct((_E, _NF), jnp.float32),
    )(e0, geo, ct, w1t, b1, aw, ab)


def _node_mlp_body(h_ref, p0_ref, p1_ref, ut_ref, vt_ref, b0_ref, w1t_ref, b1_ref, out_ref):
    h = h_ref[...]
    agg = (p0_ref[...].astype(jnp.float32)
           + p1_ref[...].astype(jnp.float32)) * (1.0 / _NORM)
    t = (jnp.dot(h, ut_ref[...], preferred_element_type=jnp.float32)
         + jnp.dot(agg, vt_ref[...], preferred_element_type=jnp.float32)
         + b0_ref[...])
    t = t * jax.nn.sigmoid(t)
    dh = jnp.dot(t, w1t_ref[...], preferred_element_type=jnp.float32) + b1_ref[...]
    out_ref[...] = h + dh


def _tc_node_mlp(h, p0, p1, ut, vt, b0, w1t, b1):
    return pl.pallas_call(
        _node_mlp_body,
        grid=(_N // _BN,),
        in_specs=[
            pl.BlockSpec((_BN, _NF), lambda i: (i, 0)),
            pl.BlockSpec((_BN, _NF), lambda i: (i, 0)),
            pl.BlockSpec((_BN, _NF), lambda i: (i, 0)),
            pl.BlockSpec((_NF, _NF), lambda i: (0, 0)),
            pl.BlockSpec((_NF, _NF), lambda i: (0, 0)),
            pl.BlockSpec((1, _NF), lambda i: (0, 0)),
            pl.BlockSpec((_NF, _NF), lambda i: (0, 0)),
            pl.BlockSpec((1, _NF), lambda i: (0, 0)),
        ],
        out_specs=pl.BlockSpec((_BN, _NF), lambda i: (i, 0)),
        out_shape=jax.ShapeDtypeStruct((_N, _NF), jnp.float32),
    )(h, p0, p1, ut, vt, b0, w1t, b1)


def _coord_edge_body(c0_ref, geo_ref, ct_ref, w1t_ref, b1_ref, w2t_ref, out_ref):
    geo = geo_ref[...]
    ea = geo[:, 0:2]
    t0 = c0_ref[...].astype(jnp.float32) + jnp.dot(ea, ct_ref[...], preferred_element_type=jnp.float32)
    t0 = t0 * jax.nn.sigmoid(t0)
    t1 = jnp.dot(t0, w1t_ref[...], preferred_element_type=jnp.float32) + b1_ref[...]
    t1 = t1 * jax.nn.sigmoid(t1)
    tt = jnp.dot(t1, w2t_ref[...], preferred_element_type=jnp.float32)
    z = jnp.zeros((geo.shape[0], 13), jnp.float32)
    out_ref[...] = jnp.concatenate([geo[:, 2:5] * tt, z], axis=1)


def _tc_coord_edge(c0, geo, ct, w1t, b1, w2t):
    return pl.pallas_call(
        _coord_edge_body,
        grid=(_E // _BE,),
        in_specs=[
            pl.BlockSpec((_BE, _NF), lambda i: (i, 0)),
            pl.BlockSpec((_BE, 16), lambda i: (i, 0)),
            pl.BlockSpec((2, _NF), lambda i: (0, 0)),
            pl.BlockSpec((_NF, _NF), lambda i: (0, 0)),
            pl.BlockSpec((1, _NF), lambda i: (0, 0)),
            pl.BlockSpec((_NF, 1), lambda i: (0, 0)),
        ],
        out_specs=pl.BlockSpec((_BE, 16), lambda i: (i, 0)),
        out_shape=jax.ShapeDtypeStruct((_E, 16), jnp.float32),
    )(c0, geo, ct, w1t, b1, w2t)


def _coord_apply_body(x_ref, q0_ref, q1_ref, out_ref):
    q = (q0_ref[...].astype(jnp.float32)
         + q1_ref[...].astype(jnp.float32)) * (1.0 / _NORM)
    out_ref[...] = x_ref[...] + q[:, 0:3]


def _tc_coord_apply(x, q0, q1):
    return pl.pallas_call(
        _coord_apply_body,
        grid=(_N // _BN,),
        in_specs=[
            pl.BlockSpec((_BN, 3), lambda i: (i, 0)),
            pl.BlockSpec((_BN, 16), lambda i: (i, 0)),
            pl.BlockSpec((_BN, 16), lambda i: (i, 0)),
        ],
        out_specs=pl.BlockSpec((_BN, 3), lambda i: (i, 0)),
        out_shape=jax.ShapeDtypeStruct((_N, 3), jnp.float32),
    )(x, q0, q1)


def _pack_bf16(a):
    return jax.lax.bitcast_convert_type(
        a.reshape(a.shape[0], a.shape[1] // 2, 2), jnp.int32)


def _unpack_bf16(a):
    return jax.lax.bitcast_convert_type(a, jnp.bfloat16).reshape(a.shape[0], -1)


def kernel(h, x, edge_index, edge_attr, params):
    row = edge_index[0]
    col = edge_index[1]
    x128 = jnp.concatenate([x, jnp.zeros((_N, _NF - 3), jnp.float32)], axis=1)
    zeros128 = jnp.zeros((_RPT + 16, _NF), jnp.float32)
    zeros16 = jnp.zeros((_RPT + 16, 16), jnp.float32)

    def ew(i):
        w0 = params[f"gcl{i}_e_W0"]
        return (w0[:, :_NF].T, w0[:, _NF:2 * _NF].T, w0[:, 2 * _NF:].T,
                params[f"gcl{i}_e_b0"][None, :])

    at0, bt0, ct0, ba0 = ew(0)
    at1, bt1, ct1, ba1 = ew(1)
    cw0 = params["c_W0"]
    cat, cbt, cct, cba = (cw0[:, :_NF].T, cw0[:, _NF:2 * _NF].T,
                          cw0[:, 2 * _NF:].T, params["c_b0"][None, :])

    ha0, hb0 = _tc_node_pre(h, at0, bt0, ba0)
    e0, xd = _sc_gather_l0(ha0, hb0, x128, row, col)
    ef0, geo = _tc_edge_l0(
        xd, edge_attr, e0, ct0,
        params["gcl0_e_W1"].T, params["gcl0_e_b1"][None, :],
        params["gcl0_att_W"].T, params["gcl0_att_b"][None, :])
    parts0 = _sc_scatter_add(ef0, row, zeros128, _NF, jnp.float32)
    nw0 = params["gcl0_n_W0"]
    h1, ha1, hb1 = _tc_node_mlp_fused(
        h, parts0[0], parts0[1],
        nw0[:, :_NF].T, nw0[:, _NF:].T, params["gcl0_n_b0"][None, :],
        params["gcl0_n_W1"].T, params["gcl0_n_b1"][None, :],
        at1, bt1, ba1)

    e1 = _sc_gather_combine(ha1, hb1, row, col, _NF, 1, jnp.float32)
    ef1 = _tc_edge_mlp(
        e1, geo, ct1,
        params["gcl1_e_W1"].T, params["gcl1_e_b1"][None, :],
        params["gcl1_att_W"].T, params["gcl1_att_b"][None, :])
    parts1 = _sc_scatter_add(ef1, row, zeros128, _NF, jnp.float32)
    nw1 = params["gcl1_n_W0"]
    h2, ca, cb = _tc_node_mlp_fused(
        h1, parts1[0], parts1[1],
        nw1[:, :_NF].T, nw1[:, _NF:].T, params["gcl1_n_b0"][None, :],
        params["gcl1_n_W1"].T, params["gcl1_n_b1"][None, :],
        cat, cbt, cba)

    c0 = _sc_gather_combine(ca, cb, row, col, _NF, 1, jnp.float32)
    trans = _tc_coord_edge(
        c0, geo, cct,
        params["c_W1"].T,
        params["c_b1"][None, :],
        params["c_W2"].T,
    )
    qparts = _sc_scatter_add(trans, row, zeros16, 16, jnp.float32,
                             tct=False)
    x_new = _tc_coord_apply(x, qparts[0], qparts[1])
    return h2, x_new

# --- scband reference (transcript-rebuilt; emitter-appended) ---
"""Pipeline reference for scband-equivariant-block-52192442581789 (READ-ONLY COPY).

The authoritative reference and input builder live on the scoring server;
editing this copy changes nothing except your own understanding.
"""

import jax, jax.numpy as jnp
import numpy as np

N = 10000
E = 320000
NF = 128
NL = 2
NORM = 100.0
NORM_CONST = 1.0


def _mk_params(key):
    p = {}
    ks = list(jax.random.split(key, 64))
    idx = [0]
    def w(shape, scale=0.1):
        k = ks[idx[0]]
        idx[0] += 1
        return jax.random.normal(k, shape, dtype=jnp.float32) * scale
    for i in range(NL):
        p[f"gcl{i}_e_W0"] = w((NF, 2 * NF + 2)); p[f"gcl{i}_e_b0"] = jnp.zeros((NF,), jnp.float32)
        p[f"gcl{i}_e_W1"] = w((NF, NF)); p[f"gcl{i}_e_b1"] = jnp.zeros((NF,), jnp.float32)
        p[f"gcl{i}_att_W"] = w((1, NF)); p[f"gcl{i}_att_b"] = jnp.zeros((1,), jnp.float32)
        p[f"gcl{i}_n_W0"] = w((NF, 2 * NF)); p[f"gcl{i}_n_b0"] = jnp.zeros((NF,), jnp.float32)
        p[f"gcl{i}_n_W1"] = w((NF, NF)); p[f"gcl{i}_n_b1"] = jnp.zeros((NF,), jnp.float32)
    p["c_W0"] = w((NF, 2 * NF + 2)); p["c_b0"] = jnp.zeros((NF,), jnp.float32)
    p["c_W1"] = w((NF, NF)); p["c_b1"] = jnp.zeros((NF,), jnp.float32)
    p["c_W2"] = w((1, NF), scale=0.001)
    return p


def setup_inputs(seed: int = 0):
    key = jax.random.key(seed)
    k1, k2, k3, k4, k5 = jax.random.split(key, 5)
    return {
        "h": jax.random.normal(k1, (N, NF), dtype=jnp.float32),
        "x": jax.random.normal(k2, (N, 3), dtype=jnp.float32),
        "edge_index": jax.random.randint(k3, (2, E), 0, N, dtype=jnp.int32),
        "edge_attr": jax.random.uniform(k4, (E, 1), dtype=jnp.float32),
        "params": _mk_params(k5),
    }


def _forward(h, x, edge_attr, params, edge_index):
    row, col = edge_index[0], edge_index[1]
    # coord2diff
    coord_diff = x[row] - x[col]
    radial = jnp.sum(coord_diff ** 2, axis=1, keepdims=True)
    nrm = jnp.sqrt(radial + 1e-8)
    coord_diff = coord_diff / (nrm + NORM_CONST)
    # distances (radial) concatenated with provided edge_attr -> edge_attr_dim = 2
    ea = jnp.concatenate([radial, edge_attr], axis=1)
    for i in range(NL):
        src, tgt = h[row], h[col]
        e_in = jnp.concatenate([src, tgt, ea], axis=1)
        mij = jax.nn.silu(e_in @ params[f"gcl{i}_e_W0"].T + params[f"gcl{i}_e_b0"])
        mij = jax.nn.silu(mij @ params[f"gcl{i}_e_W1"].T + params[f"gcl{i}_e_b1"])
        att = jax.nn.sigmoid(mij @ params[f"gcl{i}_att_W"].T + params[f"gcl{i}_att_b"])
        edge_feat = mij * att
        agg = jax.ops.segment_sum(edge_feat, row, num_segments=N) / NORM
        n_in = jnp.concatenate([h, agg], axis=1)
        dh = jax.nn.silu(n_in @ params[f"gcl{i}_n_W0"].T + params[f"gcl{i}_n_b0"])
        dh = dh @ params[f"gcl{i}_n_W1"].T + params[f"gcl{i}_n_b1"]
        h = h + dh
    # EquivariantUpdate (tanh=False)
    c_in = jnp.concatenate([h[row], h[col], ea], axis=1)
    t = jax.nn.silu(c_in @ params["c_W0"].T + params["c_b0"])
    t = jax.nn.silu(t @ params["c_W1"].T + params["c_b1"])
    t = t @ params["c_W2"].T
    trans = coord_diff * t
    agg_x = jax.ops.segment_sum(trans, row, num_segments=N) / NORM
    x = x + agg_x
    return h, x


def reference(h, x, edge_index, edge_attr, params):
    return _forward(h, x, edge_attr, params, edge_index)

if __name__ == "__main__":
    import jax
    _d = setup_inputs()
    print(jax.jit(kernel)(*tuple(_d.values())))

</pallas_src>

<mosaic_0001>
#map = affine_map<(d0, d1) -> (0, 0)>
#map1 = affine_map<(d0, d1) -> (0)>
#map2 = affine_map<(d0, d1) -> (0, 0, 0)>
module attributes {stable_mosaic.version = 14 : i64} {
  func.func @kern(%arg0: i32, %arg1: i32, %arg2: memref<320000x128xf32, #tpu.memory_space<hbm>>, %arg3: memref<320000xi32, #tpu.memory_space<hbm>>, %arg4: memref<640x128xf32, #tpu.memory_space<hbm>>, %arg5: memref<2x10000x128xf32, #tpu.memory_space<hbm>>, %arg6: memref<80xi32, #tpu.memory_space<vmem>>, %arg7: memref<80xi32, #tpu.memory_space<vmem>>, %arg8: memref<80x128xf32, #tpu.memory_space<vmem>>, %arg9: memref<80x128xf32, #tpu.memory_space<vmem>>, %arg10: memref<10000x128xf32, #tpu.memory_space<vmem_shared>>, %arg11: memref<!tpu.dma_semaphore, #tpu.memory_space<semaphore_mem>>, %arg12: memref<!tpu.dma_semaphore, #tpu.memory_space<semaphore_mem>>, %arg13: memref<!tpu.dma_semaphore, #tpu.memory_space<semaphore_mem>>, %arg14: memref<!tpu.dma_semaphore, #tpu.memory_space<semaphore_mem>>) attributes {dimension_semantics = [#tpu.dimension_semantics<core_parallel>, #tpu.dimension_semantics<subcore_parallel>], iteration_bounds = array<i64: 2, 16>, scalar_prefetch = 0 : i64, scratch_operands = 9 : i64, tpu.core_type = #tpu.core_type<sc_vector_subcore>, window_params = [{transform_indices = #map}, {transform_indices = #map1}, {transform_indices = #map}, {transform_indices = #map2}]} {
    %mul3A = arith.constant 16 : i32
    %mul3A_0 = arith.muli %arg0, %mul3A : i32
    %add3A = arith.addi %mul3A_0, %arg1 : i32
    %mul3A_1 = arith.constant 10000 : i32
    %mul3A_2 = arith.muli %add3A, %mul3A_1 : i32
    %mul3A_3 = arith.constant 624 : i32
    %mul3A_4 = arith.muli %arg1, %mul3A_3 : i32
    "tpu.region"() ({
      %run_scoped3A = tpu.sem_alloc : memref<!tpu.dma_semaphore, #tpu.memory_space<semaphore_mem>>
      %dma_start3A_43 = arith.constant 0 : i32
      %dma_start3A_44 = tpu.memref_slice %arg10[%mul3A_4, %dma_start3A_43] : memref<10000x128xf32, #tpu.memory_space<vmem_shared>> -> memref<624x128xf32, #tpu.memory_space<vmem_shared>>
      %dma_start3A_45 = arith.constant 0 : i32
      %dma_start3A_46 = arith.constant 0 : i32
      %dma_start3A_47 = tpu.memref_slice %arg4[%dma_start3A_45, %dma_start3A_46] : memref<640x128xf32, #tpu.memory_space<hbm>> -> memref<624x128xf32, #tpu.memory_space<hbm>>
      tpu.enqueue_dma source(%dma_start3A_47 : memref<624x128xf32, #tpu.memory_space<hbm>>) target(%dma_start3A_44 : memref<624x128xf32, #tpu.memory_space<vmem_shared>>) target_semaphore(%run_scoped3A : memref<!tpu.dma_semaphore, #tpu.memory_space<semaphore_mem>>)
      %dma_wait3A_48 = arith.constant 0 : i32
      %dma_wait3A_49 = tpu.memref_slice %arg10[%mul3A_4, %dma_wait3A_48] : memref<10000x128xf32, #tpu.memory_space<vmem_shared>> -> memref<624x128xf32, #tpu.memory_space<vmem_shared>>
      %dma_wait3A_50 = arith.constant 0 : i32
      %dma_wait3A_51 = arith.constant 0 : i32
      %dma_wait3A_52 = tpu.memref_slice %arg4[%dma_wait3A_50, %dma_wait3A_51] : memref<640x128xf32, #tpu.memory_space<hbm>> -> memref<624x128xf32, #tpu.memory_space<hbm>>
      tpu.wait_dma2 semaphore(%run_scoped3A : memref<!tpu.dma_semaphore, #tpu.memory_space<semaphore_mem>>) src(%dma_wait3A_52 : memref<624x128xf32, #tpu.memory_space<hbm>>) dst(%dma_wait3A_49 : memref<624x128xf32, #tpu.memory_space<vmem_shared>>)
      tpu.yield
    }) : () -> ()
    %eq3A = arith.constant 15 : i32
    %eq3A_5 = arith.cmpi eq, %arg1, %eq3A : i32
    %convert_element_type3A = arith.extui %eq3A_5 : i1 to i32
    %cond3A = arith.constant 0 : i32
    %cond3A_6 = arith.cmpi ne, %convert_element_type3A, %cond3A : i32
    scf.if %cond3A_6 {
      "tpu.region"() ({
        %run_scoped3A = tpu.sem_alloc : memref<!tpu.dma_semaphore, #tpu.memory_space<semaphore_mem>>
        %dma_start3A_43 = arith.constant 9984 : i32
        %dma_start3A_44 = arith.constant 0 : i32
        %dma_start3A_45 = tpu.memref_slice %arg10[%dma_start3A_43, %dma_start3A_44] : memref<10000x128xf32, #tpu.memory_space<vmem_shared>> -> memref<16x128xf32, #tpu.memory_space<vmem_shared>>
        %dma_start3A_46 = arith.constant 624 : i32
        %dma_start3A_47 = arith.constant 0 : i32
        %dma_start3A_48 = tpu.memref_slice %arg4[%dma_start3A_46, %dma_start3A_47] : memref<640x128xf32, #tpu.memory_space<hbm>> -> memref<16x128xf32, #tpu.memory_space<hbm>>
        tpu.enqueue_dma source(%dma_start3A_48 : memref<16x128xf32, #tpu.memory_space<hbm>>) target(%dma_start3A_45 : memref<16x128xf32, #tpu.memory_space<vmem_shared>>) target_semaphore(%run_scoped3A : memref<!tpu.dma_semaphore, #tpu.memory_space<semaphore_mem>>)
        %dma_wait3A_49 = arith.constant 9984 : i32
        %dma_wait3A_50 = arith.constant 0 : i32
        %dma_wait3A_51 = tpu.memref_slice %arg10[%dma_wait3A_49, %dma_wait3A_50] : memref<10000x128xf32, #tpu.memory_space<vmem_shared>> -> memref<16x128xf32, #tpu.memory_space<vmem_shared>>
        %dma_wait3A_52 = arith.constant 624 : i32
        %dma_wait3A_53 = arith.constant 0 : i32
        %dma_wait3A_54 = tpu.memref_slice %arg4[%dma_wait3A_52, %dma_wait3A_53] : memref<640x128xf32, #tpu.memory_space<hbm>> -> memref<16x128xf32, #tpu.memory_space<hbm>>
        tpu.wait_dma2 semaphore(%run_scoped3A : memref<!tpu.dma_semaphore, #tpu.memory_space<semaphore_mem>>) src(%dma_wait3A_54 : memref<16x128xf32, #tpu.memory_space<hbm>>) dst(%dma_wait3A_51 : memref<16x128xf32, #tpu.memory_space<vmem_shared>>)
        tpu.yield
      }) : () -> ()
    } else {
    }
    %barrier3A = arith.constant 0 : index
    tpu.barrier barrier_id(%barrier3A)
    %add3A_7 = arith.constant 0 : i32
    %add3A_8 = arith.addi %mul3A_2, %add3A_7 : i32
    "tpu.region"() ({
      %run_scoped3A = tpu.sem_alloc : memref<!tpu.dma_semaphore, #tpu.memory_space<semaphore_mem>>
      %dma_start3A_43 = tpu.memref_slice %arg3[%add3A_8] : memref<320000xi32, #tpu.memory_space<hbm>> -> memref<80xi32, #tpu.memory_space<hbm>>
      %dma_start3A_44 = tpu.memref_slice %arg3[%add3A_8] : memref<320000xi32, #tpu.memory_space<hbm>> -> memref<80xi32, #tpu.memory_space<hbm>>
      tpu.enqueue_dma source(%dma_start3A_44 : memref<80xi32, #tpu.memory_space<hbm>>) target(%arg6 : memref<80xi32, #tpu.memory_space<vmem>>) target_semaphore(%run_scoped3A : memref<!tpu.dma_semaphore, #tpu.memory_space<semaphore_mem>>)
      %dma_wait3A_45 = tpu.memref_slice %arg3[%add3A_8] : memref<320000xi32, #tpu.memory_space<hbm>> -> memref<80xi32, #tpu.memory_space<hbm>>
      %dma_wait3A_46 = tpu.memref_slice %arg3[%add3A_8] : memref<320000xi32, #tpu.memory_space<hbm>> -> memref<80xi32, #tpu.memory_space<hbm>>
      tpu.wait_dma2 semaphore(%run_scoped3A : memref<!tpu.dma_semaphore, #tpu.memory_space<semaphore_mem>>) src(%dma_wait3A_46 : memref<80xi32, #tpu.memory_space<hbm>>) dst(%arg6 : memref<80xi32, #tpu.memory_space<vmem>>)
      tpu.yield
    }) : () -> ()
    %dma_start3A = arith.constant 0 : i32
    %dma_start3A_9 = tpu.memref_slice %arg2[%add3A_8, %dma_start3A] : memref<320000x128xf32, #tpu.memory_space<hbm>> -> memref<80x128xf32, #tpu.memory_space<hbm>>
    %dma_start3A_10 = arith.constant 0 : i32
    %dma_start3A_11 = tpu.memref_slice %arg2[%add3A_8, %dma_start3A_10] : memref<320000x128xf32, #tpu.memory_space<hbm>> -> memref<80x128xf32, #tpu.memory_space<hbm>>
    tpu.enqueue_dma source(%dma_start3A_11 : memref<80x128xf32, #tpu.memory_space<hbm>>) target(%arg8 : memref<80x128xf32, #tpu.memory_space<vmem>>) target_semaphore(%arg11 : memref<!tpu.dma_semaphore, #tpu.memory_space<semaphore_mem>>)
    %scan3A = arith.constant 0 : i32
    %scan3A_12 = arith.constant 0 : i32
    %scan3A_13 = arith.constant 62 : i32
    %scan3A_14 = arith.addi %scan3A_12, %scan3A_13 : i32
    %scan3A_15 = arith.constant 1 : i32
    scf.for %scan3A_43 = %scan3A_12 to %scan3A_14 step %scan3A_15  : i32 {
      %mul3A_44 = arith.constant 2 : i32
      %mul3A_45 = arith.muli %scan3A_43, %mul3A_44 : i32
      %add3A_46 = arith.constant 1 : i32
      %add3A_47 = arith.addi %mul3A_45, %add3A_46 : i32
      %mul3A_48 = arith.constant 80 : i32
      %mul3A_49 = arith.muli %add3A_47, %mul3A_48 : i32
      %add3A_50 = arith.addi %mul3A_2, %mul3A_49 : i32
      %ge3A = arith.constant 2 : i32
      %ge3A_51 = arith.cmpi sge, %add3A_47, %ge3A : i32
      %convert_element_type3A_52 = arith.extui %ge3A_51 : i1 to i32
      %cond3A_53 = arith.constant 0 : i32
      %cond3A_54 = arith.cmpi ne, %convert_element_type3A_52, %cond3A_53 : i32
      scf.if %cond3A_54 {
        %dma_wait3A_93 = arith.constant 0 : i32
        %dma_wait3A_94 = tpu.memref_slice %arg2[%mul3A_2, %dma_wait3A_93] : memref<320000x128xf32, #tpu.memory_space<hbm>> -> memref<80x128xf32, #tpu.memory_space<hbm>>
        %dma_wait3A_95 = arith.constant 0 : i32
        %dma_wait3A_96 = tpu.memref_slice %arg2[%mul3A_2, %dma_wait3A_95] : memref<320000x128xf32, #tpu.memory_space<hbm>> -> memref<80x128xf32, #tpu.memory_space<hbm>>
        tpu.wait_dma2 semaphore(%arg14 : memref<!tpu.dma_semaphore, #tpu.memory_space<semaphore_mem>>) src(%dma_wait3A_96 : memref<80x128xf32, #tpu.memory_space<hbm>>) dst(%arg9 : memref<80x128xf32, #tpu.memory_space<vmem>>)
      } else {
      }
      "tpu.region"() ({
        %run_scoped3A = tpu.sem_alloc : memref<!tpu.dma_semaphore, #tpu.memory_space<semaphore_mem>>
        %dma_start3A_93 = tpu.memref_slice %arg3[%add3A_50] : memref<320000xi32, #tpu.memory_space<hbm>> -> memref<80xi32, #tpu.memory_space<hbm>>
        %dma_start3A_94 = tpu.memref_slice %arg3[%add3A_50] : memref<320000xi32, #tpu.memory_space<hbm>> -> memref<80xi32, #tpu.memory_space<hbm>>
        tpu.enqueue_dma source(%dma_start3A_94 : memref<80xi32, #tpu.memory_space<hbm>>) target(%arg7 : memref<80xi32, #tpu.memory_space<vmem>>) target_semaphore(%run_scoped3A : memref<!tpu.dma_semaphore, #tpu.memory_space<semaphore_mem>>)
        %dma_wait3A_95 = tpu.memref_slice %arg3[%add3A_50] : memref<320000xi32, #tpu.memory_space<hbm>> -> memref<80xi32, #tpu.memory_space<hbm>>
        %dma_wait3A_96 = tpu.memref_slice %arg3[%add3A_50] : memref<320000xi32, #tpu.memory_space<hbm>> -> memref<80xi32, #tpu.memory_space<hbm>>
        tpu.wait_dma2 semaphore(%run_scoped3A : memref<!tpu.dma_semaphore, #tpu.memory_space<semaphore_mem>>) src(%dma_wait3A_96 : memref<80xi32, #tpu.memory_space<hbm>>) dst(%arg7 : memref<80xi32, #tpu.memory_space<vmem>>)
        tpu.yield
      }) : () -> ()
      %dma_start3A_55 = arith.constant 0 : i32
      %dma_start3A_56 = tpu.memref_slice %arg2[%add3A_50, %dma_start3A_55] : memref<320000x128xf32, #tpu.memory_space<hbm>> -> memref<80x128xf32, #tpu.memory_space<hbm>>
      %dma_start3A_57 = arith.constant 0 : i32
      %dma_start3A_58 = tpu.memref_slice %arg2[%add3A_50, %dma_start3A_57] : memref<320000x128xf32, #tpu.memory_space<hbm>> -> memref<80x128xf32, #tpu.memory_space<hbm>>
      tpu.enqueue_dma source(%dma_start3A_58 : memref<80x128xf32, #tpu.memory_space<hbm>>) target(%arg9 : memref<80x128xf32, #tpu.memory_space<vmem>>) target_semaphore(%arg12 : memref<!tpu.dma_semaphore, #tpu.memory_space<semaphore_mem>>)
      %dma_wait3A_59 = arith.constant 0 : i32
      %dma_wait3A_60 = arith.constant 0 : i32
      %dma_wait3A_61 = tpu.memref_slice %arg2[%dma_wait3A_59, %dma_wait3A_60] : memref<320000x128xf32, #tpu.memory_space<hbm>> -> memref<80x128xf32, #tpu.memory_space<hbm>>
      %dma_wait3A_62 = arith.constant 0 : i32
      %dma_wait3A_63 = arith.constant 0 : i32
      %dma_wait3A_64 = tpu.memref_slice %arg2[%dma_wait3A_62, %dma_wait3A_63] : memref<320000x128xf32, #tpu.memory_space<hbm>> -> memref<80x128xf32, #tpu.memory_space<hbm>>
      tpu.wait_dma2 semaphore(%arg11 : memref<!tpu.dma_semaphore, #tpu.memory_space<semaphore_mem>>) src(%dma_wait3A_64 : memref<80x128xf32, #tpu.memory_space<hbm>>) dst(%arg8 : memref<80x128xf32, #tpu.memory_space<vmem>>)
      %dma_start3A_65 = arith.constant 0 : i32
      %dma_start3A_66 = arith.constant 0 : i32
      %dma_start3A_67 = tpu.memref_slice %arg10[%dma_start3A_65, %dma_start3A_66] : memref<10000x128xf32, #tpu.memory_space<vmem_shared>> -> memref<10000x128xf32, #tpu.memory_space<vmem_shared>>
      tpu.enqueue_indirect_dma source(%arg8 : memref<80x128xf32, #tpu.memory_space<vmem>>) target(%dma_start3A_67 : memref<10000x128xf32, #tpu.memory_space<vmem_shared>>) offsets(%arg6 : memref<80xi32, #tpu.memory_space<vmem>>) semaphore(%arg13 : memref<!tpu.dma_semaphore, #tpu.memory_space<semaphore_mem>>) {add = true}
      %add3A_68 = arith.constant 2 : i32
      %add3A_69 = arith.addi %mul3A_45, %add3A_68 : i32
      %mul3A_70 = arith.constant 80 : i32
      %mul3A_71 = arith.muli %add3A_69, %mul3A_70 : i32
      %add3A_72 = arith.addi %mul3A_2, %mul3A_71 : i32
      %ge3A_73 = arith.constant 2 : i32
      %ge3A_74 = arith.cmpi sge, %add3A_69, %ge3A_73 : i32
      %convert_element_type3A_75 = arith.extui %ge3A_74 : i1 to i32
      %cond3A_76 = arith.constant 0 : i32
      %cond3A_77 = arith.cmpi ne, %convert_element_type3A_75, %cond3A_76 : i32
      scf.if %cond3A_77 {
        %dma_wait3A_93 = arith.constant 0 : i32
        %dma_wait3A_94 = tpu.memref_slice %arg2[%mul3A_2, %dma_wait3A_93] : memref<320000x128xf32, #tpu.memory_space<hbm>> -> memref<80x128xf32, #tpu.memory_space<hbm>>
        %dma_wait3A_95 = arith.constant 0 : i32
        %dma_wait3A_96 = tpu.memref_slice %arg2[%mul3A_2, %dma_wait3A_95] : memref<320000x128xf32, #tpu.memory_space<hbm>> -> memref<80x128xf32, #tpu.memory_space<hbm>>
        tpu.wait_dma2 semaphore(%arg13 : memref<!tpu.dma_semaphore, #tpu.memory_space<semaphore_mem>>) src(%dma_wait3A_96 : memref<80x128xf32, #tpu.memory_space<hbm>>) dst(%arg8 : memref<80x128xf32, #tpu.memory_space<vmem>>)
      } else {
      }
      "tpu.region"() ({
        %run_scoped3A = tpu.sem_alloc : memref<!tpu.dma_semaphore, #tpu.memory_space<semaphore_mem>>
        %dma_start3A_93 = tpu.memref_slice %arg3[%add3A_72] : memref<320000xi32, #tpu.memory_space<hbm>> -> memref<80xi32, #tpu.memory_space<hbm>>
        %dma_start3A_94 = tpu.memref_slice %arg3[%add3A_72] : memref<320000xi32, #tpu.memory_space<hbm>> -> memref<80xi32, #tpu.memory_space<hbm>>
        tpu.enqueue_dma source(%dma_start3A_94 : memref<80xi32, #tpu.memory_space<hbm>>) target(%arg6 : memref<80xi32, #tpu.memory_space<vmem>>) target_semaphore(%run_scoped3A : memref<!tpu.dma_semaphore, #tpu.memory_space<semaphore_mem>>)
        %dma_wait3A_95 = tpu.memref_slice %arg3[%add3A_72] : memref<320000xi32, #tpu.memory_space<hbm>> -> memref<80xi32, #tpu.memory_space<hbm>>
        %dma_wait3A_96 = tpu.memref_slice %arg3[%add3A_72] : memref<320000xi32, #tpu.memory_space<hbm>> -> memref<80xi32, #tpu.memory_space<hbm>>
        tpu.wait_dma2 semaphore(%run_scoped3A : memref<!tpu.dma_semaphore, #tpu.memory_space<semaphore_mem>>) src(%dma_wait3A_96 : memref<80xi32, #tpu.memory_space<hbm>>) dst(%arg6 : memref<80xi32, #tpu.memory_space<vmem>>)
        tpu.yield
      }) : () -> ()
      %dma_start3A_78 = arith.constant 0 : i32
      %dma_start3A_79 = tpu.memref_slice %arg2[%add3A_72, %dma_start3A_78] : memref<320000x128xf32, #tpu.memory_space<hbm>> -> memref<80x128xf32, #tpu.memory_space<hbm>>
      %dma_start3A_80 = arith.constant 0 : i32
      %dma_start3A_81 = tpu.memref_slice %arg2[%add3A_72, %dma_start3A_80] : memref<320000x128xf32, #tpu.memory_space<hbm>> -> memref<80x128xf32, #tpu.memory_space<hbm>>
      tpu.enqueue_dma source(%dma_start3A_81 : memref<80x128xf32, #tpu.memory_space<hbm>>) target(%arg8 : memref<80x128xf32, #tpu.memory_space<vmem>>) target_semaphore(%arg11 : memref<!tpu.dma_semaphore, #tpu.memory_space<semaphore_mem>>)
      %add3A_82 = arith.constant 1 : i32
      %add3A_83 = arith.addi %mul3A_45, %add3A_82 : i32
      %dma_wait3A_84 = arith.constant 0 : i32
      %dma_wait3A_85 = arith.constant 0 : i32
      %dma_wait3A_86 = tpu.memref_slice %arg2[%dma_wait3A_84, %dma_wait3A_85] : memref<320000x128xf32, #tpu.memory_space<hbm>> -> memref<80x128xf32, #tpu.memory_space<hbm>>
      %dma_wait3A_87 = arith.constant 0 : i32
      %dma_wait3A_88 = arith.constant 0 : i32
      %dma_wait3A_89 = tpu.memref_slice %arg2[%dma_wait3A_87, %dma_wait3A_88] : memref<320000x128xf32, #tpu.memory_space<hbm>> -> memref<80x128xf32, #tpu.memory_space<hbm>>
      tpu.wait_dma2 semaphore(%arg12 : memref<!tpu.dma_semaphore, #tpu.memory_space<semaphore_mem>>) src(%dma_wait3A_89 : memref<80x128xf32, #tpu.memory_space<hbm>>) dst(%arg9 : memref<80x128xf32, #tpu.memory_space<vmem>>)
      %dma_start3A_90 = arith.constant 0 : i32
      %dma_start3A_91 = arith.constant 0 : i32
      %dma_start3A_92 = tpu.memref_slice %arg10[%dma_start3A_90, %dma_start3A_91] : memref<10000x128xf32, #tpu.memory_space<vmem_shared>> -> memref<10000x128xf32, #tpu.memory_space<vmem_shared>>
      tpu.enqueue_indirect_dma source(%arg9 : memref<80x128xf32, #tpu.memory_space<vmem>>) target(%dma_start3A_92 : memref<10000x128xf32, #tpu.memory_space<vmem_shared>>) offsets(%arg7 : memref<80xi32, #tpu.memory_space<vmem>>) semaphore(%arg14 : memref<!tpu.dma_semaphore, #tpu.memory_space<semaphore_mem>>) {add = true}
    }
    %scan3A_16 = arith.constant 62 : i32
    %dma_wait3A = arith.constant 0 : i32
    %dma_wait3A_17 = arith.constant 0 : i32
    %dma_wait3A_18 = tpu.memref_slice %arg2[%dma_wait3A, %dma_wait3A_17] : memref<320000x128xf32, #tpu.memory_space<hbm>> -> memref<80x128xf32, #tpu.memory_space<hbm>>
    %dma_wait3A_19 = arith.constant 0 : i32
    %dma_wait3A_20 = arith.constant 0 : i32
    %dma_wait3A_21 = tpu.memref_slice %arg2[%dma_wait3A_19, %dma_wait3A_20] : memref<320000x128xf32, #tpu.memory_space<hbm>> -> memref<80x128xf32, #tpu.memory_space<hbm>>
    tpu.wait_dma2 semaphore(%arg11 : memref<!tpu.dma_semaphore, #tpu.memory_space<semaphore_mem>>) src(%dma_wait3A_21 : memref<80x128xf32, #tpu.memory_space<hbm>>) dst(%arg8 : memref<80x128xf32, #tpu.memory_space<vmem>>)
    %dma_start3A_22 = arith.constant 0 : i32
    %dma_start3A_23 = arith.constant 0 : i32
    %dma_start3A_24 = tpu.memref_slice %arg10[%dma_start3A_22, %dma_start3A_23] : memref<10000x128xf32, #tpu.memory_space<vmem_shared>> -> memref<10000x128xf32, #tpu.memory_space<vmem_shared>>
    tpu.enqueue_indirect_dma source(%arg8 : memref<80x128xf32, #tpu.memory_space<vmem>>) target(%dma_start3A_24 : memref<10000x128xf32, #tpu.memory_space<vmem_shared>>) offsets(%arg6 : memref<80xi32, #tpu.memory_space<vmem>>) semaphore(%arg13 : memref<!tpu.dma_semaphore, #tpu.memory_space<semaphore_mem>>) {add = true}
    %dma_wait3A_25 = arith.constant 0 : i32
    %dma_wait3A_26 = tpu.memref_slice %arg2[%mul3A_2, %dma_wait3A_25] : memref<320000x128xf32, #tpu.memory_space<hbm>> -> memref<80x128xf32, #tpu.memory_space<hbm>>
    %dma_wait3A_27 = arith.constant 0 : i32
    %dma_wait3A_28 = tpu.memref_slice %arg2[%mul3A_2, %dma_wait3A_27] : memref<320000x128xf32, #tpu.memory_space<hbm>> -> memref<80x128xf32, #tpu.memory_space<hbm>>
    tpu.wait_dma2 semaphore(%arg13 : memref<!tpu.dma_semaphore, #tpu.memory_space<semaphore_mem>>) src(%dma_wait3A_28 : memref<80x128xf32, #tpu.memory_space<hbm>>) dst(%arg8 : memref<80x128xf32, #tpu.memory_space<vmem>>)
    %dma_wait3A_29 = arith.constant 0 : i32
    %dma_wait3A_30 = tpu.memref_slice %arg2[%mul3A_2, %dma_wait3A_29] : memref<320000x128xf32, #tpu.memory_space<hbm>> -> memref<80x128xf32, #tpu.memory_space<hbm>>
    %dma_wait3A_31 = arith.constant 0 : i32
    %dma_wait3A_32 = tpu.memref_slice %arg2[%mul3A_2, %dma_wait3A_31] : memref<320000x128xf32, #tpu.memory_space<hbm>> -> memref<80x128xf32, #tpu.memory_space<hbm>>
    tpu.wait_dma2 semaphore(%arg14 : memref<!tpu.dma_semaphore, #tpu.memory_space<semaphore_mem>>) src(%dma_wait3A_32 : memref<80x128xf32, #tpu.memory_space<hbm>>) dst(%arg9 : memref<80x128xf32, #tpu.memory_space<vmem>>)
    %barrier3A_33 = arith.constant 0 : index
    tpu.barrier barrier_id(%barrier3A_33)
    %mul3A_34 = arith.constant 624 : i32
    %mul3A_35 = arith.muli %arg1, %mul3A_34 : i32
    %mul3A_36 = arith.constant 624 : i32
    %mul3A_37 = arith.muli %arg1, %mul3A_36 : i32
    "tpu.region"() ({
      %run_scoped3A = tpu.sem_alloc : memref<!tpu.dma_semaphore, #tpu.memory_space<semaphore_mem>>
      %dma_start3A_43 = arith.constant 0 : i32
      %dma_start3A_44 = tpu.memref_slice %arg5[%arg0, %mul3A_37, %dma_start3A_43] : memref<2x10000x128xf32, #tpu.memory_space<hbm>> -> memref<1x624x128xf32, #tpu.memory_space<hbm>>
      %dma_start3A_45 = tpu.memref_squeeze %dma_start3A_44 : memref<1x624x128xf32, #tpu.memory_space<hbm>> -> memref<624x128xf32, #tpu.memory_space<hbm>>
      %dma_start3A_46 = arith.constant 0 : i32
      %dma_start3A_47 = tpu.memref_slice %arg10[%mul3A_35, %dma_start3A_46] : memref<10000x128xf32, #tpu.memory_space<vmem_shared>> -> memref<624x128xf32, #tpu.memory_space<vmem_shared>>
      tpu.enqueue_dma source(%dma_start3A_47 : memref<624x128xf32, #tpu.memory_space<vmem_shared>>) target(%dma_start3A_45 : memref<624x128xf32, #tpu.memory_space<hbm>>) target_semaphore(%run_scoped3A : memref<!tpu.dma_semaphore, #tpu.memory_space<semaphore_mem>>)
      %dma_wait3A_48 = arith.constant 0 : i32
      %dma_wait3A_49 = tpu.memref_slice %arg5[%arg0, %mul3A_37, %dma_wait3A_48] : memref<2x10000x128xf32, #tpu.memory_space<hbm>> -> memref<1x624x128xf32, #tpu.memory_space<hbm>>
      %dma_wait3A_50 = tpu.memref_squeeze %dma_wait3A_49 : memref<1x624x128xf32, #tpu.memory_space<hbm>> -> memref<624x128xf32, #tpu.memory_space<hbm>>
      %dma_wait3A_51 = arith.constant 0 : i32
      %dma_wait3A_52 = tpu.memref_slice %arg10[%mul3A_35, %dma_wait3A_51] : memref<10000x128xf32, #tpu.memory_space<vmem_shared>> -> memref<624x128xf32, #tpu.memory_space<vmem_shared>>
      tpu.wait_dma2 semaphore(%run_scoped3A : memref<!tpu.dma_semaphore, #tpu.memory_space<semaphore_mem>>) src(%dma_wait3A_52 : memref<624x128xf32, #tpu.memory_space<vmem_shared>>) dst(%dma_wait3A_50 : memref<624x128xf32, #tpu.memory_space<hbm>>)
      tpu.yield
    }) : () -> ()
    %eq3A_38 = arith.constant 15 : i32
    %eq3A_39 = arith.cmpi eq, %arg1, %eq3A_38 : i32
    %convert_element_type3A_40 = arith.extui %eq3A_39 : i1 to i32
    %cond3A_41 = arith.constant 0 : i32
    %cond3A_42 = arith.cmpi ne, %convert_element_type3A_40, %cond3A_41 : i32
    scf.if %cond3A_42 {
      "tpu.region"() ({
        %run_scoped3A = tpu.sem_alloc : memref<!tpu.dma_semaphore, #tpu.memory_space<semaphore_mem>>
        %dma_start3A_43 = arith.constant 9984 : i32
        %dma_start3A_44 = arith.constant 0 : i32
        %dma_start3A_45 = tpu.memref_slice %arg5[%arg0, %dma_start3A_43, %dma_start3A_44] : memref<2x10000x128xf32, #tpu.memory_space<hbm>> -> memref<1x16x128xf32, #tpu.memory_space<hbm>>
        %dma_start3A_46 = tpu.memref_squeeze %dma_start3A_45 : memref<1x16x128xf32, #tpu.memory_space<hbm>> -> memref<16x128xf32, #tpu.memory_space<hbm>>
        %dma_start3A_47 = arith.constant 9984 : i32
        %dma_start3A_48 = arith.constant 0 : i32
        %dma_start3A_49 = tpu.memref_slice %arg10[%dma_start3A_47, %dma_start3A_48] : memref<10000x128xf32, #tpu.memory_space<vmem_shared>> -> memref<16x128xf32, #tpu.memory_space<vmem_shared>>
        tpu.enqueue_dma source(%dma_start3A_49 : memref<16x128xf32, #tpu.memory_space<vmem_shared>>) target(%dma_start3A_46 : memref<16x128xf32, #tpu.memory_space<hbm>>) target_semaphore(%run_scoped3A : memref<!tpu.dma_semaphore, #tpu.memory_space<semaphore_mem>>)
        %dma_wait3A_50 = arith.constant 9984 : i32
        %dma_wait3A_51 = arith.constant 0 : i32
        %dma_wait3A_52 = tpu.memref_slice %arg5[%arg0, %dma_wait3A_50, %dma_wait3A_51] : memref<2x10000x128xf32, #tpu.memory_space<hbm>> -> memref<1x16x128xf32, #tpu.memory_space<hbm>>
        %dma_wait3A_53 = tpu.memref_squeeze %dma_wait3A_52 : memref<1x16x128xf32, #tpu.memory_space<hbm>> -> memref<16x128xf32, #tpu.memory_space<hbm>>
        %dma_wait3A_54 = arith.constant 9984 : i32
        %dma_wait3A_55 = arith.constant 0 : i32
        %dma_wait3A_56 = tpu.memref_slice %arg10[%dma_wait3A_54, %dma_wait3A_55] : memref<10000x128xf32, #tpu.memory_space<vmem_shared>> -> memref<16x128xf32, #tpu.memory_space<vmem_shared>>
        tpu.wait_dma2 semaphore(%run_scoped3A : memref<!tpu.dma_semaphore, #tpu.memory_space<semaphore_mem>>) src(%dma_wait3A_56 : memref<16x128xf32, #tpu.memory_space<vmem_shared>>) dst(%dma_wait3A_53 : memref<16x128xf32, #tpu.memory_space<hbm>>)
        tpu.yield
      }) : () -> ()
    } else {
    }
    return
  }
}

#map = affine_map<(d0, d1) -> (0, 0)>
#map1 = affine_map<(d0, d1) -> (0)>
module attributes {stable_mosaic.version = 14 : i64} {
  func.func @kern(%arg0: i32, %arg1: i32, %arg2: memref<10000x128xf32, #tpu.memory_space<hbm>>, %arg3: memref<10000x128xf32, #tpu.memory_space<hbm>>, %arg4: memref<320000xi32, #tpu.memory_space<hbm>>, %arg5: memref<320000xi32, #tpu.memory_space<hbm>>, %arg6: memref<320000x128xf32, #tpu.memory_space<hbm>>, %arg7: memref<80xi32, #tpu.memory_space<vmem>>, %arg8: memref<80xi32, #tpu.memory_space<vmem>>, %arg9: memref<80xi32, #tpu.memory_space<vmem>>, %arg10: memref<80xi32, #tpu.memory_space<vmem>>, %arg11: memref<80x128xf32, #tpu.memory_space<vmem>>, %arg12: memref<80x128xf32, #tpu.memory_space<vmem>>, %arg13: memref<80x128xf32, #tpu.memory_space<vmem>>, %arg14: memref<80x128xf32, #tpu.memory_space<vmem>>, %arg15: memref<!tpu.dma_semaphore, #tpu.memory_space<semaphore_mem>>, %arg16: memref<!tpu.dma_semaphore, #tpu.memory_space<semaphore_mem>>, %arg17: memref<!tpu.dma_semaphore, #tpu.memory_space<semaphore_mem>>, %arg18: memref<!tpu.dma_semaphore, #tpu.memory_space<semaphore_mem>>) attributes {dimension_semantics = [#tpu.dimension_semantics<core_parallel>, #tpu.dimension_semantics<subcore_parallel>], iteration_bounds = array<i64: 2, 16>, scalar_prefetch = 0 : i64, scratch_operands = 12 : i64, tpu.core_type = #tpu.core_type<sc_vector_subcore>, window_params = [{transform_indices = #map}, {transform_indices = #map}, {transform_indices = #map1}, {transform_indices = #map1}, {transform_indices = #map}]} {
    %mul3A = arith.constant 16 : i32
    %mul3A_0 = arith.muli %arg0, %mul3A : i32
    %add3A = arith.addi %mul3A_0, %arg1 : i32
    %mul3A_1 = arith.constant 10000 : i32
    %mul3A_2 = arith.muli %add3A, %mul3A_1 : i32
    %add3A_3 = arith.constant 0 : i32
    %add3A_4 = arith.addi %mul3A_2, %add3A_3 : i32
    "tpu.region"() ({
      %run_scoped3A = tpu.sem_alloc : memref<!tpu.dma_semaphore, #tpu.memory_space<semaphore_mem>>
      %dma_start3A_40 = tpu.memref_slice %arg4[%add3A_4] : memref<320000xi32, #tpu.memory_space<hbm>> -> memref<80xi32, #tpu.memory_space<hbm>>
      %dma_start3A_41 = tpu.memref_slice %arg4[%add3A_4] : memref<320000xi32, #tpu.memory_space<hbm>> -> memref<80xi32, #tpu.memory_space<hbm>>
      tpu.enqueue_dma source(%dma_start3A_41 : memref<80xi32, #tpu.memory_space<hbm>>) target(%arg7 : memref<80xi32, #tpu.memory_space<vmem>>) target_semaphore(%run_scoped3A : memref<!tpu.dma_semaphore, #tpu.memory_space<semaphore_mem>>)
      %dma_wait3A_42 = tpu.memref_slice %arg4[%add3A_4] : memref<320000xi32, #tpu.memory_space<hbm>> -> memref<80xi32, #tpu.memory_space<hbm>>
      %dma_wait3A_43 = tpu.memref_slice %arg4[%add3A_4] : memref<320000xi32, #tpu.memory_space<hbm>> -> memref<80xi32, #tpu.memory_space<hbm>>
      tpu.wait_dma2 semaphore(%run_scoped3A : memref<!tpu.dma_semaphore, #tpu.memory_space<semaphore_mem>>) src(%dma_wait3A_43 : memref<80xi32, #tpu.memory_space<hbm>>) dst(%arg7 : memref<80xi32, #tpu.memory_space<vmem>>)
      tpu.yield
    }) : () -> ()
    "tpu.region"() ({
      %run_scoped3A = tpu.sem_alloc : memref<!tpu.dma_semaphore, #tpu.memory_space<semaphore_mem>>
      %dma_start3A_40 = tpu.memref_slice %arg5[%add3A_4] : memref<320000xi32, #tpu.memory_space<hbm>> -> memref<80xi32, #tpu.memory_space<hbm>>
      %dma_start3A_41 = tpu.memref_slice %arg5[%add3A_4] : memref<320000xi32, #tpu.memory_space<hbm>> -> memref<80xi32, #tpu.memory_space<hbm>>
      tpu.enqueue_dma source(%dma_start3A_41 : memref<80xi32, #tpu.memory_space<hbm>>) target(%arg9 : memref<80xi32, #tpu.memory_space<vmem>>) target_semaphore(%run_scoped3A : memref<!tpu.dma_semaphore, #tpu.memory_space<semaphore_mem>>)
      %dma_wait3A_42 = tpu.memref_slice %arg5[%add3A_4] : memref<320000xi32, #tpu.memory_space<hbm>> -> memref<80xi32, #tpu.memory_space<hbm>>
      %dma_wait3A_43 = tpu.memref_slice %arg5[%add3A_4] : memref<320000xi32, #tpu.memory_space<hbm>> -> memref<80xi32, #tpu.memory_space<hbm>>
      tpu.wait_dma2 semaphore(%run_scoped3A : memref<!tpu.dma_semaphore, #tpu.memory_space<semaphore_mem>>) src(%dma_wait3A_43 : memref<80xi32, #tpu.memory_space<hbm>>) dst(%arg9 : memref<80xi32, #tpu.memory_space<vmem>>)
      tpu.yield
    }) : () -> ()
    %dma_start3A = arith.constant 0 : i32
    %dma_start3A_5 = arith.constant 0 : i32
    %dma_start3A_6 = tpu.memref_slice %arg2[%dma_start3A, %dma_start3A_5] : memref<10000x128xf32, #tpu.memory_space<hbm>> -> memref<10000x128xf32, #tpu.memory_space<hbm>>
    tpu.enqueue_indirect_dma source(%dma_start3A_6 : memref<10000x128xf32, #tpu.memory_space<hbm>>) target(%arg11 : memref<80x128xf32, #tpu.memory_space<vmem>>) offsets(%arg7 : memref<80xi32, #tpu.memory_space<vmem>>) semaphore(%arg15 : memref<!tpu.dma_semaphore, #tpu.memory_space<semaphore_mem>>)
    %dma_start3A_7 = arith.constant 0 : i32
    %dma_start3A_8 = arith.constant 0 : i32
    %dma_start3A_9 = tpu.memref_slice %arg3[%dma_start3A_7, %dma_start3A_8] : memref<10000x128xf32, #tpu.memory_space<hbm>> -> memref<10000x128xf32, #tpu.memory_space<hbm>>
    tpu.enqueue_indirect_dma source(%dma_start3A_9 : memref<10000x128xf32, #tpu.memory_space<hbm>>) target(%arg13 : memref<80x128xf32, #tpu.memory_space<vmem>>) offsets(%arg9 : memref<80xi32, #tpu.memory_space<vmem>>) semaphore(%arg15 : memref<!tpu.dma_semaphore, #tpu.memory_space<semaphore_mem>>)
    %scan3A = arith.constant 0 : i32
    %scan3A_10 = arith.constant 0 : i32
    %scan3A_11 = arith.constant 62 : i32
    %scan3A_12 = arith.addi %scan3A_10, %scan3A_11 : i32
    %scan3A_13 = arith.constant 1 : i32
    scf.for %scan3A_40 = %scan3A_10 to %scan3A_12 step %scan3A_13  : i32 {
      %mul3A_41 = arith.constant 2 : i32
      %mul3A_42 = arith.muli %scan3A_40, %mul3A_41 : i32
      %add3A_43 = arith.constant 1 : i32
      %add3A_44 = arith.addi %mul3A_42, %add3A_43 : i32
      %mul3A_45 = arith.constant 80 : i32
      %mul3A_46 = arith.muli %add3A_44, %mul3A_45 : i32
      %add3A_47 = arith.addi %mul3A_2, %mul3A_46 : i32
      %ge3A = arith.constant 2 : i32
      %ge3A_48 = arith.cmpi sge, %add3A_44, %ge3A : i32
      %convert_element_type3A = arith.extui %ge3A_48 : i1 to i32
      %cond3A = arith.constant 0 : i32
      %cond3A_49 = arith.cmpi ne, %convert_element_type3A, %cond3A : i32
      scf.if %cond3A_49 {
        %dma_wait3A_112 = arith.constant 0 : i32
        %dma_wait3A_113 = tpu.memref_slice %arg6[%mul3A_2, %dma_wait3A_112] : memref<320000x128xf32, #tpu.memory_space<hbm>> -> memref<80x128xf32, #tpu.memory_space<hbm>>
        %dma_wait3A_114 = arith.constant 0 : i32
        %dma_wait3A_115 = tpu.memref_slice %arg6[%mul3A_2, %dma_wait3A_114] : memref<320000x128xf32, #tpu.memory_space<hbm>> -> memref<80x128xf32, #tpu.memory_space<hbm>>
        tpu.wait_dma2 semaphore(%arg18 : memref<!tpu.dma_semaphore, #tpu.memory_space<semaphore_mem>>) src(%dma_wait3A_115 : memref<80x128xf32, #tpu.memory_space<hbm>>) dst(%arg12 : memref<80x128xf32, #tpu.memory_space<vmem>>)
      } else {
      }
      "tpu.region"() ({
        %run_scoped3A = tpu.sem_alloc : memref<!tpu.dma_semaphore, #tpu.memory_space<semaphore_mem>>
        %dma_start3A_112 = tpu.memref_slice %arg4[%add3A_47] : memref<320000xi32, #tpu.memory_space<hbm>> -> memref<80xi32, #tpu.memory_space<hbm>>
        %dma_start3A_113 = tpu.memref_slice %arg4[%add3A_47] : memref<320000xi32, #tpu.memory_space<hbm>> -> memref<80xi32, #tpu.memory_space<hbm>>
        tpu.enqueue_dma source(%dma_start3A_113 : memref<80xi32, #tpu.memory_space<hbm>>) target(%arg8 : memref<80xi32, #tpu.memory_space<vmem>>) target_semaphore(%run_scoped3A : memref<!tpu.dma_semaphore, #tpu.memory_space<semaphore_mem>>)
        %dma_wait3A_114 = tpu.memref_slice %arg4[%add3A_47] : memref<320000xi32, #tpu.memory_space<hbm>> -> memref<80xi32, #tpu.memory_space<hbm>>
        %dma_wait3A_115 = tpu.memref_slice %arg4[%add3A_47] : memref<320000xi32, #tpu.memory_space<hbm>> -> memref<80xi32, #tpu.memory_space<hbm>>
        tpu.wait_dma2 semaphore(%run_scoped3A : memref<!tpu.dma_semaphore, #tpu.memory_space<semaphore_mem>>) src(%dma_wait3A_115 : memref<80xi32, #tpu.memory_space<hbm>>) dst(%arg8 : memref<80xi32, #tpu.memory_space<vmem>>)
        tpu.yield
      }) : () -> ()
      "tpu.region"() ({
        %run_scoped3A = tpu.sem_alloc : memref<!tpu.dma_semaphore, #tpu.memory_space<semaphore_mem>>
        %dma_start3A_112 = tpu.memref_slice %arg5[%add3A_47] : memref<320000xi32, #tpu.memory_space<hbm>> -> memref<80xi32, #tpu.memory_space<hbm>>
        %dma_start3A_113 = tpu.memref_slice %arg5[%add3A_47] : memref<320000xi32, #tpu.memory_space<hbm>> -> memref<80xi32, #tpu.memory_space<hbm>>
        tpu.enqueue_dma source(%dma_start3A_113 : memref<80xi32, #tpu.memory_space<hbm>>) target(%arg10 : memref<80xi32, #tpu.memory_space<vmem>>) target_semaphore(%run_scoped3A : memref<!tpu.dma_semaphore, #tpu.memory_space<semaphore_mem>>)
        %dma_wait3A_114 = tpu.memref_slice %arg5[%add3A_47] : memref<320000xi32, #tpu.memory_space<hbm>> -> memref<80xi32, #tpu.memory_space<hbm>>
        %dma_wait3A_115 = tpu.memref_slice %arg5[%add3A_47] : memref<320000xi32, #tpu.memory_space<hbm>> -> memref<80xi32, #tpu.memory_space<hbm>>
        tpu.wait_dma2 semaphore(%run_scoped3A : memref<!tpu.dma_semaphore, #tpu.memory_space<semaphore_mem>>) src(%dma_wait3A_115 : memref<80xi32, #tpu.memory_space<hbm>>) dst(%arg10 : memref<80xi32, #tpu.memory_space<vmem>>)
        tpu.yield
      }) : () -> ()
      %dma_start3A_50 = arith.constant 0 : i32
      %dma_start3A_51 = arith.constant 0 : i32
      %dma_start3A_52 = tpu.memref_slice %arg2[%dma_start3A_50, %dma_start3A_51] : memref<10000x128xf32, #tpu.memory_space<hbm>> -> memref<10000x128xf32, #tpu.memory_space<hbm>>
      tpu.enqueue_indirect_dma source(%dma_start3A_52 : memref<10000x128xf32, #tpu.memory_space<hbm>>) target(%arg12 : memref<80x128xf32, #tpu.memory_space<vmem>>) offsets(%arg8 : memref<80xi32, #tpu.memory_space<vmem>>) semaphore(%arg16 : memref<!tpu.dma_semaphore, #tpu.memory_space<semaphore_mem>>)
      %dma_start3A_53 = arith.constant 0 : i32
      %dma_start3A_54 = arith.constant 0 : i32
      %dma_start3A_55 = tpu.memref_slice %arg3[%dma_start3A_53, %dma_start3A_54] : memref<10000x128xf32, #tpu.memory_space<hbm>> -> memref<10000x128xf32, #tpu.memory_space<hbm>>
      tpu.enqueue_indirect_dma source(%dma_start3A_55 : memref<10000x128xf32, #tpu.memory_space<hbm>>) target(%arg14 : memref<80x128xf32, #tpu.memory_space<vmem>>) offsets(%arg10 : memref<80xi32, #tpu.memory_space<vmem>>) semaphore(%arg16 : memref<!tpu.dma_semaphore, #tpu.memory_space<semaphore_mem>>)
      %dma_wait3A_56 = arith.constant 0 : i32
      %dma_wait3A_57 = arith.constant 0 : i32
      %dma_wait3A_58 = tpu.memref_slice %arg2[%dma_wait3A_56, %dma_wait3A_57] : memref<10000x128xf32, #tpu.memory_space<hbm>> -> memref<10000x128xf32, #tpu.memory_space<hbm>>
      tpu.wait_indirect_dma semaphore(%arg15 : memref<!tpu.dma_semaphore, #tpu.memory_space<semaphore_mem>>) src(%dma_wait3A_58 : memref<10000x128xf32, #tpu.memory_space<hbm>>) dst(%arg11 : memref<80x128xf32, #tpu.memory_space<vmem>>)
      %dma_wait3A_59 = arith.constant 0 : i32
      %dma_wait3A_60 = arith.constant 0 : i32
      %dma_wait3A_61 = tpu.memref_slice %arg3[%dma_wait3A_59, %dma_wait3A_60] : memref<10000x128xf32, #tpu.memory_space<hbm>> -> memref<10000x128xf32, #tpu.memory_space<hbm>>
      tpu.wait_indirect_dma semaphore(%arg15 : memref<!tpu.dma_semaphore, #tpu.memory_space<semaphore_mem>>) src(%dma_wait3A_61 : memref<10000x128xf32, #tpu.memory_space<hbm>>) dst(%arg13 : memref<80x128xf32, #tpu.memory_space<vmem>>)
      %scan3A_62 = arith.constant 0 : i32
      %scan3A_63 = arith.constant 0 : i32
      %scan3A_64 = arith.constant 80 : i32
      %scan3A_65 = arith.addi %scan3A_63, %scan3A_64 : i32
      %scan3A_66 = arith.constant 1 : i32
      scf.for %scan3A_112 = %scan3A_63 to %scan3A_65 step %scan3A_66  : i32 {
        %get3A = arith.index_cast %scan3A_112 : i32 to index
        %get3A_113 = arith.constant 0 : index
        %get3A_114 = tpu.vector_load %arg11[%get3A, %get3A_113] {strides = array<i32>} : memref<80x128xf32, #tpu.memory_space<vmem>>, vector<1x16xf32>,
        %get3A_115 = vector.shape_cast %get3A_114 : vector<1x16xf32> to vector<16xf32>
        %get3A_116 = arith.index_cast %scan3A_112 : i32 to index
        %get3A_117 = arith.constant 0 : index
        %get3A_118 = tpu.vector_load %arg13[%get3A_116, %get3A_117] {strides = array<i32>} : memref<80x128xf32, #tpu.memory_space<vmem>>, vector<1x16xf32>,
        %get3A_119 = vector.shape_cast %get3A_118 : vector<1x16xf32> to vector<16xf32>
        %add3A_120 = arith.addf %get3A_115, %get3A_119 : vector<16xf32>
        %swap3A = arith.index_cast %scan3A_112 : i32 to index
        %swap3A_121 = arith.constant 0 : index
        %swap3A_122 = tpu.vector_load %arg11[%swap3A, %swap3A_121] {strides = array<i32>} : memref<80x128xf32, #tpu.memory_space<vmem>>, vector<1x16xf32>,
        %swap3A_123 = vector.shape_cast %swap3A_122 : vector<1x16xf32> to vector<16xf32>
        %swap3A_124 = vector.shape_cast %add3A_120 : vector<16xf32> to vector<1x16xf32>
        tpu.vector_store %arg11[%swap3A, %swap3A_121], %swap3A_124 {strides = array<i32>} : memref<80x128xf32, #tpu.memory_space<vmem>>, vector<1x16xf32>,
        %get3A_125 = arith.index_cast %scan3A_112 : i32 to index
        %get3A_126 = arith.constant 16 : index
        %get3A_127 = tpu.vector_load %arg11[%get3A_125, %get3A_126] {strides = array<i32>} : memref<80x128xf32, #tpu.memory_space<vmem>>, vector<1x16xf32>,
        %get3A_128 = vector.shape_cast %get3A_127 : vector<1x16xf32> to vector<16xf32>
        %get3A_129 = arith.index_cast %scan3A_112 : i32 to index
        %get3A_130 = arith.constant 16 : index
        %get3A_131 = tpu.vector_load %arg13[%get3A_129, %get3A_130] {strides = array<i32>} : memref<80x128xf32, #tpu.memory_space<vmem>>, vector<1x16xf32>,
        %get3A_132 = vector.shape_cast %get3A_131 : vector<1x16xf32> to vector<16xf32>
        %add3A_133 = arith.addf %get3A_128, %get3A_132 : vector<16xf32>
        %swap3A_134 = arith.index_cast %scan3A_112 : i32 to index
        %swap3A_135 = arith.constant 16 : index
        %swap3A_136 = tpu.vector_load %arg11[%swap3A_134, %swap3A_135] {strides = array<i32>} : memref<80x128xf32, #tpu.memory_space<vmem>>, vector<1x16xf32>,
        %swap3A_137 = vector.shape_cast %swap3A_136 : vector<1x16xf32> to vector<16xf32>
        %swap3A_138 = vector.shape_cast %add3A_133 : vector<16xf32> to vector<1x16xf32>
        tpu.vector_store %arg11[%swap3A_134, %swap3A_135], %swap3A_138 {strides = array<i32>} : memref<80x128xf32, #tpu.memory_space<vmem>>, vector<1x16xf32>,
        %get3A_139 = arith.index_cast %scan3A_112 : i32 to index
        %get3A_140 = arith.constant 32 : index
        %get3A_141 = tpu.vector_load %arg11[%get3A_139, %get3A_140] {strides = array<i32>} : memref<80x128xf32, #tpu.memory_space<vmem>>, vector<1x16xf32>,
        %get3A_142 = vector.shape_cast %get3A_141 : vector<1x16xf32> to vector<16xf32>
        %get3A_143 = arith.index_cast %scan3A_112 : i32 to index
        %get3A_144 = arith.constant 32 : index
        %get3A_145 = tpu.vector_load %arg13[%get3A_143, %get3A_144] {strides = array<i32>} : memref<80x128xf32, #tpu.memory_space<vmem>>, vector<1x16xf32>,
        %get3A_146 = vector.shape_cast %get3A_145 : vector<1x16xf32> to vector<16xf32>
        %add3A_147 = arith.addf %get3A_142, %get3A_146 : vector<16xf32>
        %swap3A_148 = arith.index_cast %scan3A_112 : i32 to index
        %swap3A_149 = arith.constant 32 : index
        %swap3A_150 = tpu.vector_load %arg11[%swap3A_148, %swap3A_149] {strides = array<i32>} : memref<80x128xf32, #tpu.memory_space<vmem>>, vector<1x16xf32>,
        %swap3A_151 = vector.shape_cast %swap3A_150 : vector<1x16xf32> to vector<16xf32>
        %swap3A_152 = vector.shape_cast %add3A_147 : vector<16xf32> to vector<1x16xf32>
        tpu.vector_store %arg11[%swap3A_148, %swap3A_149], %swap3A_152 {strides = array<i32>} : memref<80x128xf32, #tpu.memory_space<vmem>>, vector<1x16xf32>,
        %get3A_153 = arith.index_cast %scan3A_112 : i32 to index
        %get3A_154 = arith.constant 48 : index
        %get3A_155 = tpu.vector_load %arg11[%get3A_153, %get3A_154] {strides = array<i32>} : memref<80x128xf32, #tpu.memory_space<vmem>>, vector<1x16xf32>,
        %get3A_156 = vector.shape_cast %get3A_155 : vector<1x16xf32> to vector<16xf32>
        %get3A_157 = arith.index_cast %scan3A_112 : i32 to index
        %get3A_158 = arith.constant 48 : index
        %get3A_159 = tpu.vector_load %arg13[%get3A_157, %get3A_158] {strides = array<i32>} : memref<80x128xf32, #tpu.memory_space<vmem>>, vector<1x16xf32>,
        %get3A_160 = vector.shape_cast %get3A_159 : vector<1x16xf32> to vector<16xf32>
        %add3A_161 = arith.addf %get3A_156, %get3A_160 : vector<16xf32>
        %swap3A_162 = arith.index_cast %scan3A_112 : i32 to index
        %swap3A_163 = arith.constant 48 : index
        %swap3A_164 = tpu.vector_load %arg11[%swap3A_162, %swap3A_163] {strides = array<i32>} : memref<80x128xf32, #tpu.memory_space<vmem>>, vector<1x16xf32>,
        %swap3A_165 = vector.shape_cast %swap3A_164 : vector<1x16xf32> to vector<16xf32>
        %swap3A_166 = vector.shape_cast %add3A_161 : vector<16xf32> to vector<1x16xf32>
        tpu.vector_store %arg11[%swap3A_162, %swap3A_163], %swap3A_166 {strides = array<i32>} : memref<80x128xf32, #tpu.memory_space<vmem>>, vector<1x16xf32>,
        %get3A_167 = arith.index_cast %scan3A_112 : i32 to index
        %get3A_168 = arith.constant 64 : index
        %get3A_169 = tpu.vector_load %arg11[%get3A_167, %get3A_168] {strides = array<i32>} : memref<80x128xf32, #tpu.memory_space<vmem>>, vector<1x16xf32>,
        %get3A_170 = vector.shape_cast %get3A_169 : vector<1x16xf32> to vector<16xf32>
        %get3A_171 = arith.index_cast %scan3A_112 : i32 to index
        %get3A_172 = arith.constant 64 : index
        %get3A_173 = tpu.vector_load %arg13[%get3A_171, %get3A_172] {strides = array<i32>} : memref<80x128xf32, #tpu.memory_space<vmem>>, vector<1x16xf32>,
        %get3A_174 = vector.shape_cast %get3A_173 : vector<1x16xf32> to vector<16xf32>
        %add3A_175 = arith.addf %get3A_170, %get3A_174 : vector<16xf32>
        %swap3A_176 = arith.index_cast %scan3A_112 : i32 to index
        %swap3A_177 = arith.constant 64 : index
        %swap3A_178 = tpu.vector_load %arg11[%swap3A_176, %swap3A_177] {strides = array<i32>} : memref<80x128xf32, #tpu.memory_space<vmem>>, vector<1x16xf32>,
        %swap3A_179 = vector.shape_cast %swap3A_178 : vector<1x16xf32> to vector<16xf32>
        %swap3A_180 = vector.shape_cast %add3A_175 : vector<16xf32> to vector<1x16xf32>
        tpu.vector_store %arg11[%swap3A_176, %swap3A_177], %swap3A_180 {strides = array<i32>} : memref<80x128xf32, #tpu.memory_space<vmem>>, vector<1x16xf32>,
        %get3A_181 = arith.index_cast %scan3A_112 : i32 to index
        %get3A_182 = arith.constant 80 : index
        %get3A_183 = tpu.vector_load %arg11[%get3A_181, %get3A_182] {strides = array<i32>} : memref<80x128xf32, #tpu.memory_space<vmem>>, vector<1x16xf32>,
        %get3A_184 = vector.shape_cast %get3A_183 : vector<1x16xf32> to vector<16xf32>
        %get3A_185 = arith.index_cast %scan3A_112 : i32 to index
        %get3A_186 = arith.constant 80 : index
        %get3A_187 = tpu.vector_load %arg13[%get3A_185, %get3A_186] {strides = array<i32>} : memref<80x128xf32, #tpu.memory_space<vmem>>, vector<1x16xf32>,
        %get3A_188 = vector.shape_cast %get3A_187 : vector<1x16xf32> to vector<16xf32>
        %add3A_189 = arith.addf %get3A_184, %get3A_188 : vector<16xf32>
        %swap3A_190 = arith.index_cast %scan3A_112 : i32 to index
        %swap3A_191 = arith.constant 80 : index
        %swap3A_192 = tpu.vector_load %arg11[%swap3A_190, %swap3A_191] {strides = array<i32>} : memref<80x128xf32, #tpu.memory_space<vmem>>, vector<1x16xf32>,
        %swap3A_193 = vector.shape_cast %swap3A_192 : vector<1x16xf32> to vector<16xf32>
        %swap3A_194 = vector.shape_cast %add3A_189 : vector<16xf32> to vector<1x16xf32>
        tpu.vector_store %arg11[%swap3A_190, %swap3A_191], %swap3A_194 {strides = array<i32>} : memref<80x128xf32, #tpu.memory_space<vmem>>, vector<1x16xf32>,
        %get3A_195 = arith.index_cast %scan3A_112 : i32 to index
        %get3A_196 = arith.constant 96 : index
        %get3A_197 = tpu.vector_load %arg11[%get3A_195, %get3A_196] {strides = array<i32>} : memref<80x128xf32, #tpu.memory_space<vmem>>, vector<1x16xf32>,
        %get3A_198 = vector.shape_cast %get3A_197 : vector<1x16xf32> to vector<16xf32>
        %get3A_199 = arith.index_cast %scan3A_112 : i32 to index
        %get3A_200 = arith.constant 96 : index
        %get3A_201 = tpu.vector_load %arg13[%get3A_199, %get3A_200] {strides = array<i32>} : memref<80x128xf32, #tpu.memory_space<vmem>>, vector<1x16xf32>,
        %get3A_202 = vector.shape_cast %get3A_201 : vector<1x16xf32> to vector<16xf32>
        %add3A_203 = arith.addf %get3A_198, %get3A_202 : vector<16xf32>
        %swap3A_204 = arith.index_cast %scan3A_112 : i32 to index
        %swap3A_205 = arith.constant 96 : index
        %swap3A_206 = tpu.vector_load %arg11[%swap3A_204, %swap3A_205] {strides = array<i32>} : memref<80x128xf32, #tpu.memory_space<vmem>>, vector<1x16xf32>,
        %swap3A_207 = vector.shape_cast %swap3A_206 : vector<1x16xf32> to vector<16xf32>
        %swap3A_208 = vector.shape_cast %add3A_203 : vector<16xf32> to vector<1x16xf32>
        tpu.vector_store %arg11[%swap3A_204, %swap3A_205], %swap3A_208 {strides = array<i32>} : memref<80x128xf32, #tpu.memory_space<vmem>>, vector<1x16xf32>,
        %get3A_209 = arith.index_cast %scan3A_112 : i32 to index
        %get3A_210 = arith.constant 112 : index
        %get3A_211 = tpu.vector_load %arg11[%get3A_209, %get3A_210] {strides = array<i32>} : memref<80x128xf32, #tpu.memory_space<vmem>>, vector<1x16xf32>,
        %get3A_212 = vector.shape_cast %get3A_211 : vector<1x16xf32> to vector<16xf32>
        %get3A_213 = arith.index_cast %scan3A_112 : i32 to index
        %get3A_214 = arith.constant 112 : index
        %get3A_215 = tpu.vector_load %arg13[%get3A_213, %get3A_214] {strides = array<i32>} : memref<80x128xf32, #tpu.memory_space<vmem>>, vector<1x16xf32>,
        %get3A_216 = vector.shape_cast %get3A_215 : vector<1x16xf32> to vector<16xf32>
        %add3A_217 = arith.addf %get3A_212, %get3A_216 : vector<16xf32>
        %swap3A_218 = arith.index_cast %scan3A_112 : i32 to index
        %swap3A_219 = arith.constant 112 : index
        %swap3A_220 = tpu.vector_load %arg11[%swap3A_218, %swap3A_219] {strides = array<i32>} : memref<80x128xf32, #tpu.memory_space<vmem>>, vector<1x16xf32>,
        %swap3A_221 = vector.shape_cast %swap3A_220 : vector<1x16xf32> to vector<16xf32>
        %swap3A_222 = vector.shape_cast %add3A_217 : vector<16xf32> to vector<1x16xf32>
        tpu.vector_store %arg11[%swap3A_218, %swap3A_219], %swap3A_222 {strides = array<i32>} : memref<80x128xf32, #tpu.memory_space<vmem>>, vector<1x16xf32>,
      }
      %scan3A_67 = arith.constant 80 : i32
      %mul3A_68 = arith.constant 80 : i32
      %mul3A_69 = arith.muli %mul3A_42, %mul3A_68 : i32
      %add3A_70 = arith.addi %mul3A_2, %mul3A_69 : i32
      %dma_start3A_71 = arith.constant 0 : i32
      %dma_start3A_72 = tpu.memref_slice %arg6[%add3A_70, %dma_start3A_71] : memref<320000x128xf32, #tpu.memory_space<hbm>> -> memref<80x128xf32, #tpu.memory_space<hbm>>
      %dma_start3A_73 = arith.constant 0 : i32
      %dma_start3A_74 = tpu.memref_slice %arg6[%add3A_70, %dma_start3A_73] : memref<320000x128xf32, #tpu.memory_space<hbm>> -> memref<80x128xf32, #tpu.memory_space<hbm>>
      tpu.enqueue_dma source(%arg11 : memref<80x128xf32, #tpu.memory_space<vmem>>) target(%dma_start3A_74 : memref<80x128xf32, #tpu.memory_space<hbm>>) target_semaphore(%arg17 : memref<!tpu.dma_semaphore, #tpu.memory_space<semaphore_mem>>)
      %add3A_75 = arith.constant 2 : i32
      %add3A_76 = arith.addi %mul3A_42, %add3A_75 : i32
      %mul3A_77 = arith.constant 80 : i32
      %mul3A_78 = arith.muli %add3A_76, %mul3A_77 : i32
      %add3A_79 = arith.addi %mul3A_2, %mul3A_78 : i32
      %ge3A_80 = arith.constant 2 : i32
      %ge3A_81 = arith.cmpi sge, %add3A_76, %ge3A_80 : i32
      %convert_element_type3A_82 = arith.extui %ge3A_81 : i1 to i32
      %cond3A_83 = arith.constant 0 : i32
      %cond3A_84 = arith.cmpi ne, %convert_element_type3A_82, %cond3A_83 : i32
      scf.if %cond3A_84 {
        %dma_wait3A_112 = arith.constant 0 : i32
        %dma_wait3A_113 = tpu.memref_slice %arg6[%mul3A_2, %dma_wait3A_112] : memref<320000x128xf32, #tpu.memory_space<hbm>> -> memref<80x128xf32, #tpu.memory_space<hbm>>
        %dma_wait3A_114 = arith.constant 0 : i32
        %dma_wait3A_115 = tpu.memref_slice %arg6[%mul3A_2, %dma_wait3A_114] : memref<320000x128xf32, #tpu.memory_space<hbm>> -> memref<80x128xf32, #tpu.memory_space<hbm>>
        tpu.wait_dma2 semaphore(%arg17 : memref<!tpu.dma_semaphore, #tpu.memory_space<semaphore_mem>>) src(%dma_wait3A_115 : memref<80x128xf32, #tpu.memory_space<hbm>>) dst(%arg11 : memref<80x128xf32, #tpu.memory_space<vmem>>)
      } else {
      }
      "tpu.region"() ({
        %run_scoped3A = tpu.sem_alloc : memref<!tpu.dma_semaphore, #tpu.memory_space<semaphore_mem>>
        %dma_start3A_112 = tpu.memref_slice %arg4[%add3A_79] : memref<320000xi32, #tpu.memory_space<hbm>> -> memref<80xi32, #tpu.memory_space<hbm>>
        %dma_start3A_113 = tpu.memref_slice %arg4[%add3A_79] : memref<320000xi32, #tpu.memory_space<hbm>> -> memref<80xi32, #tpu.memory_space<hbm>>
        tpu.enqueue_dma source(%dma_start3A_113 : memref<80xi32, #tpu.memory_space<hbm>>) target(%arg7 : memref<80xi32, #tpu.memory_space<vmem>>) target_semaphore(%run_scoped3A : memref<!tpu.dma_semaphore, #tpu.memory_space<semaphore_mem>>)
        %dma_wait3A_114 = tpu.memref_slice %arg4[%add3A_79] : memref<320000xi32, #tpu.memory_space<hbm>> -> memref<80xi32, #tpu.memory_space<hbm>>
        %dma_wait3A_115 = tpu.memref_slice %arg4[%add3A_79] : memref<320000xi32, #tpu.memory_space<hbm>> -> memref<80xi32, #tpu.memory_space<hbm>>
        tpu.wait_dma2 semaphore(%run_scoped3A : memref<!tpu.dma_semaphore, #tpu.memory_space<semaphore_mem>>) src(%dma_wait3A_115 : memref<80xi32, #tpu.memory_space<hbm>>) dst(%arg7 : memref<80xi32, #tpu.memory_space<vmem>>)
        tpu.yield
      }) : () -> ()
      "tpu.region"() ({
        %run_scoped3A = tpu.sem_alloc : memref<!tpu.dma_semaphore, #tpu.memory_space<semaphore_mem>>
        %dma_start3A_112 = tpu.memref_slice %arg5[%add3A_79] : memref<320000xi32, #tpu.memory_space<hbm>> -> memref<80xi32, #tpu.memory_space<hbm>>
        %dma_start3A_113 = tpu.memref_slice %arg5[%add3A_79] : memref<320000xi32, #tpu.memory_space<hbm>> -> memref<80xi32, #tpu.memory_space<hbm>>
        tpu.enqueue_dma source(%dma_start3A_113 : memref<80xi32, #tpu.memory_space<hbm>>) target(%arg9 : memref<80xi32, #tpu.memory_space<vmem>>) target_semaphore(%run_scoped3A : memref<!tpu.dma_semaphore, #tpu.memory_space<semaphore_mem>>)
        %dma_wait3A_114 = tpu.memref_slice %arg5[%add3A_79] : memref<320000xi32, #tpu.memory_space<hbm>> -> memref<80xi32, #tpu.memory_space<hbm>>
        %dma_wait3A_115 = tpu.memref_slice %arg5[%add3A_79] : memref<320000xi32, #tpu.memory_space<hbm>> -> memref<80xi32, #tpu.memory_space<hbm>>
        tpu.wait_dma2 semaphore(%run_scoped3A : memref<!tpu.dma_semaphore, #tpu.memory_space<semaphore_mem>>) src(%dma_wait3A_115 : memref<80xi32, #tpu.memory_space<hbm>>) dst(%arg9 : memref<80xi32, #tpu.memory_space<vmem>>)
        tpu.yield
      }) : () -> ()
      %dma_start3A_85 = arith.constant 0 : i32
      %dma_start3A_86 = arith.constant 0 : i32
      %dma_start3A_87 = tpu.memref_slice %arg2[%dma_start3A_85, %dma_start3A_86] : memref<10000x128xf32, #tpu.memory_space<hbm>> -> memref<10000x128xf32, #tpu.memory_space<hbm>>
      tpu.enqueue_indirect_dma source(%dma_start3A_87 : memref<10000x128xf32, #tpu.memory_space<hbm>>) target(%arg11 : memref<80x128xf32, #tpu.memory_space<vmem>>) offsets(%arg7 : memref<80xi32, #tpu.memory_space<vmem>>) semaphore(%arg15 : memref<!tpu.dma_semaphore, #tpu.memory_space<semaphore_mem>>)
      %dma_start3A_88 = arith.constant 0 : i32
      %dma_start3A_89 = arith.constant 0 : i32
      %dma_start3A_90 = tpu.memref_slice %arg3[%dma_start3A_88, %dma_start3A_89] : memref<10000x128xf32, #tpu.memory_space<hbm>> -> memref<10000x128xf32, #tpu.memory_space<hbm>>
      tpu.enqueue_indirect_dma source(%dma_start3A_90 : memref<10000x128xf32, #tpu.memory_space<hbm>>) target(%arg13 : memref<80x128xf32, #tpu.memory_space<vmem>>) offsets(%arg9 : memref<80xi32, #tpu.memory_space<vmem>>) semaphore(%arg15 : memref<!tpu.dma_semaphore, #tpu.memory_space<semaphore_mem>>)
      %add3A_91 = arith.constant 1 : i32
      %add3A_92 = arith.addi %mul3A_42, %add3A_91 : i32
      %dma_wait3A_93 = arith.constant 0 : i32
      %dma_wait3A_94 = arith.constant 0 : i32
      %dma_wait3A_95 = tpu.memref_slice %arg2[%dma_wait3A_93, %dma_wait3A_94] : memref<10000x128xf32, #tpu.memory_space<hbm>> -> memref<10000x128xf32, #tpu.memory_space<hbm>>
      tpu.wait_indirect_dma semaphore(%arg16 : memref<!tpu.dma_semaphore, #tpu.memory_space<semaphore_mem>>) src(%dma_wait3A_95 : memref<10000x128xf32, #tpu.memory_space<hbm>>) dst(%arg12 : memref<80x128xf32, #tpu.memory_space<vmem>>)
      %dma_wait3A_96 = arith.constant 0 : i32
      %dma_wait3A_97 = arith.constant 0 : i32
      %dma_wait3A_98 = tpu.memref_slice %arg3[%dma_wait3A_96, %dma_wait3A_97] : memref<10000x128xf32, #tpu.memory_space<hbm>> -> memref<10000x128xf32, #tpu.memory_space<hbm>>
      tpu.wait_indirect_dma semaphore(%arg16 : memref<!tpu.dma_semaphore, #tpu.memory_space<semaphore_mem>>) src(%dma_wait3A_98 : memref<10000x128xf32, #tpu.memory_space<hbm>>) dst(%arg14 : memref<80x128xf32, #tpu.memory_space<vmem>>)
      %scan3A_99 = arith.constant 0 : i32
      %scan3A_100 = arith.constant 0 : i32
      %scan3A_101 = arith.constant 80 : i32
      %scan3A_102 = arith.addi %scan3A_100, %scan3A_101 : i32
      %scan3A_103 = arith.constant 1 : i32
      scf.for %scan3A_112 = %scan3A_100 to %scan3A_102 step %scan3A_103  : i32 {
        %get3A = arith.index_cast %scan3A_112 : i32 to index
        %get3A_113 = arith.constant 0 : index
        %get3A_114 = tpu.vector_load %arg12[%get3A, %get3A_113] {strides = array<i32>} : memref<80x128xf32, #tpu.memory_space<vmem>>, vector<1x16xf32>,
        %get3A_115 = vector.shape_cast %get3A_114 : vector<1x16xf32> to vector<16xf32>
        %get3A_116 = arith.index_cast %scan3A_112 : i32 to index
        %get3A_117 = arith.constant 0 : index
        %get3A_118 = tpu.vector_load %arg14[%get3A_116, %get3A_117] {strides = array<i32>} : memref<80x128xf32, #tpu.memory_space<vmem>>, vector<1x16xf32>,
        %get3A_119 = vector.shape_cast %get3A_118 : vector<1x16xf32> to vector<16xf32>
        %add3A_120 = arith.addf %get3A_115, %get3A_119 : vector<16xf32>
        %swap3A = arith.index_cast %scan3A_112 : i32 to index
        %swap3A_121 = arith.constant 0 : index
        %swap3A_122 = tpu.vector_load %arg12[%swap3A, %swap3A_121] {strides = array<i32>} : memref<80x128xf32, #tpu.memory_space<vmem>>, vector<1x16xf32>,
        %swap3A_123 = vector.shape_cast %swap3A_122 : vector<1x16xf32> to vector<16xf32>
        %swap3A_124 = vector.shape_cast %add3A_120 : vector<16xf32> to vector<1x16xf32>
        tpu.vector_store %arg12[%swap3A, %swap3A_121], %swap3A_124 {strides = array<i32>} : memref<80x128xf32, #tpu.memory_space<vmem>>, vector<1x16xf32>,
        %get3A_125 = arith.index_cast %scan3A_112 : i32 to index
        %get3A_126 = arith.constant 16 : index
        %get3A_127 = tpu.vector_load %arg12[%get3A_125, %get3A_126] {strides = array<i32>} : memref<80x128xf32, #tpu.memory_space<vmem>>, vector<1x16xf32>,
        %get3A_128 = vector.shape_cast %get3A_127 : vector<1x16xf32> to vector<16xf32>
        %get3A_129 = arith.index_cast %scan3A_112 : i32 to index
        %get3A_130 = arith.constant 16 : index
        %get3A_131 = tpu.vector_load %arg14[%get3A_129, %get3A_130] {strides = array<i32>} : memref<80x128xf32, #tpu.memory_space<vmem>>, vector<1x16xf32>,
        %get3A_132 = vector.shape_cast %get3A_131 : vector<1x16xf32> to vector<16xf32>
        %add3A_133 = arith.addf %get3A_128, %get3A_132 : vector<16xf32>
        %swap3A_134 = arith.index_cast %scan3A_112 : i32 to index
        %swap3A_135 = arith.constant 16 : index
        %swap3A_136 = tpu.vector_load %arg12[%swap3A_134, %swap3A_135] {strides = array<i32>} : memref<80x128xf32, #tpu.memory_space<vmem>>, vector<1x16xf32>,
        %swap3A_137 = vector.shape_cast %swap3A_136 : vector<1x16xf32> to vector<16xf32>
        %swap3A_138 = vector.shape_cast %add3A_133 : vector<16xf32> to vector<1x16xf32>
        tpu.vector_store %arg12[%swap3A_134, %swap3A_135], %swap3A_138 {strides = array<i32>} : memref<80x128xf32, #tpu.memory_space<vmem>>, vector<1x16xf32>,
        %get3A_139 = arith.index_cast %scan3A_112 : i32 to index
        %get3A_140 = arith.constant 32 : index
        %get3A_141 = tpu.vector_load %arg12[%get3A_139, %get3A_140] {strides = array<i32>} : memref<80x128xf32, #tpu.memory_space<vmem>>, vector<1x16xf32>,
        %get3A_142 = vector.shape_cast %get3A_141 : vector<1x16xf32> to vector<16xf32>
        %get3A_143 = arith.index_cast %scan3A_112 : i32 to index
        %get3A_144 = arith.constant 32 : index
        %get3A_145 = tpu.vector_load %arg14[%get3A_143, %get3A_144] {strides = array<i32>} : memref<80x128xf32, #tpu.memory_space<vmem>>, vector<1x16xf32>,
        %get3A_146 = vector.shape_cast %get3A_145 : vector<1x16xf32> to vector<16xf32>
        %add3A_147 = arith.addf %get3A_142, %get3A_146 : vector<16xf32>
        %swap3A_148 = arith.index_cast %scan3A_112 : i32 to index
        %swap3A_149 = arith.constant 32 : index
        %swap3A_150 = tpu.vector_load %arg12[%swap3A_148, %swap3A_149] {strides = array<i32>} : memref<80x128xf32, #tpu.memory_space<vmem>>, vector<1x16xf32>,
        %swap3A_151 = vector.shape_cast %swap3A_150 : vector<1x16xf32> to vector<16xf32>
        %swap3A_152 = vector.shape_cast %add3A_147 : vector<16xf32> to vector<1x16xf32>
        tpu.vector_store %arg12[%swap3A_148, %swap3A_149], %swap3A_152 {strides = array<i32>} : memref<80x128xf32, #tpu.memory_space<vmem>>, vector<1x16xf32>,
        %get3A_153 = arith.index_cast %scan3A_112 : i32 to index
        %get3A_154 = arith.constant 48 : index
        %get3A_155 = tpu.vector_load %arg12[%get3A_153, %get3A_154] {strides = array<i32>} : memref<80x128xf32, #tpu.memory_space<vmem>>, vector<1x16xf32>,
        %get3A_156 = vector.shape_cast %get3A_155 : vector<1x16xf32> to vector<16xf32>
        %get3A_157 = arith.index_cast %scan3A_112 : i32 to index
        %get3A_158 = arith.constant 48 : index
        %get3A_159 = tpu.vector_load %arg14[%get3A_157, %get3A_158] {strides = array<i32>} : memref<80x128xf32, #tpu.memory_space<vmem>>, vector<1x16xf32>,
        %get3A_160 = vector.shape_cast %get3A_159 : vector<1x16xf32> to vector<16xf32>
        %add3A_161 = arith.addf %get3A_156, %get3A_160 : vector<16xf32>
        %swap3A_162 = arith.index_cast %scan3A_112 : i32 to index
        %swap3A_163 = arith.constant 48 : index
        %swap3A_164 = tpu.vector_load %arg12[%swap3A_162, %swap3A_163] {strides = array<i32>} : memref<80x128xf32, #tpu.memory_space<vmem>>, vector<1x16xf32>,
        %swap3A_165 = vector.shape_cast %swap3A_164 : vector<1x16xf32> to vector<16xf32>
        %swap3A_166 = vector.shape_cast %add3A_161 : vector<16xf32> to vector<1x16xf32>
        tpu.vector_store %arg12[%swap3A_162, %swap3A_163], %swap3A_166 {strides = array<i32>} : memref<80x128xf32, #tpu.memory_space<vmem>>, vector<1x16xf32>,
        %get3A_167 = arith.index_cast %scan3A_112 : i32 to index
        %get3A_168 = arith.constant 64 : index
        %get3A_169 = tpu.vector_load %arg12[%get3A_167, %get3A_168] {strides = array<i32>} : memref<80x128xf32, #tpu.memory_space<vmem>>, vector<1x16xf32>,
        %get3A_170 = vector.shape_cast %get3A_169 : vector<1x16xf32> to vector<16xf32>
        %get3A_171 = arith.index_cast %scan3A_112 : i32 to index
        %get3A_172 = arith.constant 64 : index
        %get3A_173 = tpu.vector_load %arg14[%get3A_171, %get3A_172] {strides = array<i32>} : memref<80x128xf32, #tpu.memory_space<vmem>>, vector<1x16xf32>,
        %get3A_174 = vector.shape_cast %get3A_173 : vector<1x16xf32> to vector<16xf32>
        %add3A_175 = arith.addf %get3A_170, %get3A_174 : vector<16xf32>
        %swap3A_176 = arith.index_cast %scan3A_112 : i32 to index
        %swap3A_177 = arith.constant 64 : index
        %swap3A_178 = tpu.vector_load %arg12[%swap3A_176, %swap3A_177] {strides = array<i32>} : memref<80x128xf32, #tpu.memory_space<vmem>>, vector<1x16xf32>,
        %swap3A_179 = vector.shape_cast %swap3A_178 : vector<1x16xf32> to vector<16xf32>
        %swap3A_180 = vector.shape_cast %add3A_175 : vector<16xf32> to vector<1x16xf32>
        tpu.vector_store %arg12[%swap3A_176, %swap3A_177], %swap3A_180 {strides = array<i32>} : memref<80x128xf32, #tpu.memory_space<vmem>>, vector<1x16xf32>,
        %get3A_181 = arith.index_cast %scan3A_112 : i32 to index
        %get3A_182 = arith.constant 80 : index
        %get3A_183 = tpu.vector_load %arg12[%get3A_181, %get3A_182] {strides = array<i32>} : memref<80x128xf32, #tpu.memory_space<vmem>>, vector<1x16xf32>,
        %get3A_184 = vector.shape_cast %get3A_183 : vector<1x16xf32> to vector<16xf32>
        %get3A_185 = arith.index_cast %scan3A_112 : i32 to index
        %get3A_186 = arith.constant 80 : index
        %get3A_187 = tpu.vector_load %arg14[%get3A_185, %get3A_186] {strides = array<i32>} : memref<80x128xf32, #tpu.memory_space<vmem>>, vector<1x16xf32>,
        %get3A_188 = vector.shape_cast %get3A_187 : vector<1x16xf32> to vector<16xf32>
        %add3A_189 = arith.addf %get3A_184, %get3A_188 : vector<16xf32>
        %swap3A_190 = arith.index_cast %scan3A_112 : i32 to index
        %swap3A_191 = arith.constant 80 : index
        %swap3A_192 = tpu.vector_load %arg12[%swap3A_190, %swap3A_191] {strides = array<i32>} : memref<80x128xf32, #tpu.memory_space<vmem>>, vector<1x16xf32>,
        %swap3A_193 = vector.shape_cast %swap3A_192 : vector<1x16xf32> to vector<16xf32>
        %swap3A_194 = vector.shape_cast %add3A_189 : vector<16xf32> to vector<1x16xf32>
        tpu.vector_store %arg12[%swap3A_190, %swap3A_191], %swap3A_194 {strides = array<i32>} : memref<80x128xf32, #tpu.memory_space<vmem>>, vector<1x16xf32>,
        %get3A_195 = arith.index_cast %scan3A_112 : i32 to index
        %get3A_196 = arith.constant 96 : index
        %get3A_197 = tpu.vector_load %arg12[%get3A_195, %get3A_196] {strides = array<i32>} : memref<80x128xf32, #tpu.memory_space<vmem>>, vector<1x16xf32>,
        %get3A_198 = vector.shape_cast %get3A_197 : vector<1x16xf32> to vector<16xf32>
        %get3A_199 = arith.index_cast %scan3A_112 : i32 to index
        %get3A_200 = arith.constant 96 : index
        %get3A_201 = tpu.vector_load %arg14[%get3A_199, %get3A_200] {strides = array<i32>} : memref<80x128xf32, #tpu.memory_space<vmem>>, vector<1x16xf32>,
        %get3A_202 = vector.shape_cast %get3A_201 : vector<1x16xf32> to vector<16xf32>
        %add3A_203 = arith.addf %get3A_198, %get3A_202 : vector<16xf32>
        %swap3A_204 = arith.index_cast %scan3A_112 : i32 to index
        %swap3A_205 = arith.constant 96 : index
        %swap3A_206 = tpu.vector_load %arg12[%swap3A_204, %swap3A_205] {strides = array<i32>} : memref<80x128xf32, #tpu.memory_space<vmem>>, vector<1x16xf32>,
        %swap3A_207 = vector.shape_cast %swap3A_206 : vector<1x16xf32> to vector<16xf32>
        %swap3A_208 = vector.shape_cast %add3A_203 : vector<16xf32> to vector<1x16xf32>
        tpu.vector_store %arg12[%swap3A_204, %swap3A_205], %swap3A_208 {strides = array<i32>} : memref<80x128xf32, #tpu.memory_space<vmem>>, vector<1x16xf32>,
        %get3A_209 = arith.index_cast %scan3A_112 : i32 to index
        %get3A_210 = arith.constant 112 : index
        %get3A_211 = tpu.vector_load %arg12[%get3A_209, %get3A_210] {strides = array<i32>} : memref<80x128xf32, #tpu.memory_space<vmem>>, vector<1x16xf32>,
        %get3A_212 = vector.shape_cast %get3A_211 : vector<1x16xf32> to vector<16xf32>
        %get3A_213 = arith.index_cast %scan3A_112 : i32 to index
        %get3A_214 = arith.constant 112 : index
        %get3A_215 = tpu.vector_load %arg14[%get3A_213, %get3A_214] {strides = array<i32>} : memref<80x128xf32, #tpu.memory_space<vmem>>, vector<1x16xf32>,
        %get3A_216 = vector.shape_cast %get3A_215 : vector<1x16xf32> to vector<16xf32>
        %add3A_217 = arith.addf %get3A_212, %get3A_216 : vector<16xf32>
        %swap3A_218 = arith.index_cast %scan3A_112 : i32 to index
        %swap3A_219 = arith.constant 112 : index
        %swap3A_220 = tpu.vector_load %arg12[%swap3A_218, %swap3A_219] {strides = array<i32>} : memref<80x128xf32, #tpu.memory_space<vmem>>, vector<1x16xf32>,
        %swap3A_221 = vector.shape_cast %swap3A_220 : vector<1x16xf32> to vector<16xf32>
        %swap3A_222 = vector.shape_cast %add3A_217 : vector<16xf32> to vector<1x16xf32>
        tpu.vector_store %arg12[%swap3A_218, %swap3A_219], %swap3A_222 {strides = array<i32>} : memref<80x128xf32, #tpu.memory_space<vmem>>, vector<1x16xf32>,
      }
      %scan3A_104 = arith.constant 80 : i32
      %mul3A_105 = arith.constant 80 : i32
      %mul3A_106 = arith.muli %add3A_92, %mul3A_105 : i32
      %add3A_107 = arith.addi %mul3A_2, %mul3A_106 : i32
      %dma_start3A_108 = arith.constant 0 : i32
      %dma_start3A_109 = tpu.memref_slice %arg6[%add3A_107, %dma_start3A_108] : memref<320000x128xf32, #tpu.memory_space<hbm>> -> memref<80x128xf32, #tpu.memory_space<hbm>>
      %dma_start3A_110 = arith.constant 0 : i32
      %dma_start3A_111 = tpu.memref_slice %arg6[%add3A_107, %dma_start3A_110] : memref<320000x128xf32, #tpu.memory_space<hbm>> -> memref<80x128xf32, #tpu.memory_space<hbm>>
      tpu.enqueue_dma source(%arg12 : memref<80x128xf32, #tpu.memory_space<vmem>>) target(%dma_start3A_111 : memref<80x128xf32, #tpu.memory_space<hbm>>) target_semaphore(%arg18 : memref<!tpu.dma_semaphore, #tpu.memory_space<semaphore_mem>>)
    }
    %scan3A_14 = arith.constant 62 : i32
    %dma_wait3A = arith.constant 0 : i32
    %dma_wait3A_15 = arith.constant 0 : i32
    %dma_wait3A_16 = tpu.memref_slice %arg2[%dma_wait3A, %dma_wait3A_15] : memref<10000x128xf32, #tpu.memory_space<hbm>> -> memref<10000x128xf32, #tpu.memory_space<hbm>>
    tpu.wait_indirect_dma semaphore(%arg15 : memref<!tpu.dma_semaphore, #tpu.memory_space<semaphore_mem>>) src(%dma_wait3A_16 : memref<10000x128xf32, #tpu.memory_space<hbm>>) dst(%arg11 : memref<80x128xf32, #tpu.memory_space<vmem>>)
    %dma_wait3A_17 = arith.constant 0 : i32
    %dma_wait3A_18 = arith.constant 0 : i32
    %dma_wait3A_19 = tpu.memref_slice %arg3[%dma_wait3A_17, %dma_wait3A_18] : memref<10000x128xf32, #tpu.memory_space<hbm>> -> memref<10000x128xf32, #tpu.memory_space<hbm>>
    tpu.wait_indirect_dma semaphore(%arg15 : memref<!tpu.dma_semaphore, #tpu.memory_space<semaphore_mem>>) src(%dma_wait3A_19 : memref<10000x128xf32, #tpu.memory_space<hbm>>) dst(%arg13 : memref<80x128xf32, #tpu.memory_space<vmem>>)
    %scan3A_20 = arith.constant 0 : i32
    %scan3A_21 = arith.constant 0 : i32
    %scan3A_22 = arith.constant 80 : i32
    %scan3A_23 = arith.addi %scan3A_21, %scan3A_22 : i32
    %scan3A_24 = arith.constant 1 : i32
    scf.for %scan3A_40 = %scan3A_21 to %scan3A_23 step %scan3A_24  : i32 {
      %get3A = arith.index_cast %scan3A_40 : i32 to index
      %get3A_41 = arith.constant 0 : index
      %get3A_42 = tpu.vector_load %arg11[%get3A, %get3A_41] {strides = array<i32>} : memref<80x128xf32, #tpu.memory_space<vmem>>, vector<1x16xf32>,
      %get3A_43 = vector.shape_cast %get3A_42 : vector<1x16xf32> to vector<16xf32>
      %get3A_44 = arith.index_cast %scan3A_40 : i32 to index
      %get3A_45 = arith.constant 0 : index
      %get3A_46 = tpu.vector_load %arg13[%get3A_44, %get3A_45] {strides = array<i32>} : memref<80x128xf32, #tpu.memory_space<vmem>>, vector<1x16xf32>,
      %get3A_47 = vector.shape_cast %get3A_46 : vector<1x16xf32> to vector<16xf32>
      %add3A_48 = arith.addf %get3A_43, %get3A_47 : vector<16xf32>
      %swap3A = arith.index_cast %scan3A_40 : i32 to index
      %swap3A_49 = arith.constant 0 : index
      %swap3A_50 = tpu.vector_load %arg11[%swap3A, %swap3A_49] {strides = array<i32>} : memref<80x128xf32, #tpu.memory_space<vmem>>, vector<1x16xf32>,
      %swap3A_51 = vector.shape_cast %swap3A_50 : vector<1x16xf32> to vector<16xf32>
      %swap3A_52 = vector.shape_cast %add3A_48 : vector<16xf32> to vector<1x16xf32>
      tpu.vector_store %arg11[%swap3A, %swap3A_49], %swap3A_52 {strides = array<i32>} : memref<80x128xf32, #tpu.memory_space<vmem>>, vector<1x16xf32>,
      %get3A_53 = arith.index_cast %scan3A_40 : i32 to index
      %get3A_54 = arith.constant 16 : index
      %get3A_55 = tpu.vector_load %arg11[%get3A_53, %get3A_54] {strides = array<i32>} : memref<80x128xf32, #tpu.memory_space<vmem>>, vector<1x16xf32>,
      %get3A_56 = vector.shape_cast %get3A_55 : vector<1x16xf32> to vector<16xf32>
      %get3A_57 = arith.index_cast %scan3A_40 : i32 to index
      %get3A_58 = arith.constant 16 : index
      %get3A_59 = tpu.vector_load %arg13[%get3A_57, %get3A_58] {strides = array<i32>} : memref<80x128xf32, #tpu.memory_space<vmem>>, vector<1x16xf32>,
      %get3A_60 = vector.shape_cast %get3A_59 : vector<1x16xf32> to vector<16xf32>
      %add3A_61 = arith.addf %get3A_56, %get3A_60 : vector<16xf32>
      %swap3A_62 = arith.index_cast %scan3A_40 : i32 to index
      %swap3A_63 = arith.constant 16 : index
      %swap3A_64 = tpu.vector_load %arg11[%swap3A_62, %swap3A_63] {strides = array<i32>} : memref<80x128xf32, #tpu.memory_space<vmem>>, vector<1x16xf32>,
      %swap3A_65 = vector.shape_cast %swap3A_64 : vector<1x16xf32> to vector<16xf32>
      %swap3A_66 = vector.shape_cast %add3A_61 : vector<16xf32> to vector<1x16xf32>
      tpu.vector_store %arg11[%swap3A_62, %swap3A_63], %swap3A_66 {strides = array<i32>} : memref<80x128xf32, #tpu.memory_space<vmem>>, vector<1x16xf32>,
      %get3A_67 = arith.index_cast %scan3A_40 : i32 to index
      %get3A_68 = arith.constant 32 : index
      %get3A_69 = tpu.vector_load %arg11[%get3A_67, %get3A_68] {strides = array<i32>} : memref<80x128xf32, #tpu.memory_space<vmem>>, vector<1x16xf32>,
      %get3A_70 = vector.shape_cast %get3A_69 : vector<1x16xf32> to vector<16xf32>
      %get3A_71 = arith.index_cast %scan3A_40 : i32 to index
      %get3A_72 = arith.constant 32 : index
      %get3A_73 = tpu.vector_load %arg13[%get3A_71, %get3A_72] {strides = array<i32>} : memref<80x128xf32, #tpu.memory_space<vmem>>, vector<1x16xf32>,
      %get3A_74 = vector.shape_cast %get3A_73 : vector<1x16xf32> to vector<16xf32>
      %add3A_75 = arith.addf %get3A_70, %get3A_74 : vector<16xf32>
      %swap3A_76 = arith.index_cast %scan3A_40 : i32 to index
      %swap3A_77 = arith.constant 32 : index
      %swap3A_78 = tpu.vector_load %arg11[%swap3A_76, %swap3A_77] {strides = array<i32>} : memref<80x128xf32, #tpu.memory_space<vmem>>, vector<1x16xf32>,
      %swap3A_79 = vector.shape_cast %swap3A_78 : vector<1x16xf32> to vector<16xf32>
      %swap3A_80 = vector.shape_cast %add3A_75 : vector<16xf32> to vector<1x16xf32>
      tpu.vector_store %arg11[%swap3A_76, %swap3A_77], %swap3A_80 {strides = array<i32>} : memref<80x128xf32, #tpu.memory_space<vmem>>, vector<1x16xf32>,
      %get3A_81 = arith.index_cast %scan3A_40 : i32 to index
      %get3A_82 = arith.constant 48 : index
      %get3A_83 = tpu.vector_load %arg11[%get3A_81, %get3A_82] {strides = array<i32>} : memref<80x128xf32, #tpu.memory_space<vmem>>, vector<1x16xf32>,
      %get3A_84 = vector.shape_cast %get3A_83 : vector<1x16xf32> to vector<16xf32>
      %get3A_85 = arith.index_cast %scan3A_40 : i32 to index
      %get3A_86 = arith.constant 48 : index
      %get3A_87 = tpu.vector_load %arg13[%get3A_85, %get3A_86] {strides = array<i32>} : memref<80x128xf32, #tpu.memory_space<vmem>>, vector<1x16xf32>,
      %get3A_88 = vector.shape_cast %get3A_87 : vector<1x16xf32> to vector<16xf32>
      %add3A_89 = arith.addf %get3A_84, %get3A_88 : vector<16xf32>
      %swap3A_90 = arith.index_cast %scan3A_40 : i32 to index
      %swap3A_91 = arith.constant 48 : index
      %swap3A_92 = tpu.vector_load %arg11[%swap3A_90, %swap3A_91] {strides = array<i32>} : memref<80x128xf32, #tpu.memory_space<vmem>>, vector<1x16xf32>,
      %swap3A_93 = vector.shape_cast %swap3A_92 : vector<1x16xf32> to vector<16xf32>
      %swap3A_94 = vector.shape_cast %add3A_89 : vector<16xf32> to vector<1x16xf32>
      tpu.vector_store %arg11[%swap3A_90, %swap3A_91], %swap3A_94 {strides = array<i32>} : memref<80x128xf32, #tpu.memory_space<vmem>>, vector<1x16xf32>,
      %get3A_95 = arith.index_cast %scan3A_40 : i32 to index
      %get3A_96 = arith.constant 64 : index
      %get3A_97 = tpu.vector_load %arg11[%get3A_95, %get3A_96] {strides = array<i32>} : memref<80x128xf32, #tpu.memory_space<vmem>>, vector<1x16xf32>,
      %get3A_98 = vector.shape_cast %get3A_97 : vector<1x16xf32> to vector<16xf32>
      %get3A_99 = arith.index_cast %scan3A_40 : i32 to index
      %get3A_100 = arith.constant 64 : index
      %get3A_101 = tpu.vector_load %arg13[%get3A_99, %get3A_100] {strides = array<i32>} : memref<80x128xf32, #tpu.memory_space<vmem>>, vector<1x16xf32>,
      %get3A_102 = vector.shape_cast %get3A_101 : vector<1x16xf32> to vector<16xf32>
      %add3A_103 = arith.addf %get3A_98, %get3A_102 : vector<16xf32>
      %swap3A_104 = arith.index_cast %scan3A_40 : i32 to index
      %swap3A_105 = arith.constant 64 : index
      %swap3A_106 = tpu.vector_load %arg11[%swap3A_104, %swap3A_105] {strides = array<i32>} : memref<80x128xf32, #tpu.memory_space<vmem>>, vector<1x16xf32>,
      %swap3A_107 = vector.shape_cast %swap3A_106 : vector<1x16xf32> to vector<16xf32>
      %swap3A_108 = vector.shape_cast %add3A_103 : vector<16xf32> to vector<1x16xf32>
      tpu.vector_store %arg11[%swap3A_104, %swap3A_105], %swap3A_108 {strides = array<i32>} : memref<80x128xf32, #tpu.memory_space<vmem>>, vector<1x16xf32>,
      %get3A_109 = arith.index_cast %scan3A_40 : i32 to index
      %get3A_110 = arith.constant 80 : index
      %get3A_111 = tpu.vector_load %arg11[%get3A_109, %get3A_110] {strides = array<i32>} : memref<80x128xf32, #tpu.memory_space<vmem>>, vector<1x16xf32>,
      %get3A_112 = vector.shape_cast %get3A_111 : vector<1x16xf32> to vector<16xf32>
      %get3A_113 = arith.index_cast %scan3A_40 : i32 to index
      %get3A_114 = arith.constant 80 : index
      %get3A_115 = tpu.vector_load %arg13[%get3A_113, %get3A_114] {strides = array<i32>} : memref<80x128xf32, #tpu.memory_space<vmem>>, vector<1x16xf32>,
      %get3A_116 = vector.shape_cast %get3A_115 : vector<1x16xf32> to vector<16xf32>
      %add3A_117 = arith.addf %get3A_112, %get3A_116 : vector<16xf32>
      %swap3A_118 = arith.index_cast %scan3A_40 : i32 to index
      %swap3A_119 = arith.constant 80 : index
      %swap3A_120 = tpu.vector_load %arg11[%swap3A_118, %swap3A_119] {strides = array<i32>} : memref<80x128xf32, #tpu.memory_space<vmem>>, vector<1x16xf32>,
      %swap3A_121 = vector.shape_cast %swap3A_120 : vector<1x16xf32> to vector<16xf32>
      %swap3A_122 = vector.shape_cast %add3A_117 : vector<16xf32> to vector<1x16xf32>
      tpu.vector_store %arg11[%swap3A_118, %swap3A_119], %swap3A_122 {strides = array<i32>} : memref<80x128xf32, #tpu.memory_space<vmem>>, vector<1x16xf32>,
      %get3A_123 = arith.index_cast %scan3A_40 : i32 to index
      %get3A_124 = arith.constant 96 : index
      %get3A_125 = tpu.vector_load %arg11[%get3A_123, %get3A_124] {strides = array<i32>} : memref<80x128xf32, #tpu.memory_space<vmem>>, vector<1x16xf32>,
      %get3A_126 = vector.shape_cast %get3A_125 : vector<1x16xf32> to vector<16xf32>
      %get3A_127 = arith.index_cast %scan3A_40 : i32 to index
      %get3A_128 = arith.constant 96 : index
      %get3A_129 = tpu.vector_load %arg13[%get3A_127, %get3A_128] {strides = array<i32>} : memref<80x128xf32, #tpu.memory_space<vmem>>, vector<1x16xf32>,
      %get3A_130 = vector.shape_cast %get3A_129 : vector<1x16xf32> to vector<16xf32>
      %add3A_131 = arith.addf %get3A_126, %get3A_130 : vector<16xf32>
      %swap3A_132 = arith.index_cast %scan3A_40 : i32 to index
      %swap3A_133 = arith.constant 96 : index
      %swap3A_134 = tpu.vector_load %arg11[%swap3A_132, %swap3A_133] {strides = array<i32>} : memref<80x128xf32, #tpu.memory_space<vmem>>, vector<1x16xf32>,
      %swap3A_135 = vector.shape_cast %swap3A_134 : vector<1x16xf32> to vector<16xf32>
      %swap3A_136 = vector.shape_cast %add3A_131 : vector<16xf32> to vector<1x16xf32>
      tpu.vector_store %arg11[%swap3A_132, %swap3A_133], %swap3A_136 {strides = array<i32>} : memref<80x128xf32, #tpu.memory_space<vmem>>, vector<1x16xf32>,
      %get3A_137 = arith.index_cast %scan3A_40 : i32 to index
      %get3A_138 = arith.constant 112 : index
      %get3A_139 = tpu.vector_load %arg11[%get3A_137, %get3A_138] {strides = array<i32>} : memref<80x128xf32, #tpu.memory_space<vmem>>, vector<1x16xf32>,
      %get3A_140 = vector.shape_cast %get3A_139 : vector<1x16xf32> to vector<16xf32>
      %get3A_141 = arith.index_cast %scan3A_40 : i32 to index
      %get3A_142 = arith.constant 112 : index
      %get3A_143 = tpu.vector_load %arg13[%get3A_141, %get3A_142] {strides = array<i32>} : memref<80x128xf32, #tpu.memory_space<vmem>>, vector<1x16xf32>,
      %get3A_144 = vector.shape_cast %get3A_143 : vector<1x16xf32> to vector<16xf32>
      %add3A_145 = arith.addf %get3A_140, %get3A_144 : vector<16xf32>
      %swap3A_146 = arith.index_cast %scan3A_40 : i32 to index
      %swap3A_147 = arith.constant 112 : index
      %swap3A_148 = tpu.vector_load %arg11[%swap3A_146, %swap3A_147] {strides = array<i32>} : memref<80x128xf32, #tpu.memory_space<vmem>>, vector<1x16xf32>,
      %swap3A_149 = vector.shape_cast %swap3A_148 : vector<1x16xf32> to vector<16xf32>
      %swap3A_150 = vector.shape_cast %add3A_145 : vector<16xf32> to vector<1x16xf32>
      tpu.vector_store %arg11[%swap3A_146, %swap3A_147], %swap3A_150 {strides = array<i32>} : memref<80x128xf32, #tpu.memory_space<vmem>>, vector<1x16xf32>,
    }
    %scan3A_25 = arith.constant 80 : i32
    %add3A_26 = arith.constant 9920 : i32
    %add3A_27 = arith.addi %mul3A_2, %add3A_26 : i32
    %dma_start3A_28 = arith.constant 0 : i32
    %dma_start3A_29 = tpu.memref_slice %arg6[%add3A_27, %dma_start3A_28] : memref<320000x128xf32, #tpu.memory_space<hbm>> -> memref<80x128xf32, #tpu.memory_space<hbm>>
    %dma_start3A_30 = arith.constant 0 : i32
    %dma_start3A_31 = tpu.memref_slice %arg6[%add3A_27, %dma_start3A_30] : memref<320000x128xf32, #tpu.memory_space<hbm>> -> memref<80x128xf32, #tpu.memory_space<hbm>>
    tpu.enqueue_dma source(%arg11 : memref<80x128xf32, #tpu.memory_space<vmem>>) target(%dma_start3A_31 : memref<80x128xf32, #tpu.memory_space<hbm>>) target_semaphore(%arg17 : memref<!tpu.dma_semaphore, #tpu.memory_space<semaphore_mem>>)
    %dma_wait3A_32 = arith.constant 0 : i32
    %dma_wait3A_33 = tpu.memref_slice %arg6[%mul3A_2, %dma_wait3A_32] : memref<320000x128xf32, #tpu.memory_space<hbm>> -> memref<80x128xf32, #tpu.memory_space<hbm>>
    %dma_wait3A_34 = arith.constant 0 : i32
    %dma_wait3A_35 = tpu.memref_slice %arg6[%mul3A_2, %dma_wait3A_34] : memref<320000x128xf32, #tpu.memory_space<hbm>> -> memref<80x128xf32, #tpu.memory_space<hbm>>
    tpu.wait_dma2 semaphore(%arg17 : memref<!tpu.dma_semaphore, #tpu.memory_space<semaphore_mem>>) src(%dma_wait3A_35 : memref<80x128xf32, #tpu.memory_space<hbm>>) dst(%arg11 : memref<80x128xf32, #tpu.memory_space<vmem>>)
    %dma_wait3A_36 = arith.constant 0 : i32
    %dma_wait3A_37 = tpu.memref_slice %arg6[%mul3A_2, %dma_wait3A_36] : memref<320000x128xf32, #tpu.memory_space<hbm>> -> memref<80x128xf32, #tpu.memory_space<hbm>>
    %dma_wait3A_38 = arith.constant 0 : i32
    %dma_wait3A_39 = tpu.memref_slice %arg6[%mul3A_2, %dma_wait3A_38] : memref<320000x128xf32, #tpu.memory_space<hbm>> -> memref<80x128xf32, #tpu.memory_space<hbm>>
    tpu.wait_dma2 semaphore(%arg18 : memref<!tpu.dma_semaphore, #tpu.memory_space<semaphore_mem>>) src(%dma_wait3A_39 : memref<80x128xf32, #tpu.memory_space<hbm>>) dst(%arg12 : memref<80x128xf32, #tpu.memory_space<vmem>>)
    return
  }
}

#map = affine_map<(d0, d1) -> (0, 0)>
#map1 = affine_map<(d0, d1) -> (0)>
module attributes {stable_mosaic.version = 14 : i64} {
  func.func @kern(%arg0: i32, %arg1: i32, %arg2: memref<10000x128xf32, #tpu.memory_space<hbm>>, %arg3: memref<10000x128xf32, #tpu.memory_space<hbm>>, %arg4: memref<10000x128xf32, #tpu.memory_space<hbm>>, %arg5: memref<320000xi32, #tpu.memory_space<hbm>>, %arg6: memref<320000xi32, #tpu.memory_space<hbm>>, %arg7: memref<320000x128xf32, #tpu.memory_space<hbm>>, %arg8: memref<320000x128xf32, #tpu.memory_space<hbm>>, %arg9: memref<80xi32, #tpu.memory_space<vmem>>, %arg10: memref<80xi32, #tpu.memory_space<vmem>>, %arg11: memref<80xi32, #tpu.memory_space<vmem>>, %arg12: memref<80xi32, #tpu.memory_space<vmem>>, %arg13: memref<80x128xf32, #tpu.memory_space<vmem>>, %arg14: memref<80x128xf32, #tpu.memory_space<vmem>>, %arg15: memref<80x128xf32, #tpu.memory_space<vmem>>, %arg16: memref<80x128xf32, #tpu.memory_space<vmem>>, %arg17: memref<80x128xf32, #tpu.memory_space<vmem>>, %arg18: memref<80x128xf32, #tpu.memory_space<vmem>>, %arg19: memref<80x128xf32, #tpu.memory_space<vmem>>, %arg20: memref<80x128xf32, #tpu.memory_space<vmem>>, %arg21: memref<!tpu.dma_semaphore, #tpu.memory_space<semaphore_mem>>, %arg22: memref<!tpu.dma_semaphore, #tpu.memory_space<semaphore_mem>>, %arg23: memref<!tpu.dma_semaphore, #tpu.memory_space<semaphore_mem>>, %arg24: memref<!tpu.dma_semaphore, #tpu.memory_space<semaphore_mem>>) attributes {dimension_semantics = [#tpu.dimension_semantics<core_parallel>, #tpu.dimension_semantics<subcore_parallel>], iteration_bounds = array<i64: 2, 16>, scalar_prefetch = 0 : i64, scratch_operands = 16 : i64, tpu.core_type = #tpu.core_type<sc_vector_subcore>, window_params = [{transform_indices = #map}, {transform_indices = #map}, {transform_indices = #map}, {transform_indices = #map1}, {transform_indices = #map1}, {transform_indices = #map}, {transform_indices = #map}]} {
    %mul3A = arith.constant 16 : i32
    %mul3A_0 = arith.muli %arg0, %mul3A : i32
    %add3A = arith.addi %mul3A_0, %arg1 : i32
    %mul3A_1 = arith.constant 10000 : i32
    %mul3A_2 = arith.muli %add3A, %mul3A_1 : i32
    %add3A_3 = arith.constant 0 : i32
    %add3A_4 = arith.addi %mul3A_2, %add3A_3 : i32
    "tpu.region"() ({
      %run_scoped3A = tpu.sem_alloc : memref<!tpu.dma_semaphore, #tpu.memory_space<semaphore_mem>>
      %dma_start3A_64 = tpu.memref_slice %arg5[%add3A_4] : memref<320000xi32, #tpu.memory_space<hbm>> -> memref<80xi32, #tpu.memory_space<hbm>>
      %dma_start3A_65 = tpu.memref_slice %arg5[%add3A_4] : memref<320000xi32, #tpu.memory_space<hbm>> -> memref<80xi32, #tpu.memory_space<hbm>>
      tpu.enqueue_dma source(%dma_start3A_65 : memref<80xi32, #tpu.memory_space<hbm>>) target(%arg9 : memref<80xi32, #tpu.memory_space<vmem>>) target_semaphore(%run_scoped3A : memref<!tpu.dma_semaphore, #tpu.memory_space<semaphore_mem>>)
      %dma_wait3A_66 = tpu.memref_slice %arg5[%add3A_4] : memref<320000xi32, #tpu.memory_space<hbm>> -> memref<80xi32, #tpu.memory_space<hbm>>
      %dma_wait3A_67 = tpu.memref_slice %arg5[%add3A_4] : memref<320000xi32, #tpu.memory_space<hbm>> -> memref<80xi32, #tpu.memory_space<hbm>>
      tpu.wait_dma2 semaphore(%run_scoped3A : memref<!tpu.dma_semaphore, #tpu.memory_space<semaphore_mem>>) src(%dma_wait3A_67 : memref<80xi32, #tpu.memory_space<hbm>>) dst(%arg9 : memref<80xi32, #tpu.memory_space<vmem>>)
      tpu.yield
    }) : () -> ()
    "tpu.region"() ({
      %run_scoped3A = tpu.sem_alloc : memref<!tpu.dma_semaphore, #tpu.memory_space<semaphore_mem>>
      %dma_start3A_64 = tpu.memref_slice %arg6[%add3A_4] : memref<320000xi32, #tpu.memory_space<hbm>> -> memref<80xi32, #tpu.memory_space<hbm>>
      %dma_start3A_65 = tpu.memref_slice %arg6[%add3A_4] : memref<320000xi32, #tpu.memory_space<hbm>> -> memref<80xi32, #tpu.memory_space<hbm>>
      tpu.enqueue_dma source(%dma_start3A_65 : memref<80xi32, #tpu.memory_space<hbm>>) target(%arg11 : memref<80xi32, #tpu.memory_space<vmem>>) target_semaphore(%run_scoped3A : memref<!tpu.dma_semaphore, #tpu.memory_space<semaphore_mem>>)
      %dma_wait3A_66 = tpu.memref_slice %arg6[%add3A_4] : memref<320000xi32, #tpu.memory_space<hbm>> -> memref<80xi32, #tpu.memory_space<hbm>>
      %dma_wait3A_67 = tpu.memref_slice %arg6[%add3A_4] : memref<320000xi32, #tpu.memory_space<hbm>> -> memref<80xi32, #tpu.memory_space<hbm>>
      tpu.wait_dma2 semaphore(%run_scoped3A : memref<!tpu.dma_semaphore, #tpu.memory_space<semaphore_mem>>) src(%dma_wait3A_67 : memref<80xi32, #tpu.memory_space<hbm>>) dst(%arg11 : memref<80xi32, #tpu.memory_space<vmem>>)
      tpu.yield
    }) : () -> ()
    %dma_start3A = arith.constant 0 : i32
    %dma_start3A_5 = arith.constant 0 : i32
    %dma_start3A_6 = tpu.memref_slice %arg2[%dma_start3A, %dma_start3A_5] : memref<10000x128xf32, #tpu.memory_space<hbm>> -> memref<10000x128xf32, #tpu.memory_space<hbm>>
    tpu.enqueue_indirect_dma source(%dma_start3A_6 : memref<10000x128xf32, #tpu.memory_space<hbm>>) target(%arg13 : memref<80x128xf32, #tpu.memory_space<vmem>>) offsets(%arg9 : memref<80xi32, #tpu.memory_space<vmem>>) semaphore(%arg21 : memref<!tpu.dma_semaphore, #tpu.memory_space<semaphore_mem>>)
    %dma_start3A_7 = arith.constant 0 : i32
    %dma_start3A_8 = arith.constant 0 : i32
    %dma_start3A_9 = tpu.memref_slice %arg3[%dma_start3A_7, %dma_start3A_8] : memref<10000x128xf32, #tpu.memory_space<hbm>> -> memref<10000x128xf32, #tpu.memory_space<hbm>>
    tpu.enqueue_indirect_dma source(%dma_start3A_9 : memref<10000x128xf32, #tpu.memory_space<hbm>>) target(%arg15 : memref<80x128xf32, #tpu.memory_space<vmem>>) offsets(%arg11 : memref<80xi32, #tpu.memory_space<vmem>>) semaphore(%arg21 : memref<!tpu.dma_semaphore, #tpu.memory_space<semaphore_mem>>)
    %dma_start3A_10 = arith.constant 0 : i32
    %dma_start3A_11 = arith.constant 0 : i32
    %dma_start3A_12 = tpu.memref_slice %arg4[%dma_start3A_10, %dma_start3A_11] : memref<10000x128xf32, #tpu.memory_space<hbm>> -> memref<10000x128xf32, #tpu.memory_space<hbm>>
    tpu.enqueue_indirect_dma source(%dma_start3A_12 : memref<10000x128xf32, #tpu.memory_space<hbm>>) target(%arg17 : memref<80x128xf32, #tpu.memory_space<vmem>>) offsets(%arg9 : memref<80xi32, #tpu.memory_space<vmem>>) semaphore(%arg21 : memref<!tpu.dma_semaphore, #tpu.memory_space<semaphore_mem>>)
    %dma_start3A_13 = arith.constant 0 : i32
    %dma_start3A_14 = arith.constant 0 : i32
    %dma_start3A_15 = tpu.memref_slice %arg4[%dma_start3A_13, %dma_start3A_14] : memref<10000x128xf32, #tpu.memory_space<hbm>> -> memref<10000x128xf32, #tpu.memory_space<hbm>>
    tpu.enqueue_indirect_dma source(%dma_start3A_15 : memref<10000x128xf32, #tpu.memory_space<hbm>>) target(%arg19 : memref<80x128xf32, #tpu.memory_space<vmem>>) offsets(%arg11 : memref<80xi32, #tpu.memory_space<vmem>>) semaphore(%arg21 : memref<!tpu.dma_semaphore, #tpu.memory_space<semaphore_mem>>)
    %scan3A = arith.constant 0 : i32
    %scan3A_16 = arith.constant 0 : i32
    %scan3A_17 = arith.constant 62 : i32
    %scan3A_18 = arith.addi %scan3A_16, %scan3A_17 : i32
    %scan3A_19 = arith.constant 1 : i32
    scf.for %scan3A_64 = %scan3A_16 to %scan3A_18 step %scan3A_19  : i32 {
      %mul3A_65 = arith.constant 2 : i32
      %mul3A_66 = arith.muli %scan3A_64, %mul3A_65 : i32
      %add3A_67 = arith.constant 1 : i32
      %add3A_68 = arith.addi %mul3A_66, %add3A_67 : i32
      %mul3A_69 = arith.constant 80 : i32
      %mul3A_70 = arith.muli %add3A_68, %mul3A_69 : i32
      %add3A_71 = arith.addi %mul3A_2, %mul3A_70 : i32
      %ge3A = arith.constant 2 : i32
      %ge3A_72 = arith.cmpi sge, %add3A_68, %ge3A : i32
      %convert_element_type3A = arith.extui %ge3A_72 : i1 to i32
      %cond3A = arith.constant 0 : i32
      %cond3A_73 = arith.cmpi ne, %convert_element_type3A, %cond3A : i32
      scf.if %cond3A_73 {
        %dma_wait3A_168 = arith.constant 0 : i32
        %dma_wait3A_169 = tpu.memref_slice %arg7[%mul3A_2, %dma_wait3A_168] : memref<320000x128xf32, #tpu.memory_space<hbm>> -> memref<80x128xf32, #tpu.memory_space<hbm>>
        %dma_wait3A_170 = arith.constant 0 : i32
        %dma_wait3A_171 = tpu.memref_slice %arg7[%mul3A_2, %dma_wait3A_170] : memref<320000x128xf32, #tpu.memory_space<hbm>> -> memref<80x128xf32, #tpu.memory_space<hbm>>
        tpu.wait_dma2 semaphore(%arg24 : memref<!tpu.dma_semaphore, #tpu.memory_space<semaphore_mem>>) src(%dma_wait3A_171 : memref<80x128xf32, #tpu.memory_space<hbm>>) dst(%arg14 : memref<80x128xf32, #tpu.memory_space<vmem>>)
        %dma_wait3A_172 = arith.constant 0 : i32
        %dma_wait3A_173 = tpu.memref_slice %arg8[%mul3A_2, %dma_wait3A_172] : memref<320000x128xf32, #tpu.memory_space<hbm>> -> memref<80x128xf32, #tpu.memory_space<hbm>>
        %dma_wait3A_174 = arith.constant 0 : i32
        %dma_wait3A_175 = tpu.memref_slice %arg8[%mul3A_2, %dma_wait3A_174] : memref<320000x128xf32, #tpu.memory_space<hbm>> -> memref<80x128xf32, #tpu.memory_space<hbm>>
        tpu.wait_dma2 semaphore(%arg24 : memref<!tpu.dma_semaphore, #tpu.memory_space<semaphore_mem>>) src(%dma_wait3A_175 : memref<80x128xf32, #tpu.memory_space<hbm>>) dst(%arg18 : memref<80x128xf32, #tpu.memory_space<vmem>>)
      } else {
      }
      "tpu.region"() ({
        %run_scoped3A = tpu.sem_alloc : memref<!tpu.dma_semaphore, #tpu.memory_space<semaphore_mem>>
        %dma_start3A_168 = tpu.memref_slice %arg5[%add3A_71] : memref<320000xi32, #tpu.memory_space<hbm>> -> memref<80xi32, #tpu.memory_space<hbm>>
        %dma_start3A_169 = tpu.memref_slice %arg5[%add3A_71] : memref<320000xi32, #tpu.memory_space<hbm>> -> memref<80xi32, #tpu.memory_space<hbm>>
        tpu.enqueue_dma source(%dma_start3A_169 : memref<80xi32, #tpu.memory_space<hbm>>) target(%arg10 : memref<80xi32, #tpu.memory_space<vmem>>) target_semaphore(%run_scoped3A : memref<!tpu.dma_semaphore, #tpu.memory_space<semaphore_mem>>)
        %dma_wait3A_170 = tpu.memref_slice %arg5[%add3A_71] : memref<320000xi32, #tpu.memory_space<hbm>> -> memref<80xi32, #tpu.memory_space<hbm>>
        %dma_wait3A_171 = tpu.memref_slice %arg5[%add3A_71] : memref<320000xi32, #tpu.memory_space<hbm>> -> memref<80xi32, #tpu.memory_space<hbm>>
        tpu.wait_dma2 semaphore(%run_scoped3A : memref<!tpu.dma_semaphore, #tpu.memory_space<semaphore_mem>>) src(%dma_wait3A_171 : memref<80xi32, #tpu.memory_space<hbm>>) dst(%arg10 : memref<80xi32, #tpu.memory_space<vmem>>)
        tpu.yield
      }) : () -> ()
      "tpu.region"() ({
        %run_scoped3A = tpu.sem_alloc : memref<!tpu.dma_semaphore, #tpu.memory_space<semaphore_mem>>
        %dma_start3A_168 = tpu.memref_slice %arg6[%add3A_71] : memref<320000xi32, #tpu.memory_space<hbm>> -> memref<80xi32, #tpu.memory_space<hbm>>
        %dma_start3A_169 = tpu.memref_slice %arg6[%add3A_71] : memref<320000xi32, #tpu.memory_space<hbm>> -> memref<80xi32, #tpu.memory_space<hbm>>
        tpu.enqueue_dma source(%dma_start3A_169 : memref<80xi32, #tpu.memory_space<hbm>>) target(%arg12 : memref<80xi32, #tpu.memory_space<vmem>>) target_semaphore(%run_scoped3A : memref<!tpu.dma_semaphore, #tpu.memory_space<semaphore_mem>>)
        %dma_wait3A_170 = tpu.memref_slice %arg6[%add3A_71] : memref<320000xi32, #tpu.memory_space<hbm>> -> memref<80xi32, #tpu.memory_space<hbm>>
        %dma_wait3A_171 = tpu.memref_slice %arg6[%add3A_71] : memref<320000xi32, #tpu.memory_space<hbm>> -> memref<80xi32, #tpu.memory_space<hbm>>
        tpu.wait_dma2 semaphore(%run_scoped3A : memref<!tpu.dma_semaphore, #tpu.memory_space<semaphore_mem>>) src(%dma_wait3A_171 : memref<80xi32, #tpu.memory_space<hbm>>) dst(%arg12 : memref<80xi32, #tpu.memory_space<vmem>>)
        tpu.yield
      }) : () -> ()
      %dma_start3A_74 = arith.constant 0 : i32
      %dma_start3A_75 = arith.constant 0 : i32
      %dma_start3A_76 = tpu.memref_slice %arg2[%dma_start3A_74, %dma_start3A_75] : memref<10000x128xf32, #tpu.memory_space<hbm>> -> memref<10000x128xf32, #tpu.memory_space<hbm>>
      tpu.enqueue_indirect_dma source(%dma_start3A_76 : memref<10000x128xf32, #tpu.memory_space<hbm>>) target(%arg14 : memref<80x128xf32, #tpu.memory_space<vmem>>) offsets(%arg10 : memref<80xi32, #tpu.memory_space<vmem>>) semaphore(%arg22 : memref<!tpu.dma_semaphore, #tpu.memory_space<semaphore_mem>>)
      %dma_start3A_77 = arith.constant 0 : i32
      %dma_start3A_78 = arith.constant 0 : i32
      %dma_start3A_79 = tpu.memref_slice %arg3[%dma_start3A_77, %dma_start3A_78] : memref<10000x128xf32, #tpu.memory_space<hbm>> -> memref<10000x128xf32, #tpu.memory_space<hbm>>
      tpu.enqueue_indirect_dma source(%dma_start3A_79 : memref<10000x128xf32, #tpu.memory_space<hbm>>) target(%arg16 : memref<80x128xf32, #tpu.memory_space<vmem>>) offsets(%arg12 : memref<80xi32, #tpu.memory_space<vmem>>) semaphore(%arg22 : memref<!tpu.dma_semaphore, #tpu.memory_space<semaphore_mem>>)
      %dma_start3A_80 = arith.constant 0 : i32
      %dma_start3A_81 = arith.constant 0 : i32
      %dma_start3A_82 = tpu.memref_slice %arg4[%dma_start3A_80, %dma_start3A_81] : memref<10000x128xf32, #tpu.memory_space<hbm>> -> memref<10000x128xf32, #tpu.memory_space<hbm>>
      tpu.enqueue_indirect_dma source(%dma_start3A_82 : memref<10000x128xf32, #tpu.memory_space<hbm>>) target(%arg18 : memref<80x128xf32, #tpu.memory_space<vmem>>) offsets(%arg10 : memref<80xi32, #tpu.memory_space<vmem>>) semaphore(%arg22 : memref<!tpu.dma_semaphore, #tpu.memory_space<semaphore_mem>>)
      %dma_start3A_83 = arith.constant 0 : i32
      %dma_start3A_84 = arith.constant 0 : i32
      %dma_start3A_85 = tpu.memref_slice %arg4[%dma_start3A_83, %dma_start3A_84] : memref<10000x128xf32, #tpu.memory_space<hbm>> -> memref<10000x128xf32, #tpu.memory_space<hbm>>
      tpu.enqueue_indirect_dma source(%dma_start3A_85 : memref<10000x128xf32, #tpu.memory_space<hbm>>) target(%arg20 : memref<80x128xf32, #tpu.memory_space<vmem>>) offsets(%arg12 : memref<80xi32, #tpu.memory_space<vmem>>) semaphore(%arg22 : memref<!tpu.dma_semaphore, #tpu.memory_space<semaphore_mem>>)
      %dma_wait3A_86 = arith.constant 0 : i32
      %dma_wait3A_87 = arith.constant 0 : i32
      %dma_wait3A_88 = tpu.memref_slice %arg2[%dma_wait3A_86, %dma_wait3A_87] : memref<10000x128xf32, #tpu.memory_space<hbm>> -> memref<10000x128xf32, #tpu.memory_space<hbm>>
      tpu.wait_indirect_dma semaphore(%arg21 : memref<!tpu.dma_semaphore, #tpu.memory_space<semaphore_mem>>) src(%dma_wait3A_88 : memref<10000x128xf32, #tpu.memory_space<hbm>>) dst(%arg13 : memref<80x128xf32, #tpu.memory_space<vmem>>)
      %dma_wait3A_89 = arith.constant 0 : i32
      %dma_wait3A_90 = arith.constant 0 : i32
      %dma_wait3A_91 = tpu.memref_slice %arg3[%dma_wait3A_89, %dma_wait3A_90] : memref<10000x128xf32, #tpu.memory_space<hbm>> -> memref<10000x128xf32, #tpu.memory_space<hbm>>
      tpu.wait_indirect_dma semaphore(%arg21 : memref<!tpu.dma_semaphore, #tpu.memory_space<semaphore_mem>>) src(%dma_wait3A_91 : memref<10000x128xf32, #tpu.memory_space<hbm>>) dst(%arg15 : memref<80x128xf32, #tpu.memory_space<vmem>>)
      %dma_wait3A_92 = arith.constant 0 : i32
      %dma_wait3A_93 = arith.constant 0 : i32
      %dma_wait3A_94 = tpu.memref_slice %arg4[%dma_wait3A_92, %dma_wait3A_93] : memref<10000x128xf32, #tpu.memory_space<hbm>> -> memref<10000x128xf32, #tpu.memory_space<hbm>>
      tpu.wait_indirect_dma semaphore(%arg21 : memref<!tpu.dma_semaphore, #tpu.memory_space<semaphore_mem>>) src(%dma_wait3A_94 : memref<10000x128xf32, #tpu.memory_space<hbm>>) dst(%arg17 : memref<80x128xf32, #tpu.memory_space<vmem>>)
      %dma_wait3A_95 = arith.constant 0 : i32
      %dma_wait3A_96 = arith.constant 0 : i32
      %dma_wait3A_97 = tpu.memref_slice %arg4[%dma_wait3A_95, %dma_wait3A_96] : memref<10000x128xf32, #tpu.memory_space<hbm>> -> memref<10000x128xf32, #tpu.memory_space<hbm>>
      tpu.wait_indirect_dma semaphore(%arg21 : memref<!tpu.dma_semaphore, #tpu.memory_space<semaphore_mem>>) src(%dma_wait3A_97 : memref<10000x128xf32, #tpu.memory_space<hbm>>) dst(%arg19 : memref<80x128xf32, #tpu.memory_space<vmem>>)
      %scan3A_98 = arith.constant 0 : i32
      %scan3A_99 = arith.constant 0 : i32
      %scan3A_100 = arith.constant 80 : i32
      %scan3A_101 = arith.addi %scan3A_99, %scan3A_100 : i32
      %scan3A_102 = arith.constant 1 : i32
      scf.for %scan3A_168 = %scan3A_99 to %scan3A_101 step %scan3A_102  : i32 {
        %get3A = arith.index_cast %scan3A_168 : i32 to index
        %get3A_169 = arith.constant 0 : index
        %get3A_170 = tpu.vector_load %arg13[%get3A, %get3A_169] {strides = array<i32>} : memref<80x128xf32, #tpu.memory_space<vmem>>, vector<1x16xf32>,
        %get3A_171 = vector.shape_cast %get3A_170 : vector<1x16xf32> to vector<16xf32>
        %get3A_172 = arith.index_cast %scan3A_168 : i32 to index
        %get3A_173 = arith.constant 0 : index
        %get3A_174 = tpu.vector_load %arg15[%get3A_172, %get3A_173] {strides = array<i32>} : memref<80x128xf32, #tpu.memory_space<vmem>>, vector<1x16xf32>,
        %get3A_175 = vector.shape_cast %get3A_174 : vector<1x16xf32> to vector<16xf32>
        %add3A_176 = arith.addf %get3A_171, %get3A_175 : vector<16xf32>
        %swap3A = arith.index_cast %scan3A_168 : i32 to index
        %swap3A_177 = arith.constant 0 : index
        %swap3A_178 = tpu.vector_load %arg13[%swap3A, %swap3A_177] {strides = array<i32>} : memref<80x128xf32, #tpu.memory_space<vmem>>, vector<1x16xf32>,
        %swap3A_179 = vector.shape_cast %swap3A_178 : vector<1x16xf32> to vector<16xf32>
        %swap3A_180 = vector.shape_cast %add3A_176 : vector<16xf32> to vector<1x16xf32>
        tpu.vector_store %arg13[%swap3A, %swap3A_177], %swap3A_180 {strides = array<i32>} : memref<80x128xf32, #tpu.memory_space<vmem>>, vector<1x16xf32>,
        %get3A_181 = arith.index_cast %scan3A_168 : i32 to index
        %get3A_182 = arith.constant 16 : index
        %get3A_183 = tpu.vector_load %arg13[%get3A_181, %get3A_182] {strides = array<i32>} : memref<80x128xf32, #tpu.memory_space<vmem>>, vector<1x16xf32>,
        %get3A_184 = vector.shape_cast %get3A_183 : vector<1x16xf32> to vector<16xf32>
        %get3A_185 = arith.index_cast %scan3A_168 : i32 to index
        %get3A_186 = arith.constant 16 : index
        %get3A_187 = tpu.vector_load %arg15[%get3A_185, %get3A_186] {strides = array<i32>} : memref<80x128xf32, #tpu.memory_space<vmem>>, vector<1x16xf32>,
        %get3A_188 = vector.shape_cast %get3A_187 : vector<1x16xf32> to vector<16xf32>
        %add3A_189 = arith.addf %get3A_184, %get3A_188 : vector<16xf32>
        %swap3A_190 = arith.index_cast %scan3A_168 : i32 to index
        %swap3A_191 = arith.constant 16 : index
        %swap3A_192 = tpu.vector_load %arg13[%swap3A_190, %swap3A_191] {strides = array<i32>} : memref<80x128xf32, #tpu.memory_space<vmem>>, vector<1x16xf32>,
        %swap3A_193 = vector.shape_cast %swap3A_192 : vector<1x16xf32> to vector<16xf32>
        %swap3A_194 = vector.shape_cast %add3A_189 : vector<16xf32> to vector<1x16xf32>
        tpu.vector_store %arg13[%swap3A_190, %swap3A_191], %swap3A_194 {strides = array<i32>} : memref<80x128xf32, #tpu.memory_space<vmem>>, vector<1x16xf32>,
        %get3A_195 = arith.index_cast %scan3A_168 : i32 to index
        %get3A_196 = arith.constant 32 : index
        %get3A_197 = tpu.vector_load %arg13[%get3A_195, %get3A_196] {strides = array<i32>} : memref<80x128xf32, #tpu.memory_space<vmem>>, vector<1x16xf32>,
        %get3A_198 = vector.shape_cast %get3A_197 : vector<1x16xf32> to vector<16xf32>
        %get3A_199 = arith.index_cast %scan3A_168 : i32 to index
        %get3A_200 = arith.constant 32 : index
        %get3A_201 = tpu.vector_load %arg15[%get3A_199, %get3A_200] {strides = array<i32>} : memref<80x128xf32, #tpu.memory_space<vmem>>, vector<1x16xf32>,
        %get3A_202 = vector.shape_cast %get3A_201 : vector<1x16xf32> to vector<16xf32>
        %add3A_203 = arith.addf %get3A_198, %get3A_202 : vector<16xf32>
        %swap3A_204 = arith.index_cast %scan3A_168 : i32 to index
        %swap3A_205 = arith.constant 32 : index
        %swap3A_206 = tpu.vector_load %arg13[%swap3A_204, %swap3A_205] {strides = array<i32>} : memref<80x128xf32, #tpu.memory_space<vmem>>, vector<1x16xf32>,
        %swap3A_207 = vector.shape_cast %swap3A_206 : vector<1x16xf32> to vector<16xf32>
        %swap3A_208 = vector.shape_cast %add3A_203 : vector<16xf32> to vector<1x16xf32>
        tpu.vector_store %arg13[%swap3A_204, %swap3A_205], %swap3A_208 {strides = array<i32>} : memref<80x128xf32, #tpu.memory_space<vmem>>, vector<1x16xf32>,
        %get3A_209 = arith.index_cast %scan3A_168 : i32 to index
        %get3A_210 = arith.constant 48 : index
        %get3A_211 = tpu.vector_load %arg13[%get3A_209, %get3A_210] {strides = array<i32>} : memref<80x128xf32, #tpu.memory_space<vmem>>, vector<1x16xf32>,
        %get3A_212 = vector.shape_cast %get3A_211 : vector<1x16xf32> to vector<16xf32>
        %get3A_213 = arith.index_cast %scan3A_168 : i32 to index
        %get3A_214 = arith.constant 48 : index
        %get3A_215 = tpu.vector_load %arg15[%get3A_213, %get3A_214] {strides = array<i32>} : memref<80x128xf32, #tpu.memory_space<vmem>>, vector<1x16xf32>,
        %get3A_216 = vector.shape_cast %get3A_215 : vector<1x16xf32> to vector<16xf32>
        %add3A_217 = arith.addf %get3A_212, %get3A_216 : vector<16xf32>
        %swap3A_218 = arith.index_cast %scan3A_168 : i32 to index
        %swap3A_219 = arith.constant 48 : index
        %swap3A_220 = tpu.vector_load %arg13[%swap3A_218, %swap3A_219] {strides = array<i32>} : memref<80x128xf32, #tpu.memory_space<vmem>>, vector<1x16xf32>,
        %swap3A_221 = vector.shape_cast %swap3A_220 : vector<1x16xf32> to vector<16xf32>
        %swap3A_222 = vector.shape_cast %add3A_217 : vector<16xf32> to vector<1x16xf32>
        tpu.vector_store %arg13[%swap3A_218, %swap3A_219], %swap3A_222 {strides = array<i32>} : memref<80x128xf32, #tpu.memory_space<vmem>>, vector<1x16xf32>,
        %get3A_223 = arith.index_cast %scan3A_168 : i32 to index
        %get3A_224 = arith.constant 64 : index
        %get3A_225 = tpu.vector_load %arg13[%get3A_223, %get3A_224] {strides = array<i32>} : memref<80x128xf32, #tpu.memory_space<vmem>>, vector<1x16xf32>,
        %get3A_226 = vector.shape_cast %get3A_225 : vector<1x16xf32> to vector<16xf32>
        %get3A_227 = arith.index_cast %scan3A_168 : i32 to index
        %get3A_228 = arith.constant 64 : index
        %get3A_229 = tpu.vector_load %arg15[%get3A_227, %get3A_228] {strides = array<i32>} : memref<80x128xf32, #tpu.memory_space<vmem>>, vector<1x16xf32>,
        %get3A_230 = vector.shape_cast %get3A_229 : vector<1x16xf32> to vector<16xf32>
        %add3A_231 = arith.addf %get3A_226, %get3A_230 : vector<16xf32>
        %swap3A_232 = arith.index_cast %scan3A_168 : i32 to index
        %swap3A_233 = arith.constant 64 : index
        %swap3A_234 = tpu.vector_load %arg13[%swap3A_232, %swap3A_233] {strides = array<i32>} : memref<80x128xf32, #tpu.memory_space<vmem>>, vector<1x16xf32>,
        %swap3A_235 = vector.shape_cast %swap3A_234 : vector<1x16xf32> to vector<16xf32>
        %swap3A_236 = vector.shape_cast %add3A_231 : vector<16xf32> to vector<1x16xf32>
        tpu.vector_store %arg13[%swap3A_232, %swap3A_233], %swap3A_236 {strides = array<i32>} : memref<80x128xf32, #tpu.memory_space<vmem>>, vector<1x16xf32>,
        %get3A_237 = arith.index_cast %scan3A_168 : i32 to index
        %get3A_238 = arith.constant 80 : index
        %get3A_239 = tpu.vector_load %arg13[%get3A_237, %get3A_238] {strides = array<i32>} : memref<80x128xf32, #tpu.memory_space<vmem>>, vector<1x16xf32>,
        %get3A_240 = vector.shape_cast %get3A_239 : vector<1x16xf32> to vector<16xf32>
        %get3A_241 = arith.index_cast %scan3A_168 : i32 to index
        %get3A_242 = arith.constant 80 : index
        %get3A_243 = tpu.vector_load %arg15[%get3A_241, %get3A_242] {strides = array<i32>} : memref<80x128xf32, #tpu.memory_space<vmem>>, vector<1x16xf32>,
        %get3A_244 = vector.shape_cast %get3A_243 : vector<1x16xf32> to vector<16xf32>
        %add3A_245 = arith.addf %get3A_240, %get3A_244 : vector<16xf32>
        %swap3A_246 = arith.index_cast %scan3A_168 : i32 to index
        %swap3A_247 = arith.constant 80 : index
        %swap3A_248 = tpu.vector_load %arg13[%swap3A_246, %swap3A_247] {strides = array<i32>} : memref<80x128xf32, #tpu.memory_space<vmem>>, vector<1x16xf32>,
        %swap3A_249 = vector.shape_cast %swap3A_248 : vector<1x16xf32> to vector<16xf32>
        %swap3A_250 = vector.shape_cast %add3A_245 : vector<16xf32> to vector<1x16xf32>
        tpu.vector_store %arg13[%swap3A_246, %swap3A_247], %swap3A_250 {strides = array<i32>} : memref<80x128xf32, #tpu.memory_space<vmem>>, vector<1x16xf32>,
        %get3A_251 = arith.index_cast %scan3A_168 : i32 to index
        %get3A_252 = arith.constant 96 : index
        %get3A_253 = tpu.vector_load %arg13[%get3A_251, %get3A_252] {strides = array<i32>} : memref<80x128xf32, #tpu.memory_space<vmem>>, vector<1x16xf32>,
        %get3A_254 = vector.shape_cast %get3A_253 : vector<1x16xf32> to vector<16xf32>
        %get3A_255 = arith.index_cast %scan3A_168 : i32 to index
        %get3A_256 = arith.constant 96 : index
        %get3A_257 = tpu.vector_load %arg15[%get3A_255, %get3A_256] {strides = array<i32>} : memref<80x128xf32, #tpu.memory_space<vmem>>, vector<1x16xf32>,
        %get3A_258 = vector.shape_cast %get3A_257 : vector<1x16xf32> to vector<16xf32>
        %add3A_259 = arith.addf %get3A_254, %get3A_258 : vector<16xf32>
        %swap3A_260 = arith.index_cast %scan3A_168 : i32 to index
        %swap3A_261 = arith.constant 96 : index
        %swap3A_262 = tpu.vector_load %arg13[%swap3A_260, %swap3A_261] {strides = array<i32>} : memref<80x128xf32, #tpu.memory_space<vmem>>, vector<1x16xf32>,
        %swap3A_263 = vector.shape_cast %swap3A_262 : vector<1x16xf32> to vector<16xf32>
        %swap3A_264 = vector.shape_cast %add3A_259 : vector<16xf32> to vector<1x16xf32>
        tpu.vector_store %arg13[%swap3A_260, %swap3A_261], %swap3A_264 {strides = array<i32>} : memref<80x128xf32, #tpu.memory_space<vmem>>, vector<1x16xf32>,
        %get3A_265 = arith.index_cast %scan3A_168 : i32 to index
        %get3A_266 = arith.constant 112 : index
        %get3A_267 = tpu.vector_load %arg13[%get3A_265, %get3A_266] {strides = array<i32>} : memref<80x128xf32, #tpu.memory_space<vmem>>, vector<1x16xf32>,
        %get3A_268 = vector.shape_cast %get3A_267 : vector<1x16xf32> to vector<16xf32>
        %get3A_269 = arith.index_cast %scan3A_168 : i32 to index
        %get3A_270 = arith.constant 112 : index
        %get3A_271 = tpu.vector_load %arg15[%get3A_269, %get3A_270] {strides = array<i32>} : memref<80x128xf32, #tpu.memory_space<vmem>>, vector<1x16xf32>,
        %get3A_272 = vector.shape_cast %get3A_271 : vector<1x16xf32> to vector<16xf32>
        %add3A_273 = arith.addf %get3A_268, %get3A_272 : vector<16xf32>
        %swap3A_274 = arith.index_cast %scan3A_168 : i32 to index
        %swap3A_275 = arith.constant 112 : index
        %swap3A_276 = tpu.vector_load %arg13[%swap3A_274, %swap3A_275] {strides = array<i32>} : memref<80x128xf32, #tpu.memory_space<vmem>>, vector<1x16xf32>,
        %swap3A_277 = vector.shape_cast %swap3A_276 : vector<1x16xf32> to vector<16xf32>
        %swap3A_278 = vector.shape_cast %add3A_273 : vector<16xf32> to vector<1x16xf32>
        tpu.vector_store %arg13[%swap3A_274, %swap3A_275], %swap3A_278 {strides = array<i32>} : memref<80x128xf32, #tpu.memory_space<vmem>>, vector<1x16xf32>,
        %get3A_279 = arith.index_cast %scan3A_168 : i32 to index
        %get3A_280 = arith.constant 0 : index
        %get3A_281 = tpu.vector_load %arg17[%get3A_279, %get3A_280] {strides = array<i32>} : memref<80x128xf32, #tpu.memory_space<vmem>>, vector<1x16xf32>,
        %get3A_282 = vector.shape_cast %get3A_281 : vector<1x16xf32> to vector<16xf32>
        %get3A_283 = arith.index_cast %scan3A_168 : i32 to index
        %get3A_284 = arith.constant 0 : index
        %get3A_285 = tpu.vector_load %arg19[%get3A_283, %get3A_284] {strides = array<i32>} : memref<80x128xf32, #tpu.memory_space<vmem>>, vector<1x16xf32>,
        %get3A_286 = vector.shape_cast %get3A_285 : vector<1x16xf32> to vector<16xf32>
        %sub3A = arith.subf %get3A_282, %get3A_286 : vector<16xf32>
        %swap3A_287 = arith.index_cast %scan3A_168 : i32 to index
        %swap3A_288 = arith.constant 0 : index
        %swap3A_289 = tpu.vector_load %arg17[%swap3A_287, %swap3A_288] {strides = array<i32>} : memref<80x128xf32, #tpu.memory_space<vmem>>, vector<1x16xf32>,
        %swap3A_290 = vector.shape_cast %swap3A_289 : vector<1x16xf32> to vector<16xf32>
        %swap3A_291 = vector.shape_cast %sub3A : vector<16xf32> to vector<1x16xf32>
        tpu.vector_store %arg17[%swap3A_287, %swap3A_288], %swap3A_291 {strides = array<i32>} : memref<80x128xf32, #tpu.memory_space<vmem>>, vector<1x16xf32>,
        %get3A_292 = arith.index_cast %scan3A_168 : i32 to index
        %get3A_293 = arith.constant 16 : index
        %get3A_294 = tpu.vector_load %arg17[%get3A_292, %get3A_293] {strides = array<i32>} : memref<80x128xf32, #tpu.memory_space<vmem>>, vector<1x16xf32>,
        %get3A_295 = vector.shape_cast %get3A_294 : vector<1x16xf32> to vector<16xf32>
        %get3A_296 = arith.index_cast %scan3A_168 : i32 to index
        %get3A_297 = arith.constant 16 : index
        %get3A_298 = tpu.vector_load %arg19[%get3A_296, %get3A_297] {strides = array<i32>} : memref<80x128xf32, #tpu.memory_space<vmem>>, vector<1x16xf32>,
        %get3A_299 = vector.shape_cast %get3A_298 : vector<1x16xf32> to vector<16xf32>
        %sub3A_300 = arith.subf %get3A_295, %get3A_299 : vector<16xf32>
        %swap3A_301 = arith.index_cast %scan3A_168 : i32 to index
        %swap3A_302 = arith.constant 16 : index
        %swap3A_303 = tpu.vector_load %arg17[%swap3A_301, %swap3A_302] {strides = array<i32>} : memref<80x128xf32, #tpu.memory_space<vmem>>, vector<1x16xf32>,
        %swap3A_304 = vector.shape_cast %swap3A_303 : vector<1x16xf32> to vector<16xf32>
        %swap3A_305 = vector.shape_cast %sub3A_300 : vector<16xf32> to vector<1x16xf32>
        tpu.vector_store %arg17[%swap3A_301, %swap3A_302], %swap3A_305 {strides = array<i32>} : memref<80x128xf32, #tpu.memory_space<vmem>>, vector<1x16xf32>,
      }
      %scan3A_103 = arith.constant 80 : i32
      %mul3A_104 = arith.constant 80 : i32
      %mul3A_105 = arith.muli %mul3A_66, %mul3A_104 : i32
      %add3A_106 = arith.addi %mul3A_2, %mul3A_105 : i32
      %dma_start3A_107 = arith.constant 0 : i32
      %dma_start3A_108 = tpu.memref_slice %arg7[%add3A_106, %dma_start3A_107] : memref<320000x128xf32, #tpu.memory_space<hbm>> -> memref<80x128xf32, #tpu.memory_space<hbm>>
      %dma_start3A_109 = arith.constant 0 : i32
      %dma_start3A_110 = tpu.memref_slice %arg7[%add3A_106, %dma_start3A_109] : memref<320000x128xf32, #tpu.memory_space<hbm>> -> memref<80x128xf32, #tpu.memory_space<hbm>>
      tpu.enqueue_dma source(%arg13 : memref<80x128xf32, #tpu.memory_space<vmem>>) target(%dma_start3A_110 : memref<80x128xf32, #tpu.memory_space<hbm>>) target_semaphore(%arg23 : memref<!tpu.dma_semaphore, #tpu.memory_space<semaphore_mem>>)
      %dma_start3A_111 = arith.constant 0 : i32
      %dma_start3A_112 = tpu.memref_slice %arg8[%add3A_106, %dma_start3A_111] : memref<320000x128xf32, #tpu.memory_space<hbm>> -> memref<80x128xf32, #tpu.memory_space<hbm>>
      %dma_start3A_113 = arith.constant 0 : i32
      %dma_start3A_114 = tpu.memref_slice %arg8[%add3A_106, %dma_start3A_113] : memref<320000x128xf32, #tpu.memory_space<hbm>> -> memref<80x128xf32, #tpu.memory_space<hbm>>
      tpu.enqueue_dma source(%arg17 : memref<80x128xf32, #tpu.memory_space<vmem>>) target(%dma_start3A_114 : memref<80x128xf32, #tpu.memory_space<hbm>>) target_semaphore(%arg23 : memref<!tpu.dma_semaphore, #tpu.memory_space<semaphore_mem>>)
      %add3A_115 = arith.constant 2 : i32
      %add3A_116 = arith.addi %mul3A_66, %add3A_115 : i32
      %mul3A_117 = arith.constant 80 : i32
      %mul3A_118 = arith.muli %add3A_116, %mul3A_117 : i32
      %add3A_119 = arith.addi %mul3A_2, %mul3A_118 : i32
      %ge3A_120 = arith.constant 2 : i32
      %ge3A_121 = arith.cmpi sge, %add3A_116, %ge3A_120 : i32
      %convert_element_type3A_122 = arith.extui %ge3A_121 : i1 to i32
      %cond3A_123 = arith.constant 0 : i32
      %cond3A_124 = arith.cmpi ne, %convert_element_type3A_122, %cond3A_123 : i32
      scf.if %cond3A_124 {
        %dma_wait3A_168 = arith.constant 0 : i32
        %dma_wait3A_169 = tpu.memref_slice %arg7[%mul3A_2, %dma_wait3A_168] : memref<320000x128xf32, #tpu.memory_space<hbm>> -> memref<80x128xf32, #tpu.memory_space<hbm>>
        %dma_wait3A_170 = arith.constant 0 : i32
        %dma_wait3A_171 = tpu.memref_slice %arg7[%mul3A_2, %dma_wait3A_170] : memref<320000x128xf32, #tpu.memory_space<hbm>> -> memref<80x128xf32, #tpu.memory_space<hbm>>
        tpu.wait_dma2 semaphore(%arg23 : memref<!tpu.dma_semaphore, #tpu.memory_space<semaphore_mem>>) src(%dma_wait3A_171 : memref<80x128xf32, #tpu.memory_space<hbm>>) dst(%arg13 : memref<80x128xf32, #tpu.memory_space<vmem>>)
        %dma_wait3A_172 = arith.constant 0 : i32
        %dma_wait3A_173 = tpu.memref_slice %arg8[%mul3A_2, %dma_wait3A_172] : memref<320000x128xf32, #tpu.memory_space<hbm>> -> memref<80x128xf32, #tpu.memory_space<hbm>>
        %dma_wait3A_174 = arith.constant 0 : i32
        %dma_wait3A_175 = tpu.memref_slice %arg8[%mul3A_2, %dma_wait3A_174] : memref<320000x128xf32, #tpu.memory_space<hbm>> -> memref<80x128xf32, #tpu.memory_space<hbm>>
        tpu.wait_dma2 semaphore(%arg23 : memref<!tpu.dma_semaphore, #tpu.memory_space<semaphore_mem>>) src(%dma_wait3A_175 : memref<80x128xf32, #tpu.memory_space<hbm>>) dst(%arg17 : memref<80x128xf32, #tpu.memory_space<vmem>>)
      } else {
      }
      "tpu.region"() ({
        %run_scoped3A = tpu.sem_alloc : memref<!tpu.dma_semaphore, #tpu.memory_space<semaphore_mem>>
        %dma_start3A_168 = tpu.memref_slice %arg5[%add3A_119] : memref<320000xi32, #tpu.memory_space<hbm>> -> memref<80xi32, #tpu.memory_space<hbm>>
        %dma_start3A_169 = tpu.memref_slice %arg5[%add3A_119] : memref<320000xi32, #tpu.memory_space<hbm>> -> memref<80xi32, #tpu.memory_space<hbm>>
        tpu.enqueue_dma source(%dma_start3A_169 : memref<80xi32, #tpu.memory_space<hbm>>) target(%arg9 : memref<80xi32, #tpu.memory_space<vmem>>) target_semaphore(%run_scoped3A : memref<!tpu.dma_semaphore, #tpu.memory_space<semaphore_mem>>)
        %dma_wait3A_170 = tpu.memref_slice %arg5[%add3A_119] : memref<320000xi32, #tpu.memory_space<hbm>> -> memref<80xi32, #tpu.memory_space<hbm>>
        %dma_wait3A_171 = tpu.memref_slice %arg5[%add3A_119] : memref<320000xi32, #tpu.memory_space<hbm>> -> memref<80xi32, #tpu.memory_space<hbm>>
        tpu.wait_dma2 semaphore(%run_scoped3A : memref<!tpu.dma_semaphore, #tpu.memory_space<semaphore_mem>>) src(%dma_wait3A_171 : memref<80xi32, #tpu.memory_space<hbm>>) dst(%arg9 : memref<80xi32, #tpu.memory_space<vmem>>)
        tpu.yield
      }) : () -> ()
      "tpu.region"() ({
        %run_scoped3A = tpu.sem_alloc : memref<!tpu.dma_semaphore, #tpu.memory_space<semaphore_mem>>
        %dma_start3A_168 = tpu.memref_slice %arg6[%add3A_119] : memref<320000xi32, #tpu.memory_space<hbm>> -> memref<80xi32, #tpu.memory_space<hbm>>
        %dma_start3A_169 = tpu.memref_slice %arg6[%add3A_119] : memref<320000xi32, #tpu.memory_space<hbm>> -> memref<80xi32, #tpu.memory_space<hbm>>
        tpu.enqueue_dma source(%dma_start3A_169 : memref<80xi32, #tpu.memory_space<hbm>>) target(%arg11 : memref<80xi32, #tpu.memory_space<vmem>>) target_semaphore(%run_scoped3A : memref<!tpu.dma_semaphore, #tpu.memory_space<semaphore_mem>>)
        %dma_wait3A_170 = tpu.memref_slice %arg6[%add3A_119] : memref<320000xi32, #tpu.memory_space<hbm>> -> memref<80xi32, #tpu.memory_space<hbm>>
        %dma_wait3A_171 = tpu.memref_slice %arg6[%add3A_119] : memref<320000xi32, #tpu.memory_space<hbm>> -> memref<80xi32, #tpu.memory_space<hbm>>
        tpu.wait_dma2 semaphore(%run_scoped3A : memref<!tpu.dma_semaphore, #tpu.memory_space<semaphore_mem>>) src(%dma_wait3A_171 : memref<80xi32, #tpu.memory_space<hbm>>) dst(%arg11 : memref<80xi32, #tpu.memory_space<vmem>>)
        tpu.yield
      }) : () -> ()
      %dma_start3A_125 = arith.constant 0 : i32
      %dma_start3A_126 = arith.constant 0 : i32
      %dma_start3A_127 = tpu.memref_slice %arg2[%dma_start3A_125, %dma_start3A_126] : memref<10000x128xf32, #tpu.memory_space<hbm>> -> memref<10000x128xf32, #tpu.memory_space<hbm>>
      tpu.enqueue_indirect_dma source(%dma_start3A_127 : memref<10000x128xf32, #tpu.memory_space<hbm>>) target(%arg13 : memref<80x128xf32, #tpu.memory_space<vmem>>) offsets(%arg9 : memref<80xi32, #tpu.memory_space<vmem>>) semaphore(%arg21 : memref<!tpu.dma_semaphore, #tpu.memory_space<semaphore_mem>>)
      %dma_start3A_128 = arith.constant 0 : i32
      %dma_start3A_129 = arith.constant 0 : i32
      %dma_start3A_130 = tpu.memref_slice %arg3[%dma_start3A_128, %dma_start3A_129] : memref<10000x128xf32, #tpu.memory_space<hbm>> -> memref<10000x128xf32, #tpu.memory_space<hbm>>
      tpu.enqueue_indirect_dma source(%dma_start3A_130 : memref<10000x128xf32, #tpu.memory_space<hbm>>) target(%arg15 : memref<80x128xf32, #tpu.memory_space<vmem>>) offsets(%arg11 : memref<80xi32, #tpu.memory_space<vmem>>) semaphore(%arg21 : memref<!tpu.dma_semaphore, #tpu.memory_space<semaphore_mem>>)
      %dma_start3A_131 = arith.constant 0 : i32
      %dma_start3A_132 = arith.constant 0 : i32
      %dma_start3A_133 = tpu.memref_slice %arg4[%dma_start3A_131, %dma_start3A_132] : memref<10000x128xf32, #tpu.memory_space<hbm>> -> memref<10000x128xf32, #tpu.memory_space<hbm>>
      tpu.enqueue_indirect_dma source(%dma_start3A_133 : memref<10000x128xf32, #tpu.memory_space<hbm>>) target(%arg17 : memref<80x128xf32, #tpu.memory_space<vmem>>) offsets(%arg9 : memref<80xi32, #tpu.memory_space<vmem>>) semaphore(%arg21 : memref<!tpu.dma_semaphore, #tpu.memory_space<semaphore_mem>>)
      %dma_start3A_134 = arith.constant 0 : i32
      %dma_start3A_135 = arith.constant 0 : i32
      %dma_start3A_136 = tpu.memref_slice %arg4[%dma_start3A_134, %dma_start3A_135] : memref<10000x128xf32, #tpu.memory_space<hbm>> -> memref<10000x128xf32, #tpu.memory_space<hbm>>
      tpu.enqueue_indirect_dma source(%dma_start3A_136 : memref<10000x128xf32, #tpu.memory_space<hbm>>) target(%arg19 : memref<80x128xf32, #tpu.memory_space<vmem>>) offsets(%arg11 : memref<80xi32, #tpu.memory_space<vmem>>) semaphore(%arg21 : memref<!tpu.dma_semaphore, #tpu.memory_space<semaphore_mem>>)
      %add3A_137 = arith.constant 1 : i32
      %add3A_138 = arith.addi %mul3A_66, %add3A_137 : i32
      %dma_wait3A_139 = arith.constant 0 : i32
      %dma_wait3A_140 = arith.constant 0 : i32
      %dma_wait3A_141 = tpu.memref_slice %arg2[%dma_wait3A_139, %dma_wait3A_140] : memref<10000x128xf32, #tpu.memory_space<hbm>> -> memref<10000x128xf32, #tpu.memory_space<hbm>>
      tpu.wait_indirect_dma semaphore(%arg22 : memref<!tpu.dma_semaphore, #tpu.memory_space<semaphore_mem>>) src(%dma_wait3A_141 : memref<10000x128xf32, #tpu.memory_space<hbm>>) dst(%arg14 : memref<80x128xf32, #tpu.memory_space<vmem>>)
      %dma_wait3A_142 = arith.constant 0 : i32
      %dma_wait3A_143 = arith.constant 0 : i32
      %dma_wait3A_144 = tpu.memref_slice %arg3[%dma_wait3A_142, %dma_wait3A_143] : memref<10000x128xf32, #tpu.memory_space<hbm>> -> memref<10000x128xf32, #tpu.memory_space<hbm>>
      tpu.wait_indirect_dma semaphore(%arg22 : memref<!tpu.dma_semaphore, #tpu.memory_space<semaphore_mem>>) src(%dma_wait3A_144 : memref<10000x128xf32, #tpu.memory_space<hbm>>) dst(%arg16 : memref<80x128xf32, #tpu.memory_space<vmem>>)
      %dma_wait3A_145 = arith.constant 0 : i32
      %dma_wait3A_146 = arith.constant 0 : i32
      %dma_wait3A_147 = tpu.memref_slice %arg4[%dma_wait3A_145, %dma_wait3A_146] : memref<10000x128xf32, #tpu.memory_space<hbm>> -> memref<10000x128xf32, #tpu.memory_space<hbm>>
      tpu.wait_indirect_dma semaphore(%arg22 : memref<!tpu.dma_semaphore, #tpu.memory_space<semaphore_mem>>) src(%dma_wait3A_147 : memref<10000x128xf32, #tpu.memory_space<hbm>>) dst(%arg18 : memref<80x128xf32, #tpu.memory_space<vmem>>)
      %dma_wait3A_148 = arith.constant 0 : i32
      %dma_wait3A_149 = arith.constant 0 : i32
      %dma_wait3A_150 = tpu.memref_slice %arg4[%dma_wait3A_148, %dma_wait3A_149] : memref<10000x128xf32, #tpu.memory_space<hbm>> -> memref<10000x128xf32, #tpu.memory_space<hbm>>
      tpu.wait_indirect_dma semaphore(%arg22 : memref<!tpu.dma_semaphore, #tpu.memory_space<semaphore_mem>>) src(%dma_wait3A_150 : memref<10000x128xf32, #tpu.memory_space<hbm>>) dst(%arg20 : memref<80x128xf32, #tpu.memory_space<vmem>>)
      %scan3A_151 = arith.constant 0 : i32
      %scan3A_152 = arith.constant 0 : i32
      %scan3A_153 = arith.constant 80 : i32
      %scan3A_154 = arith.addi %scan3A_152, %scan3A_153 : i32
      %scan3A_155 = arith.constant 1 : i32
      scf.for %scan3A_168 = %scan3A_152 to %scan3A_154 step %scan3A_155  : i32 {
        %get3A = arith.index_cast %scan3A_168 : i32 to index
        %get3A_169 = arith.constant 0 : index
        %get3A_170 = tpu.vector_load %arg14[%get3A, %get3A_169] {strides = array<i32>} : memref<80x128xf32, #tpu.memory_space<vmem>>, vector<1x16xf32>,
        %get3A_171 = vector.shape_cast %get3A_170 : vector<1x16xf32> to vector<16xf32>
        %get3A_172 = arith.index_cast %scan3A_168 : i32 to index
        %get3A_173 = arith.constant 0 : index
        %get3A_174 = tpu.vector_load %arg16[%get3A_172, %get3A_173] {strides = array<i32>} : memref<80x128xf32, #tpu.memory_space<vmem>>, vector<1x16xf32>,
        %get3A_175 = vector.shape_cast %get3A_174 : vector<1x16xf32> to vector<16xf32>
        %add3A_176 = arith.addf %get3A_171, %get3A_175 : vector<16xf32>
        %swap3A = arith.index_cast %scan3A_168 : i32 to index
        %swap3A_177 = arith.constant 0 : index
        %swap3A_178 = tpu.vector_load %arg14[%swap3A, %swap3A_177] {strides = array<i32>} : memref<80x128xf32, #tpu.memory_space<vmem>>, vector<1x16xf32>,
        %swap3A_179 = vector.shape_cast %swap3A_178 : vector<1x16xf32> to vector<16xf32>
        %swap3A_180 = vector.shape_cast %add3A_176 : vector<16xf32> to vector<1x16xf32>
        tpu.vector_store %arg14[%swap3A, %swap3A_177], %swap3A_180 {strides = array<i32>} : memref<80x128xf32, #tpu.memory_space<vmem>>, vector<1x16xf32>,
        %get3A_181 = arith.index_cast %scan3A_168 : i32 to index
        %get3A_182 = arith.constant 16 : index
        %get3A_183 = tpu.vector_load %arg14[%get3A_181, %get3A_182] {strides = array<i32>} : memref<80x128xf32, #tpu.memory_space<vmem>>, vector<1x16xf32>,
        %get3A_184 = vector.shape_cast %get3A_183 : vector<1x16xf32> to vector<16xf32>
        %get3A_185 = arith.index_cast %scan3A_168 : i32 to index
        %get3A_186 = arith.constant 16 : index
        %get3A_187 = tpu.vector_load %arg16[%get3A_185, %get3A_186] {strides = array<i32>} : memref<80x128xf32, #tpu.memory_space<vmem>>, vector<1x16xf32>,
        %get3A_188 = vector.shape_cast %get3A_187 : vector<1x16xf32> to vector<16xf32>
        %add3A_189 = arith.addf %get3A_184, %get3A_188 : vector<16xf32>
        %swap3A_190 = arith.index_cast %scan3A_168 : i32 to index
        %swap3A_191 = arith.constant 16 : index
        %swap3A_192 = tpu.vector_load %arg14[%swap3A_190, %swap3A_191] {strides = array<i32>} : memref<80x128xf32, #tpu.memory_space<vmem>>, vector<1x16xf32>,
        %swap3A_193 = vector.shape_cast %swap3A_192 : vector<1x16xf32> to vector<16xf32>
        %swap3A_194 = vector.shape_cast %add3A_189 : vector<16xf32> to vector<1x16xf32>
        tpu.vector_store %arg14[%swap3A_190, %swap3A_191], %swap3A_194 {strides = array<i32>} : memref<80x128xf32, #tpu.memory_space<vmem>>, vector<1x16xf32>,
        %get3A_195 = arith.index_cast %scan3A_168 : i32 to index
        %get3A_196 = arith.constant 32 : index
        %get3A_197 = tpu.vector_load %arg14[%get3A_195, %get3A_196] {strides = array<i32>} : memref<80x128xf32, #tpu.memory_space<vmem>>, vector<1x16xf32>,
        %get3A_198 = vector.shape_cast %get3A_197 : vector<1x16xf32> to vector<16xf32>
        %get3A_199 = arith.index_cast %scan3A_168 : i32 to index
        %get3A_200 = arith.constant 32 : index
        %get3A_201 = tpu.vector_load %arg16[%get3A_199, %get3A_200] {strides = array<i32>} : memref<80x128xf32, #tpu.memory_space<vmem>>, vector<1x16xf32>,
        %get3A_202 = vector.shape_cast %get3A_201 : vector<1x16xf32> to vector<16xf32>
        %add3A_203 = arith.addf %get3A_198, %get3A_202 : vector<16xf32>
        %swap3A_204 = arith.index_cast %scan3A_168 : i32 to index
        %swap3A_205 = arith.constant 32 : index
        %swap3A_206 = tpu.vector_load %arg14[%swap3A_204, %swap3A_205] {strides = array<i32>} : memref<80x128xf32, #tpu.memory_space<vmem>>, vector<1x16xf32>,
        %swap3A_207 = vector.shape_cast %swap3A_206 : vector<1x16xf32> to vector<16xf32>
        %swap3A_208 = vector.shape_cast %add3A_203 : vector<16xf32> to vector<1x16xf32>
        tpu.vector_store %arg14[%swap3A_204, %swap3A_205], %swap3A_208 {strides = array<i32>} : memref<80x128xf32, #tpu.memory_space<vmem>>, vector<1x16xf32>,
        %get3A_209 = arith.index_cast %scan3A_168 : i32 to index
        %get3A_210 = arith.constant 48 : index
        %get3A_211 = tpu.vector_load %arg14[%get3A_209, %get3A_210] {strides = array<i32>} : memref<80x128xf32, #tpu.memory_space<vmem>>, vector<1x16xf32>,
        %get3A_212 = vector.shape_cast %get3A_211 : vector<1x16xf32> to vector<16xf32>
        %get3A_213 = arith.index_cast %scan3A_168 : i32 to index
        %get3A_214 = arith.constant 48 : index
        %get3A_215 = tpu.vector_load %arg16[%get3A_213, %get3A_214] {strides = array<i32>} : memref<80x128xf32, #tpu.memory_space<vmem>>, vector<1x16xf32>,
        %get3A_216 = vector.shape_cast %get3A_215 : vector<1x16xf32> to vector<16xf32>
        %add3A_217 = arith.addf %get3A_212, %get3A_216 : vector<16xf32>
        %swap3A_218 = arith.index_cast %scan3A_168 : i32 to index
        %swap3A_219 = arith.constant 48 : index
        %swap3A_220 = tpu.vector_load %arg14[%swap3A_218, %swap3A_219] {strides = array<i32>} : memref<80x128xf32, #tpu.memory_space<vmem>>, vector<1x16xf32>,
        %swap3A_221 = vector.shape_cast %swap3A_220 : vector<1x16xf32> to vector<16xf32>
        %swap3A_222 = vector.shape_cast %add3A_217 : vector<16xf32> to vector<1x16xf32>
        tpu.vector_store %arg14[%swap3A_218, %swap3A_219], %swap3A_222 {strides = array<i32>} : memref<80x128xf32, #tpu.memory_space<vmem>>, vector<1x16xf32>,
        %get3A_223 = arith.index_cast %scan3A_168 : i32 to index
        %get3A_224 = arith.constant 64 : index
        %get3A_225 = tpu.vector_load %arg14[%get3A_223, %get3A_224] {strides = array<i32>} : memref<80x128xf32, #tpu.memory_space<vmem>>, vector<1x16xf32>,
        %get3A_226 = vector.shape_cast %get3A_225 : vector<1x16xf32> to vector<16xf32>
        %get3A_227 = arith.index_cast %scan3A_168 : i32 to index
        %get3A_228 = arith.constant 64 : index
        %get3A_229 = tpu.vector_load %arg16[%get3A_227, %get3A_228] {strides = array<i32>} : memref<80x128xf32, #tpu.memory_space<vmem>>, vector<1x16xf32>,
        %get3A_230 = vector.shape_cast %get3A_229 : vector<1x16xf32> to vector<16xf32>
        %add3A_231 = arith.addf %get3A_226, %get3A_230 : vector<16xf32>
        %swap3A_232 = arith.index_cast %scan3A_168 : i32 to index
        %swap3A_233 = arith.constant 64 : index
        %swap3A_234 = tpu.vector_load %arg14[%swap3A_232, %swap3A_233] {strides = array<i32>} : memref<80x128xf32, #tpu.memory_space<vmem>>, vector<1x16xf32>,
        %swap3A_235 = vector.shape_cast %swap3A_234 : vector<1x16xf32> to vector<16xf32>
        %swap3A_236 = vector.shape_cast %add3A_231 : vector<16xf32> to vector<1x16xf32>
        tpu.vector_store %arg14[%swap3A_232, %swap3A_233], %swap3A_236 {strides = array<i32>} : memref<80x128xf32, #tpu.memory_space<vmem>>, vector<1x16xf32>,
        %get3A_237 = arith.index_cast %scan3A_168 : i32 to index
        %get3A_238 = arith.constant 80 : index
        %get3A_239 = tpu.vector_load %arg14[%get3A_237, %get3A_238] {strides = array<i32>} : memref<80x128xf32, #tpu.memory_space<vmem>>, vector<1x16xf32>,
        %get3A_240 = vector.shape_cast %get3A_239 : vector<1x16xf32> to vector<16xf32>
        %get3A_241 = arith.index_cast %scan3A_168 : i32 to index
        %get3A_242 = arith.constant 80 : index
        %get3A_243 = tpu.vector_load %arg16[%get3A_241, %get3A_242] {strides = array<i32>} : memref<80x128xf32, #tpu.memory_space<vmem>>, vector<1x16xf32>,
        %get3A_244 = vector.shape_cast %get3A_243 : vector<1x16xf32> to vector<16xf32>
        %add3A_245 = arith.addf %get3A_240, %get3A_244 : vector<16xf32>
        %swap3A_246 = arith.index_cast %scan3A_168 : i32 to index
        %swap3A_247 = arith.constant 80 : index
        %swap3A_248 = tpu.vector_load %arg14[%swap3A_246, %swap3A_247] {strides = array<i32>} : memref<80x128xf32, #tpu.memory_space<vmem>>, vector<1x16xf32>,
        %swap3A_249 = vector.shape_cast %swap3A_248 : vector<1x16xf32> to vector<16xf32>
        %swap3A_250 = vector.shape_cast %add3A_245 : vector<16xf32> to vector<1x16xf32>
        tpu.vector_store %arg14[%swap3A_246, %swap3A_247], %swap3A_250 {strides = array<i32>} : memref<80x128xf32, #tpu.memory_space<vmem>>, vector<1x16xf32>,
        %get3A_251 = arith.index_cast %scan3A_168 : i32 to index
        %get3A_252 = arith.constant 96 : index
        %get3A_253 = tpu.vector_load %arg14[%get3A_251, %get3A_252] {strides = array<i32>} : memref<80x128xf32, #tpu.memory_space<vmem>>, vector<1x16xf32>,
        %get3A_254 = vector.shape_cast %get3A_253 : vector<1x16xf32> to vector<16xf32>
        %get3A_255 = arith.index_cast %scan3A_168 : i32 to index
        %get3A_256 = arith.constant 96 : index
        %get3A_257 = tpu.vector_load %arg16[%get3A_255, %get3A_256] {strides = array<i32>} : memref<80x128xf32, #tpu.memory_space<vmem>>, vector<1x16xf32>,
        %get3A_258 = vector.shape_cast %get3A_257 : vector<1x16xf32> to vector<16xf32>
        %add3A_259 = arith.addf %get3A_254, %get3A_258 : vector<16xf32>
        %swap3A_260 = arith.index_cast %scan3A_168 : i32 to index
        %swap3A_261 = arith.constant 96 : index
        %swap3A_262 = tpu.vector_load %arg14[%swap3A_260, %swap3A_261] {strides = array<i32>} : memref<80x128xf32, #tpu.memory_space<vmem>>, vector<1x16xf32>,
        %swap3A_263 = vector.shape_cast %swap3A_262 : vector<1x16xf32> to vector<16xf32>
        %swap3A_264 = vector.shape_cast %add3A_259 : vector<16xf32> to vector<1x16xf32>
        tpu.vector_store %arg14[%swap3A_260, %swap3A_261], %swap3A_264 {strides = array<i32>} : memref<80x128xf32, #tpu.memory_space<vmem>>, vector<1x16xf32>,
        %get3A_265 = arith.index_cast %scan3A_168 : i32 to index
        %get3A_266 = arith.constant 112 : index
        %get3A_267 = tpu.vector_load %arg14[%get3A_265, %get3A_266] {strides = array<i32>} : memref<80x128xf32, #tpu.memory_space<vmem>>, vector<1x16xf32>,
        %get3A_268 = vector.shape_cast %get3A_267 : vector<1x16xf32> to vector<16xf32>
        %get3A_269 = arith.index_cast %scan3A_168 : i32 to index
        %get3A_270 = arith.constant 112 : index
        %get3A_271 = tpu.vector_load %arg16[%get3A_269, %get3A_270] {strides = array<i32>} : memref<80x128xf32, #tpu.memory_space<vmem>>, vector<1x16xf32>,
        %get3A_272 = vector.shape_cast %get3A_271 : vector<1x16xf32> to vector<16xf32>
        %add3A_273 = arith.addf %get3A_268, %get3A_272 : vector<16xf32>
        %swap3A_274 = arith.index_cast %scan3A_168 : i32 to index
        %swap3A_275 = arith.constant 112 : index
        %swap3A_276 = tpu.vector_load %arg14[%swap3A_274, %swap3A_275] {strides = array<i32>} : memref<80x128xf32, #tpu.memory_space<vmem>>, vector<1x16xf32>,
        %swap3A_277 = vector.shape_cast %swap3A_276 : vector<1x16xf32> to vector<16xf32>
        %swap3A_278 = vector.shape_cast %add3A_273 : vector<16xf32> to vector<1x16xf32>
        tpu.vector_store %arg14[%swap3A_274, %swap3A_275], %swap3A_278 {strides = array<i32>} : memref<80x128xf32, #tpu.memory_space<vmem>>, vector<1x16xf32>,
        %get3A_279 = arith.index_cast %scan3A_168 : i32 to index
        %get3A_280 = arith.constant 0 : index
        %get3A_281 = tpu.vector_load %arg18[%get3A_279, %get3A_280] {strides = array<i32>} : memref<80x128xf32, #tpu.memory_space<vmem>>, vector<1x16xf32>,
        %get3A_282 = vector.shape_cast %get3A_281 : vector<1x16xf32> to vector<16xf32>
        %get3A_283 = arith.index_cast %scan3A_168 : i32 to index
        %get3A_284 = arith.constant 0 : index
        %get3A_285 = tpu.vector_load %arg20[%get3A_283, %get3A_284] {strides = array<i32>} : memref<80x128xf32, #tpu.memory_space<vmem>>, vector<1x16xf32>,
        %get3A_286 = vector.shape_cast %get3A_285 : vector<1x16xf32> to vector<16xf32>
        %sub3A = arith.subf %get3A_282, %get3A_286 : vector<16xf32>
        %swap3A_287 = arith.index_cast %scan3A_168 : i32 to index
        %swap3A_288 = arith.constant 0 : index
        %swap3A_289 = tpu.vector_load %arg18[%swap3A_287, %swap3A_288] {strides = array<i32>} : memref<80x128xf32, #tpu.memory_space<vmem>>, vector<1x16xf32>,
        %swap3A_290 = vector.shape_cast %swap3A_289 : vector<1x16xf32> to vector<16xf32>
        %swap3A_291 = vector.shape_cast %sub3A : vector<16xf32> to vector<1x16xf32>
        tpu.vector_store %arg18[%swap3A_287, %swap3A_288], %swap3A_291 {strides = array<i32>} : memref<80x128xf32, #tpu.memory_space<vmem>>, vector<1x16xf32>,
        %get3A_292 = arith.index_cast %scan3A_168 : i32 to index
        %get3A_293 = arith.constant 16 : index
        %get3A_294 = tpu.vector_load %arg18[%get3A_292, %get3A_293] {strides = array<i32>} : memref<80x128xf32, #tpu.memory_space<vmem>>, vector<1x16xf32>,
        %get3A_295 = vector.shape_cast %get3A_294 : vector<1x16xf32> to vector<16xf32>
        %get3A_296 = arith.index_cast %scan3A_168 : i32 to index
        %get3A_297 = arith.constant 16 : index
        %get3A_298 = tpu.vector_load %arg20[%get3A_296, %get3A_297] {strides = array<i32>} : memref<80x128xf32, #tpu.memory_space<vmem>>, vector<1x16xf32>,
        %get3A_299 = vector.shape_cast %get3A_298 : vector<1x16xf32> to vector<16xf32>
        %sub3A_300 = arith.subf %get3A_295, %get3A_299 : vector<16xf32>
        %swap3A_301 = arith.index_cast %scan3A_168 : i32 to index
        %swap3A_302 = arith.constant 16 : index
        %swap3A_303 = tpu.vector_load %arg18[%swap3A_301, %swap3A_302] {strides = array<i32>} : memref<80x128xf32, #tpu.memory_space<vmem>>, vector<1x16xf32>,
        %swap3A_304 = vector.shape_cast %swap3A_303 : vector<1x16xf32> to vector<16xf32>
        %swap3A_305 = vector.shape_cast %sub3A_300 : vector<16xf32> to vector<1x16xf32>
        tpu.vector_store %arg18[%swap3A_301, %swap3A_302], %swap3A_305 {strides = array<i32>} : memref<80x128xf32, #tpu.memory_space<vmem>>, vector<1x16xf32>,
      }
      %scan3A_156 = arith.constant 80 : i32
      %mul3A_157 = arith.constant 80 : i32
      %mul3A_158 = arith.muli %add3A_138, %mul3A_157 : i32
      %add3A_159 = arith.addi %mul3A_2, %mul3A_158 : i32
      %dma_start3A_160 = arith.constant 0 : i32
      %dma_start3A_161 = tpu.memref_slice %arg7[%add3A_159, %dma_start3A_160] : memref<320000x128xf32, #tpu.memory_space<hbm>> -> memref<80x128xf32, #tpu.memory_space<hbm>>
      %dma_start3A_162 = arith.constant 0 : i32
      %dma_start3A_163 = tpu.memref_slice %arg7[%add3A_159, %dma_start3A_162] : memref<320000x128xf32, #tpu.memory_space<hbm>> -> memref<80x128xf32, #tpu.memory_space<hbm>>
      tpu.enqueue_dma source(%arg14 : memref<80x128xf32, #tpu.memory_space<vmem>>) target(%dma_start3A_163 : memref<80x128xf32, #tpu.memory_space<hbm>>) target_semaphore(%arg24 : memref<!tpu.dma_semaphore, #tpu.memory_space<semaphore_mem>>)
      %dma_start3A_164 = arith.constant 0 : i32
      %dma_start3A_165 = tpu.memref_slice %arg8[%add3A_159, %dma_start3A_164] : memref<320000x128xf32, #tpu.memory_space<hbm>> -> memref<80x128xf32, #tpu.memory_space<hbm>>
      %dma_start3A_166 = arith.constant 0 : i32
      %dma_start3A_167 = tpu.memref_slice %arg8[%add3A_159, %dma_start3A_166] : memref<320000x128xf32, #tpu.memory_space<hbm>> -> memref<80x128xf32, #tpu.memory_space<hbm>>
      tpu.enqueue_dma source(%arg18 : memref<80x128xf32, #tpu.memory_space<vmem>>) target(%dma_start3A_167 : memref<80x128xf32, #tpu.memory_space<hbm>>) target_semaphore(%arg24 : memref<!tpu.dma_semaphore, #tpu.memory_space<semaphore_mem>>)
    }
    %scan3A_20 = arith.constant 62 : i32
    %dma_wait3A = arith.constant 0 : i32
    %dma_wait3A_21 = arith.constant 0 : i32
    %dma_wait3A_22 = tpu.memref_slice %arg2[%dma_wait3A, %dma_wait3A_21] : memref<10000x128xf32, #tpu.memory_space<hbm>> -> memref<10000x128xf32, #tpu.memory_space<hbm>>
    tpu.wait_indirect_dma semaphore(%arg21 : memref<!tpu.dma_semaphore, #tpu.memory_space<semaphore_mem>>) src(%dma_wait3A_22 : memref<10000x128xf32, #tpu.memory_space<hbm>>) dst(%arg13 : memref<80x128xf32, #tpu.memory_space<vmem>>)
    %dma_wait3A_23 = arith.constant 0 : i32
    %dma_wait3A_24 = arith.constant 0 : i32
    %dma_wait3A_25 = tpu.memref_slice %arg3[%dma_wait3A_23, %dma_wait3A_24] : memref<10000x128xf32, #tpu.memory_space<hbm>> -> memref<10000x128xf32, #tpu.memory_space<hbm>>
    tpu.wait_indirect_dma semaphore(%arg21 : memref<!tpu.dma_semaphore, #tpu.memory_space<semaphore_mem>>) src(%dma_wait3A_25 : memref<10000x128xf32, #tpu.memory_space<hbm>>) dst(%arg15 : memref<80x128xf32, #tpu.memory_space<vmem>>)
    %dma_wait3A_26 = arith.constant 0 : i32
    %dma_wait3A_27 = arith.constant 0 : i32
    %dma_wait3A_28 = tpu.memref_slice %arg4[%dma_wait3A_26, %dma_wait3A_27] : memref<10000x128xf32, #tpu.memory_space<hbm>> -> memref<10000x128xf32, #tpu.memory_space<hbm>>
    tpu.wait_indirect_dma semaphore(%arg21 : memref<!tpu.dma_semaphore, #tpu.memory_space<semaphore_mem>>) src(%dma_wait3A_28 : memref<10000x128xf32, #tpu.memory_space<hbm>>) dst(%arg17 : memref<80x128xf32, #tpu.memory_space<vmem>>)
    %dma_wait3A_29 = arith.constant 0 : i32
    %dma_wait3A_30 = arith.constant 0 : i32
    %dma_wait3A_31 = tpu.memref_slice %arg4[%dma_wait3A_29, %dma_wait3A_30] : memref<10000x128xf32, #tpu.memory_space<hbm>> -> memref<10000x128xf32, #tpu.memory_space<hbm>>
    tpu.wait_indirect_dma semaphore(%arg21 : memref<!tpu.dma_semaphore, #tpu.memory_space<semaphore_mem>>) src(%dma_wait3A_31 : memref<10000x128xf32, #tpu.memory_space<hbm>>) dst(%arg19 : memref<80x128xf32, #tpu.memory_space<vmem>>)
    %scan3A_32 = arith.constant 0 : i32
    %scan3A_33 = arith.constant 0 : i32
    %scan3A_34 = arith.constant 80 : i32
    %scan3A_35 = arith.addi %scan3A_33, %scan3A_34 : i32
    %scan3A_36 = arith.constant 1 : i32
    scf.for %scan3A_64 = %scan3A_33 to %scan3A_35 step %scan3A_36  : i32 {
      %get3A = arith.index_cast %scan3A_64 : i32 to index
      %get3A_65 = arith.constant 0 : index
      %get3A_66 = tpu.vector_load %arg13[%get3A, %get3A_65] {strides = array<i32>} : memref<80x128xf32, #tpu.memory_space<vmem>>, vector<1x16xf32>,
      %get3A_67 = vector.shape_cast %get3A_66 : vector<1x16xf32> to vector<16xf32>
      %get3A_68 = arith.index_cast %scan3A_64 : i32 to index
      %get3A_69 = arith.constant 0 : index
      %get3A_70 = tpu.vector_load %arg15[%get3A_68, %get3A_69] {strides = array<i32>} : memref<80x128xf32, #tpu.memory_space<vmem>>, vector<1x16xf32>,
      %get3A_71 = vector.shape_cast %get3A_70 : vector<1x16xf32> to vector<16xf32>
      %add3A_72 = arith.addf %get3A_67, %get3A_71 : vector<16xf32>
      %swap3A = arith.index_cast %scan3A_64 : i32 to index
      %swap3A_73 = arith.constant 0 : index
      %swap3A_74 = tpu.vector_load %arg13[%swap3A, %swap3A_73] {strides = array<i32>} : memref<80x128xf32, #tpu.memory_space<vmem>>, vector<1x16xf32>,
      %swap3A_75 = vector.shape_cast %swap3A_74 : vector<1x16xf32> to vector<16xf32>
      %swap3A_76 = vector.shape_cast %add3A_72 : vector<16xf32> to vector<1x16xf32>
      tpu.vector_store %arg13[%swap3A, %swap3A_73], %swap3A_76 {strides = array<i32>} : memref<80x128xf32, #tpu.memory_space<vmem>>, vector<1x16xf32>,
      %get3A_77 = arith.index_cast %scan3A_64 : i32 to index
      %get3A_78 = arith.constant 16 : index
      %get3A_79 = tpu.vector_load %arg13[%get3A_77, %get3A_78] {strides = array<i32>} : memref<80x128xf32, #tpu.memory_space<vmem>>, vector<1x16xf32>,
      %get3A_80 = vector.shape_cast %get3A_79 : vector<1x16xf32> to vector<16xf32>
      %get3A_81 = arith.index_cast %scan3A_64 : i32 to index
      %get3A_82 = arith.constant 16 : index
      %get3A_83 = tpu.vector_load %arg15[%get3A_81, %get3A_82] {strides = array<i32>} : memref<80x128xf32, #tpu.memory_space<vmem>>, vector<1x16xf32>,
      %get3A_84 = vector.shape_cast %get3A_83 : vector<1x16xf32> to vector<16xf32>
      %add3A_85 = arith.addf %get3A_80, %get3A_84 : vector<16xf32>
      %swap3A_86 = arith.index_cast %scan3A_64 : i32 to index
      %swap3A_87 = arith.constant 16 : index
      %swap3A_88 = tpu.vector_load %arg13[%swap3A_86, %swap3A_87] {strides = array<i32>} : memref<80x128xf32, #tpu.memory_space<vmem>>, vector<1x16xf32>,
      %swap3A_89 = vector.shape_cast %swap3A_88 : vector<1x16xf32> to vector<16xf32>
      %swap3A_90 = vector.shape_cast %add3A_85 : vector<16xf32> to vector<1x16xf32>
      tpu.vector_store %arg13[%swap3A_86, %swap3A_87], %swap3A_90 {strides = array<i32>} : memref<80x128xf32, #tpu.memory_space<vmem>>, vector<1x16xf32>,
      %get3A_91 = arith.index_cast %scan3A_64 : i32 to index
      %get3A_92 = arith.constant 32 : index
      %get3A_93 = tpu.vector_load %arg13[%get3A_91, %get3A_92] {strides = array<i32>} : memref<80x128xf32, #tpu.memory_space<vmem>>, vector<1x16xf32>,
      %get3A_94 = vector.shape_cast %get3A_93 : vector<1x16xf32> to vector<16xf32>
      %get3A_95 = arith.index_cast %scan3A_64 : i32 to index
      %get3A_96 = arith.constant 32 : index
      %get3A_97 = tpu.vector_load %arg15[%get3A_95, %get3A_96] {strides = array<i32>} : memref<80x128xf32, #tpu.memory_space<vmem>>, vector<1x16xf32>,
      %get3A_98 = vector.shape_cast %get3A_97 : vector<1x16xf32> to vector<16xf32>
      %add3A_99 = arith.addf %get3A_94, %get3A_98 : vector<16xf32>
      %swap3A_100 = arith.index_cast %scan3A_64 : i32 to index
      %swap3A_101 = arith.constant 32 : index
      %swap3A_102 = tpu.vector_load %arg13[%swap3A_100, %swap3A_101] {strides = array<i32>} : memref<80x128xf32, #tpu.memory_space<vmem>>, vector<1x16xf32>,
      %swap3A_103 = vector.shape_cast %swap3A_102 : vector<1x16xf32> to vector<16xf32>
      %swap3A_104 = vector.shape_cast %add3A_99 : vector<16xf32> to vector<1x16xf32>
      tpu.vector_store %arg13[%swap3A_100, %swap3A_101], %swap3A_104 {strides = array<i32>} : memref<80x128xf32, #tpu.memory_space<vmem>>, vector<1x16xf32>,
      %get3A_105 = arith.index_cast %scan3A_64 : i32 to index
      %get3A_106 = arith.constant 48 : index
      %get3A_107 = tpu.vector_load %arg13[%get3A_105, %get3A_106] {strides = array<i32>} : memref<80x128xf32, #tpu.memory_space<vmem>>, vector<1x16xf32>,
      %get3A_108 = vector.shape_cast %get3A_107 : vector<1x16xf32> to vector<16xf32>
      %get3A_109 = arith.index_cast %scan3A_64 : i32 to index
      %get3A_110 = arith.constant 48 : index
      %get3A_111 = tpu.vector_load %arg15[%get3A_109, %get3A_110] {strides = array<i32>} : memref<80x128xf32, #tpu.memory_space<vmem>>, vector<1x16xf32>,
      %get3A_112 = vector.shape_cast %get3A_111 : vector<1x16xf32> to vector<16xf32>
      %add3A_113 = arith.addf %get3A_108, %get3A_112 : vector<16xf32>
      %swap3A_114 = arith.index_cast %scan3A_64 : i32 to index
      %swap3A_115 = arith.constant 48 : index
      %swap3A_116 = tpu.vector_load %arg13[%swap3A_114, %swap3A_115] {strides = array<i32>} : memref<80x128xf32, #tpu.memory_space<vmem>>, vector<1x16xf32>,
      %swap3A_117 = vector.shape_cast %swap3A_116 : vector<1x16xf32> to vector<16xf32>
      %swap3A_118 = vector.shape_cast %add3A_113 : vector<16xf32> to vector<1x16xf32>
      tpu.vector_store %arg13[%swap3A_114, %swap3A_115], %swap3A_118 {strides = array<i32>} : memref<80x128xf32, #tpu.memory_space<vmem>>, vector<1x16xf32>,
      %get3A_119 = arith.index_cast %scan3A_64 : i32 to index
      %get3A_120 = arith.constant 64 : index
      %get3A_121 = tpu.vector_load %arg13[%get3A_119, %get3A_120] {strides = array<i32>} : memref<80x128xf32, #tpu.memory_space<vmem>>, vector<1x16xf32>,
      %get3A_122 = vector.shape_cast %get3A_121 : vector<1x16xf32> to vector<16xf32>
      %get3A_123 = arith.index_cast %scan3A_64 : i32 to index
      %get3A_124 = arith.constant 64 : index
      %get3A_125 = tpu.vector_load %arg15[%get3A_123, %get3A_124] {strides = array<i32>} : memref<80x128xf32, #tpu.memory_space<vmem>>, vector<1x16xf32>,
      %get3A_126 = vector.shape_cast %get3A_125 : vector<1x16xf32> to vector<16xf32>
      %add3A_127 = arith.addf %get3A_122, %get3A_126 : vector<16xf32>
      %swap3A_128 = arith.index_cast %scan3A_64 : i32 to index
      %swap3A_129 = arith.constant 64 : index
      %swap3A_130 = tpu.vector_load %arg13[%swap3A_128, %swap3A_129] {strides = array<i32>} : memref<80x128xf32, #tpu.memory_space<vmem>>, vector<1x16xf32>,
      %swap3A_131 = vector.shape_cast %swap3A_130 : vector<1x16xf32> to vector<16xf32>
      %swap3A_132 = vector.shape_cast %add3A_127 : vector<16xf32> to vector<1x16xf32>
      tpu.vector_store %arg13[%swap3A_128, %swap3A_129], %swap3A_132 {strides = array<i32>} : memref<80x128xf32, #tpu.memory_space<vmem>>, vector<1x16xf32>,
      %get3A_133 = arith.index_cast %scan3A_64 : i32 to index
      %get3A_134 = arith.constant 80 : index
      %get3A_135 = tpu.vector_load %arg13[%get3A_133, %get3A_134] {strides = array<i32>} : memref<80x128xf32, #tpu.memory_space<vmem>>, vector<1x16xf32>,
      %get3A_136 = vector.shape_cast %get3A_135 : vector<1x16xf32> to vector<16xf32>
      %get3A_137 = arith.index_cast %scan3A_64 : i32 to index
      %get3A_138 = arith.constant 80 : index
      %get3A_139 = tpu.vector_load %arg15[%get3A_137, %get3A_138] {strides = array<i32>} : memref<80x128xf32, #tpu.memory_space<vmem>>, vector<1x16xf32>,
      %get3A_140 = vector.shape_cast %get3A_139 : vector<1x16xf32> to vector<16xf32>
      %add3A_141 = arith.addf %get3A_136, %get3A_140 : vector<16xf32>
      %swap3A_142 = arith.index_cast %scan3A_64 : i32 to index
      %swap3A_143 = arith.constant 80 : index
      %swap3A_144 = tpu.vector_load %arg13[%swap3A_142, %swap3A_143] {strides = array<i32>} : memref<80x128xf32, #tpu.memory_space<vmem>>, vector<1x16xf32>,
      %swap3A_145 = vector.shape_cast %swap3A_144 : vector<1x16xf32> to vector<16xf32>
      %swap3A_146 = vector.shape_cast %add3A_141 : vector<16xf32> to vector<1x16xf32>
      tpu.vector_store %arg13[%swap3A_142, %swap3A_143], %swap3A_146 {strides = array<i32>} : memref<80x128xf32, #tpu.memory_space<vmem>>, vector<1x16xf32>,
      %get3A_147 = arith.index_cast %scan3A_64 : i32 to index
      %get3A_148 = arith.constant 96 : index
      %get3A_149 = tpu.vector_load %arg13[%get3A_147, %get3A_148] {strides = array<i32>} : memref<80x128xf32, #tpu.memory_space<vmem>>, vector<1x16xf32>,
      %get3A_150 = vector.shape_cast %get3A_149 : vector<1x16xf32> to vector<16xf32>
      %get3A_151 = arith.index_cast %scan3A_64 : i32 to index
      %get3A_152 = arith.constant 96 : index
      %get3A_153 = tpu.vector_load %arg15[%get3A_151, %get3A_152] {strides = array<i32>} : memref<80x128xf32, #tpu.memory_space<vmem>>, vector<1x16xf32>,
      %get3A_154 = vector.shape_cast %get3A_153 : vector<1x16xf32> to vector<16xf32>
      %add3A_155 = arith.addf %get3A_150, %get3A_154 : vector<16xf32>
      %swap3A_156 = arith.index_cast %scan3A_64 : i32 to index
      %swap3A_157 = arith.constant 96 : index
      %swap3A_158 = tpu.vector_load %arg13[%swap3A_156, %swap3A_157] {strides = array<i32>} : memref<80x128xf32, #tpu.memory_space<vmem>>, vector<1x16xf32>,
      %swap3A_159 = vector.shape_cast %swap3A_158 : vector<1x16xf32> to vector<16xf32>
      %swap3A_160 = vector.shape_cast %add3A_155 : vector<16xf32> to vector<1x16xf32>
      tpu.vector_store %arg13[%swap3A_156, %swap3A_157], %swap3A_160 {strides = array<i32>} : memref<80x128xf32, #tpu.memory_space<vmem>>, vector<1x16xf32>,
      %get3A_161 = arith.index_cast %scan3A_64 : i32 to index
      %get3A_162 = arith.constant 112 : index
      %get3A_163 = tpu.vector_load %arg13[%get3A_161, %get3A_162] {strides = array<i32>} : memref<80x128xf32, #tpu.memory_space<vmem>>, vector<1x16xf32>,
      %get3A_164 = vector.shape_cast %get3A_163 : vector<1x16xf32> to vector<16xf32>
      %get3A_165 = arith.index_cast %scan3A_64 : i32 to index
      %get3A_166 = arith.constant 112 : index
      %get3A_167 = tpu.vector_load %arg15[%get3A_165, %get3A_166] {strides = array<i32>} : memref<80x128xf32, #tpu.memory_space<vmem>>, vector<1x16xf32>,
      %get3A_168 = vector.shape_cast %get3A_167 : vector<1x16xf32> to vector<16xf32>
      %add3A_169 = arith.addf %get3A_164, %get3A_168 : vector<16xf32>
      %swap3A_170 = arith.index_cast %scan3A_64 : i32 to index
      %swap3A_171 = arith.constant 112 : index
      %swap3A_172 = tpu.vector_load %arg13[%swap3A_170, %swap3A_171] {strides = array<i32>} : memref<80x128xf32, #tpu.memory_space<vmem>>, vector<1x16xf32>,
      %swap3A_173 = vector.shape_cast %swap3A_172 : vector<1x16xf32> to vector<16xf32>
      %swap3A_174 = vector.shape_cast %add3A_169 : vector<16xf32> to vector<1x16xf32>
      tpu.vector_store %arg13[%swap3A_170, %swap3A_171], %swap3A_174 {strides = array<i32>} : memref<80x128xf32, #tpu.memory_space<vmem>>, vector<1x16xf32>,
      %get3A_175 = arith.index_cast %scan3A_64 : i32 to index
      %get3A_176 = arith.constant 0 : index
      %get3A_177 = tpu.vector_load %arg17[%get3A_175, %get3A_176] {strides = array<i32>} : memref<80x128xf32, #tpu.memory_space<vmem>>, vector<1x16xf32>,
      %get3A_178 = vector.shape_cast %get3A_177 : vector<1x16xf32> to vector<16xf32>
      %get3A_179 = arith.index_cast %scan3A_64 : i32 to index
      %get3A_180 = arith.constant 0 : index
      %get3A_181 = tpu.vector_load %arg19[%get3A_179, %get3A_180] {strides = array<i32>} : memref<80x128xf32, #tpu.memory_space<vmem>>, vector<1x16xf32>,
      %get3A_182 = vector.shape_cast %get3A_181 : vector<1x16xf32> to vector<16xf32>
      %sub3A = arith.subf %get3A_178, %get3A_182 : vector<16xf32>
      %swap3A_183 = arith.index_cast %scan3A_64 : i32 to index
      %swap3A_184 = arith.constant 0 : index
      %swap3A_185 = tpu.vector_load %arg17[%swap3A_183, %swap3A_184] {strides = array<i32>} : memref<80x128xf32, #tpu.memory_space<vmem>>, vector<1x16xf32>,
      %swap3A_186 = vector.shape_cast %swap3A_185 : vector<1x16xf32> to vector<16xf32>
      %swap3A_187 = vector.shape_cast %sub3A : vector<16xf32> to vector<1x16xf32>
      tpu.vector_store %arg17[%swap3A_183, %swap3A_184], %swap3A_187 {strides = array<i32>} : memref<80x128xf32, #tpu.memory_space<vmem>>, vector<1x16xf32>,
      %get3A_188 = arith.index_cast %scan3A_64 : i32 to index
      %get3A_189 = arith.constant 16 : index
      %get3A_190 = tpu.vector_load %arg17[%get3A_188, %get3A_189] {strides = array<i32>} : memref<80x128xf32, #tpu.memory_space<vmem>>, vector<1x16xf32>,
      %get3A_191 = vector.shape_cast %get3A_190 : vector<1x16xf32> to vector<16xf32>
      %get3A_192 = arith.index_cast %scan3A_64 : i32 to index
      %get3A_193 = arith.constant 16 : index
      %get3A_194 = tpu.vector_load %arg19[%get3A_192, %get3A_193] {strides = array<i32>} : memref<80x128xf32, #tpu.memory_space<vmem>>, vector<1x16xf32>,
      %get3A_195 = vector.shape_cast %get3A_194 : vector<1x16xf32> to vector<16xf32>
      %sub3A_196 = arith.subf %get3A_191, %get3A_195 : vector<16xf32>
      %swap3A_197 = arith.index_cast %scan3A_64 : i32 to index
      %swap3A_198 = arith.constant 16 : index
      %swap3A_199 = tpu.vector_load %arg17[%swap3A_197, %swap3A_198] {strides = array<i32>} : memref<80x128xf32, #tpu.memory_space<vmem>>, vector<1x16xf32>,
      %swap3A_200 = vector.shape_cast %swap3A_199 : vector<1x16xf32> to vector<16xf32>
      %swap3A_201 = vector.shape_cast %sub3A_196 : vector<16xf32> to vector<1x16xf32>
      tpu.vector_store %arg17[%swap3A_197, %swap3A_198], %swap3A_201 {strides = array<i32>} : memref<80x128xf32, #tpu.memory_space<vmem>>, vector<1x16xf32>,
    }
    %scan3A_37 = arith.constant 80 : i32
    %add3A_38 = arith.constant 9920 : i32
    %add3A_39 = arith.addi %mul3A_2, %add3A_38 : i32
    %dma_start3A_40 = arith.constant 0 : i32
    %dma_start3A_41 = tpu.memref_slice %arg7[%add3A_39, %dma_start3A_40] : memref<320000x128xf32, #tpu.memory_space<hbm>> -> memref<80x128xf32, #tpu.memory_space<hbm>>
    %dma_start3A_42 = arith.constant 0 : i32
    %dma_start3A_43 = tpu.memref_slice %arg7[%add3A_39, %dma_start3A_42] : memref<320000x128xf32, #tpu.memory_space<hbm>> -> memref<80x128xf32, #tpu.memory_space<hbm>>
    tpu.enqueue_dma source(%arg13 : memref<80x128xf32, #tpu.memory_space<vmem>>) target(%dma_start3A_43 : memref<80x128xf32, #tpu.memory_space<hbm>>) target_semaphore(%arg23 : memref<!tpu.dma_semaphore, #tpu.memory_space<semaphore_mem>>)
    %dma_start3A_44 = arith.constant 0 : i32
    %dma_start3A_45 = tpu.memref_slice %arg8[%add3A_39, %dma_start3A_44] : memref<320000x128xf32, #tpu.memory_space<hbm>> -> memref<80x128xf32, #tpu.memory_space<hbm>>
    %dma_start3A_46 = arith.constant 0 : i32
    %dma_start3A_47 = tpu.memref_slice %arg8[%add3A_39, %dma_start3A_46] : memref<320000x128xf32, #tpu.memory_space<hbm>> -> memref<80x128xf32, #tpu.memory_space<hbm>>
    tpu.enqueue_dma source(%arg17 : memref<80x128xf32, #tpu.memory_space<vmem>>) target(%dma_start3A_47 : memref<80x128xf32, #tpu.memory_space<hbm>>) target_semaphore(%arg23 : memref<!tpu.dma_semaphore, #tpu.memory_space<semaphore_mem>>)
    %dma_wait3A_48 = arith.constant 0 : i32
    %dma_wait3A_49 = tpu.memref_slice %arg7[%mul3A_2, %dma_wait3A_48] : memref<320000x128xf32, #tpu.memory_space<hbm>> -> memref<80x128xf32, #tpu.memory_space<hbm>>
    %dma_wait3A_50 = arith.constant 0 : i32
    %dma_wait3A_51 = tpu.memref_slice %arg7[%mul3A_2, %dma_wait3A_50] : memref<320000x128xf32, #tpu.memory_space<hbm>> -> memref<80x128xf32, #tpu.memory_space<hbm>>
    tpu.wait_dma2 semaphore(%arg23 : memref<!tpu.dma_semaphore, #tpu.memory_space<semaphore_mem>>) src(%dma_wait3A_51 : memref<80x128xf32, #tpu.memory_space<hbm>>) dst(%arg13 : memref<80x128xf32, #tpu.memory_space<vmem>>)
    %dma_wait3A_52 = arith.constant 0 : i32
    %dma_wait3A_53 = tpu.memref_slice %arg8[%mul3A_2, %dma_wait3A_52] : memref<320000x128xf32, #tpu.memory_space<hbm>> -> memref<80x128xf32, #tpu.memory_space<hbm>>
    %dma_wait3A_54 = arith.constant 0 : i32
    %dma_wait3A_55 = tpu.memref_slice %arg8[%mul3A_2, %dma_wait3A_54] : memref<320000x128xf32, #tpu.memory_space<hbm>> -> memref<80x128xf32, #tpu.memory_space<hbm>>
    tpu.wait_dma2 semaphore(%arg23 : memref<!tpu.dma_semaphore, #tpu.memory_space<semaphore_mem>>) src(%dma_wait3A_55 : memref<80x128xf32, #tpu.memory_space<hbm>>) dst(%arg17 : memref<80x128xf32, #tpu.memory_space<vmem>>)
    %dma_wait3A_56 = arith.constant 0 : i32
    %dma_wait3A_57 = tpu.memref_slice %arg7[%mul3A_2, %dma_wait3A_56] : memref<320000x128xf32, #tpu.memory_space<hbm>> -> memref<80x128xf32, #tpu.memory_space<hbm>>
    %dma_wait3A_58 = arith.constant 0 : i32
    %dma_wait3A_59 = tpu.memref_slice %arg7[%mul3A_2, %dma_wait3A_58] : memref<320000x128xf32, #tpu.memory_space<hbm>> -> memref<80x128xf32, #tpu.memory_space<hbm>>
    tpu.wait_dma2 semaphore(%arg24 : memref<!tpu.dma_semaphore, #tpu.memory_space<semaphore_mem>>) src(%dma_wait3A_59 : memref<80x128xf32, #tpu.memory_space<hbm>>) dst(%arg14 : memref<80x128xf32, #tpu.memory_space<vmem>>)
    %dma_wait3A_60 = arith.constant 0 : i32
    %dma_wait3A_61 = tpu.memref_slice %arg8[%mul3A_2, %dma_wait3A_60] : memref<320000x128xf32, #tpu.memory_space<hbm>> -> memref<80x128xf32, #tpu.memory_space<hbm>>
    %dma_wait3A_62 = arith.constant 0 : i32
    %dma_wait3A_63 = tpu.memref_slice %arg8[%mul3A_2, %dma_wait3A_62] : memref<320000x128xf32, #tpu.memory_space<hbm>> -> memref<80x128xf32, #tpu.memory_space<hbm>>
    tpu.wait_dma2 semaphore(%arg24 : memref<!tpu.dma_semaphore, #tpu.memory_space<semaphore_mem>>) src(%dma_wait3A_63 : memref<80x128xf32, #tpu.memory_space<hbm>>) dst(%arg18 : memref<80x128xf32, #tpu.memory_space<vmem>>)
    return
  }
}

#map = affine_map<(d0, d1) -> (0, 0)>
#map1 = affine_map<(d0, d1) -> (0)>
#map2 = affine_map<(d0, d1) -> (0, 0, 0)>
module attributes {stable_mosaic.version = 14 : i64} {
  func.func @kern(%arg0: i32, %arg1: i32, %arg2: memref<320000x128xf32, #tpu.memory_space<hbm>>, %arg3: memref<320000xi32, #tpu.memory_space<hbm>>, %arg4: memref<640x128xf32, #tpu.memory_space<hbm>>, %arg5: memref<2x10000x128xf32, #tpu.memory_space<hbm>>, %arg6: memref<80xi32, #tpu.memory_space<vmem>>, %arg7: memref<80xi32, #tpu.memory_space<vmem>>, %arg8: memref<80x128xf32, #tpu.memory_space<vmem>>, %arg9: memref<80x128xf32, #tpu.memory_space<vmem>>, %arg10: memref<10000x128xf32, #tpu.memory_space<vmem_shared>>, %arg11: memref<!tpu.dma_semaphore, #tpu.memory_space<semaphore_mem>>, %arg12: memref<!tpu.dma_semaphore, #tpu.memory_space<semaphore_mem>>, %arg13: memref<!tpu.dma_semaphore, #tpu.memory_space<semaphore_mem>>, %arg14: memref<!tpu.dma_semaphore, #tpu.memory_space<semaphore_mem>>) attributes {dimension_semantics = [#tpu.dimension_semantics<core_parallel>, #tpu.dimension_semantics<subcore_parallel>], iteration_bounds = array<i64: 2, 16>, scalar_prefetch = 0 : i64, scratch_operands = 9 : i64, tpu.core_type = #tpu.core_type<sc_vector_subcore>, window_params = [{transform_indices = #map}, {transform_indices = #map1}, {transform_indices = #map}, {transform_indices = #map2}]} {
    %mul3A = arith.constant 16 : i32
    %mul3A_0 = arith.muli %arg0, %mul3A : i32
    %add3A = arith.addi %mul3A_0, %arg1 : i32
    %mul3A_1 = arith.constant 10000 : i32
    %mul3A_2 = arith.muli %add3A, %mul3A_1 : i32
    %mul3A_3 = arith.constant 624 : i32
    %mul3A_4 = arith.muli %arg1, %mul3A_3 : i32
    "tpu.region"() ({
      %run_scoped3A = tpu.sem_alloc : memref<!tpu.dma_semaphore, #tpu.memory_space<semaphore_mem>>
      %dma_start3A_43 = arith.constant 0 : i32
      %dma_start3A_44 = tpu.memref_slice %arg10[%mul3A_4, %dma_start3A_43] : memref<10000x128xf32, #tpu.memory_space<vmem_shared>> -> memref<624x128xf32, #tpu.memory_space<vmem_shared>>
      %dma_start3A_45 = arith.constant 0 : i32
      %dma_start3A_46 = arith.constant 0 : i32
      %dma_start3A_47 = tpu.memref_slice %arg4[%dma_start3A_45, %dma_start3A_46] : memref<640x128xf32, #tpu.memory_space<hbm>> -> memref<624x128xf32, #tpu.memory_space<hbm>>
      tpu.enqueue_dma source(%dma_start3A_47 : memref<624x128xf32, #tpu.memory_space<hbm>>) target(%dma_start3A_44 : memref<624x128xf32, #tpu.memory_space<vmem_shared>>) target_semaphore(%run_scoped3A : memref<!tpu.dma_semaphore, #tpu.memory_space<semaphore_mem>>)
      %dma_wait3A_48 = arith.constant 0 : i32
      %dma_wait3A_49 = tpu.memref_slice %arg10[%mul3A_4, %dma_wait3A_48] : memref<10000x128xf32, #tpu.memory_space<vmem_shared>> -> memref<624x128xf32, #tpu.memory_space<vmem_shared>>
      %dma_wait3A_50 = arith.constant 0 : i32
      %dma_wait3A_51 = arith.constant 0 : i32
      %dma_wait3A_52 = tpu.memref_slice %arg4[%dma_wait3A_50, %dma_wait3A_51] : memref<640x128xf32, #tpu.memory_space<hbm>> -> memref<624x128xf32, #tpu.memory_space<hbm>>
      tpu.wait_dma2 semaphore(%run_scoped3A : memref<!tpu.dma_semaphore, #tpu.memory_space<semaphore_mem>>) src(%dma_wait3A_52 : memref<624x128xf32, #tpu.memory_space<hbm>>) dst(%dma_wait3A_49 : memref<624x128xf32, #tpu.memory_space<vmem_shared>>)
      tpu.yield
    }) : () -> ()
    %eq3A = arith.constant 15 : i32
    %eq3A_5 = arith.cmpi eq, %arg1, %eq3A : i32
    %convert_element_type3A = arith.extui %eq3A_5 : i1 to i32
    %cond3A = arith.constant 0 : i32
    %cond3A_6 = arith.cmpi ne, %convert_element_type3A, %cond3A : i32
    scf.if %cond3A_6 {
      "tpu.region"() ({
        %run_scoped3A = tpu.sem_alloc : memref<!tpu.dma_semaphore, #tpu.memory_space<semaphore_mem>>
        %dma_start3A_43 = arith.constant 9984 : i32
        %dma_start3A_44 = arith.constant 0 : i32
        %dma_start3A_45 = tpu.memref_slice %arg10[%dma_start3A_43, %dma_start3A_44] : memref<10000x128xf32, #tpu.memory_space<vmem_shared>> -> memref<16x128xf32, #tpu.memory_space<vmem_shared>>
        %dma_start3A_46 = arith.constant 624 : i32
        %dma_start3A_47 = arith.constant 0 : i32
        %dma_start3A_48 = tpu.memref_slice %arg4[%dma_start3A_46, %dma_start3A_47] : memref<640x128xf32, #tpu.memory_space<hbm>> -> memref<16x128xf32, #tpu.memory_space<hbm>>
        tpu.enqueue_dma source(%dma_start3A_48 : memref<16x128xf32, #tpu.memory_space<hbm>>) target(%dma_start3A_45 : memref<16x128xf32, #tpu.memory_space<vmem_shared>>) target_semaphore(%run_scoped3A : memref<!tpu.dma_semaphore, #tpu.memory_space<semaphore_mem>>)
        %dma_wait3A_49 = arith.constant 9984 : i32
        %dma_wait3A_50 = arith.constant 0 : i32
        %dma_wait3A_51 = tpu.memref_slice %arg10[%dma_wait3A_49, %dma_wait3A_50] : memref<10000x128xf32, #tpu.memory_space<vmem_shared>> -> memref<16x128xf32, #tpu.memory_space<vmem_shared>>
        %dma_wait3A_52 = arith.constant 624 : i32
        %dma_wait3A_53 = arith.constant 0 : i32
        %dma_wait3A_54 = tpu.memref_slice %arg4[%dma_wait3A_52, %dma_wait3A_53] : memref<640x128xf32, #tpu.memory_space<hbm>> -> memref<16x128xf32, #tpu.memory_space<hbm>>
        tpu.wait_dma2 semaphore(%run_scoped3A : memref<!tpu.dma_semaphore, #tpu.memory_space<semaphore_mem>>) src(%dma_wait3A_54 : memref<16x128xf32, #tpu.memory_space<hbm>>) dst(%dma_wait3A_51 : memref<16x128xf32, #tpu.memory_space<vmem_shared>>)
        tpu.yield
      }) : () -> ()
    } else {
    }
    %barrier3A = arith.constant 0 : index
    tpu.barrier barrier_id(%barrier3A)
    %add3A_7 = arith.constant 0 : i32
    %add3A_8 = arith.addi %mul3A_2, %add3A_7 : i32
    "tpu.region"() ({
      %run_scoped3A = tpu.sem_alloc : memref<!tpu.dma_semaphore, #tpu.memory_space<semaphore_mem>>
      %dma_start3A_43 = tpu.memref_slice %arg3[%add3A_8] : memref<320000xi32, #tpu.memory_space<hbm>> -> memref<80xi32, #tpu.memory_space<hbm>>
      %dma_start3A_44 = tpu.memref_slice %arg3[%add3A_8] : memref<320000xi32, #tpu.memory_space<hbm>> -> memref<80xi32, #tpu.memory_space<hbm>>
      tpu.enqueue_dma source(%dma_start3A_44 : memref<80xi32, #tpu.memory_space<hbm>>) target(%arg6 : memref<80xi32, #tpu.memory_space<vmem>>) target_semaphore(%run_scoped3A : memref<!tpu.dma_semaphore, #tpu.memory_space<semaphore_mem>>)
      %dma_wait3A_45 = tpu.memref_slice %arg3[%add3A_8] : memref<320000xi32, #tpu.memory_space<hbm>> -> memref<80xi32, #tpu.memory_space<hbm>>
      %dma_wait3A_46 = tpu.memref_slice %arg3[%add3A_8] : memref<320000xi32, #tpu.memory_space<hbm>> -> memref<80xi32, #tpu.memory_space<hbm>>
      tpu.wait_dma2 semaphore(%run_scoped3A : memref<!tpu.dma_semaphore, #tpu.memory_space<semaphore_mem>>) src(%dma_wait3A_46 : memref<80xi32, #tpu.memory_space<hbm>>) dst(%arg6 : memref<80xi32, #tpu.memory_space<vmem>>)
      tpu.yield
    }) : () -> ()
    %dma_start3A = arith.constant 0 : i32
    %dma_start3A_9 = tpu.memref_slice %arg2[%add3A_8, %dma_start3A] : memref<320000x128xf32, #tpu.memory_space<hbm>> -> memref<80x128xf32, #tpu.memory_space<hbm>>
    %dma_start3A_10 = arith.constant 0 : i32
    %dma_start3A_11 = tpu.memref_slice %arg2[%add3A_8, %dma_start3A_10] : memref<320000x128xf32, #tpu.memory_space<hbm>> -> memref<80x128xf32, #tpu.memory_space<hbm>>
    tpu.enqueue_dma source(%dma_start3A_11 : memref<80x128xf32, #tpu.memory_space<hbm>>) target(%arg8 : memref<80x128xf32, #tpu.memory_space<vmem>>) target_semaphore(%arg11 : memref<!tpu.dma_semaphore, #tpu.memory_space<semaphore_mem>>)
    %scan3A = arith.constant 0 : i32
    %scan3A_12 = arith.constant 0 : i32
    %scan3A_13 = arith.constant 62 : i32
    %scan3A_14 = arith.addi %scan3A_12, %scan3A_13 : i32
    %scan3A_15 = arith.constant 1 : i32
    scf.for %scan3A_43 = %scan3A_12 to %scan3A_14 step %scan3A_15  : i32 {
      %mul3A_44 = arith.constant 2 : i32
      %mul3A_45 = arith.muli %scan3A_43, %mul3A_44 : i32
      %add3A_46 = arith.constant 1 : i32
      %add3A_47 = arith.addi %mul3A_45, %add3A_46 : i32
      %mul3A_48 = arith.constant 80 : i32
      %mul3A_49 = arith.muli %add3A_47, %mul3A_48 : i32
      %add3A_50 = arith.addi %mul3A_2, %mul3A_49 : i32
      %ge3A = arith.constant 2 : i32
      %ge3A_51 = arith.cmpi sge, %add3A_47, %ge3A : i32
      %convert_element_type3A_52 = arith.extui %ge3A_51 : i1 to i32
      %cond3A_53 = arith.constant 0 : i32
      %cond3A_54 = arith.cmpi ne, %convert_element_type3A_52, %cond3A_53 : i32
      scf.if %cond3A_54 {
        %dma_wait3A_93 = arith.constant 0 : i32
        %dma_wait3A_94 = tpu.memref_slice %arg2[%mul3A_2, %dma_wait3A_93] : memref<320000x128xf32, #tpu.memory_space<hbm>> -> memref<80x128xf32, #tpu.memory_space<hbm>>
        %dma_wait3A_95 = arith.constant 0 : i32
        %dma_wait3A_96 = tpu.memref_slice %arg2[%mul3A_2, %dma_wait3A_95] : memref<320000x128xf32, #tpu.memory_space<hbm>> -> memref<80x128xf32, #tpu.memory_space<hbm>>
        tpu.wait_dma2 semaphore(%arg14 : memref<!tpu.dma_semaphore, #tpu.memory_space<semaphore_mem>>) src(%dma_wait3A_96 : memref<80x128xf32, #tpu.memory_space<hbm>>) dst(%arg9 : memref<80x128xf32, #tpu.memory_space<vmem>>)
      } else {
      }
      "tpu.region"() ({
        %run_scoped3A = tpu.sem_alloc : memref<!tpu.dma_semaphore, #tpu.memory_space<semaphore_mem>>
        %dma_start3A_93 = tpu.memref_slice %arg3[%add3A_50] : memref<320000xi32, #tpu.memory_space<hbm>> -> memref<80xi32, #tpu.memory_space<hbm>>
        %dma_start3A_94 = tpu.memref_slice %arg3[%add3A_50] : memref<320000xi32, #tpu.memory_space<hbm>> -> memref<80xi32, #tpu.memory_space<hbm>>
        tpu.enqueue_dma source(%dma_start3A_94 : memref<80xi32, #tpu.memory_space<hbm>>) target(%arg7 : memref<80xi32, #tpu.memory_space<vmem>>) target_semaphore(%run_scoped3A : memref<!tpu.dma_semaphore, #tpu.memory_space<semaphore_mem>>)
        %dma_wait3A_95 = tpu.memref_slice %arg3[%add3A_50] : memref<320000xi32, #tpu.memory_space<hbm>> -> memref<80xi32, #tpu.memory_space<hbm>>
        %dma_wait3A_96 = tpu.memref_slice %arg3[%add3A_50] : memref<320000xi32, #tpu.memory_space<hbm>> -> memref<80xi32, #tpu.memory_space<hbm>>
        tpu.wait_dma2 semaphore(%run_scoped3A : memref<!tpu.dma_semaphore, #tpu.memory_space<semaphore_mem>>) src(%dma_wait3A_96 : memref<80xi32, #tpu.memory_space<hbm>>) dst(%arg7 : memref<80xi32, #tpu.memory_space<vmem>>)
        tpu.yield
      }) : () -> ()
      %dma_start3A_55 = arith.constant 0 : i32
      %dma_start3A_56 = tpu.memref_slice %arg2[%add3A_50, %dma_start3A_55] : memref<320000x128xf32, #tpu.memory_space<hbm>> -> memref<80x128xf32, #tpu.memory_space<hbm>>
      %dma_start3A_57 = arith.constant 0 : i32
      %dma_start3A_58 = tpu.memref_slice %arg2[%add3A_50, %dma_start3A_57] : memref<320000x128xf32, #tpu.memory_space<hbm>> -> memref<80x128xf32, #tpu.memory_space<hbm>>
      tpu.enqueue_dma source(%dma_start3A_58 : memref<80x128xf32, #tpu.memory_space<hbm>>) target(%arg9 : memref<80x128xf32, #tpu.memory_space<vmem>>) target_semaphore(%arg12 : memref<!tpu.dma_semaphore, #tpu.memory_space<semaphore_mem>>)
      %dma_wait3A_59 = arith.constant 0 : i32
      %dma_wait3A_60 = arith.constant 0 : i32
      %dma_wait3A_61 = tpu.memref_slice %arg2[%dma_wait3A_59, %dma_wait3A_60] : memref<320000x128xf32, #tpu.memory_space<hbm>> -> memref<80x128xf32, #tpu.memory_space<hbm>>
      %dma_wait3A_62 = arith.constant 0 : i32
      %dma_wait3A_63 = arith.constant 0 : i32
      %dma_wait3A_64 = tpu.memref_slice %arg2[%dma_wait3A_62, %dma_wait3A_63] : memref<320000x128xf32, #tpu.memory_space<hbm>> -> memref<80x128xf32, #tpu.memory_space<hbm>>
      tpu.wait_dma2 semaphore(%arg11 : memref<!tpu.dma_semaphore, #tpu.memory_space<semaphore_mem>>) src(%dma_wait3A_64 : memref<80x128xf32, #tpu.memory_space<hbm>>) dst(%arg8 : memref<80x128xf32, #tpu.memory_space<vmem>>)
      %dma_start3A_65 = arith.constant 0 : i32
      %dma_start3A_66 = arith.constant 0 : i32
      %dma_start3A_67 = tpu.memref_slice %arg10[%dma_start3A_65, %dma_start3A_66] : memref<10000x128xf32, #tpu.memory_space<vmem_shared>> -> memref<10000x128xf32, #tpu.memory_space<vmem_shared>>
      tpu.enqueue_indirect_dma source(%arg8 : memref<80x128xf32, #tpu.memory_space<vmem>>) target(%dma_start3A_67 : memref<10000x128xf32, #tpu.memory_space<vmem_shared>>) offsets(%arg6 : memref<80xi32, #tpu.memory_space<vmem>>) semaphore(%arg13 : memref<!tpu.dma_semaphore, #tpu.memory_space<semaphore_mem>>) {add = true}
      %add3A_68 = arith.constant 2 : i32
      %add3A_69 = arith.addi %mul3A_45, %add3A_68 : i32
      %mul3A_70 = arith.constant 80 : i32
      %mul3A_71 = arith.muli %add3A_69, %mul3A_70 : i32
      %add3A_72 = arith.addi %mul3A_2, %mul3A_71 : i32
      %ge3A_73 = arith.constant 2 : i32
      %ge3A_74 = arith.cmpi sge, %add3A_69, %ge3A_73 : i32
      %convert_element_type3A_75 = arith.extui %ge3A_74 : i1 to i32
      %cond3A_76 = arith.constant 0 : i32
      %cond3A_77 = arith.cmpi ne, %convert_element_type3A_75, %cond3A_76 : i32
      scf.if %cond3A_77 {
        %dma_wait3A_93 = arith.constant 0 : i32
        %dma_wait3A_94 = tpu.memref_slice %arg2[%mul3A_2, %dma_wait3A_93] : memref<320000x128xf32, #tpu.memory_space<hbm>> -> memref<80x128xf32, #tpu.memory_space<hbm>>
        %dma_wait3A_95 = arith.constant 0 : i32
        %dma_wait3A_96 = tpu.memref_slice %arg2[%mul3A_2, %dma_wait3A_95] : memref<320000x128xf32, #tpu.memory_space<hbm>> -> memref<80x128xf32, #tpu.memory_space<hbm>>
        tpu.wait_dma2 semaphore(%arg13 : memref<!tpu.dma_semaphore, #tpu.memory_space<semaphore_mem>>) src(%dma_wait3A_96 : memref<80x128xf32, #tpu.memory_space<hbm>>) dst(%arg8 : memref<80x128xf32, #tpu.memory_space<vmem>>)
      } else {
      }
      "tpu.region"() ({
        %run_scoped3A = tpu.sem_alloc : memref<!tpu.dma_semaphore, #tpu.memory_space<semaphore_mem>>
        %dma_start3A_93 = tpu.memref_slice %arg3[%add3A_72] : memref<320000xi32, #tpu.memory_space<hbm>> -> memref<80xi32, #tpu.memory_space<hbm>>
        %dma_start3A_94 = tpu.memref_slice %arg3[%add3A_72] : memref<320000xi32, #tpu.memory_space<hbm>> -> memref<80xi32, #tpu.memory_space<hbm>>
        tpu.enqueue_dma source(%dma_start3A_94 : memref<80xi32, #tpu.memory_space<hbm>>) target(%arg6 : memref<80xi32, #tpu.memory_space<vmem>>) target_semaphore(%run_scoped3A : memref<!tpu.dma_semaphore, #tpu.memory_space<semaphore_mem>>)
        %dma_wait3A_95 = tpu.memref_slice %arg3[%add3A_72] : memref<320000xi32, #tpu.memory_space<hbm>> -> memref<80xi32, #tpu.memory_space<hbm>>
        %dma_wait3A_96 = tpu.memref_slice %arg3[%add3A_72] : memref<320000xi32, #tpu.memory_space<hbm>> -> memref<80xi32, #tpu.memory_space<hbm>>
        tpu.wait_dma2 semaphore(%run_scoped3A : memref<!tpu.dma_semaphore, #tpu.memory_space<semaphore_mem>>) src(%dma_wait3A_96 : memref<80xi32, #tpu.memory_space<hbm>>) dst(%arg6 : memref<80xi32, #tpu.memory_space<vmem>>)
        tpu.yield
      }) : () -> ()
      %dma_start3A_78 = arith.constant 0 : i32
      %dma_start3A_79 = tpu.memref_slice %arg2[%add3A_72, %dma_start3A_78] : memref<320000x128xf32, #tpu.memory_space<hbm>> -> memref<80x128xf32, #tpu.memory_space<hbm>>
      %dma_start3A_80 = arith.constant 0 : i32
      %dma_start3A_81 = tpu.memref_slice %arg2[%add3A_72, %dma_start3A_80] : memref<320000x128xf32, #tpu.memory_space<hbm>> -> memref<80x128xf32, #tpu.memory_space<hbm>>
      tpu.enqueue_dma source(%dma_start3A_81 : memref<80x128xf32, #tpu.memory_space<hbm>>) target(%arg8 : memref<80x128xf32, #tpu.memory_space<vmem>>) target_semaphore(%arg11 : memref<!tpu.dma_semaphore, #tpu.memory_space<semaphore_mem>>)
      %add3A_82 = arith.constant 1 : i32
      %add3A_83 = arith.addi %mul3A_45, %add3A_82 : i32
      %dma_wait3A_84 = arith.constant 0 : i32
      %dma_wait3A_85 = arith.constant 0 : i32
      %dma_wait3A_86 = tpu.memref_slice %arg2[%dma_wait3A_84, %dma_wait3A_85] : memref<320000x128xf32, #tpu.memory_space<hbm>> -> memref<80x128xf32, #tpu.memory_space<hbm>>
      %dma_wait3A_87 = arith.constant 0 : i32
      %dma_wait3A_88 = arith.constant 0 : i32
      %dma_wait3A_89 = tpu.memref_slice %arg2[%dma_wait3A_87, %dma_wait3A_88] : memref<320000x128xf32, #tpu.memory_space<hbm>> -> memref<80x128xf32, #tpu.memory_space<hbm>>
      tpu.wait_dma2 semaphore(%arg12 : memref<!tpu.dma_semaphore, #tpu.memory_space<semaphore_mem>>) src(%dma_wait3A_89 : memref<80x128xf32, #tpu.memory_space<hbm>>) dst(%arg9 : memref<80x128xf32, #tpu.memory_space<vmem>>)
      %dma_start3A_90 = arith.constant 0 : i32
      %dma_start3A_91 = arith.constant 0 : i32
      %dma_start3A_92 = tpu.memref_slice %arg10[%dma_start3A_90, %dma_start3A_91] : memref<10000x128xf32, #tpu.memory_space<vmem_shared>> -> memref<10000x128xf32, #tpu.memory_space<vmem_shared>>
      tpu.enqueue_indirect_dma source(%arg9 : memref<80x128xf32, #tpu.memory_space<vmem>>) target(%dma_start3A_92 : memref<10000x128xf32, #tpu.memory_space<vmem_shared>>) offsets(%arg7 : memref<80xi32, #tpu.memory_space<vmem>>) semaphore(%arg14 : memref<!tpu.dma_semaphore, #tpu.memory_space<semaphore_mem>>) {add = true}
    }
    %scan3A_16 = arith.constant 62 : i32
    %dma_wait3A = arith.constant 0 : i32
    %dma_wait3A_17 = arith.constant 0 : i32
    %dma_wait3A_18 = tpu.memref_slice %arg2[%dma_wait3A, %dma_wait3A_17] : memref<320000x128xf32, #tpu.memory_space<hbm>> -> memref<80x128xf32, #tpu.memory_space<hbm>>
    %dma_wait3A_19 = arith.constant 0 : i32
    %dma_wait3A_20 = arith.constant 0 : i32
    %dma_wait3A_21 = tpu.memref_slice %arg2[%dma_wait3A_19, %dma_wait3A_20] : memref<320000x128xf32, #tpu.memory_space<hbm>> -> memref<80x128xf32, #tpu.memory_space<hbm>>
    tpu.wait_dma2 semaphore(%arg11 : memref<!tpu.dma_semaphore, #tpu.memory_space<semaphore_mem>>) src(%dma_wait3A_21 : memref<80x128xf32, #tpu.memory_space<hbm>>) dst(%arg8 : memref<80x128xf32, #tpu.memory_space<vmem>>)
    %dma_start3A_22 = arith.constant 0 : i32
    %dma_start3A_23 = arith.constant 0 : i32
    %dma_start3A_24 = tpu.memref_slice %arg10[%dma_start3A_22, %dma_start3A_23] : memref<10000x128xf32, #tpu.memory_space<vmem_shared>> -> memref<10000x128xf32, #tpu.memory_space<vmem_shared>>
    tpu.enqueue_indirect_dma source(%arg8 : memref<80x128xf32, #tpu.memory_space<vmem>>) target(%dma_start3A_24 : memref<10000x128xf32, #tpu.memory_space<vmem_shared>>) offsets(%arg6 : memref<80xi32, #tpu.memory_space<vmem>>) semaphore(%arg13 : memref<!tpu.dma_semaphore, #tpu.memory_space<semaphore_mem>>) {add = true}
    %dma_wait3A_25 = arith.constant 0 : i32
    %dma_wait3A_26 = tpu.memref_slice %arg2[%mul3A_2, %dma_wait3A_25] : memref<320000x128xf32, #tpu.memory_space<hbm>> -> memref<80x128xf32, #tpu.memory_space<hbm>>
    %dma_wait3A_27 = arith.constant 0 : i32
    %dma_wait3A_28 = tpu.memref_slice %arg2[%mul3A_2, %dma_wait3A_27] : memref<320000x128xf32, #tpu.memory_space<hbm>> -> memref<80x128xf32, #tpu.memory_space<hbm>>
    tpu.wait_dma2 semaphore(%arg13 : memref<!tpu.dma_semaphore, #tpu.memory_space<semaphore_mem>>) src(%dma_wait3A_28 : memref<80x128xf32, #tpu.memory_space<hbm>>) dst(%arg8 : memref<80x128xf32, #tpu.memory_space<vmem>>)
    %dma_wait3A_29 = arith.constant 0 : i32
    %dma_wait3A_30 = tpu.memref_slice %arg2[%mul3A_2, %dma_wait3A_29] : memref<320000x128xf32, #tpu.memory_space<hbm>> -> memref<80x128xf32, #tpu.memory_space<hbm>>
    %dma_wait3A_31 = arith.constant 0 : i32
    %dma_wait3A_32 = tpu.memref_slice %arg2[%mul3A_2, %dma_wait3A_31] : memref<320000x128xf32, #tpu.memory_space<hbm>> -> memref<80x128xf32, #tpu.memory_space<hbm>>
    tpu.wait_dma2 semaphore(%arg14 : memref<!tpu.dma_semaphore, #tpu.memory_space<semaphore_mem>>) src(%dma_wait3A_32 : memref<80x128xf32, #tpu.memory_space<hbm>>) dst(%arg9 : memref<80x128xf32, #tpu.memory_space<vmem>>)
    %barrier3A_33 = arith.constant 0 : index
    tpu.barrier barrier_id(%barrier3A_33)
    %mul3A_34 = arith.constant 624 : i32
    %mul3A_35 = arith.muli %arg1, %mul3A_34 : i32
    %mul3A_36 = arith.constant 624 : i32
    %mul3A_37 = arith.muli %arg1, %mul3A_36 : i32
    "tpu.region"() ({
      %run_scoped3A = tpu.sem_alloc : memref<!tpu.dma_semaphore, #tpu.memory_space<semaphore_mem>>
      %dma_start3A_43 = arith.constant 0 : i32
      %dma_start3A_44 = tpu.memref_slice %arg5[%arg0, %mul3A_37, %dma_start3A_43] : memref<2x10000x128xf32, #tpu.memory_space<hbm>> -> memref<1x624x128xf32, #tpu.memory_space<hbm>>
      %dma_start3A_45 = tpu.memref_squeeze %dma_start3A_44 : memref<1x624x128xf32, #tpu.memory_space<hbm>> -> memref<624x128xf32, #tpu.memory_space<hbm>>
      %dma_start3A_46 = arith.constant 0 : i32
      %dma_start3A_47 = tpu.memref_slice %arg10[%mul3A_35, %dma_start3A_46] : memref<10000x128xf32, #tpu.memory_space<vmem_shared>> -> memref<624x128xf32, #tpu.memory_space<vmem_shared>>
      tpu.enqueue_dma source(%dma_start3A_47 : memref<624x128xf32, #tpu.memory_space<vmem_shared>>) target(%dma_start3A_45 : memref<624x128xf32, #tpu.memory_space<hbm>>) target_semaphore(%run_scoped3A : memref<!tpu.dma_semaphore, #tpu.memory_space<semaphore_mem>>)
      %dma_wait3A_48 = arith.constant 0 : i32
      %dma_wait3A_49 = tpu.memref_slice %arg5[%arg0, %mul3A_37, %dma_wait3A_48] : memref<2x10000x128xf32, #tpu.memory_space<hbm>> -> memref<1x624x128xf32, #tpu.memory_space<hbm>>
      %dma_wait3A_50 = tpu.memref_squeeze %dma_wait3A_49 : memref<1x624x128xf32, #tpu.memory_space<hbm>> -> memref<624x128xf32, #tpu.memory_space<hbm>>
      %dma_wait3A_51 = arith.constant 0 : i32
      %dma_wait3A_52 = tpu.memref_slice %arg10[%mul3A_35, %dma_wait3A_51] : memref<10000x128xf32, #tpu.memory_space<vmem_shared>> -> memref<624x128xf32, #tpu.memory_space<vmem_shared>>
      tpu.wait_dma2 semaphore(%run_scoped3A : memref<!tpu.dma_semaphore, #tpu.memory_space<semaphore_mem>>) src(%dma_wait3A_52 : memref<624x128xf32, #tpu.memory_space<vmem_shared>>) dst(%dma_wait3A_50 : memref<624x128xf32, #tpu.memory_space<hbm>>)
      tpu.yield
    }) : () -> ()
    %eq3A_38 = arith.constant 15 : i32
    %eq3A_39 = arith.cmpi eq, %arg1, %eq3A_38 : i32
    %convert_element_type3A_40 = arith.extui %eq3A_39 : i1 to i32
    %cond3A_41 = arith.constant 0 : i32
    %cond3A_42 = arith.cmpi ne, %convert_element_type3A_40, %cond3A_41 : i32
    scf.if %cond3A_42 {
      "tpu.region"() ({
        %run_scoped3A = tpu.sem_alloc : memref<!tpu.dma_semaphore, #tpu.memory_space<semaphore_mem>>
        %dma_start3A_43 = arith.constant 9984 : i32
        %dma_start3A_44 = arith.constant 0 : i32
        %dma_start3A_45 = tpu.memref_slice %arg5[%arg0, %dma_start3A_43, %dma_start3A_44] : memref<2x10000x128xf32, #tpu.memory_space<hbm>> -> memref<1x16x128xf32, #tpu.memory_space<hbm>>
        %dma_start3A_46 = tpu.memref_squeeze %dma_start3A_45 : memref<1x16x128xf32, #tpu.memory_space<hbm>> -> memref<16x128xf32, #tpu.memory_space<hbm>>
        %dma_start3A_47 = arith.constant 9984 : i32
        %dma_start3A_48 = arith.constant 0 : i32
        %dma_start3A_49 = tpu.memref_slice %arg10[%dma_start3A_47, %dma_start3A_48] : memref<10000x128xf32, #tpu.memory_space<vmem_shared>> -> memref<16x128xf32, #tpu.memory_space<vmem_shared>>
        tpu.enqueue_dma source(%dma_start3A_49 : memref<16x128xf32, #tpu.memory_space<vmem_shared>>) target(%dma_start3A_46 : memref<16x128xf32, #tpu.memory_space<hbm>>) target_semaphore(%run_scoped3A : memref<!tpu.dma_semaphore, #tpu.memory_space<semaphore_mem>>)
        %dma_wait3A_50 = arith.constant 9984 : i32
        %dma_wait3A_51 = arith.constant 0 : i32
        %dma_wait3A_52 = tpu.memref_slice %arg5[%arg0, %dma_wait3A_50, %dma_wait3A_51] : memref<2x10000x128xf32, #tpu.memory_space<hbm>> -> memref<1x16x128xf32, #tpu.memory_space<hbm>>
        %dma_wait3A_53 = tpu.memref_squeeze %dma_wait3A_52 : memref<1x16x128xf32, #tpu.memory_space<hbm>> -> memref<16x128xf32, #tpu.memory_space<hbm>>
        %dma_wait3A_54 = arith.constant 9984 : i32
        %dma_wait3A_55 = arith.constant 0 : i32
        %dma_wait3A_56 = tpu.memref_slice %arg10[%dma_wait3A_54, %dma_wait3A_55] : memref<10000x128xf32, #tpu.memory_space<vmem_shared>> -> memref<16x128xf32, #tpu.memory_space<vmem_shared>>
        tpu.wait_dma2 semaphore(%run_scoped3A : memref<!tpu.dma_semaphore, #tpu.memory_space<semaphore_mem>>) src(%dma_wait3A_56 : memref<16x128xf32, #tpu.memory_space<vmem_shared>>) dst(%dma_wait3A_53 : memref<16x128xf32, #tpu.memory_space<hbm>>)
        tpu.yield
      }) : () -> ()
    } else {
    }
    return
  }
}

#map = affine_map<(d0, d1) -> (0, 0)>
#map1 = affine_map<(d0, d1) -> (0)>
module attributes {stable_mosaic.version = 14 : i64} {
  func.func @kern(%arg0: i32, %arg1: i32, %arg2: memref<10000x128xf32, #tpu.memory_space<hbm>>, %arg3: memref<10000x128xf32, #tpu.memory_space<hbm>>, %arg4: memref<320000xi32, #tpu.memory_space<hbm>>, %arg5: memref<320000xi32, #tpu.memory_space<hbm>>, %arg6: memref<320000x128xf32, #tpu.memory_space<hbm>>, %arg7: memref<80xi32, #tpu.memory_space<vmem>>, %arg8: memref<80xi32, #tpu.memory_space<vmem>>, %arg9: memref<80xi32, #tpu.memory_space<vmem>>, %arg10: memref<80xi32, #tpu.memory_space<vmem>>, %arg11: memref<80x128xf32, #tpu.memory_space<vmem>>, %arg12: memref<80x128xf32, #tpu.memory_space<vmem>>, %arg13: memref<80x128xf32, #tpu.memory_space<vmem>>, %arg14: memref<80x128xf32, #tpu.memory_space<vmem>>, %arg15: memref<!tpu.dma_semaphore, #tpu.memory_space<semaphore_mem>>, %arg16: memref<!tpu.dma_semaphore, #tpu.memory_space<semaphore_mem>>, %arg17: memref<!tpu.dma_semaphore, #tpu.memory_space<semaphore_mem>>, %arg18: memref<!tpu.dma_semaphore, #tpu.memory_space<semaphore_mem>>) attributes {dimension_semantics = [#tpu.dimension_semantics<core_parallel>, #tpu.dimension_semantics<subcore_parallel>], iteration_bounds = array<i64: 2, 16>, scalar_prefetch = 0 : i64, scratch_operands = 12 : i64, tpu.core_type = #tpu.core_type<sc_vector_subcore>, window_params = [{transform_indices = #map}, {transform_indices = #map}, {transform_indices = #map1}, {transform_indices = #map1}, {transform_indices = #map}]} {
    %mul3A = arith.constant 16 : i32
    %mul3A_0 = arith.muli %arg0, %mul3A : i32
    %add3A = arith.addi %mul3A_0, %arg1 : i32
    %mul3A_1 = arith.constant 10000 : i32
    %mul3A_2 = arith.muli %add3A, %mul3A_1 : i32
    %add3A_3 = arith.constant 0 : i32
    %add3A_4 = arith.addi %mul3A_2, %add3A_3 : i32
    "tpu.region"() ({
      %run_scoped3A = tpu.sem_alloc : memref<!tpu.dma_semaphore, #tpu.memory_space<semaphore_mem>>
      %dma_start3A_40 = tpu.memref_slice %arg4[%add3A_4] : memref<320000xi32, #tpu.memory_space<hbm>> -> memref<80xi32, #tpu.memory_space<hbm>>
      %dma_start3A_41 = tpu.memref_slice %arg4[%add3A_4] : memref<320000xi32, #tpu.memory_space<hbm>> -> memref<80xi32, #tpu.memory_space<hbm>>
      tpu.enqueue_dma source(%dma_start3A_41 : memref<80xi32, #tpu.memory_space<hbm>>) target(%arg7 : memref<80xi32, #tpu.memory_space<vmem>>) target_semaphore(%run_scoped3A : memref<!tpu.dma_semaphore, #tpu.memory_space<semaphore_mem>>)
      %dma_wait3A_42 = tpu.memref_slice %arg4[%add3A_4] : memref<320000xi32, #tpu.memory_space<hbm>> -> memref<80xi32, #tpu.memory_space<hbm>>
      %dma_wait3A_43 = tpu.memref_slice %arg4[%add3A_4] : memref<320000xi32, #tpu.memory_space<hbm>> -> memref<80xi32, #tpu.memory_space<hbm>>
      tpu.wait_dma2 semaphore(%run_scoped3A : memref<!tpu.dma_semaphore, #tpu.memory_space<semaphore_mem>>) src(%dma_wait3A_43 : memref<80xi32, #tpu.memory_space<hbm>>) dst(%arg7 : memref<80xi32, #tpu.memory_space<vmem>>)
      tpu.yield
    }) : () -> ()
    "tpu.region"() ({
      %run_scoped3A = tpu.sem_alloc : memref<!tpu.dma_semaphore, #tpu.memory_space<semaphore_mem>>
      %dma_start3A_40 = tpu.memref_slice %arg5[%add3A_4] : memref<320000xi32, #tpu.memory_space<hbm>> -> memref<80xi32, #tpu.memory_space<hbm>>
      %dma_start3A_41 = tpu.memref_slice %arg5[%add3A_4] : memref<320000xi32, #tpu.memory_space<hbm>> -> memref<80xi32, #tpu.memory_space<hbm>>
      tpu.enqueue_dma source(%dma_start3A_41 : memref<80xi32, #tpu.memory_space<hbm>>) target(%arg9 : memref<80xi32, #tpu.memory_space<vmem>>) target_semaphore(%run_scoped3A : memref<!tpu.dma_semaphore, #tpu.memory_space<semaphore_mem>>)
      %dma_wait3A_42 = tpu.memref_slice %arg5[%add3A_4] : memref<320000xi32, #tpu.memory_space<hbm>> -> memref<80xi32, #tpu.memory_space<hbm>>
      %dma_wait3A_43 = tpu.memref_slice %arg5[%add3A_4] : memref<320000xi32, #tpu.memory_space<hbm>> -> memref<80xi32, #tpu.memory_space<hbm>>
      tpu.wait_dma2 semaphore(%run_scoped3A : memref<!tpu.dma_semaphore, #tpu.memory_space<semaphore_mem>>) src(%dma_wait3A_43 : memref<80xi32, #tpu.memory_space<hbm>>) dst(%arg9 : memref<80xi32, #tpu.memory_space<vmem>>)
      tpu.yield
    }) : () -> ()
    %dma_start3A = arith.constant 0 : i32
    %dma_start3A_5 = arith.constant 0 : i32
    %dma_start3A_6 = tpu.memref_slice %arg2[%dma_start3A, %dma_start3A_5] : memref<10000x128xf32, #tpu.memory_space<hbm>> -> memref<10000x128xf32, #tpu.memory_space<hbm>>
    tpu.enqueue_indirect_dma source(%dma_start3A_6 : memref<10000x128xf32, #tpu.memory_space<hbm>>) target(%arg11 : memref<80x128xf32, #tpu.memory_space<vmem>>) offsets(%arg7 : memref<80xi32, #tpu.memory_space<vmem>>) semaphore(%arg15 : memref<!tpu.dma_semaphore, #tpu.memory_space<semaphore_mem>>)
    %dma_start3A_7 = arith.constant 0 : i32
    %dma_start3A_8 = arith.constant 0 : i32
    %dma_start3A_9 = tpu.memref_slice %arg3[%dma_start3A_7, %dma_start3A_8] : memref<10000x128xf32, #tpu.memory_space<hbm>> -> memref<10000x128xf32, #tpu.memory_space<hbm>>
    tpu.enqueue_indirect_dma source(%dma_start3A_9 : memref<10000x128xf32, #tpu.memory_space<hbm>>) target(%arg13 : memref<80x128xf32, #tpu.memory_space<vmem>>) offsets(%arg9 : memref<80xi32, #tpu.memory_space<vmem>>) semaphore(%arg15 : memref<!tpu.dma_semaphore, #tpu.memory_space<semaphore_mem>>)
    %scan3A = arith.constant 0 : i32
    %scan3A_10 = arith.constant 0 : i32
    %scan3A_11 = arith.constant 62 : i32
    %scan3A_12 = arith.addi %scan3A_10, %scan3A_11 : i32
    %scan3A_13 = arith.constant 1 : i32
    scf.for %scan3A_40 = %scan3A_10 to %scan3A_12 step %scan3A_13  : i32 {
      %mul3A_41 = arith.constant 2 : i32
      %mul3A_42 = arith.muli %scan3A_40, %mul3A_41 : i32
      %add3A_43 = arith.constant 1 : i32
      %add3A_44 = arith.addi %mul3A_42, %add3A_43 : i32
      %mul3A_45 = arith.constant 80 : i32
      %mul3A_46 = arith.muli %add3A_44, %mul3A_45 : i32
      %add3A_47 = arith.addi %mul3A_2, %mul3A_46 : i32
      %ge3A = arith.constant 2 : i32
      %ge3A_48 = arith.cmpi sge, %add3A_44, %ge3A : i32
      %convert_element_type3A = arith.extui %ge3A_48 : i1 to i32
      %cond3A = arith.constant 0 : i32
      %cond3A_49 = arith.cmpi ne, %convert_element_type3A, %cond3A : i32
      scf.if %cond3A_49 {
        %dma_wait3A_112 = arith.constant 0 : i32
        %dma_wait3A_113 = tpu.memref_slice %arg6[%mul3A_2, %dma_wait3A_112] : memref<320000x128xf32, #tpu.memory_space<hbm>> -> memref<80x128xf32, #tpu.memory_space<hbm>>
        %dma_wait3A_114 = arith.constant 0 : i32
        %dma_wait3A_115 = tpu.memref_slice %arg6[%mul3A_2, %dma_wait3A_114] : memref<320000x128xf32, #tpu.memory_space<hbm>> -> memref<80x128xf32, #tpu.memory_space<hbm>>
        tpu.wait_dma2 semaphore(%arg18 : memref<!tpu.dma_semaphore, #tpu.memory_space<semaphore_mem>>) src(%dma_wait3A_115 : memref<80x128xf32, #tpu.memory_space<hbm>>) dst(%arg12 : memref<80x128xf32, #tpu.memory_space<vmem>>)
      } else {
      }
      "tpu.region"() ({
        %run_scoped3A = tpu.sem_alloc : memref<!tpu.dma_semaphore, #tpu.memory_space<semaphore_mem>>
        %dma_start3A_112 = tpu.memref_slice %arg4[%add3A_47] : memref<320000xi32, #tpu.memory_space<hbm>> -> memref<80xi32, #tpu.memory_space<hbm>>
        %dma_start3A_113 = tpu.memref_slice %arg4[%add3A_47] : memref<320000xi32, #tpu.memory_space<hbm>> -> memref<80xi32, #tpu.memory_space<hbm>>
        tpu.enqueue_dma source(%dma_start3A_113 : memref<80xi32, #tpu.memory_space<hbm>>) target(%arg8 : memref<80xi32, #tpu.memory_space<vmem>>) target_semaphore(%run_scoped3A : memref<!tpu.dma_semaphore, #tpu.memory_space<semaphore_mem>>)
        %dma_wait3A_114 = tpu.memref_slice %arg4[%add3A_47] : memref<320000xi32, #tpu.memory_space<hbm>> -> memref<80xi32, #tpu.memory_space<hbm>>
        %dma_wait3A_115 = tpu.memref_slice %arg4[%add3A_47] : memref<320000xi32, #tpu.memory_space<hbm>> -> memref<80xi32, #tpu.memory_space<hbm>>
        tpu.wait_dma2 semaphore(%run_scoped3A : memref<!tpu.dma_semaphore, #tpu.memory_space<semaphore_mem>>) src(%dma_wait3A_115 : memref<80xi32, #tpu.memory_space<hbm>>) dst(%arg8 : memref<80xi32, #tpu.memory_space<vmem>>)
        tpu.yield
      }) : () -> ()
      "tpu.region"() ({
        %run_scoped3A = tpu.sem_alloc : memref<!tpu.dma_semaphore, #tpu.memory_space<semaphore_mem>>
        %dma_start3A_112 = tpu.memref_slice %arg5[%add3A_47] : memref<320000xi32, #tpu.memory_space<hbm>> -> memref<80xi32, #tpu.memory_space<hbm>>
        %dma_start3A_113 = tpu.memref_slice %arg5[%add3A_47] : memref<320000xi32, #tpu.memory_space<hbm>> -> memref<80xi32, #tpu.memory_space<hbm>>
        tpu.enqueue_dma source(%dma_start3A_113 : memref<80xi32, #tpu.memory_space<hbm>>) target(%arg10 : memref<80xi32, #tpu.memory_space<vmem>>) target_semaphore(%run_scoped3A : memref<!tpu.dma_semaphore, #tpu.memory_space<semaphore_mem>>)
        %dma_wait3A_114 = tpu.memref_slice %arg5[%add3A_47] : memref<320000xi32, #tpu.memory_space<hbm>> -> memref<80xi32, #tpu.memory_space<hbm>>
        %dma_wait3A_115 = tpu.memref_slice %arg5[%add3A_47] : memref<320000xi32, #tpu.memory_space<hbm>> -> memref<80xi32, #tpu.memory_space<hbm>>
        tpu.wait_dma2 semaphore(%run_scoped3A : memref<!tpu.dma_semaphore, #tpu.memory_space<semaphore_mem>>) src(%dma_wait3A_115 : memref<80xi32, #tpu.memory_space<hbm>>) dst(%arg10 : memref<80xi32, #tpu.memory_space<vmem>>)
        tpu.yield
      }) : () -> ()
      %dma_start3A_50 = arith.constant 0 : i32
      %dma_start3A_51 = arith.constant 0 : i32
      %dma_start3A_52 = tpu.memref_slice %arg2[%dma_start3A_50, %dma_start3A_51] : memref<10000x128xf32, #tpu.memory_space<hbm>> -> memref<10000x128xf32, #tpu.memory_space<hbm>>
      tpu.enqueue_indirect_dma source(%dma_start3A_52 : memref<10000x128xf32, #tpu.memory_space<hbm>>) target(%arg12 : memref<80x128xf32, #tpu.memory_space<vmem>>) offsets(%arg8 : memref<80xi32, #tpu.memory_space<vmem>>) semaphore(%arg16 : memref<!tpu.dma_semaphore, #tpu.memory_space<semaphore_mem>>)
      %dma_start3A_53 = arith.constant 0 : i32
      %dma_start3A_54 = arith.constant 0 : i32
      %dma_start3A_55 = tpu.memref_slice %arg3[%dma_start3A_53, %dma_start3A_54] : memref<10000x128xf32, #tpu.memory_space<hbm>> -> memref<10000x128xf32, #tpu.memory_space<hbm>>
      tpu.enqueue_indirect_dma source(%dma_start3A_55 : memref<10000x128xf32, #tpu.memory_space<hbm>>) target(%arg14 : memref<80x128xf32, #tpu.memory_space<vmem>>) offsets(%arg10 : memref<80xi32, #tpu.memory_space<vmem>>) semaphore(%arg16 : memref<!tpu.dma_semaphore, #tpu.memory_space<semaphore_mem>>)
      %dma_wait3A_56 = arith.constant 0 : i32
      %dma_wait3A_57 = arith.constant 0 : i32
      %dma_wait3A_58 = tpu.memref_slice %arg2[%dma_wait3A_56, %dma_wait3A_57] : memref<10000x128xf32, #tpu.memory_space<hbm>> -> memref<10000x128xf32, #tpu.memory_space<hbm>>
      tpu.wait_indirect_dma semaphore(%arg15 : memref<!tpu.dma_semaphore, #tpu.memory_space<semaphore_mem>>) src(%dma_wait3A_58 : memref<10000x128xf32, #tpu.memory_space<hbm>>) dst(%arg11 : memref<80x128xf32, #tpu.memory_space<vmem>>)
      %dma_wait3A_59 = arith.constant 0 : i32
      %dma_wait3A_60 = arith.constant 0 : i32
      %dma_wait3A_61 = tpu.memref_slice %arg3[%dma_wait3A_59, %dma_wait3A_60] : memref<10000x128xf32, #tpu.memory_space<hbm>> -> memref<10000x128xf32, #tpu.memory_space<hbm>>
      tpu.wait_indirect_dma semaphore(%arg15 : memref<!tpu.dma_semaphore, #tpu.memory_space<semaphore_mem>>) src(%dma_wait3A_61 : memref<10000x128xf32, #tpu.memory_space<hbm>>) dst(%arg13 : memref<80x128xf32, #tpu.memory_space<vmem>>)
      %scan3A_62 = arith.constant 0 : i32
      %scan3A_63 = arith.constant 0 : i32
      %scan3A_64 = arith.constant 80 : i32
      %scan3A_65 = arith.addi %scan3A_63, %scan3A_64 : i32
      %scan3A_66 = arith.constant 1 : i32
      scf.for %scan3A_112 = %scan3A_63 to %scan3A_65 step %scan3A_66  : i32 {
        %get3A = arith.index_cast %scan3A_112 : i32 to index
        %get3A_113 = arith.constant 0 : index
        %get3A_114 = tpu.vector_load %arg11[%get3A, %get3A_113] {strides = array<i32>} : memref<80x128xf32, #tpu.memory_space<vmem>>, vector<1x16xf32>,
        %get3A_115 = vector.shape_cast %get3A_114 : vector<1x16xf32> to vector<16xf32>
        %get3A_116 = arith.index_cast %scan3A_112 : i32 to index
        %get3A_117 = arith.constant 0 : index
        %get3A_118 = tpu.vector_load %arg13[%get3A_116, %get3A_117] {strides = array<i32>} : memref<80x128xf32, #tpu.memory_space<vmem>>, vector<1x16xf32>,
        %get3A_119 = vector.shape_cast %get3A_118 : vector<1x16xf32> to vector<16xf32>
        %add3A_120 = arith.addf %get3A_115, %get3A_119 : vector<16xf32>
        %swap3A = arith.index_cast %scan3A_112 : i32 to index
        %swap3A_121 = arith.constant 0 : index
        %swap3A_122 = tpu.vector_load %arg11[%swap3A, %swap3A_121] {strides = array<i32>} : memref<80x128xf32, #tpu.memory_space<vmem>>, vector<1x16xf32>,
        %swap3A_123 = vector.shape_cast %swap3A_122 : vector<1x16xf32> to vector<16xf32>
        %swap3A_124 = vector.shape_cast %add3A_120 : vector<16xf32> to vector<1x16xf32>
        tpu.vector_store %arg11[%swap3A, %swap3A_121], %swap3A_124 {strides = array<i32>} : memref<80x128xf32, #tpu.memory_space<vmem>>, vector<1x16xf32>,
        %get3A_125 = arith.index_cast %scan3A_112 : i32 to index
        %get3A_126 = arith.constant 16 : index
        %get3A_127 = tpu.vector_load %arg11[%get3A_125, %get3A_126] {strides = array<i32>} : memref<80x128xf32, #tpu.memory_space<vmem>>, vector<1x16xf32>,
        %get3A_128 = vector.shape_cast %get3A_127 : vector<1x16xf32> to vector<16xf32>
        %get3A_129 = arith.index_cast %scan3A_112 : i32 to index
        %get3A_130 = arith.constant 16 : index
        %get3A_131 = tpu.vector_load %arg13[%get3A_129, %get3A_130] {strides = array<i32>} : memref<80x128xf32, #tpu.memory_space<vmem>>, vector<1x16xf32>,
        %get3A_132 = vector.shape_cast %get3A_131 : vector<1x16xf32> to vector<16xf32>
        %add3A_133 = arith.addf %get3A_128, %get3A_132 : vector<16xf32>
        %swap3A_134 = arith.index_cast %scan3A_112 : i32 to index
        %swap3A_135 = arith.constant 16 : index
        %swap3A_136 = tpu.vector_load %arg11[%swap3A_134, %swap3A_135] {strides = array<i32>} : memref<80x128xf32, #tpu.memory_space<vmem>>, vector<1x16xf32>,
        %swap3A_137 = vector.shape_cast %swap3A_136 : vector<1x16xf32> to vector<16xf32>
        %swap3A_138 = vector.shape_cast %add3A_133 : vector<16xf32> to vector<1x16xf32>
        tpu.vector_store %arg11[%swap3A_134, %swap3A_135], %swap3A_138 {strides = array<i32>} : memref<80x128xf32, #tpu.memory_space<vmem>>, vector<1x16xf32>,
        %get3A_139 = arith.index_cast %scan3A_112 : i32 to index
        %get3A_140 = arith.constant 32 : index
        %get3A_141 = tpu.vector_load %arg11[%get3A_139, %get3A_140] {strides = array<i32>} : memref<80x128xf32, #tpu.memory_space<vmem>>, vector<1x16xf32>,
        %get3A_142 = vector.shape_cast %get3A_141 : vector<1x16xf32> to vector<16xf32>
        %get3A_143 = arith.index_cast %scan3A_112 : i32 to index
        %get3A_144 = arith.constant 32 : index
        %get3A_145 = tpu.vector_load %arg13[%get3A_143, %get3A_144] {strides = array<i32>} : memref<80x128xf32, #tpu.memory_space<vmem>>, vector<1x16xf32>,
        %get3A_146 = vector.shape_cast %get3A_145 : vector<1x16xf32> to vector<16xf32>
        %add3A_147 = arith.addf %get3A_142, %get3A_146 : vector<16xf32>
        %swap3A_148 = arith.index_cast %scan3A_112 : i32 to index
        %swap3A_149 = arith.constant 32 : index
        %swap3A_150 = tpu.vector_load %arg11[%swap3A_148, %swap3A_149] {strides = array<i32>} : memref<80x128xf32, #tpu.memory_space<vmem>>, vector<1x16xf32>,
        %swap3A_151 = vector.shape_cast %swap3A_150 : vector<1x16xf32> to vector<16xf32>
        %swap3A_152 = vector.shape_cast %add3A_147 : vector<16xf32> to vector<1x16xf32>
        tpu.vector_store %arg11[%swap3A_148, %swap3A_149], %swap3A_152 {strides = array<i32>} : memref<80x128xf32, #tpu.memory_space<vmem>>, vector<1x16xf32>,
        %get3A_153 = arith.index_cast %scan3A_112 : i32 to index
        %get3A_154 = arith.constant 48 : index
        %get3A_155 = tpu.vector_load %arg11[%get3A_153, %get3A_154] {strides = array<i32>} : memref<80x128xf32, #tpu.memory_space<vmem>>, vector<1x16xf32>,
        %get3A_156 = vector.shape_cast %get3A_155 : vector<1x16xf32> to vector<16xf32>
        %get3A_157 = arith.index_cast %scan3A_112 : i32 to index
        %get3A_158 = arith.constant 48 : index
        %get3A_159 = tpu.vector_load %arg13[%get3A_157, %get3A_158] {strides = array<i32>} : memref<80x128xf32, #tpu.memory_space<vmem>>, vector<1x16xf32>,
        %get3A_160 = vector.shape_cast %get3A_159 : vector<1x16xf32> to vector<16xf32>
        %add3A_161 = arith.addf %get3A_156, %get3A_160 : vector<16xf32>
        %swap3A_162 = arith.index_cast %scan3A_112 : i32 to index
        %swap3A_163 = arith.constant 48 : index
        %swap3A_164 = tpu.vector_load %arg11[%swap3A_162, %swap3A_163] {strides = array<i32>} : memref<80x128xf32, #tpu.memory_space<vmem>>, vector<1x16xf32>,
        %swap3A_165 = vector.shape_cast %swap3A_164 : vector<1x16xf32> to vector<16xf32>
        %swap3A_166 = vector.shape_cast %add3A_161 : vector<16xf32> to vector<1x16xf32>
        tpu.vector_store %arg11[%swap3A_162, %swap3A_163], %swap3A_166 {strides = array<i32>} : memref<80x128xf32, #tpu.memory_space<vmem>>, vector<1x16xf32>,
        %get3A_167 = arith.index_cast %scan3A_112 : i32 to index
        %get3A_168 = arith.constant 64 : index
        %get3A_169 = tpu.vector_load %arg11[%get3A_167, %get3A_168] {strides = array<i32>} : memref<80x128xf32, #tpu.memory_space<vmem>>, vector<1x16xf32>,
        %get3A_170 = vector.shape_cast %get3A_169 : vector<1x16xf32> to vector<16xf32>
        %get3A_171 = arith.index_cast %scan3A_112 : i32 to index
        %get3A_172 = arith.constant 64 : index
        %get3A_173 = tpu.vector_load %arg13[%get3A_171, %get3A_172] {strides = array<i32>} : memref<80x128xf32, #tpu.memory_space<vmem>>, vector<1x16xf32>,
        %get3A_174 = vector.shape_cast %get3A_173 : vector<1x16xf32> to vector<16xf32>
        %add3A_175 = arith.addf %get3A_170, %get3A_174 : vector<16xf32>
        %swap3A_176 = arith.index_cast %scan3A_112 : i32 to index
        %swap3A_177 = arith.constant 64 : index
        %swap3A_178 = tpu.vector_load %arg11[%swap3A_176, %swap3A_177] {strides = array<i32>} : memref<80x128xf32, #tpu.memory_space<vmem>>, vector<1x16xf32>,
        %swap3A_179 = vector.shape_cast %swap3A_178 : vector<1x16xf32> to vector<16xf32>
        %swap3A_180 = vector.shape_cast %add3A_175 : vector<16xf32> to vector<1x16xf32>
        tpu.vector_store %arg11[%swap3A_176, %swap3A_177], %swap3A_180 {strides = array<i32>} : memref<80x128xf32, #tpu.memory_space<vmem>>, vector<1x16xf32>,
        %get3A_181 = arith.index_cast %scan3A_112 : i32 to index
        %get3A_182 = arith.constant 80 : index
        %get3A_183 = tpu.vector_load %arg11[%get3A_181, %get3A_182] {strides = array<i32>} : memref<80x128xf32, #tpu.memory_space<vmem>>, vector<1x16xf32>,
        %get3A_184 = vector.shape_cast %get3A_183 : vector<1x16xf32> to vector<16xf32>
        %get3A_185 = arith.index_cast %scan3A_112 : i32 to index
        %get3A_186 = arith.constant 80 : index
        %get3A_187 = tpu.vector_load %arg13[%get3A_185, %get3A_186] {strides = array<i32>} : memref<80x128xf32, #tpu.memory_space<vmem>>, vector<1x16xf32>,
        %get3A_188 = vector.shape_cast %get3A_187 : vector<1x16xf32> to vector<16xf32>
        %add3A_189 = arith.addf %get3A_184, %get3A_188 : vector<16xf32>
        %swap3A_190 = arith.index_cast %scan3A_112 : i32 to index
        %swap3A_191 = arith.constant 80 : index
        %swap3A_192 = tpu.vector_load %arg11[%swap3A_190, %swap3A_191] {strides = array<i32>} : memref<80x128xf32, #tpu.memory_space<vmem>>, vector<1x16xf32>,
        %swap3A_193 = vector.shape_cast %swap3A_192 : vector<1x16xf32> to vector<16xf32>
        %swap3A_194 = vector.shape_cast %add3A_189 : vector<16xf32> to vector<1x16xf32>
        tpu.vector_store %arg11[%swap3A_190, %swap3A_191], %swap3A_194 {strides = array<i32>} : memref<80x128xf32, #tpu.memory_space<vmem>>, vector<1x16xf32>,
        %get3A_195 = arith.index_cast %scan3A_112 : i32 to index
        %get3A_196 = arith.constant 96 : index
        %get3A_197 = tpu.vector_load %arg11[%get3A_195, %get3A_196] {strides = array<i32>} : memref<80x128xf32, #tpu.memory_space<vmem>>, vector<1x16xf32>,
        %get3A_198 = vector.shape_cast %get3A_197 : vector<1x16xf32> to vector<16xf32>
        %get3A_199 = arith.index_cast %scan3A_112 : i32 to index
        %get3A_200 = arith.constant 96 : index
        %get3A_201 = tpu.vector_load %arg13[%get3A_199, %get3A_200] {strides = array<i32>} : memref<80x128xf32, #tpu.memory_space<vmem>>, vector<1x16xf32>,
        %get3A_202 = vector.shape_cast %get3A_201 : vector<1x16xf32> to vector<16xf32>
        %add3A_203 = arith.addf %get3A_198, %get3A_202 : vector<16xf32>
        %swap3A_204 = arith.index_cast %scan3A_112 : i32 to index
        %swap3A_205 = arith.constant 96 : index
        %swap3A_206 = tpu.vector_load %arg11[%swap3A_204, %swap3A_205] {strides = array<i32>} : memref<80x128xf32, #tpu.memory_space<vmem>>, vector<1x16xf32>,
        %swap3A_207 = vector.shape_cast %swap3A_206 : vector<1x16xf32> to vector<16xf32>
        %swap3A_208 = vector.shape_cast %add3A_203 : vector<16xf32> to vector<1x16xf32>
        tpu.vector_store %arg11[%swap3A_204, %swap3A_205], %swap3A_208 {strides = array<i32>} : memref<80x128xf32, #tpu.memory_space<vmem>>, vector<1x16xf32>,
        %get3A_209 = arith.index_cast %scan3A_112 : i32 to index
        %get3A_210 = arith.constant 112 : index
        %get3A_211 = tpu.vector_load %arg11[%get3A_209, %get3A_210] {strides = array<i32>} : memref<80x128xf32, #tpu.memory_space<vmem>>, vector<1x16xf32>,
        %get3A_212 = vector.shape_cast %get3A_211 : vector<1x16xf32> to vector<16xf32>
        %get3A_213 = arith.index_cast %scan3A_112 : i32 to index
        %get3A_214 = arith.constant 112 : index
        %get3A_215 = tpu.vector_load %arg13[%get3A_213, %get3A_214] {strides = array<i32>} : memref<80x128xf32, #tpu.memory_space<vmem>>, vector<1x16xf32>,
        %get3A_216 = vector.shape_cast %get3A_215 : vector<1x16xf32> to vector<16xf32>
        %add3A_217 = arith.addf %get3A_212, %get3A_216 : vector<16xf32>
        %swap3A_218 = arith.index_cast %scan3A_112 : i32 to index
        %swap3A_219 = arith.constant 112 : index
        %swap3A_220 = tpu.vector_load %arg11[%swap3A_218, %swap3A_219] {strides = array<i32>} : memref<80x128xf32, #tpu.memory_space<vmem>>, vector<1x16xf32>,
        %swap3A_221 = vector.shape_cast %swap3A_220 : vector<1x16xf32> to vector<16xf32>
        %swap3A_222 = vector.shape_cast %add3A_217 : vector<16xf32> to vector<1x16xf32>
        tpu.vector_store %arg11[%swap3A_218, %swap3A_219], %swap3A_222 {strides = array<i32>} : memref<80x128xf32, #tpu.memory_space<vmem>>, vector<1x16xf32>,
      }
      %scan3A_67 = arith.constant 80 : i32
      %mul3A_68 = arith.constant 80 : i32
      %mul3A_69 = arith.muli %mul3A_42, %mul3A_68 : i32
      %add3A_70 = arith.addi %mul3A_2, %mul3A_69 : i32
      %dma_start3A_71 = arith.constant 0 : i32
      %dma_start3A_72 = tpu.memref_slice %arg6[%add3A_70, %dma_start3A_71] : memref<320000x128xf32, #tpu.memory_space<hbm>> -> memref<80x128xf32, #tpu.memory_space<hbm>>
      %dma_start3A_73 = arith.constant 0 : i32
      %dma_start3A_74 = tpu.memref_slice %arg6[%add3A_70, %dma_start3A_73] : memref<320000x128xf32, #tpu.memory_space<hbm>> -> memref<80x128xf32, #tpu.memory_space<hbm>>
      tpu.enqueue_dma source(%arg11 : memref<80x128xf32, #tpu.memory_space<vmem>>) target(%dma_start3A_74 : memref<80x128xf32, #tpu.memory_space<hbm>>) target_semaphore(%arg17 : memref<!tpu.dma_semaphore, #tpu.memory_space<semaphore_mem>>)
      %add3A_75 = arith.constant 2 : i32
      %add3A_76 = arith.addi %mul3A_42, %add3A_75 : i32
      %mul3A_77 = arith.constant 80 : i32
      %mul3A_78 = arith.muli %add3A_76, %mul3A_77 : i32
      %add3A_79 = arith.addi %mul3A_2, %mul3A_78 : i32
      %ge3A_80 = arith.constant 2 : i32
      %ge3A_81 = arith.cmpi sge, %add3A_76, %ge3A_80 : i32
      %convert_element_type3A_82 = arith.extui %ge3A_81 : i1 to i32
      %cond3A_83 = arith.constant 0 : i32
      %cond3A_84 = arith.cmpi ne, %convert_element_type3A_82, %cond3A_83 : i32
      scf.if %cond3A_84 {
        %dma_wait3A_112 = arith.constant 0 : i32
        %dma_wait3A_113 = tpu.memref_slice %arg6[%mul3A_2, %dma_wait3A_112] : memref<320000x128xf32, #tpu.memory_space<hbm>> -> memref<80x128xf32, #tpu.memory_space<hbm>>
        %dma_wait3A_114 = arith.constant 0 : i32
        %dma_wait3A_115 = tpu.memref_slice %arg6[%mul3A_2, %dma_wait3A_114] : memref<320000x128xf32, #tpu.memory_space<hbm>> -> memref<80x128xf32, #tpu.memory_space<hbm>>
        tpu.wait_dma2 semaphore(%arg17 : memref<!tpu.dma_semaphore, #tpu.memory_space<semaphore_mem>>) src(%dma_wait3A_115 : memref<80x128xf32, #tpu.memory_space<hbm>>) dst(%arg11 : memref<80x128xf32, #tpu.memory_space<vmem>>)
      } else {
      }
      "tpu.region"() ({
        %run_scoped3A = tpu.sem_alloc : memref<!tpu.dma_semaphore, #tpu.memory_space<semaphore_mem>>
        %dma_start3A_112 = tpu.memref_slice %arg4[%add3A_79] : memref<320000xi32, #tpu.memory_space<hbm>> -> memref<80xi32, #tpu.memory_space<hbm>>
        %dma_start3A_113 = tpu.memref_slice %arg4[%add3A_79] : memref<320000xi32, #tpu.memory_space<hbm>> -> memref<80xi32, #tpu.memory_space<hbm>>
        tpu.enqueue_dma source(%dma_start3A_113 : memref<80xi32, #tpu.memory_space<hbm>>) target(%arg7 : memref<80xi32, #tpu.memory_space<vmem>>) target_semaphore(%run_scoped3A : memref<!tpu.dma_semaphore, #tpu.memory_space<semaphore_mem>>)
        %dma_wait3A_114 = tpu.memref_slice %arg4[%add3A_79] : memref<320000xi32, #tpu.memory_space<hbm>> -> memref<80xi32, #tpu.memory_space<hbm>>
        %dma_wait3A_115 = tpu.memref_slice %arg4[%add3A_79] : memref<320000xi32, #tpu.memory_space<hbm>> -> memref<80xi32, #tpu.memory_space<hbm>>
        tpu.wait_dma2 semaphore(%run_scoped3A : memref<!tpu.dma_semaphore, #tpu.memory_space<semaphore_mem>>) src(%dma_wait3A_115 : memref<80xi32, #tpu.memory_space<hbm>>) dst(%arg7 : memref<80xi32, #tpu.memory_space<vmem>>)
        tpu.yield
      }) : () -> ()
      "tpu.region"() ({
        %run_scoped3A = tpu.sem_alloc : memref<!tpu.dma_semaphore, #tpu.memory_space<semaphore_mem>>
        %dma_start3A_112 = tpu.memref_slice %arg5[%add3A_79] : memref<320000xi32, #tpu.memory_space<hbm>> -> memref<80xi32, #tpu.memory_space<hbm>>
        %dma_start3A_113 = tpu.memref_slice %arg5[%add3A_79] : memref<320000xi32, #tpu.memory_space<hbm>> -> memref<80xi32, #tpu.memory_space<hbm>>
        tpu.enqueue_dma source(%dma_start3A_113 : memref<80xi32, #tpu.memory_space<hbm>>) target(%arg9 : memref<80xi32, #tpu.memory_space<vmem>>) target_semaphore(%run_scoped3A : memref<!tpu.dma_semaphore, #tpu.memory_space<semaphore_mem>>)
        %dma_wait3A_114 = tpu.memref_slice %arg5[%add3A_79] : memref<320000xi32, #tpu.memory_space<hbm>> -> memref<80xi32, #tpu.memory_space<hbm>>
        %dma_wait3A_115 = tpu.memref_slice %arg5[%add3A_79] : memref<320000xi32, #tpu.memory_space<hbm>> -> memref<80xi32, #tpu.memory_space<hbm>>
        tpu.wait_dma2 semaphore(%run_scoped3A : memref<!tpu.dma_semaphore, #tpu.memory_space<semaphore_mem>>) src(%dma_wait3A_115 : memref<80xi32, #tpu.memory_space<hbm>>) dst(%arg9 : memref<80xi32, #tpu.memory_space<vmem>>)
        tpu.yield
      }) : () -> ()
      %dma_start3A_85 = arith.constant 0 : i32
      %dma_start3A_86 = arith.constant 0 : i32
      %dma_start3A_87 = tpu.memref_slice %arg2[%dma_start3A_85, %dma_start3A_86] : memref<10000x128xf32, #tpu.memory_space<hbm>> -> memref<10000x128xf32, #tpu.memory_space<hbm>>
      tpu.enqueue_indirect_dma source(%dma_start3A_87 : memref<10000x128xf32, #tpu.memory_space<hbm>>) target(%arg11 : memref<80x128xf32, #tpu.memory_space<vmem>>) offsets(%arg7 : memref<80xi32, #tpu.memory_space<vmem>>) semaphore(%arg15 : memref<!tpu.dma_semaphore, #tpu.memory_space<semaphore_mem>>)
      %dma_start3A_88 = arith.constant 0 : i32
      %dma_start3A_89 = arith.constant 0 : i32
      %dma_start3A_90 = tpu.memref_slice %arg3[%dma_start3A_88, %dma_start3A_89] : memref<10000x128xf32, #tpu.memory_space<hbm>> -> memref<10000x128xf32, #tpu.memory_space<hbm>>
      tpu.enqueue_indirect_dma source(%dma_start3A_90 : memref<10000x128xf32, #tpu.memory_space<hbm>>) target(%arg13 : memref<80x128xf32, #tpu.memory_space<vmem>>) offsets(%arg9 : memref<80xi32, #tpu.memory_space<vmem>>) semaphore(%arg15 : memref<!tpu.dma_semaphore, #tpu.memory_space<semaphore_mem>>)
      %add3A_91 = arith.constant 1 : i32
      %add3A_92 = arith.addi %mul3A_42, %add3A_91 : i32
      %dma_wait3A_93 = arith.constant 0 : i32
      %dma_wait3A_94 = arith.constant 0 : i32
      %dma_wait3A_95 = tpu.memref_slice %arg2[%dma_wait3A_93, %dma_wait3A_94] : memref<10000x128xf32, #tpu.memory_space<hbm>> -> memref<10000x128xf32, #tpu.memory_space<hbm>>
      tpu.wait_indirect_dma semaphore(%arg16 : memref<!tpu.dma_semaphore, #tpu.memory_space<semaphore_mem>>) src(%dma_wait3A_95 : memref<10000x128xf32, #tpu.memory_space<hbm>>) dst(%arg12 : memref<80x128xf32, #tpu.memory_space<vmem>>)
      %dma_wait3A_96 = arith.constant 0 : i32
      %dma_wait3A_97 = arith.constant 0 : i32
      %dma_wait3A_98 = tpu.memref_slice %arg3[%dma_wait3A_96, %dma_wait3A_97] : memref<10000x128xf32, #tpu.memory_space<hbm>> -> memref<10000x128xf32, #tpu.memory_space<hbm>>
      tpu.wait_indirect_dma semaphore(%arg16 : memref<!tpu.dma_semaphore, #tpu.memory_space<semaphore_mem>>) src(%dma_wait3A_98 : memref<10000x128xf32, #tpu.memory_space<hbm>>) dst(%arg14 : memref<80x128xf32, #tpu.memory_space<vmem>>)
      %scan3A_99 = arith.constant 0 : i32
      %scan3A_100 = arith.constant 0 : i32
      %scan3A_101 = arith.constant 80 : i32
      %scan3A_102 = arith.addi %scan3A_100, %scan3A_101 : i32
      %scan3A_103 = arith.constant 1 : i32
      scf.for %scan3A_112 = %scan3A_100 to %scan3A_102 step %scan3A_103  : i32 {
        %get3A = arith.index_cast %scan3A_112 : i32 to index
        %get3A_113 = arith.constant 0 : index
        %get3A_114 = tpu.vector_load %arg12[%get3A, %get3A_113] {strides = array<i32>} : memref<80x128xf32, #tpu.memory_space<vmem>>, vector<1x16xf32>,
        %get3A_115 = vector.shape_cast %get3A_114 : vector<1x16xf32> to vector<16xf32>
        %get3A_116 = arith.index_cast %scan3A_112 : i32 to index
        %get3A_117 = arith.constant 0 : index
        %get3A_118 = tpu.vector_load %arg14[%get3A_116, %get3A_117] {strides = array<i32>} : memref<80x128xf32, #tpu.memory_space<vmem>>, vector<1x16xf32>,
        %get3A_119 = vector.shape_cast %get3A_118 : vector<1x16xf32> to vector<16xf32>
        %add3A_120 = arith.addf %get3A_115, %get3A_119 : vector<16xf32>
        %swap3A = arith.index_cast %scan3A_112 : i32 to index
        %swap3A_121 = arith.constant 0 : index
        %swap3A_122 = tpu.vector_load %arg12[%swap3A, %swap3A_121] {strides = array<i32>} : memref<80x128xf32, #tpu.memory_space<vmem>>, vector<1x16xf32>,
        %swap3A_123 = vector.shape_cast %swap3A_122 : vector<1x16xf32> to vector<16xf32>
        %swap3A_124 = vector.shape_cast %add3A_120 : vector<16xf32> to vector<1x16xf32>
        tpu.vector_store %arg12[%swap3A, %swap3A_121], %swap3A_124 {strides = array<i32>} : memref<80x128xf32, #tpu.memory_space<vmem>>, vector<1x16xf32>,
        %get3A_125 = arith.index_cast %scan3A_112 : i32 to index
        %get3A_126 = arith.constant 16 : index
        %get3A_127 = tpu.vector_load %arg12[%get3A_125, %get3A_126] {strides = array<i32>} : memref<80x128xf32, #tpu.memory_space<vmem>>, vector<1x16xf32>,
        %get3A_128 = vector.shape_cast %get3A_127 : vector<1x16xf32> to vector<16xf32>
        %get3A_129 = arith.index_cast %scan3A_112 : i32 to index
        %get3A_130 = arith.constant 16 : index
        %get3A_131 = tpu.vector_load %arg14[%get3A_129, %get3A_130] {strides = array<i32>} : memref<80x128xf32, #tpu.memory_space<vmem>>, vector<1x16xf32>,
        %get3A_132 = vector.shape_cast %get3A_131 : vector<1x16xf32> to vector<16xf32>
        %add3A_133 = arith.addf %get3A_128, %get3A_132 : vector<16xf32>
        %swap3A_134 = arith.index_cast %scan3A_112 : i32 to index
        %swap3A_135 = arith.constant 16 : index
        %swap3A_136 = tpu.vector_load %arg12[%swap3A_134, %swap3A_135] {strides = array<i32>} : memref<80x128xf32, #tpu.memory_space<vmem>>, vector<1x16xf32>,
        %swap3A_137 = vector.shape_cast %swap3A_136 : vector<1x16xf32> to vector<16xf32>
        %swap3A_138 = vector.shape_cast %add3A_133 : vector<16xf32> to vector<1x16xf32>
        tpu.vector_store %arg12[%swap3A_134, %swap3A_135], %swap3A_138 {strides = array<i32>} : memref<80x128xf32, #tpu.memory_space<vmem>>, vector<1x16xf32>,
        %get3A_139 = arith.index_cast %scan3A_112 : i32 to index
        %get3A_140 = arith.constant 32 : index
        %get3A_141 = tpu.vector_load %arg12[%get3A_139, %get3A_140] {strides = array<i32>} : memref<80x128xf32, #tpu.memory_space<vmem>>, vector<1x16xf32>,
        %get3A_142 = vector.shape_cast %get3A_141 : vector<1x16xf32> to vector<16xf32>
        %get3A_143 = arith.index_cast %scan3A_112 : i32 to index
        %get3A_144 = arith.constant 32 : index
        %get3A_145 = tpu.vector_load %arg14[%get3A_143, %get3A_144] {strides = array<i32>} : memref<80x128xf32, #tpu.memory_space<vmem>>, vector<1x16xf32>,
        %get3A_146 = vector.shape_cast %get3A_145 : vector<1x16xf32> to vector<16xf32>
        %add3A_147 = arith.addf %get3A_142, %get3A_146 : vector<16xf32>
        %swap3A_148 = arith.index_cast %scan3A_112 : i32 to index
        %swap3A_149 = arith.constant 32 : index
        %swap3A_150 = tpu.vector_load %arg12[%swap3A_148, %swap3A_149] {strides = array<i32>} : memref<80x128xf32, #tpu.memory_space<vmem>>, vector<1x16xf32>,
        %swap3A_151 = vector.shape_cast %swap3A_150 : vector<1x16xf32> to vector<16xf32>
        %swap3A_152 = vector.shape_cast %add3A_147 : vector<16xf32> to vector<1x16xf32>
        tpu.vector_store %arg12[%swap3A_148, %swap3A_149], %swap3A_152 {strides = array<i32>} : memref<80x128xf32, #tpu.memory_space<vmem>>, vector<1x16xf32>,
        %get3A_153 = arith.index_cast %scan3A_112 : i32 to index
        %get3A_154 = arith.constant 48 : index
        %get3A_155 = tpu.vector_load %arg12[%get3A_153, %get3A_154] {strides = array<i32>} : memref<80x128xf32, #tpu.memory_space<vmem>>, vector<1x16xf32>,
        %get3A_156 = vector.shape_cast %get3A_155 : vector<1x16xf32> to vector<16xf32>
        %get3A_157 = arith.index_cast %scan3A_112 : i32 to index
        %get3A_158 = arith.constant 48 : index
        %get3A_159 = tpu.vector_load %arg14[%get3A_157, %get3A_158] {strides = array<i32>} : memref<80x128xf32, #tpu.memory_space<vmem>>, vector<1x16xf32>,
        %get3A_160 = vector.shape_cast %get3A_159 : vector<1x16xf32> to vector<16xf32>
        %add3A_161 = arith.addf %get3A_156, %get3A_160 : vector<16xf32>
        %swap3A_162 = arith.index_cast %scan3A_112 : i32 to index
        %swap3A_163 = arith.constant 48 : index
        %swap3A_164 = tpu.vector_load %arg12[%swap3A_162, %swap3A_163] {strides = array<i32>} : memref<80x128xf32, #tpu.memory_space<vmem>>, vector<1x16xf32>,
        %swap3A_165 = vector.shape_cast %swap3A_164 : vector<1x16xf32> to vector<16xf32>
        %swap3A_166 = vector.shape_cast %add3A_161 : vector<16xf32> to vector<1x16xf32>
        tpu.vector_store %arg12[%swap3A_162, %swap3A_163], %swap3A_166 {strides = array<i32>} : memref<80x128xf32, #tpu.memory_space<vmem>>, vector<1x16xf32>,
        %get3A_167 = arith.index_cast %scan3A_112 : i32 to index
        %get3A_168 = arith.constant 64 : index
        %get3A_169 = tpu.vector_load %arg12[%get3A_167, %get3A_168] {strides = array<i32>} : memref<80x128xf32, #tpu.memory_space<vmem>>, vector<1x16xf32>,
        %get3A_170 = vector.shape_cast %get3A_169 : vector<1x16xf32> to vector<16xf32>
        %get3A_171 = arith.index_cast %scan3A_112 : i32 to index
        %get3A_172 = arith.constant 64 : index
        %get3A_173 = tpu.vector_load %arg14[%get3A_171, %get3A_172] {strides = array<i32>} : memref<80x128xf32, #tpu.memory_space<vmem>>, vector<1x16xf32>,
        %get3A_174 = vector.shape_cast %get3A_173 : vector<1x16xf32> to vector<16xf32>
        %add3A_175 = arith.addf %get3A_170, %get3A_174 : vector<16xf32>
        %swap3A_176 = arith.index_cast %scan3A_112 : i32 to index
        %swap3A_177 = arith.constant 64 : index
        %swap3A_178 = tpu.vector_load %arg12[%swap3A_176, %swap3A_177] {strides = array<i32>} : memref<80x128xf32, #tpu.memory_space<vmem>>, vector<1x16xf32>,
        %swap3A_179 = vector.shape_cast %swap3A_178 : vector<1x16xf32> to vector<16xf32>
        %swap3A_180 = vector.shape_cast %add3A_175 : vector<16xf32> to vector<1x16xf32>
        tpu.vector_store %arg12[%swap3A_176, %swap3A_177], %swap3A_180 {strides = array<i32>} : memref<80x128xf32, #tpu.memory_space<vmem>>, vector<1x16xf32>,
        %get3A_181 = arith.index_cast %scan3A_112 : i32 to index
        %get3A_182 = arith.constant 80 : index
        %get3A_183 = tpu.vector_load %arg12[%get3A_181, %get3A_182] {strides = array<i32>} : memref<80x128xf32, #tpu.memory_space<vmem>>, vector<1x16xf32>,
        %get3A_184 = vector.shape_cast %get3A_183 : vector<1x16xf32> to vector<16xf32>
        %get3A_185 = arith.index_cast %scan3A_112 : i32 to index
        %get3A_186 = arith.constant 80 : index
        %get3A_187 = tpu.vector_load %arg14[%get3A_185, %get3A_186] {strides = array<i32>} : memref<80x128xf32, #tpu.memory_space<vmem>>, vector<1x16xf32>,
        %get3A_188 = vector.shape_cast %get3A_187 : vector<1x16xf32> to vector<16xf32>
        %add3A_189 = arith.addf %get3A_184, %get3A_188 : vector<16xf32>
        %swap3A_190 = arith.index_cast %scan3A_112 : i32 to index
        %swap3A_191 = arith.constant 80 : index
        %swap3A_192 = tpu.vector_load %arg12[%swap3A_190, %swap3A_191] {strides = array<i32>} : memref<80x128xf32, #tpu.memory_space<vmem>>, vector<1x16xf32>,
        %swap3A_193 = vector.shape_cast %swap3A_192 : vector<1x16xf32> to vector<16xf32>
        %swap3A_194 = vector.shape_cast %add3A_189 : vector<16xf32> to vector<1x16xf32>
        tpu.vector_store %arg12[%swap3A_190, %swap3A_191], %swap3A_194 {strides = array<i32>} : memref<80x128xf32, #tpu.memory_space<vmem>>, vector<1x16xf32>,
        %get3A_195 = arith.index_cast %scan3A_112 : i32 to index
        %get3A_196 = arith.constant 96 : index
        %get3A_197 = tpu.vector_load %arg12[%get3A_195, %get3A_196] {strides = array<i32>} : memref<80x128xf32, #tpu.memory_space<vmem>>, vector<1x16xf32>,
        %get3A_198 = vector.shape_cast %get3A_197 : vector<1x16xf32> to vector<16xf32>
        %get3A_199 = arith.index_cast %scan3A_112 : i32 to index
        %get3A_200 = arith.constant 96 : index
        %get3A_201 = tpu.vector_load %arg14[%get3A_199, %get3A_200] {strides = array<i32>} : memref<80x128xf32, #tpu.memory_space<vmem>>, vector<1x16xf32>,
        %get3A_202 = vector.shape_cast %get3A_201 : vector<1x16xf32> to vector<16xf32>
        %add3A_203 = arith.addf %get3A_198, %get3A_202 : vector<16xf32>
        %swap3A_204 = arith.index_cast %scan3A_112 : i32 to index
        %swap3A_205 = arith.constant 96 : index
        %swap3A_206 = tpu.vector_load %arg12[%swap3A_204, %swap3A_205] {strides = array<i32>} : memref<80x128xf32, #tpu.memory_space<vmem>>, vector<1x16xf32>,
        %swap3A_207 = vector.shape_cast %swap3A_206 : vector<1x16xf32> to vector<16xf32>
        %swap3A_208 = vector.shape_cast %add3A_203 : vector<16xf32> to vector<1x16xf32>
        tpu.vector_store %arg12[%swap3A_204, %swap3A_205], %swap3A_208 {strides = array<i32>} : memref<80x128xf32, #tpu.memory_space<vmem>>, vector<1x16xf32>,
        %get3A_209 = arith.index_cast %scan3A_112 : i32 to index
        %get3A_210 = arith.constant 112 : index
        %get3A_211 = tpu.vector_load %arg12[%get3A_209, %get3A_210] {strides = array<i32>} : memref<80x128xf32, #tpu.memory_space<vmem>>, vector<1x16xf32>,
        %get3A_212 = vector.shape_cast %get3A_211 : vector<1x16xf32> to vector<16xf32>
        %get3A_213 = arith.index_cast %scan3A_112 : i32 to index
        %get3A_214 = arith.constant 112 : index
        %get3A_215 = tpu.vector_load %arg14[%get3A_213, %get3A_214] {strides = array<i32>} : memref<80x128xf32, #tpu.memory_space<vmem>>, vector<1x16xf32>,
        %get3A_216 = vector.shape_cast %get3A_215 : vector<1x16xf32> to vector<16xf32>
        %add3A_217 = arith.addf %get3A_212, %get3A_216 : vector<16xf32>
        %swap3A_218 = arith.index_cast %scan3A_112 : i32 to index
        %swap3A_219 = arith.constant 112 : index
        %swap3A_220 = tpu.vector_load %arg12[%swap3A_218, %swap3A_219] {strides = array<i32>} : memref<80x128xf32, #tpu.memory_space<vmem>>, vector<1x16xf32>,
        %swap3A_221 = vector.shape_cast %swap3A_220 : vector<1x16xf32> to vector<16xf32>
        %swap3A_222 = vector.shape_cast %add3A_217 : vector<16xf32> to vector<1x16xf32>
        tpu.vector_store %arg12[%swap3A_218, %swap3A_219], %swap3A_222 {strides = array<i32>} : memref<80x128xf32, #tpu.memory_space<vmem>>, vector<1x16xf32>,
      }
      %scan3A_104 = arith.constant 80 : i32
      %mul3A_105 = arith.constant 80 : i32
      %mul3A_106 = arith.muli %add3A_92, %mul3A_105 : i32
      %add3A_107 = arith.addi %mul3A_2, %mul3A_106 : i32
      %dma_start3A_108 = arith.constant 0 : i32
      %dma_start3A_109 = tpu.memref_slice %arg6[%add3A_107, %dma_start3A_108] : memref<320000x128xf32, #tpu.memory_space<hbm>> -> memref<80x128xf32, #tpu.memory_space<hbm>>
      %dma_start3A_110 = arith.constant 0 : i32
      %dma_start3A_111 = tpu.memref_slice %arg6[%add3A_107, %dma_start3A_110] : memref<320000x128xf32, #tpu.memory_space<hbm>> -> memref<80x128xf32, #tpu.memory_space<hbm>>
      tpu.enqueue_dma source(%arg12 : memref<80x128xf32, #tpu.memory_space<vmem>>) target(%dma_start3A_111 : memref<80x128xf32, #tpu.memory_space<hbm>>) target_semaphore(%arg18 : memref<!tpu.dma_semaphore, #tpu.memory_space<semaphore_mem>>)
    }
    %scan3A_14 = arith.constant 62 : i32
    %dma_wait3A = arith.constant 0 : i32
    %dma_wait3A_15 = arith.constant 0 : i32
    %dma_wait3A_16 = tpu.memref_slice %arg2[%dma_wait3A, %dma_wait3A_15] : memref<10000x128xf32, #tpu.memory_space<hbm>> -> memref<10000x128xf32, #tpu.memory_space<hbm>>
    tpu.wait_indirect_dma semaphore(%arg15 : memref<!tpu.dma_semaphore, #tpu.memory_space<semaphore_mem>>) src(%dma_wait3A_16 : memref<10000x128xf32, #tpu.memory_space<hbm>>) dst(%arg11 : memref<80x128xf32, #tpu.memory_space<vmem>>)
    %dma_wait3A_17 = arith.constant 0 : i32
    %dma_wait3A_18 = arith.constant 0 : i32
    %dma_wait3A_19 = tpu.memref_slice %arg3[%dma_wait3A_17, %dma_wait3A_18] : memref<10000x128xf32, #tpu.memory_space<hbm>> -> memref<10000x128xf32, #tpu.memory_space<hbm>>
    tpu.wait_indirect_dma semaphore(%arg15 : memref<!tpu.dma_semaphore, #tpu.memory_space<semaphore_mem>>) src(%dma_wait3A_19 : memref<10000x128xf32, #tpu.memory_space<hbm>>) dst(%arg13 : memref<80x128xf32, #tpu.memory_space<vmem>>)
    %scan3A_20 = arith.constant 0 : i32
    %scan3A_21 = arith.constant 0 : i32
    %scan3A_22 = arith.constant 80 : i32
    %scan3A_23 = arith.addi %scan3A_21, %scan3A_22 : i32
    %scan3A_24 = arith.constant 1 : i32
    scf.for %scan3A_40 = %scan3A_21 to %scan3A_23 step %scan3A_24  : i32 {
      %get3A = arith.index_cast %scan3A_40 : i32 to index
      %get3A_41 = arith.constant 0 : index
      %get3A_42 = tpu.vector_load %arg11[%get3A, %get3A_41] {strides = array<i32>} : memref<80x128xf32, #tpu.memory_space<vmem>>, vector<1x16xf32>,
      %get3A_43 = vector.shape_cast %get3A_42 : vector<1x16xf32> to vector<16xf32>
      %get3A_44 = arith.index_cast %scan3A_40 : i32 to index
      %get3A_45 = arith.constant 0 : index
      %get3A_46 = tpu.vector_load %arg13[%get3A_44, %get3A_45] {strides = array<i32>} : memref<80x128xf32, #tpu.memory_space<vmem>>, vector<1x16xf32>,
      %get3A_47 = vector.shape_cast %get3A_46 : vector<1x16xf32> to vector<16xf32>
      %add3A_48 = arith.addf %get3A_43, %get3A_47 : vector<16xf32>
      %swap3A = arith.index_cast %scan3A_40 : i32 to index
      %swap3A_49 = arith.constant 0 : index
      %swap3A_50 = tpu.vector_load %arg11[%swap3A, %swap3A_49] {strides = array<i32>} : memref<80x128xf32, #tpu.memory_space<vmem>>, vector<1x16xf32>,
      %swap3A_51 = vector.shape_cast %swap3A_50 : vector<1x16xf32> to vector<16xf32>
      %swap3A_52 = vector.shape_cast %add3A_48 : vector<16xf32> to vector<1x16xf32>
      tpu.vector_store %arg11[%swap3A, %swap3A_49], %swap3A_52 {strides = array<i32>} : memref<80x128xf32, #tpu.memory_space<vmem>>, vector<1x16xf32>,
      %get3A_53 = arith.index_cast %scan3A_40 : i32 to index
      %get3A_54 = arith.constant 16 : index
      %get3A_55 = tpu.vector_load %arg11[%get3A_53, %get3A_54] {strides = array<i32>} : memref<80x128xf32, #tpu.memory_space<vmem>>, vector<1x16xf32>,
      %get3A_56 = vector.shape_cast %get3A_55 : vector<1x16xf32> to vector<16xf32>
      %get3A_57 = arith.index_cast %scan3A_40 : i32 to index
      %get3A_58 = arith.constant 16 : index
      %get3A_59 = tpu.vector_load %arg13[%get3A_57, %get3A_58] {strides = array<i32>} : memref<80x128xf32, #tpu.memory_space<vmem>>, vector<1x16xf32>,
      %get3A_60 = vector.shape_cast %get3A_59 : vector<1x16xf32> to vector<16xf32>
      %add3A_61 = arith.addf %get3A_56, %get3A_60 : vector<16xf32>
      %swap3A_62 = arith.index_cast %scan3A_40 : i32 to index
      %swap3A_63 = arith.constant 16 : index
      %swap3A_64 = tpu.vector_load %arg11[%swap3A_62, %swap3A_63] {strides = array<i32>} : memref<80x128xf32, #tpu.memory_space<vmem>>, vector<1x16xf32>,
      %swap3A_65 = vector.shape_cast %swap3A_64 : vector<1x16xf32> to vector<16xf32>
      %swap3A_66 = vector.shape_cast %add3A_61 : vector<16xf32> to vector<1x16xf32>
      tpu.vector_store %arg11[%swap3A_62, %swap3A_63], %swap3A_66 {strides = array<i32>} : memref<80x128xf32, #tpu.memory_space<vmem>>, vector<1x16xf32>,
      %get3A_67 = arith.index_cast %scan3A_40 : i32 to index
      %get3A_68 = arith.constant 32 : index
      %get3A_69 = tpu.vector_load %arg11[%get3A_67, %get3A_68] {strides = array<i32>} : memref<80x128xf32, #tpu.memory_space<vmem>>, vector<1x16xf32>,
      %get3A_70 = vector.shape_cast %get3A_69 : vector<1x16xf32> to vector<16xf32>
      %get3A_71 = arith.index_cast %scan3A_40 : i32 to index
      %get3A_72 = arith.constant 32 : index
      %get3A_73 = tpu.vector_load %arg13[%get3A_71, %get3A_72] {strides = array<i32>} : memref<80x128xf32, #tpu.memory_space<vmem>>, vector<1x16xf32>,
      %get3A_74 = vector.shape_cast %get3A_73 : vector<1x16xf32> to vector<16xf32>
      %add3A_75 = arith.addf %get3A_70, %get3A_74 : vector<16xf32>
      %swap3A_76 = arith.index_cast %scan3A_40 : i32 to index
      %swap3A_77 = arith.constant 32 : index
      %swap3A_78 = tpu.vector_load %arg11[%swap3A_76, %swap3A_77] {strides = array<i32>} : memref<80x128xf32, #tpu.memory_space<vmem>>, vector<1x16xf32>,
      %swap3A_79 = vector.shape_cast %swap3A_78 : vector<1x16xf32> to vector<16xf32>
      %swap3A_80 = vector.shape_cast %add3A_75 : vector<16xf32> to vector<1x16xf32>
      tpu.vector_store %arg11[%swap3A_76, %swap3A_77], %swap3A_80 {strides = array<i32>} : memref<80x128xf32, #tpu.memory_space<vmem>>, vector<1x16xf32>,
      %get3A_81 = arith.index_cast %scan3A_40 : i32 to index
      %get3A_82 = arith.constant 48 : index
      %get3A_83 = tpu.vector_load %arg11[%get3A_81, %get3A_82] {strides = array<i32>} : memref<80x128xf32, #tpu.memory_space<vmem>>, vector<1x16xf32>,
      %get3A_84 = vector.shape_cast %get3A_83 : vector<1x16xf32> to vector<16xf32>
      %get3A_85 = arith.index_cast %scan3A_40 : i32 to index
      %get3A_86 = arith.constant 48 : index
      %get3A_87 = tpu.vector_load %arg13[%get3A_85, %get3A_86] {strides = array<i32>} : memref<80x128xf32, #tpu.memory_space<vmem>>, vector<1x16xf32>,
      %get3A_88 = vector.shape_cast %get3A_87 : vector<1x16xf32> to vector<16xf32>
      %add3A_89 = arith.addf %get3A_84, %get3A_88 : vector<16xf32>
      %swap3A_90 = arith.index_cast %scan3A_40 : i32 to index
      %swap3A_91 = arith.constant 48 : index
      %swap3A_92 = tpu.vector_load %arg11[%swap3A_90, %swap3A_91] {strides = array<i32>} : memref<80x128xf32, #tpu.memory_space<vmem>>, vector<1x16xf32>,
      %swap3A_93 = vector.shape_cast %swap3A_92 : vector<1x16xf32> to vector<16xf32>
      %swap3A_94 = vector.shape_cast %add3A_89 : vector<16xf32> to vector<1x16xf32>
      tpu.vector_store %arg11[%swap3A_90, %swap3A_91], %swap3A_94 {strides = array<i32>} : memref<80x128xf32, #tpu.memory_space<vmem>>, vector<1x16xf32>,
      %get3A_95 = arith.index_cast %scan3A_40 : i32 to index
      %get3A_96 = arith.constant 64 : index
      %get3A_97 = tpu.vector_load %arg11[%get3A_95, %get3A_96] {strides = array<i32>} : memref<80x128xf32, #tpu.memory_space<vmem>>, vector<1x16xf32>,
      %get3A_98 = vector.shape_cast %get3A_97 : vector<1x16xf32> to vector<16xf32>
      %get3A_99 = arith.index_cast %scan3A_40 : i32 to index
      %get3A_100 = arith.constant 64 : index
      %get3A_101 = tpu.vector_load %arg13[%get3A_99, %get3A_100] {strides = array<i32>} : memref<80x128xf32, #tpu.memory_space<vmem>>, vector<1x16xf32>,
      %get3A_102 = vector.shape_cast %get3A_101 : vector<1x16xf32> to vector<16xf32>
      %add3A_103 = arith.addf %get3A_98, %get3A_102 : vector<16xf32>
      %swap3A_104 = arith.index_cast %scan3A_40 : i32 to index
      %swap3A_105 = arith.constant 64 : index
      %swap3A_106 = tpu.vector_load %arg11[%swap3A_104, %swap3A_105] {strides = array<i32>} : memref<80x128xf32, #tpu.memory_space<vmem>>, vector<1x16xf32>,
      %swap3A_107 = vector.shape_cast %swap3A_106 : vector<1x16xf32> to vector<16xf32>
      %swap3A_108 = vector.shape_cast %add3A_103 : vector<16xf32> to vector<1x16xf32>
      tpu.vector_store %arg11[%swap3A_104, %swap3A_105], %swap3A_108 {strides = array<i32>} : memref<80x128xf32, #tpu.memory_space<vmem>>, vector<1x16xf32>,
      %get3A_109 = arith.index_cast %scan3A_40 : i32 to index
      %get3A_110 = arith.constant 80 : index
      %get3A_111 = tpu.vector_load %arg11[%get3A_109, %get3A_110] {strides = array<i32>} : memref<80x128xf32, #tpu.memory_space<vmem>>, vector<1x16xf32>,
      %get3A_112 = vector.shape_cast %get3A_111 : vector<1x16xf32> to vector<16xf32>
      %get3A_113 = arith.index_cast %scan3A_40 : i32 to index
      %get3A_114 = arith.constant 80 : index
      %get3A_115 = tpu.vector_load %arg13[%get3A_113, %get3A_114] {strides = array<i32>} : memref<80x128xf32, #tpu.memory_space<vmem>>, vector<1x16xf32>,
      %get3A_116 = vector.shape_cast %get3A_115 : vector<1x16xf32> to vector<16xf32>
      %add3A_117 = arith.addf %get3A_112, %get3A_116 : vector<16xf32>
      %swap3A_118 = arith.index_cast %scan3A_40 : i32 to index
      %swap3A_119 = arith.constant 80 : index
      %swap3A_120 = tpu.vector_load %arg11[%swap3A_118, %swap3A_119] {strides = array<i32>} : memref<80x128xf32, #tpu.memory_space<vmem>>, vector<1x16xf32>,
      %swap3A_121 = vector.shape_cast %swap3A_120 : vector<1x16xf32> to vector<16xf32>
      %swap3A_122 = vector.shape_cast %add3A_117 : vector<16xf32> to vector<1x16xf32>
      tpu.vector_store %arg11[%swap3A_118, %swap3A_119], %swap3A_122 {strides = array<i32>} : memref<80x128xf32, #tpu.memory_space<vmem>>, vector<1x16xf32>,
      %get3A_123 = arith.index_cast %scan3A_40 : i32 to index
      %get3A_124 = arith.constant 96 : index
      %get3A_125 = tpu.vector_load %arg11[%get3A_123, %get3A_124] {strides = array<i32>} : memref<80x128xf32, #tpu.memory_space<vmem>>, vector<1x16xf32>,
      %get3A_126 = vector.shape_cast %get3A_125 : vector<1x16xf32> to vector<16xf32>
      %get3A_127 = arith.index_cast %scan3A_40 : i32 to index
      %get3A_128 = arith.constant 96 : index
      %get3A_129 = tpu.vector_load %arg13[%get3A_127, %get3A_128] {strides = array<i32>} : memref<80x128xf32, #tpu.memory_space<vmem>>, vector<1x16xf32>,
      %get3A_130 = vector.shape_cast %get3A_129 : vector<1x16xf32> to vector<16xf32>
      %add3A_131 = arith.addf %get3A_126, %get3A_130 : vector<16xf32>
      %swap3A_132 = arith.index_cast %scan3A_40 : i32 to index
      %swap3A_133 = arith.constant 96 : index
      %swap3A_134 = tpu.vector_load %arg11[%swap3A_132, %swap3A_133] {strides = array<i32>} : memref<80x128xf32, #tpu.memory_space<vmem>>, vector<1x16xf32>,
      %swap3A_135 = vector.shape_cast %swap3A_134 : vector<1x16xf32> to vector<16xf32>
      %swap3A_136 = vector.shape_cast %add3A_131 : vector<16xf32> to vector<1x16xf32>
      tpu.vector_store %arg11[%swap3A_132, %swap3A_133], %swap3A_136 {strides = array<i32>} : memref<80x128xf32, #tpu.memory_space<vmem>>, vector<1x16xf32>,
      %get3A_137 = arith.index_cast %scan3A_40 : i32 to index
      %get3A_138 = arith.constant 112 : index
      %get3A_139 = tpu.vector_load %arg11[%get3A_137, %get3A_138] {strides = array<i32>} : memref<80x128xf32, #tpu.memory_space<vmem>>, vector<1x16xf32>,
      %get3A_140 = vector.shape_cast %get3A_139 : vector<1x16xf32> to vector<16xf32>
      %get3A_141 = arith.index_cast %scan3A_40 : i32 to index
      %get3A_142 = arith.constant 112 : index
      %get3A_143 = tpu.vector_load %arg13[%get3A_141, %get3A_142] {strides = array<i32>} : memref<80x128xf32, #tpu.memory_space<vmem>>, vector<1x16xf32>,
      %get3A_144 = vector.shape_cast %get3A_143 : vector<1x16xf32> to vector<16xf32>
      %add3A_145 = arith.addf %get3A_140, %get3A_144 : vector<16xf32>
      %swap3A_146 = arith.index_cast %scan3A_40 : i32 to index
      %swap3A_147 = arith.constant 112 : index
      %swap3A_148 = tpu.vector_load %arg11[%swap3A_146, %swap3A_147] {strides = array<i32>} : memref<80x128xf32, #tpu.memory_space<vmem>>, vector<1x16xf32>,
      %swap3A_149 = vector.shape_cast %swap3A_148 : vector<1x16xf32> to vector<16xf32>
      %swap3A_150 = vector.shape_cast %add3A_145 : vector<16xf32> to vector<1x16xf32>
      tpu.vector_store %arg11[%swap3A_146, %swap3A_147], %swap3A_150 {strides = array<i32>} : memref<80x128xf32, #tpu.memory_space<vmem>>, vector<1x16xf32>,
    }
    %scan3A_25 = arith.constant 80 : i32
    %add3A_26 = arith.constant 9920 : i32
    %add3A_27 = arith.addi %mul3A_2, %add3A_26 : i32
    %dma_start3A_28 = arith.constant 0 : i32
    %dma_start3A_29 = tpu.memref_slice %arg6[%add3A_27, %dma_start3A_28] : memref<320000x128xf32, #tpu.memory_space<hbm>> -> memref<80x128xf32, #tpu.memory_space<hbm>>
    %dma_start3A_30 = arith.constant 0 : i32
    %dma_start3A_31 = tpu.memref_slice %arg6[%add3A_27, %dma_start3A_30] : memref<320000x128xf32, #tpu.memory_space<hbm>> -> memref<80x128xf32, #tpu.memory_space<hbm>>
    tpu.enqueue_dma source(%arg11 : memref<80x128xf32, #tpu.memory_space<vmem>>) target(%dma_start3A_31 : memref<80x128xf32, #tpu.memory_space<hbm>>) target_semaphore(%arg17 : memref<!tpu.dma_semaphore, #tpu.memory_space<semaphore_mem>>)
    %dma_wait3A_32 = arith.constant 0 : i32
    %dma_wait3A_33 = tpu.memref_slice %arg6[%mul3A_2, %dma_wait3A_32] : memref<320000x128xf32, #tpu.memory_space<hbm>> -> memref<80x128xf32, #tpu.memory_space<hbm>>
    %dma_wait3A_34 = arith.constant 0 : i32
    %dma_wait3A_35 = tpu.memref_slice %arg6[%mul3A_2, %dma_wait3A_34] : memref<320000x128xf32, #tpu.memory_space<hbm>> -> memref<80x128xf32, #tpu.memory_space<hbm>>
    tpu.wait_dma2 semaphore(%arg17 : memref<!tpu.dma_semaphore, #tpu.memory_space<semaphore_mem>>) src(%dma_wait3A_35 : memref<80x128xf32, #tpu.memory_space<hbm>>) dst(%arg11 : memref<80x128xf32, #tpu.memory_space<vmem>>)
    %dma_wait3A_36 = arith.constant 0 : i32
    %dma_wait3A_37 = tpu.memref_slice %arg6[%mul3A_2, %dma_wait3A_36] : memref<320000x128xf32, #tpu.memory_space<hbm>> -> memref<80x128xf32, #tpu.memory_space<hbm>>
    %dma_wait3A_38 = arith.constant 0 : i32
    %dma_wait3A_39 = tpu.memref_slice %arg6[%mul3A_2, %dma_wait3A_38] : memref<320000x128xf32, #tpu.memory_space<hbm>> -> memref<80x128xf32, #tpu.memory_space<hbm>>
    tpu.wait_dma2 semaphore(%arg18 : memref<!tpu.dma_semaphore, #tpu.memory_space<semaphore_mem>>) src(%dma_wait3A_39 : memref<80x128xf32, #tpu.memory_space<hbm>>) dst(%arg12 : memref<80x128xf32, #tpu.memory_space<vmem>>)
    return
  }
}

#map = affine_map<(d0, d1) -> (0, 0)>
#map1 = affine_map<(d0, d1) -> (0)>
#map2 = affine_map<(d0, d1) -> (0, 0, 0)>
module attributes {stable_mosaic.version = 14 : i64} {
  func.func @kern(%arg0: i32, %arg1: i32, %arg2: memref<320000x16xf32, #tpu.memory_space<hbm>>, %arg3: memref<320000xi32, #tpu.memory_space<hbm>>, %arg4: memref<640x16xf32, #tpu.memory_space<hbm>>, %arg5: memref<2x10000x16xf32, #tpu.memory_space<hbm>>, %arg6: memref<80xi32, #tpu.memory_space<vmem>>, %arg7: memref<80xi32, #tpu.memory_space<vmem>>, %arg8: memref<80x16xf32, #tpu.memory_space<vmem>>, %arg9: memref<80x16xf32, #tpu.memory_space<vmem>>, %arg10: memref<10000x16xf32, #tpu.memory_space<vmem_shared>>, %arg11: memref<!tpu.dma_semaphore, #tpu.memory_space<semaphore_mem>>, %arg12: memref<!tpu.dma_semaphore, #tpu.memory_space<semaphore_mem>>, %arg13: memref<!tpu.dma_semaphore, #tpu.memory_space<semaphore_mem>>, %arg14: memref<!tpu.dma_semaphore, #tpu.memory_space<semaphore_mem>>) attributes {dimension_semantics = [#tpu.dimension_semantics<core_parallel>, #tpu.dimension_semantics<subcore_parallel>], iteration_bounds = array<i64: 2, 16>, scalar_prefetch = 0 : i64, scratch_operands = 9 : i64, tpu.core_type = #tpu.core_type<sc_vector_subcore>, window_params = [{transform_indices = #map}, {transform_indices = #map1}, {transform_indices = #map}, {transform_indices = #map2}]} {
    %mul3A = arith.constant 16 : i32
    %mul3A_0 = arith.muli %arg0, %mul3A : i32
    %add3A = arith.addi %mul3A_0, %arg1 : i32
    %mul3A_1 = arith.constant 10000 : i32
    %mul3A_2 = arith.muli %add3A, %mul3A_1 : i32
    %mul3A_3 = arith.constant 624 : i32
    %mul3A_4 = arith.muli %arg1, %mul3A_3 : i32
    "tpu.region"() ({
      %run_scoped3A = tpu.sem_alloc : memref<!tpu.dma_semaphore, #tpu.memory_space<semaphore_mem>>
      %dma_start3A_43 = arith.constant 0 : i32
      %dma_start3A_44 = tpu.memref_slice %arg10[%mul3A_4, %dma_start3A_43] : memref<10000x16xf32, #tpu.memory_space<vmem_shared>> -> memref<624x16xf32, #tpu.memory_space<vmem_shared>>
      %dma_start3A_45 = arith.constant 0 : i32
      %dma_start3A_46 = arith.constant 0 : i32
      %dma_start3A_47 = tpu.memref_slice %arg4[%dma_start3A_45, %dma_start3A_46] : memref<640x16xf32, #tpu.memory_space<hbm>> -> memref<624x16xf32, #tpu.memory_space<hbm>>
      tpu.enqueue_dma source(%dma_start3A_47 : memref<624x16xf32, #tpu.memory_space<hbm>>) target(%dma_start3A_44 : memref<624x16xf32, #tpu.memory_space<vmem_shared>>) target_semaphore(%run_scoped3A : memref<!tpu.dma_semaphore, #tpu.memory_space<semaphore_mem>>)
      %dma_wait3A_48 = arith.constant 0 : i32
      %dma_wait3A_49 = tpu.memref_slice %arg10[%mul3A_4, %dma_wait3A_48] : memref<10000x16xf32, #tpu.memory_space<vmem_shared>> -> memref<624x16xf32, #tpu.memory_space<vmem_shared>>
      %dma_wait3A_50 = arith.constant 0 : i32
      %dma_wait3A_51 = arith.constant 0 : i32
      %dma_wait3A_52 = tpu.memref_slice %arg4[%dma_wait3A_50, %dma_wait3A_51] : memref<640x16xf32, #tpu.memory_space<hbm>> -> memref<624x16xf32, #tpu.memory_space<hbm>>
      tpu.wait_dma2 semaphore(%run_scoped3A : memref<!tpu.dma_semaphore, #tpu.memory_space<semaphore_mem>>) src(%dma_wait3A_52 : memref<624x16xf32, #tpu.memory_space<hbm>>) dst(%dma_wait3A_49 : memref<624x16xf32, #tpu.memory_space<vmem_shared>>)
      tpu.yield
    }) : () -> ()
    %eq3A = arith.constant 15 : i32
    %eq3A_5 = arith.cmpi eq, %arg1, %eq3A : i32
    %convert_element_type3A = arith.extui %eq3A_5 : i1 to i32
    %cond3A = arith.constant 0 : i32
    %cond3A_6 = arith.cmpi ne, %convert_element_type3A, %cond3A : i32
    scf.if %cond3A_6 {
      "tpu.region"() ({
        %run_scoped3A = tpu.sem_alloc : memref<!tpu.dma_semaphore, #tpu.memory_space<semaphore_mem>>
        %dma_start3A_43 = arith.constant 9984 : i32
        %dma_start3A_44 = arith.constant 0 : i32
        %dma_start3A_45 = tpu.memref_slice %arg10[%dma_start3A_43, %dma_start3A_44] : memref<10000x16xf32, #tpu.memory_space<vmem_shared>> -> memref<16x16xf32, #tpu.memory_space<vmem_shared>>
        %dma_start3A_46 = arith.constant 624 : i32
        %dma_start3A_47 = arith.constant 0 : i32
        %dma_start3A_48 = tpu.memref_slice %arg4[%dma_start3A_46, %dma_start3A_47] : memref<640x16xf32, #tpu.memory_space<hbm>> -> memref<16x16xf32, #tpu.memory_space<hbm>>
        tpu.enqueue_dma source(%dma_start3A_48 : memref<16x16xf32, #tpu.memory_space<hbm>>) target(%dma_start3A_45 : memref<16x16xf32, #tpu.memory_space<vmem_shared>>) target_semaphore(%run_scoped3A : memref<!tpu.dma_semaphore, #tpu.memory_space<semaphore_mem>>)
        %dma_wait3A_49 = arith.constant 9984 : i32
        %dma_wait3A_50 = arith.constant 0 : i32
        %dma_wait3A_51 = tpu.memref_slice %arg10[%dma_wait3A_49, %dma_wait3A_50] : memref<10000x16xf32, #tpu.memory_space<vmem_shared>> -> memref<16x16xf32, #tpu.memory_space<vmem_shared>>
        %dma_wait3A_52 = arith.constant 624 : i32
        %dma_wait3A_53 = arith.constant 0 : i32
        %dma_wait3A_54 = tpu.memref_slice %arg4[%dma_wait3A_52, %dma_wait3A_53] : memref<640x16xf32, #tpu.memory_space<hbm>> -> memref<16x16xf32, #tpu.memory_space<hbm>>
        tpu.wait_dma2 semaphore(%run_scoped3A : memref<!tpu.dma_semaphore, #tpu.memory_space<semaphore_mem>>) src(%dma_wait3A_54 : memref<16x16xf32, #tpu.memory_space<hbm>>) dst(%dma_wait3A_51 : memref<16x16xf32, #tpu.memory_space<vmem_shared>>)
        tpu.yield
      }) : () -> ()
    } else {
    }
    %barrier3A = arith.constant 0 : index
    tpu.barrier barrier_id(%barrier3A)
    %add3A_7 = arith.constant 0 : i32
    %add3A_8 = arith.addi %mul3A_2, %add3A_7 : i32
    "tpu.region"() ({
      %run_scoped3A = tpu.sem_alloc : memref<!tpu.dma_semaphore, #tpu.memory_space<semaphore_mem>>
      %dma_start3A_43 = tpu.memref_slice %arg3[%add3A_8] : memref<320000xi32, #tpu.memory_space<hbm>> -> memref<80xi32, #tpu.memory_space<hbm>>
      %dma_start3A_44 = tpu.memref_slice %arg3[%add3A_8] : memref<320000xi32, #tpu.memory_space<hbm>> -> memref<80xi32, #tpu.memory_space<hbm>>
      tpu.enqueue_dma source(%dma_start3A_44 : memref<80xi32, #tpu.memory_space<hbm>>) target(%arg6 : memref<80xi32, #tpu.memory_space<vmem>>) target_semaphore(%run_scoped3A : memref<!tpu.dma_semaphore, #tpu.memory_space<semaphore_mem>>)
      %dma_wait3A_45 = tpu.memref_slice %arg3[%add3A_8] : memref<320000xi32, #tpu.memory_space<hbm>> -> memref<80xi32, #tpu.memory_space<hbm>>
      %dma_wait3A_46 = tpu.memref_slice %arg3[%add3A_8] : memref<320000xi32, #tpu.memory_space<hbm>> -> memref<80xi32, #tpu.memory_space<hbm>>
      tpu.wait_dma2 semaphore(%run_scoped3A : memref<!tpu.dma_semaphore, #tpu.memory_space<semaphore_mem>>) src(%dma_wait3A_46 : memref<80xi32, #tpu.memory_space<hbm>>) dst(%arg6 : memref<80xi32, #tpu.memory_space<vmem>>)
      tpu.yield
    }) : () -> ()
    %dma_start3A = arith.constant 0 : i32
    %dma_start3A_9 = tpu.memref_slice %arg2[%add3A_8, %dma_start3A] : memref<320000x16xf32, #tpu.memory_space<hbm>> -> memref<80x16xf32, #tpu.memory_space<hbm>>
    %dma_start3A_10 = arith.constant 0 : i32
    %dma_start3A_11 = tpu.memref_slice %arg2[%add3A_8, %dma_start3A_10] : memref<320000x16xf32, #tpu.memory_space<hbm>> -> memref<80x16xf32, #tpu.memory_space<hbm>>
    tpu.enqueue_dma source(%dma_start3A_11 : memref<80x16xf32, #tpu.memory_space<hbm>>) target(%arg8 : memref<80x16xf32, #tpu.memory_space<vmem>>) target_semaphore(%arg11 : memref<!tpu.dma_semaphore, #tpu.memory_space<semaphore_mem>>)
    %scan3A = arith.constant 0 : i32
    %scan3A_12 = arith.constant 0 : i32
    %scan3A_13 = arith.constant 62 : i32
    %scan3A_14 = arith.addi %scan3A_12, %scan3A_13 : i32
    %scan3A_15 = arith.constant 1 : i32
    scf.for %scan3A_43 = %scan3A_12 to %scan3A_14 step %scan3A_15  : i32 {
      %mul3A_44 = arith.constant 2 : i32
      %mul3A_45 = arith.muli %scan3A_43, %mul3A_44 : i32
      %add3A_46 = arith.constant 1 : i32
      %add3A_47 = arith.addi %mul3A_45, %add3A_46 : i32
      %mul3A_48 = arith.constant 80 : i32
      %mul3A_49 = arith.muli %add3A_47, %mul3A_48 : i32
      %add3A_50 = arith.addi %mul3A_2, %mul3A_49 : i32
      %ge3A = arith.constant 2 : i32
      %ge3A_51 = arith.cmpi sge, %add3A_47, %ge3A : i32
      %convert_element_type3A_52 = arith.extui %ge3A_51 : i1 to i32
      %cond3A_53 = arith.constant 0 : i32
      %cond3A_54 = arith.cmpi ne, %convert_element_type3A_52, %cond3A_53 : i32
      scf.if %cond3A_54 {
        %dma_wait3A_93 = arith.constant 0 : i32
        %dma_wait3A_94 = tpu.memref_slice %arg2[%mul3A_2, %dma_wait3A_93] : memref<320000x16xf32, #tpu.memory_space<hbm>> -> memref<80x16xf32, #tpu.memory_space<hbm>>
        %dma_wait3A_95 = arith.constant 0 : i32
        %dma_wait3A_96 = tpu.memref_slice %arg2[%mul3A_2, %dma_wait3A_95] : memref<320000x16xf32, #tpu.memory_space<hbm>> -> memref<80x16xf32, #tpu.memory_space<hbm>>
        tpu.wait_dma2 semaphore(%arg14 : memref<!tpu.dma_semaphore, #tpu.memory_space<semaphore_mem>>) src(%dma_wait3A_96 : memref<80x16xf32, #tpu.memory_space<hbm>>) dst(%arg9 : memref<80x16xf32, #tpu.memory_space<vmem>>)
      } else {
      }
      "tpu.region"() ({
        %run_scoped3A = tpu.sem_alloc : memref<!tpu.dma_semaphore, #tpu.memory_space<semaphore_mem>>
        %dma_start3A_93 = tpu.memref_slice %arg3[%add3A_50] : memref<320000xi32, #tpu.memory_space<hbm>> -> memref<80xi32, #tpu.memory_space<hbm>>
        %dma_start3A_94 = tpu.memref_slice %arg3[%add3A_50] : memref<320000xi32, #tpu.memory_space<hbm>> -> memref<80xi32, #tpu.memory_space<hbm>>
        tpu.enqueue_dma source(%dma_start3A_94 : memref<80xi32, #tpu.memory_space<hbm>>) target(%arg7 : memref<80xi32, #tpu.memory_space<vmem>>) target_semaphore(%run_scoped3A : memref<!tpu.dma_semaphore, #tpu.memory_space<semaphore_mem>>)
        %dma_wait3A_95 = tpu.memref_slice %arg3[%add3A_50] : memref<320000xi32, #tpu.memory_space<hbm>> -> memref<80xi32, #tpu.memory_space<hbm>>
        %dma_wait3A_96 = tpu.memref_slice %arg3[%add3A_50] : memref<320000xi32, #tpu.memory_space<hbm>> -> memref<80xi32, #tpu.memory_space<hbm>>
        tpu.wait_dma2 semaphore(%run_scoped3A : memref<!tpu.dma_semaphore, #tpu.memory_space<semaphore_mem>>) src(%dma_wait3A_96 : memref<80xi32, #tpu.memory_space<hbm>>) dst(%arg7 : memref<80xi32, #tpu.memory_space<vmem>>)
        tpu.yield
      }) : () -> ()
      %dma_start3A_55 = arith.constant 0 : i32
      %dma_start3A_56 = tpu.memref_slice %arg2[%add3A_50, %dma_start3A_55] : memref<320000x16xf32, #tpu.memory_space<hbm>> -> memref<80x16xf32, #tpu.memory_space<hbm>>
      %dma_start3A_57 = arith.constant 0 : i32
      %dma_start3A_58 = tpu.memref_slice %arg2[%add3A_50, %dma_start3A_57] : memref<320000x16xf32, #tpu.memory_space<hbm>> -> memref<80x16xf32, #tpu.memory_space<hbm>>
      tpu.enqueue_dma source(%dma_start3A_58 : memref<80x16xf32, #tpu.memory_space<hbm>>) target(%arg9 : memref<80x16xf32, #tpu.memory_space<vmem>>) target_semaphore(%arg12 : memref<!tpu.dma_semaphore, #tpu.memory_space<semaphore_mem>>)
      %dma_wait3A_59 = arith.constant 0 : i32
      %dma_wait3A_60 = arith.constant 0 : i32
      %dma_wait3A_61 = tpu.memref_slice %arg2[%dma_wait3A_59, %dma_wait3A_60] : memref<320000x16xf32, #tpu.memory_space<hbm>> -> memref<80x16xf32, #tpu.memory_space<hbm>>
      %dma_wait3A_62 = arith.constant 0 : i32
      %dma_wait3A_63 = arith.constant 0 : i32
      %dma_wait3A_64 = tpu.memref_slice %arg2[%dma_wait3A_62, %dma_wait3A_63] : memref<320000x16xf32, #tpu.memory_space<hbm>> -> memref<80x16xf32, #tpu.memory_space<hbm>>
      tpu.wait_dma2 semaphore(%arg11 : memref<!tpu.dma_semaphore, #tpu.memory_space<semaphore_mem>>) src(%dma_wait3A_64 : memref<80x16xf32, #tpu.memory_space<hbm>>) dst(%arg8 : memref<80x16xf32, #tpu.memory_space<vmem>>)
      %dma_start3A_65 = arith.constant 0 : i32
      %dma_start3A_66 = arith.constant 0 : i32
      %dma_start3A_67 = tpu.memref_slice %arg10[%dma_start3A_65, %dma_start3A_66] : memref<10000x16xf32, #tpu.memory_space<vmem_shared>> -> memref<10000x16xf32, #tpu.memory_space<vmem_shared>>
      tpu.enqueue_indirect_dma source(%arg8 : memref<80x16xf32, #tpu.memory_space<vmem>>) target(%dma_start3A_67 : memref<10000x16xf32, #tpu.memory_space<vmem_shared>>) offsets(%arg6 : memref<80xi32, #tpu.memory_space<vmem>>) semaphore(%arg13 : memref<!tpu.dma_semaphore, #tpu.memory_space<semaphore_mem>>) {add = true}
      %add3A_68 = arith.constant 2 : i32
      %add3A_69 = arith.addi %mul3A_45, %add3A_68 : i32
      %mul3A_70 = arith.constant 80 : i32
      %mul3A_71 = arith.muli %add3A_69, %mul3A_70 : i32
      %add3A_72 = arith.addi %mul3A_2, %mul3A_71 : i32
      %ge3A_73 = arith.constant 2 : i32
      %ge3A_74 = arith.cmpi sge, %add3A_69, %ge3A_73 : i32
      %convert_element_type3A_75 = arith.extui %ge3A_74 : i1 to i32
      %cond3A_76 = arith.constant 0 : i32
      %cond3A_77 = arith.cmpi ne, %convert_element_type3A_75, %cond3A_76 : i32
      scf.if %cond3A_77 {
        %dma_wait3A_93 = arith.constant 0 : i32
        %dma_wait3A_94 = tpu.memref_slice %arg2[%mul3A_2, %dma_wait3A_93] : memref<320000x16xf32, #tpu.memory_space<hbm>> -> memref<80x16xf32, #tpu.memory_space<hbm>>
        %dma_wait3A_95 = arith.constant 0 : i32
        %dma_wait3A_96 = tpu.memref_slice %arg2[%mul3A_2, %dma_wait3A_95] : memref<320000x16xf32, #tpu.memory_space<hbm>> -> memref<80x16xf32, #tpu.memory_space<hbm>>
        tpu.wait_dma2 semaphore(%arg13 : memref<!tpu.dma_semaphore, #tpu.memory_space<semaphore_mem>>) src(%dma_wait3A_96 : memref<80x16xf32, #tpu.memory_space<hbm>>) dst(%arg8 : memref<80x16xf32, #tpu.memory_space<vmem>>)
      } else {
      }
      "tpu.region"() ({
        %run_scoped3A = tpu.sem_alloc : memref<!tpu.dma_semaphore, #tpu.memory_space<semaphore_mem>>
        %dma_start3A_93 = tpu.memref_slice %arg3[%add3A_72] : memref<320000xi32, #tpu.memory_space<hbm>> -> memref<80xi32, #tpu.memory_space<hbm>>
        %dma_start3A_94 = tpu.memref_slice %arg3[%add3A_72] : memref<320000xi32, #tpu.memory_space<hbm>> -> memref<80xi32, #tpu.memory_space<hbm>>
        tpu.enqueue_dma source(%dma_start3A_94 : memref<80xi32, #tpu.memory_space<hbm>>) target(%arg6 : memref<80xi32, #tpu.memory_space<vmem>>) target_semaphore(%run_scoped3A : memref<!tpu.dma_semaphore, #tpu.memory_space<semaphore_mem>>)
        %dma_wait3A_95 = tpu.memref_slice %arg3[%add3A_72] : memref<320000xi32, #tpu.memory_space<hbm>> -> memref<80xi32, #tpu.memory_space<hbm>>
        %dma_wait3A_96 = tpu.memref_slice %arg3[%add3A_72] : memref<320000xi32, #tpu.memory_space<hbm>> -> memref<80xi32, #tpu.memory_space<hbm>>
        tpu.wait_dma2 semaphore(%run_scoped3A : memref<!tpu.dma_semaphore, #tpu.memory_space<semaphore_mem>>) src(%dma_wait3A_96 : memref<80xi32, #tpu.memory_space<hbm>>) dst(%arg6 : memref<80xi32, #tpu.memory_space<vmem>>)
        tpu.yield
      }) : () -> ()
      %dma_start3A_78 = arith.constant 0 : i32
      %dma_start3A_79 = tpu.memref_slice %arg2[%add3A_72, %dma_start3A_78] : memref<320000x16xf32, #tpu.memory_space<hbm>> -> memref<80x16xf32, #tpu.memory_space<hbm>>
      %dma_start3A_80 = arith.constant 0 : i32
      %dma_start3A_81 = tpu.memref_slice %arg2[%add3A_72, %dma_start3A_80] : memref<320000x16xf32, #tpu.memory_space<hbm>> -> memref<80x16xf32, #tpu.memory_space<hbm>>
      tpu.enqueue_dma source(%dma_start3A_81 : memref<80x16xf32, #tpu.memory_space<hbm>>) target(%arg8 : memref<80x16xf32, #tpu.memory_space<vmem>>) target_semaphore(%arg11 : memref<!tpu.dma_semaphore, #tpu.memory_space<semaphore_mem>>)
      %add3A_82 = arith.constant 1 : i32
      %add3A_83 = arith.addi %mul3A_45, %add3A_82 : i32
      %dma_wait3A_84 = arith.constant 0 : i32
      %dma_wait3A_85 = arith.constant 0 : i32
      %dma_wait3A_86 = tpu.memref_slice %arg2[%dma_wait3A_84, %dma_wait3A_85] : memref<320000x16xf32, #tpu.memory_space<hbm>> -> memref<80x16xf32, #tpu.memory_space<hbm>>
      %dma_wait3A_87 = arith.constant 0 : i32
      %dma_wait3A_88 = arith.constant 0 : i32
      %dma_wait3A_89 = tpu.memref_slice %arg2[%dma_wait3A_87, %dma_wait3A_88] : memref<320000x16xf32, #tpu.memory_space<hbm>> -> memref<80x16xf32, #tpu.memory_space<hbm>>
      tpu.wait_dma2 semaphore(%arg12 : memref<!tpu.dma_semaphore, #tpu.memory_space<semaphore_mem>>) src(%dma_wait3A_89 : memref<80x16xf32, #tpu.memory_space<hbm>>) dst(%arg9 : memref<80x16xf32, #tpu.memory_space<vmem>>)
      %dma_start3A_90 = arith.constant 0 : i32
      %dma_start3A_91 = arith.constant 0 : i32
      %dma_start3A_92 = tpu.memref_slice %arg10[%dma_start3A_90, %dma_start3A_91] : memref<10000x16xf32, #tpu.memory_space<vmem_shared>> -> memref<10000x16xf32, #tpu.memory_space<vmem_shared>>
      tpu.enqueue_indirect_dma source(%arg9 : memref<80x16xf32, #tpu.memory_space<vmem>>) target(%dma_start3A_92 : memref<10000x16xf32, #tpu.memory_space<vmem_shared>>) offsets(%arg7 : memref<80xi32, #tpu.memory_space<vmem>>) semaphore(%arg14 : memref<!tpu.dma_semaphore, #tpu.memory_space<semaphore_mem>>) {add = true}
    }
    %scan3A_16 = arith.constant 62 : i32
    %dma_wait3A = arith.constant 0 : i32
    %dma_wait3A_17 = arith.constant 0 : i32
    %dma_wait3A_18 = tpu.memref_slice %arg2[%dma_wait3A, %dma_wait3A_17] : memref<320000x16xf32, #tpu.memory_space<hbm>> -> memref<80x16xf32, #tpu.memory_space<hbm>>
    %dma_wait3A_19 = arith.constant 0 : i32
    %dma_wait3A_20 = arith.constant 0 : i32
    %dma_wait3A_21 = tpu.memref_slice %arg2[%dma_wait3A_19, %dma_wait3A_20] : memref<320000x16xf32, #tpu.memory_space<hbm>> -> memref<80x16xf32, #tpu.memory_space<hbm>>
    tpu.wait_dma2 semaphore(%arg11 : memref<!tpu.dma_semaphore, #tpu.memory_space<semaphore_mem>>) src(%dma_wait3A_21 : memref<80x16xf32, #tpu.memory_space<hbm>>) dst(%arg8 : memref<80x16xf32, #tpu.memory_space<vmem>>)
    %dma_start3A_22 = arith.constant 0 : i32
    %dma_start3A_23 = arith.constant 0 : i32
    %dma_start3A_24 = tpu.memref_slice %arg10[%dma_start3A_22, %dma_start3A_23] : memref<10000x16xf32, #tpu.memory_space<vmem_shared>> -> memref<10000x16xf32, #tpu.memory_space<vmem_shared>>
    tpu.enqueue_indirect_dma source(%arg8 : memref<80x16xf32, #tpu.memory_space<vmem>>) target(%dma_start3A_24 : memref<10000x16xf32, #tpu.memory_space<vmem_shared>>) offsets(%arg6 : memref<80xi32, #tpu.memory_space<vmem>>) semaphore(%arg13 : memref<!tpu.dma_semaphore, #tpu.memory_space<semaphore_mem>>) {add = true}
    %dma_wait3A_25 = arith.constant 0 : i32
    %dma_wait3A_26 = tpu.memref_slice %arg2[%mul3A_2, %dma_wait3A_25] : memref<320000x16xf32, #tpu.memory_space<hbm>> -> memref<80x16xf32, #tpu.memory_space<hbm>>
    %dma_wait3A_27 = arith.constant 0 : i32
    %dma_wait3A_28 = tpu.memref_slice %arg2[%mul3A_2, %dma_wait3A_27] : memref<320000x16xf32, #tpu.memory_space<hbm>> -> memref<80x16xf32, #tpu.memory_space<hbm>>
    tpu.wait_dma2 semaphore(%arg13 : memref<!tpu.dma_semaphore, #tpu.memory_space<semaphore_mem>>) src(%dma_wait3A_28 : memref<80x16xf32, #tpu.memory_space<hbm>>) dst(%arg8 : memref<80x16xf32, #tpu.memory_space<vmem>>)
    %dma_wait3A_29 = arith.constant 0 : i32
    %dma_wait3A_30 = tpu.memref_slice %arg2[%mul3A_2, %dma_wait3A_29] : memref<320000x16xf32, #tpu.memory_space<hbm>> -> memref<80x16xf32, #tpu.memory_space<hbm>>
    %dma_wait3A_31 = arith.constant 0 : i32
    %dma_wait3A_32 = tpu.memref_slice %arg2[%mul3A_2, %dma_wait3A_31] : memref<320000x16xf32, #tpu.memory_space<hbm>> -> memref<80x16xf32, #tpu.memory_space<hbm>>
    tpu.wait_dma2 semaphore(%arg14 : memref<!tpu.dma_semaphore, #tpu.memory_space<semaphore_mem>>) src(%dma_wait3A_32 : memref<80x16xf32, #tpu.memory_space<hbm>>) dst(%arg9 : memref<80x16xf32, #tpu.memory_space<vmem>>)
    %barrier3A_33 = arith.constant 0 : index
    tpu.barrier barrier_id(%barrier3A_33)
    %mul3A_34 = arith.constant 624 : i32
    %mul3A_35 = arith.muli %arg1, %mul3A_34 : i32
    %mul3A_36 = arith.constant 624 : i32
    %mul3A_37 = arith.muli %arg1, %mul3A_36 : i32
    "tpu.region"() ({
      %run_scoped3A = tpu.sem_alloc : memref<!tpu.dma_semaphore, #tpu.memory_space<semaphore_mem>>
      %dma_start3A_43 = arith.constant 0 : i32
      %dma_start3A_44 = tpu.memref_slice %arg5[%arg0, %mul3A_37, %dma_start3A_43] : memref<2x10000x16xf32, #tpu.memory_space<hbm>> -> memref<1x624x16xf32, #tpu.memory_space<hbm>>
      %dma_start3A_45 = tpu.memref_squeeze %dma_start3A_44 : memref<1x624x16xf32, #tpu.memory_space<hbm>> -> memref<624x16xf32, #tpu.memory_space<hbm>>
      %dma_start3A_46 = arith.constant 0 : i32
      %dma_start3A_47 = tpu.memref_slice %arg10[%mul3A_35, %dma_start3A_46] : memref<10000x16xf32, #tpu.memory_space<vmem_shared>> -> memref<624x16xf32, #tpu.memory_space<vmem_shared>>
      tpu.enqueue_dma source(%dma_start3A_47 : memref<624x16xf32, #tpu.memory_space<vmem_shared>>) target(%dma_start3A_45 : memref<624x16xf32, #tpu.memory_space<hbm>>) target_semaphore(%run_scoped3A : memref<!tpu.dma_semaphore, #tpu.memory_space<semaphore_mem>>)
      %dma_wait3A_48 = arith.constant 0 : i32
      %dma_wait3A_49 = tpu.memref_slice %arg5[%arg0, %mul3A_37, %dma_wait3A_48] : memref<2x10000x16xf32, #tpu.memory_space<hbm>> -> memref<1x624x16xf32, #tpu.memory_space<hbm>>
      %dma_wait3A_50 = tpu.memref_squeeze %dma_wait3A_49 : memref<1x624x16xf32, #tpu.memory_space<hbm>> -> memref<624x16xf32, #tpu.memory_space<hbm>>
      %dma_wait3A_51 = arith.constant 0 : i32
      %dma_wait3A_52 = tpu.memref_slice %arg10[%mul3A_35, %dma_wait3A_51] : memref<10000x16xf32, #tpu.memory_space<vmem_shared>> -> memref<624x16xf32, #tpu.memory_space<vmem_shared>>
      tpu.wait_dma2 semaphore(%run_scoped3A : memref<!tpu.dma_semaphore, #tpu.memory_space<semaphore_mem>>) src(%dma_wait3A_52 : memref<624x16xf32, #tpu.memory_space<vmem_shared>>) dst(%dma_wait3A_50 : memref<624x16xf32, #tpu.memory_space<hbm>>)
      tpu.yield
    }) : () -> ()
    %eq3A_38 = arith.constant 15 : i32
    %eq3A_39 = arith.cmpi eq, %arg1, %eq3A_38 : i32
    %convert_element_type3A_40 = arith.extui %eq3A_39 : i1 to i32
    %cond3A_41 = arith.constant 0 : i32
    %cond3A_42 = arith.cmpi ne, %convert_element_type3A_40, %cond3A_41 : i32
    scf.if %cond3A_42 {
      "tpu.region"() ({
        %run_scoped3A = tpu.sem_alloc : memref<!tpu.dma_semaphore, #tpu.memory_space<semaphore_mem>>
        %dma_start3A_43 = arith.constant 9984 : i32
        %dma_start3A_44 = arith.constant 0 : i32
        %dma_start3A_45 = tpu.memref_slice %arg5[%arg0, %dma_start3A_43, %dma_start3A_44] : memref<2x10000x16xf32, #tpu.memory_space<hbm>> -> memref<1x16x16xf32, #tpu.memory_space<hbm>>
        %dma_start3A_46 = tpu.memref_squeeze %dma_start3A_45 : memref<1x16x16xf32, #tpu.memory_space<hbm>> -> memref<16x16xf32, #tpu.memory_space<hbm>>
        %dma_start3A_47 = arith.constant 9984 : i32
        %dma_start3A_48 = arith.constant 0 : i32
        %dma_start3A_49 = tpu.memref_slice %arg10[%dma_start3A_47, %dma_start3A_48] : memref<10000x16xf32, #tpu.memory_space<vmem_shared>> -> memref<16x16xf32, #tpu.memory_space<vmem_shared>>
        tpu.enqueue_dma source(%dma_start3A_49 : memref<16x16xf32, #tpu.memory_space<vmem_shared>>) target(%dma_start3A_46 : memref<16x16xf32, #tpu.memory_space<hbm>>) target_semaphore(%run_scoped3A : memref<!tpu.dma_semaphore, #tpu.memory_space<semaphore_mem>>)
        %dma_wait3A_50 = arith.constant 9984 : i32
        %dma_wait3A_51 = arith.constant 0 : i32
        %dma_wait3A_52 = tpu.memref_slice %arg5[%arg0, %dma_wait3A_50, %dma_wait3A_51] : memref<2x10000x16xf32, #tpu.memory_space<hbm>> -> memref<1x16x16xf32, #tpu.memory_space<hbm>>
        %dma_wait3A_53 = tpu.memref_squeeze %dma_wait3A_52 : memref<1x16x16xf32, #tpu.memory_space<hbm>> -> memref<16x16xf32, #tpu.memory_space<hbm>>
        %dma_wait3A_54 = arith.constant 9984 : i32
        %dma_wait3A_55 = arith.constant 0 : i32
        %dma_wait3A_56 = tpu.memref_slice %arg10[%dma_wait3A_54, %dma_wait3A_55] : memref<10000x16xf32, #tpu.memory_space<vmem_shared>> -> memref<16x16xf32, #tpu.memory_space<vmem_shared>>
        tpu.wait_dma2 semaphore(%run_scoped3A : memref<!tpu.dma_semaphore, #tpu.memory_space<semaphore_mem>>) src(%dma_wait3A_56 : memref<16x16xf32, #tpu.memory_space<vmem_shared>>) dst(%dma_wait3A_53 : memref<16x16xf32, #tpu.memory_space<hbm>>)
        tpu.yield
      }) : () -> ()
    } else {
    }
    return
  }
}

module attributes {stable_mosaic.version = 14 : i64} {
  func.func @_node_pre_body(%arg0: i32, %arg1: memref<2000x128xf32, #tpu.memory_space<vmem>>, %arg2: memref<128x128xf32, #tpu.memory_space<vmem>>, %arg3: memref<128x128xf32, #tpu.memory_space<vmem>>, %arg4: memref<1x128xf32, #tpu.memory_space<vmem>>, %arg5: memref<2000x128xf32, #tpu.memory_space<vmem>>, %arg6: memref<2000x128xf32, #tpu.memory_space<vmem>>) attributes {dimension_semantics = [#tpu.dimension_semantics<arbitrary>], iteration_bounds = array<i64: 5>, scalar_prefetch = 0 : i64, scratch_operands = 0 : i64, tpu.core_type = #tpu.core_type<tc>, window_params = [{transform_indices = @transform_0, window_bounds = array<i64: 2000, 128>}, {pipeline_mode = #tpu.pipeline_mode<synchronous>, transform_indices = @transform_1, window_bounds = array<i64: 128, 128>}, {pipeline_mode = #tpu.pipeline_mode<synchronous>, transform_indices = @transform_2, window_bounds = array<i64: 128, 128>}, {pipeline_mode = #tpu.pipeline_mode<synchronous>, transform_indices = @transform_3, window_bounds = array<i64: 1, 128>}, {transform_indices = @transform_4, window_bounds = array<i64: 2000, 128>}, {transform_indices = @transform_5, window_bounds = array<i64: 2000, 128>}]} {
    %get3A = arith.constant 0 : index
    %get3A_0 = arith.constant 0 : index
    %get3A_1 = vector.load %arg1[%get3A, %get3A_0] : memref<2000x128xf32, #tpu.memory_space<vmem>>, vector<2000x128xf32>
    %get3A_2 = arith.constant 0 : index
    %get3A_3 = arith.constant 0 : index
    %get3A_4 = vector.load %arg2[%get3A_2, %get3A_3] : memref<128x128xf32, #tpu.memory_space<vmem>>, vector<128x128xf32>
    %dot_general3A = arith.constant dense<0.000000e+00> : vector<2000x128xf32>
    %dot_general3A_5 = tpu.matmul %get3A_1, %get3A_4, %dot_general3A {dimension_numbers = #tpu.dot_dimension_numbers<[1], [0], [0], [1], [0, 0, 1, 1], [], []>, transpose_lhs_hint = false} : vector<2000x128xf32>, vector<128x128xf32>, vector<2000x128xf32> -> vector<2000x128xf32>
    %get3A_6 = arith.constant 0 : index
    %get3A_7 = arith.constant 0 : index
    %get3A_8 = vector.load %arg4[%get3A_6, %get3A_7] : memref<1x128xf32, #tpu.memory_space<vmem>>, vector<1x128xf32>
    %add3A = vector.broadcast %get3A_8 : vector<1x128xf32> to vector<2000x128xf32>
    %add3A_9 = arith.addf %dot_general3A_5, %add3A : vector<2000x128xf32>
    %swap3A = arith.constant 0 : index
    %swap3A_10 = arith.constant 0 : index
    %swap3A_11 = vector.load %arg5[%swap3A, %swap3A_10] : memref<2000x128xf32, #tpu.memory_space<vmem>>, vector<2000x128xf32>
    tpu.vector_store %arg5[%swap3A, %swap3A_10], %add3A_9 {strides = array<i32>} : memref<2000x128xf32, #tpu.memory_space<vmem>>, vector<2000x128xf32>,
    %get3A_12 = arith.constant 0 : index
    %get3A_13 = arith.constant 0 : index
    %get3A_14 = vector.load %arg3[%get3A_12, %get3A_13] : memref<128x128xf32, #tpu.memory_space<vmem>>, vector<128x128xf32>
    %dot_general3A_15 = arith.constant dense<0.000000e+00> : vector<2000x128xf32>
    %dot_general3A_16 = tpu.matmul %get3A_1, %get3A_14, %dot_general3A_15 {dimension_numbers = #tpu.dot_dimension_numbers<[1], [0], [0], [1], [0, 0, 1, 1], [], []>, transpose_lhs_hint = false} : vector<2000x128xf32>, vector<128x128xf32>, vector<2000x128xf32> -> vector<2000x128xf32>
    %swap3A_17 = arith.constant 0 : index
    %swap3A_18 = arith.constant 0 : index
    %swap3A_19 = vector.load %arg6[%swap3A_17, %swap3A_18] : memref<2000x128xf32, #tpu.memory_space<vmem>>, vector<2000x128xf32>
    tpu.vector_store %arg6[%swap3A_17, %swap3A_18], %dot_general3A_16 {strides = array<i32>} : memref<2000x128xf32, #tpu.memory_space<vmem>>, vector<2000x128xf32>,
    return
  }
  func.func @transform_0(%arg0: i32) -> (i32, i32) {
    %c0_i32 = arith.constant 0 : i32
    %c0_i32_0 = arith.constant 0 : i32
    return %arg0, %c0_i32 : i32, i32
  }
  func.func @transform_1(%arg0: i32) -> (i32, i32) {
    %c0_i32 = arith.constant 0 : i32
    %c0_i32_0 = arith.constant 0 : i32
    %c0_i32_1 = arith.constant 0 : i32
    return %c0_i32, %c0_i32_0 : i32, i32
  }
  func.func @transform_2(%arg0: i32) -> (i32, i32) {
    %c0_i32 = arith.constant 0 : i32
    %c0_i32_0 = arith.constant 0 : i32
    %c0_i32_1 = arith.constant 0 : i32
    return %c0_i32, %c0_i32_0 : i32, i32
  }
  func.func @transform_3(%arg0: i32) -> (i32, i32) {
    %c0_i32 = arith.constant 0 : i32
    %c0_i32_0 = arith.constant 0 : i32
    %c0_i32_1 = arith.constant 0 : i32
    return %c0_i32, %c0_i32_0 : i32, i32
  }
  func.func @transform_4(%arg0: i32) -> (i32, i32) {
    %c0_i32 = arith.constant 0 : i32
    %c0_i32_0 = arith.constant 0 : i32
    return %arg0, %c0_i32 : i32, i32
  }
  func.func @transform_5(%arg0: i32) -> (i32, i32) {
    %c0_i32 = arith.constant 0 : i32
    %c0_i32_0 = arith.constant 0 : i32
    return %arg0, %c0_i32 : i32, i32
  }
}

module attributes {stable_mosaic.version = 14 : i64} {
  func.func @_edge_l0_body(%arg0: i32, %arg1: memref<2000x128xf32, #tpu.memory_space<vmem>>, %arg2: memref<2000x1xf32, #tpu.memory_space<vmem>>, %arg3: memref<2000x128xf32, #tpu.memory_space<vmem>>, %arg4: memref<2x128xf32, #tpu.memory_space<vmem>>, %arg5: memref<128x128xf32, #tpu.memory_space<vmem>>, %arg6: memref<1x128xf32, #tpu.memory_space<vmem>>, %arg7: memref<128x1xf32, #tpu.memory_space<vmem>>, %arg8: memref<1x1xf32, #tpu.memory_space<vmem>>, %arg9: memref<2000x128xf32, #tpu.memory_space<vmem>>, %arg10: memref<2000x16xf32, #tpu.memory_space<vmem>>) attributes {dimension_semantics = [#tpu.dimension_semantics<arbitrary>], iteration_bounds = array<i64: 160>, scalar_prefetch = 0 : i64, scratch_operands = 0 : i64, tpu.core_type = #tpu.core_type<tc>, window_params = [{transform_indices = @transform_0, window_bounds = array<i64: 2000, 128>}, {transform_indices = @transform_1, window_bounds = array<i64: 2000, 1>}, {transform_indices = @transform_2, window_bounds = array<i64: 2000, 128>}, {pipeline_mode = #tpu.pipeline_mode<synchronous>, transform_indices = @transform_3, window_bounds = array<i64: 2, 128>}, {pipeline_mode = #tpu.pipeline_mode<synchronous>, transform_indices = @transform_4, window_bounds = array<i64: 128, 128>}, {pipeline_mode = #tpu.pipeline_mode<synchronous>, transform_indices = @transform_5, window_bounds = array<i64: 1, 128>}, {pipeline_mode = #tpu.pipeline_mode<synchronous>, transform_indices = @transform_6, window_bounds = array<i64: 128, 1>}, {pipeline_mode = #tpu.pipeline_mode<synchronous>, transform_indices = @transform_7, window_bounds = array<i64: 1, 1>}, {transform_indices = @transform_8, window_bounds = array<i64: 2000, 128>}, {transform_indices = @transform_9, window_bounds = array<i64: 2000, 16>}]} {
    %get3A = arith.constant 0 : index
    %get3A_0 = arith.constant 0 : index
    %get3A_1 = vector.load %arg1[%get3A, %get3A_0] : memref<2000x128xf32, #tpu.memory_space<vmem>>, vector<2000x128xf32>
    %mul3A = arith.mulf %get3A_1, %get3A_1 : vector<2000x128xf32>
    %reduce_sum3A = arith.constant dense<0.000000e+00> : vector<2000xf32>
    %reduce_sum3A_2 = vector.multi_reduction <add>, %mul3A, %reduce_sum3A [1] : vector<2000x128xf32> to vector<2000xf32>
    %broadcast_in_dim3A = vector.shape_cast %reduce_sum3A_2 : vector<2000xf32> to vector<2000x1xf32>
    %add3A = arith.constant 9.99999993E-9 : f32
    %add3A_3 = vector.broadcast %add3A : f32 to vector<2000x1xf32>
    %add3A_4 = arith.addf %broadcast_in_dim3A, %add3A_3 : vector<2000x1xf32>
    %sqrt3A = math.sqrt %add3A_4 : vector<2000x1xf32>
    %add3A_5 = arith.constant 1.000000e+00 : f32
    %add3A_6 = vector.broadcast %add3A_5 : f32 to vector<2000x1xf32>
    %add3A_7 = arith.addf %sqrt3A, %add3A_6 : vector<2000x1xf32>
    %div3A = vector.broadcast %add3A_7 : vector<2000x1xf32> to vector<2000x128xf32>
    %div3A_8 = arith.divf %get3A_1, %div3A : vector<2000x128xf32>
    %broadcast_in_dim3A_9 = arith.constant 0.000000e+00 : f32
    %broadcast_in_dim3A_10 = vector.broadcast %broadcast_in_dim3A_9 : f32 to vector<2000x11xf32>
    %get3A_11 = arith.constant 0 : index
    %get3A_12 = arith.constant 0 : index
    %get3A_13 = vector.load %arg2[%get3A_11, %get3A_12] : memref<2000x1xf32, #tpu.memory_space<vmem>>, vector<2000x1xf32>
    %concatenate3A = tpu.concatenate %broadcast_in_dim3A, %get3A_13 in 1 : vector<2000x1xf32>, vector<2000x1xf32> -> vector<2000x2xf32>
    %slice3A = vector.extract_strided_slice %div3A_8 {offsets = [0, 0], sizes = [2000, 3], strides = [1, 1]} : vector<2000x128xf32> to vector<2000x3xf32>
    %concatenate3A_14 = tpu.concatenate %concatenate3A, %slice3A, %broadcast_in_dim3A_10 in 1 : vector<2000x2xf32>, vector<2000x3xf32>, vector<2000x11xf32> -> vector<2000x16xf32>
    %swap3A = arith.constant 0 : index
    %swap3A_15 = arith.constant 0 : index
    %swap3A_16 = vector.load %arg10[%swap3A, %swap3A_15] : memref<2000x16xf32, #tpu.memory_space<vmem>>, vector<2000x16xf32>
    tpu.vector_store %arg10[%swap3A, %swap3A_15], %concatenate3A_14 {strides = array<i32>} : memref<2000x16xf32, #tpu.memory_space<vmem>>, vector<2000x16xf32>,
    %get3A_17 = arith.constant 0 : index
    %get3A_18 = arith.constant 0 : index
    %get3A_19 = vector.load %arg3[%get3A_17, %get3A_18] : memref<2000x128xf32, #tpu.memory_space<vmem>>, vector<2000x128xf32>
    %get3A_20 = arith.constant 0 : index
    %get3A_21 = arith.constant 0 : index
    %get3A_22 = vector.load %arg4[%get3A_20, %get3A_21] : memref<2x128xf32, #tpu.memory_space<vmem>>, vector<2x128xf32>
    %dot_general3A = arith.constant dense<0.000000e+00> : vector<2000x128xf32>
    %dot_general3A_23 = tpu.matmul %concatenate3A, %get3A_22, %dot_general3A {dimension_numbers = #tpu.dot_dimension_numbers<[1], [0], [0], [1], [0, 0, 1, 1], [], []>, transpose_lhs_hint = false} : vector<2000x2xf32>, vector<2x128xf32>, vector<2000x128xf32> -> vector<2000x128xf32>
    %add3A_24 = arith.addf %get3A_19, %dot_general3A_23 : vector<2000x128xf32>
    %logistic3A = arith.negf %add3A_24 : vector<2000x128xf32>
    %logistic3A_25 = math.exp %logistic3A : vector<2000x128xf32>
    %logistic3A_26 = arith.constant 1.000000e+00 : f32
    %logistic3A_27 = vector.broadcast %logistic3A_26 : f32 to vector<2000x128xf32>
    %logistic3A_28 = arith.addf %logistic3A_27, %logistic3A_25 : vector<2000x128xf32>
    %logistic3A_29 = arith.divf %logistic3A_27, %logistic3A_28 : vector<2000x128xf32>
    %mul3A_30 = arith.mulf %add3A_24, %logistic3A_29 : vector<2000x128xf32>
    %get3A_31 = arith.constant 0 : index
    %get3A_32 = arith.constant 0 : index
    %get3A_33 = vector.load %arg5[%get3A_31, %get3A_32] : memref<128x128xf32, #tpu.memory_space<vmem>>, vector<128x128xf32>
    %dot_general3A_34 = arith.constant dense<0.000000e+00> : vector<2000x128xf32>
    %dot_general3A_35 = tpu.matmul %mul3A_30, %get3A_33, %dot_general3A_34 {dimension_numbers = #tpu.dot_dimension_numbers<[1], [0], [0], [1], [0, 0, 1, 1], [], []>, transpose_lhs_hint = false} : vector<2000x128xf32>, vector<128x128xf32>, vector<2000x128xf32> -> vector<2000x128xf32>
    %get3A_36 = arith.constant 0 : index
    %get3A_37 = arith.constant 0 : index
    %get3A_38 = vector.load %arg6[%get3A_36, %get3A_37] : memref<1x128xf32, #tpu.memory_space<vmem>>, vector<1x128xf32>
    %add3A_39 = vector.broadcast %get3A_38 : vector<1x128xf32> to vector<2000x128xf32>
    %add3A_40 = arith.addf %dot_general3A_35, %add3A_39 : vector<2000x128xf32>
    %logistic3A_41 = arith.negf %add3A_40 : vector<2000x128xf32>
    %logistic3A_42 = math.exp %logistic3A_41 : vector<2000x128xf32>
    %logistic3A_43 = arith.constant 1.000000e+00 : f32
    %logistic3A_44 = vector.broadcast %logistic3A_43 : f32 to vector<2000x128xf32>
    %logistic3A_45 = arith.addf %logistic3A_44, %logistic3A_42 : vector<2000x128xf32>
    %logistic3A_46 = arith.divf %logistic3A_44, %logistic3A_45 : vector<2000x128xf32>
    %mul3A_47 = arith.mulf %add3A_40, %logistic3A_46 : vector<2000x128xf32>
    %get3A_48 = arith.constant 0 : index
    %get3A_49 = arith.constant 0 : index
    %get3A_50 = vector.load %arg7[%get3A_48, %get3A_49] : memref<128x1xf32, #tpu.memory_space<vmem>>, vector<128x1xf32>
    %dot_general3A_51 = arith.constant dense<0.000000e+00> : vector<2000x1xf32>
    %dot_general3A_52 = tpu.matmul %mul3A_47, %get3A_50, %dot_general3A_51 {dimension_numbers = #tpu.dot_dimension_numbers<[1], [0], [0], [1], [0, 0, 1, 1], [], []>, transpose_lhs_hint = false} : vector<2000x128xf32>, vector<128x1xf32>, vector<2000x1xf32> -> vector<2000x1xf32>
    %get3A_53 = arith.constant 0 : index
    %get3A_54 = arith.constant 0 : index
    %get3A_55 = vector.load %arg8[%get3A_53, %get3A_54] : memref<1x1xf32, #tpu.memory_space<vmem>>, vector<1x1xf32>
    %add3A_56 = vector.broadcast %get3A_55 : vector<1x1xf32> to vector<2000x1xf32>
    %add3A_57 = arith.addf %dot_general3A_52, %add3A_56 : vector<2000x1xf32>
    %logistic3A_58 = arith.negf %add3A_57 : vector<2000x1xf32>
    %logistic3A_59 = math.exp %logistic3A_58 : vector<2000x1xf32>
    %logistic3A_60 = arith.constant 1.000000e+00 : f32
    %logistic3A_61 = vector.broadcast %logistic3A_60 : f32 to vector<2000x1xf32>
    %logistic3A_62 = arith.addf %logistic3A_61, %logistic3A_59 : vector<2000x1xf32>
    %logistic3A_63 = arith.divf %logistic3A_61, %logistic3A_62 : vector<2000x1xf32>
    %mul3A_64 = vector.broadcast %logistic3A_63 : vector<2000x1xf32> to vector<2000x128xf32>
    %mul3A_65 = arith.mulf %mul3A_47, %mul3A_64 : vector<2000x128xf32>
    %swap3A_66 = arith.constant 0 : index
    %swap3A_67 = arith.constant 0 : index
    %swap3A_68 = vector.load %arg9[%swap3A_66, %swap3A_67] : memref<2000x128xf32, #tpu.memory_space<vmem>>, vector<2000x128xf32>
    tpu.vector_store %arg9[%swap3A_66, %swap3A_67], %mul3A_65 {strides = array<i32>} : memref<2000x128xf32, #tpu.memory_space<vmem>>, vector<2000x128xf32>,
    return
  }
  func.func @transform_0(%arg0: i32) -> (i32, i32) {
    %c0_i32 = arith.constant 0 : i32
    %c0_i32_0 = arith.constant 0 : i32
    return %arg0, %c0_i32 : i32, i32
  }
  func.func @transform_1(%arg0: i32) -> (i32, i32) {
    %c0_i32 = arith.constant 0 : i32
    %c0_i32_0 = arith.constant 0 : i32
    return %arg0, %c0_i32 : i32, i32
  }
  func.func @transform_2(%arg0: i32) -> (i32, i32) {
    %c0_i32 = arith.constant 0 : i32
    %c0_i32_0 = arith.constant 0 : i32
    return %arg0, %c0_i32 : i32, i32
  }
  func.func @transform_3(%arg0: i32) -> (i32, i32) {
    %c0_i32 = arith.constant 0 : i32
    %c0_i32_0 = arith.constant 0 : i32
    %c0_i32_1 = arith.constant 0 : i32
    return %c0_i32, %c0_i32_0 : i32, i32
  }
  func.func @transform_4(%arg0: i32) -> (i32, i32) {
    %c0_i32 = arith.constant 0 : i32
    %c0_i32_0 = arith.constant 0 : i32
    %c0_i32_1 = arith.constant 0 : i32
    return %c0_i32, %c0_i32_0 : i32, i32
  }
  func.func @transform_5(%arg0: i32) -> (i32, i32) {
    %c0_i32 = arith.constant 0 : i32
    %c0_i32_0 = arith.constant 0 : i32
    %c0_i32_1 = arith.constant 0 : i32
    return %c0_i32, %c0_i32_0 : i32, i32
  }
  func.func @transform_6(%arg0: i32) -> (i32, i32) {
    %c0_i32 = arith.constant 0 : i32
    %c0_i32_0 = arith.constant 0 : i32
    %c0_i32_1 = arith.constant 0 : i32
    return %c0_i32, %c0_i32_0 : i32, i32
  }
  func.func @transform_7(%arg0: i32) -> (i32, i32) {
    %c0_i32 = arith.constant 0 : i32
    %c0_i32_0 = arith.constant 0 : i32
    %c0_i32_1 = arith.constant 0 : i32
    return %c0_i32, %c0_i32_0 : i32, i32
  }
  func.func @transform_8(%arg0: i32) -> (i32, i32) {
    %c0_i32 = arith.constant 0 : i32
    %c0_i32_0 = arith.constant 0 : i32
    return %arg0, %c0_i32 : i32, i32
  }
  func.func @transform_9(%arg0: i32) -> (i32, i32) {
    %c0_i32 = arith.constant 0 : i32
    %c0_i32_0 = arith.constant 0 : i32
    return %arg0, %c0_i32 : i32, i32
  }
}

module attributes {stable_mosaic.version = 14 : i64} {
  func.func @_node_mlp_fused_body(%arg0: i32, %arg1: memref<2000x128xf32, #tpu.memory_space<vmem>>, %arg2: memref<2000x128xf32, #tpu.memory_space<vmem>>, %arg3: memref<2000x128xf32, #tpu.memory_space<vmem>>, %arg4: memref<128x128xf32, #tpu.memory_space<vmem>>, %arg5: memref<128x128xf32, #tpu.memory_space<vmem>>, %arg6: memref<1x128xf32, #tpu.memory_space<vmem>>, %arg7: memref<128x128xf32, #tpu.memory_space<vmem>>, %arg8: memref<1x128xf32, #tpu.memory_space<vmem>>, %arg9: memref<128x128xf32, #tpu.memory_space<vmem>>, %arg10: memref<128x128xf32, #tpu.memory_space<vmem>>, %arg11: memref<1x128xf32, #tpu.memory_space<vmem>>, %arg12: memref<2000x128xf32, #tpu.memory_space<vmem>>, %arg13: memref<2000x128xf32, #tpu.memory_space<vmem>>, %arg14: memref<2000x128xf32, #tpu.memory_space<vmem>>) attributes {dimension_semantics = [#tpu.dimension_semantics<arbitrary>], iteration_bounds = array<i64: 5>, scalar_prefetch = 0 : i64, scratch_operands = 0 : i64, tpu.core_type = #tpu.core_type<tc>, window_params = [{transform_indices = @transform_0, window_bounds = array<i64: 2000, 128>}, {transform_indices = @transform_1, window_bounds = array<i64: 2000, 128>}, {transform_indices = @transform_2, window_bounds = array<i64: 2000, 128>}, {pipeline_mode = #tpu.pipeline_mode<synchronous>, transform_indices = @transform_3, window_bounds = array<i64: 128, 128>}, {pipeline_mode = #tpu.pipeline_mode<synchronous>, transform_indices = @transform_4, window_bounds = array<i64: 128, 128>}, {pipeline_mode = #tpu.pipeline_mode<synchronous>, transform_indices = @transform_5, window_bounds = array<i64: 1, 128>}, {pipeline_mode = #tpu.pipeline_mode<synchronous>, transform_indices = @transform_6, window_bounds = array<i64: 128, 128>}, {pipeline_mode = #tpu.pipeline_mode<synchronous>, transform_indices = @transform_7, window_bounds = array<i64: 1, 128>}, {pipeline_mode = #tpu.pipeline_mode<synchronous>, transform_indices = @transform_8, window_bounds = array<i64: 128, 128>}, {pipeline_mode = #tpu.pipeline_mode<synchronous>, transform_indices = @transform_9, window_bounds = array<i64: 128, 128>}, {pipeline_mode = #tpu.pipeline_mode<synchronous>, transform_indices = @transform_10, window_bounds = array<i64: 1, 128>}, {transform_indices = @transform_11, window_bounds = array<i64: 2000, 128>}, {transform_indices = @transform_12, window_bounds = array<i64: 2000, 128>}, {transform_indices = @transform_13, window_bounds = array<i64: 2000, 128>}]} {
    %get3A = arith.constant 0 : index
    %get3A_0 = arith.constant 0 : index
    %get3A_1 = vector.load %arg1[%get3A, %get3A_0] : memref<2000x128xf32, #tpu.memory_space<vmem>>, vector<2000x128xf32>
    %get3A_2 = arith.constant 0 : index
    %get3A_3 = arith.constant 0 : index
    %get3A_4 = vector.load %arg2[%get3A_2, %get3A_3] : memref<2000x128xf32, #tpu.memory_space<vmem>>, vector<2000x128xf32>
    %get3A_5 = arith.constant 0 : index
    %get3A_6 = arith.constant 0 : index
    %get3A_7 = vector.load %arg3[%get3A_5, %get3A_6] : memref<2000x128xf32, #tpu.memory_space<vmem>>, vector<2000x128xf32>
    %add3A = arith.addf %get3A_4, %get3A_7 : vector<2000x128xf32>
    %mul3A = arith.constant 0.00999999977 : f32
    %mul3A_8 = vector.broadcast %mul3A : f32 to vector<2000x128xf32>
    %mul3A_9 = arith.mulf %add3A, %mul3A_8 : vector<2000x128xf32>
    %get3A_10 = arith.constant 0 : index
    %get3A_11 = arith.constant 0 : index
    %get3A_12 = vector.load %arg4[%get3A_10, %get3A_11] : memref<128x128xf32, #tpu.memory_space<vmem>>, vector<128x128xf32>
    %dot_general3A = arith.constant dense<0.000000e+00> : vector<2000x128xf32>
    %dot_general3A_13 = tpu.matmul %get3A_1, %get3A_12, %dot_general3A {dimension_numbers = #tpu.dot_dimension_numbers<[1], [0], [0], [1], [0, 0, 1, 1], [], []>, transpose_lhs_hint = false} : vector<2000x128xf32>, vector<128x128xf32>, vector<2000x128xf32> -> vector<2000x128xf32>
    %get3A_14 = arith.constant 0 : index
    %get3A_15 = arith.constant 0 : index
    %get3A_16 = vector.load %arg5[%get3A_14, %get3A_15] : memref<128x128xf32, #tpu.memory_space<vmem>>, vector<128x128xf32>
    %dot_general3A_17 = arith.constant dense<0.000000e+00> : vector<2000x128xf32>
    %dot_general3A_18 = tpu.matmul %mul3A_9, %get3A_16, %dot_general3A_17 {dimension_numbers = #tpu.dot_dimension_numbers<[1], [0], [0], [1], [0, 0, 1, 1], [], []>, transpose_lhs_hint = false} : vector<2000x128xf32>, vector<128x128xf32>, vector<2000x128xf32> -> vector<2000x128xf32>
    %add3A_19 = arith.addf %dot_general3A_13, %dot_general3A_18 : vector<2000x128xf32>
    %get3A_20 = arith.constant 0 : index
    %get3A_21 = arith.constant 0 : index
    %get3A_22 = vector.load %arg6[%get3A_20, %get3A_21] : memref<1x128xf32, #tpu.memory_space<vmem>>, vector<1x128xf32>
    %add3A_23 = vector.broadcast %get3A_22 : vector<1x128xf32> to vector<2000x128xf32>
    %add3A_24 = arith.addf %add3A_19, %add3A_23 : vector<2000x128xf32>
    %logistic3A = arith.negf %add3A_24 : vector<2000x128xf32>
    %logistic3A_25 = math.exp %logistic3A : vector<2000x128xf32>
    %logistic3A_26 = arith.constant 1.000000e+00 : f32
    %logistic3A_27 = vector.broadcast %logistic3A_26 : f32 to vector<2000x128xf32>
    %logistic3A_28 = arith.addf %logistic3A_27, %logistic3A_25 : vector<2000x128xf32>
    %logistic3A_29 = arith.divf %logistic3A_27, %logistic3A_28 : vector<2000x128xf32>
    %mul3A_30 = arith.mulf %add3A_24, %logistic3A_29 : vector<2000x128xf32>
    %get3A_31 = arith.constant 0 : index
    %get3A_32 = arith.constant 0 : index
    %get3A_33 = vector.load %arg7[%get3A_31, %get3A_32] : memref<128x128xf32, #tpu.memory_space<vmem>>, vector<128x128xf32>
    %dot_general3A_34 = arith.constant dense<0.000000e+00> : vector<2000x128xf32>
    %dot_general3A_35 = tpu.matmul %mul3A_30, %get3A_33, %dot_general3A_34 {dimension_numbers = #tpu.dot_dimension_numbers<[1], [0], [0], [1], [0, 0, 1, 1], [], []>, transpose_lhs_hint = false} : vector<2000x128xf32>, vector<128x128xf32>, vector<2000x128xf32> -> vector<2000x128xf32>
    %get3A_36 = arith.constant 0 : index
    %get3A_37 = arith.constant 0 : index
    %get3A_38 = vector.load %arg8[%get3A_36, %get3A_37] : memref<1x128xf32, #tpu.memory_space<vmem>>, vector<1x128xf32>
    %add3A_39 = vector.broadcast %get3A_38 : vector<1x128xf32> to vector<2000x128xf32>
    %add3A_40 = arith.addf %dot_general3A_35, %add3A_39 : vector<2000x128xf32>
    %add3A_41 = arith.addf %get3A_1, %add3A_40 : vector<2000x128xf32>
    %swap3A = arith.constant 0 : index
    %swap3A_42 = arith.constant 0 : index
    %swap3A_43 = vector.load %arg12[%swap3A, %swap3A_42] : memref<2000x128xf32, #tpu.memory_space<vmem>>, vector<2000x128xf32>
    tpu.vector_store %arg12[%swap3A, %swap3A_42], %add3A_41 {strides = array<i32>} : memref<2000x128xf32, #tpu.memory_space<vmem>>, vector<2000x128xf32>,
    %get3A_44 = arith.constant 0 : index
    %get3A_45 = arith.constant 0 : index
    %get3A_46 = vector.load %arg9[%get3A_44, %get3A_45] : memref<128x128xf32, #tpu.memory_space<vmem>>, vector<128x128xf32>
    %dot_general3A_47 = arith.constant dense<0.000000e+00> : vector<2000x128xf32>
    %dot_general3A_48 = tpu.matmul %add3A_41, %get3A_46, %dot_general3A_47 {dimension_numbers = #tpu.dot_dimension_numbers<[1], [0], [0], [1], [0, 0, 1, 1], [], []>, transpose_lhs_hint = false} : vector<2000x128xf32>, vector<128x128xf32>, vector<2000x128xf32> -> vector<2000x128xf32>
    %get3A_49 = arith.constant 0 : index
    %get3A_50 = arith.constant 0 : index
    %get3A_51 = vector.load %arg11[%get3A_49, %get3A_50] : memref<1x128xf32, #tpu.memory_space<vmem>>, vector<1x128xf32>
    %add3A_52 = vector.broadcast %get3A_51 : vector<1x128xf32> to vector<2000x128xf32>
    %add3A_53 = arith.addf %dot_general3A_48, %add3A_52 : vector<2000x128xf32>
    %swap3A_54 = arith.constant 0 : index
    %swap3A_55 = arith.constant 0 : index
    %swap3A_56 = vector.load %arg13[%swap3A_54, %swap3A_55] : memref<2000x128xf32, #tpu.memory_space<vmem>>, vector<2000x128xf32>
    tpu.vector_store %arg13[%swap3A_54, %swap3A_55], %add3A_53 {strides = array<i32>} : memref<2000x128xf32, #tpu.memory_space<vmem>>, vector<2000x128xf32>,
    %get3A_57 = arith.constant 0 : index
    %get3A_58 = arith.constant 0 : index
    %get3A_59 = vector.load %arg10[%get3A_57, %get3A_58] : memref<128x128xf32, #tpu.memory_space<vmem>>, vector<128x128xf32>
    %dot_general3A_60 = arith.constant dense<0.000000e+00> : vector<2000x128xf32>
    %dot_general3A_61 = tpu.matmul %add3A_41, %get3A_59, %dot_general3A_60 {dimension_numbers = #tpu.dot_dimension_numbers<[1], [0], [0], [1], [0, 0, 1, 1], [], []>, transpose_lhs_hint = false} : vector<2000x128xf32>, vector<128x128xf32>, vector<2000x128xf32> -> vector<2000x128xf32>
    %swap3A_62 = arith.constant 0 : index
    %swap3A_63 = arith.constant 0 : index
    %swap3A_64 = vector.load %arg14[%swap3A_62, %swap3A_63] : memref<2000x128xf32, #tpu.memory_space<vmem>>, vector<2000x128xf32>
    tpu.vector_store %arg14[%swap3A_62, %swap3A_63], %dot_general3A_61 {strides = array<i32>} : memref<2000x128xf32, #tpu.memory_space<vmem>>, vector<2000x128xf32>,
    return
  }
  func.func @transform_0(%arg0: i32) -> (i32, i32) {
    %c0_i32 = arith.constant 0 : i32
    %c0_i32_0 = arith.constant 0 : i32
    return %arg0, %c0_i32 : i32, i32
  }
  func.func @transform_1(%arg0: i32) -> (i32, i32) {
    %c0_i32 = arith.constant 0 : i32
    %c0_i32_0 = arith.constant 0 : i32
    return %arg0, %c0_i32 : i32, i32
  }
  func.func @transform_2(%arg0: i32) -> (i32, i32) {
    %c0_i32 = arith.constant 0 : i32
    %c0_i32_0 = arith.constant 0 : i32
    return %arg0, %c0_i32 : i32, i32
  }
  func.func @transform_3(%arg0: i32) -> (i32, i32) {
    %c0_i32 = arith.constant 0 : i32
    %c0_i32_0 = arith.constant 0 : i32
    %c0_i32_1 = arith.constant 0 : i32
    return %c0_i32, %c0_i32_0 : i32, i32
  }
  func.func @transform_4(%arg0: i32) -> (i32, i32) {
    %c0_i32 = arith.constant 0 : i32
    %c0_i32_0 = arith.constant 0 : i32
    %c0_i32_1 = arith.constant 0 : i32
    return %c0_i32, %c0_i32_0 : i32, i32
  }
  func.func @transform_5(%arg0: i32) -> (i32, i32) {
    %c0_i32 = arith.constant 0 : i32
    %c0_i32_0 = arith.constant 0 : i32
    %c0_i32_1 = arith.constant 0 : i32
    return %c0_i32, %c0_i32_0 : i32, i32
  }
  func.func @transform_6(%arg0: i32) -> (i32, i32) {
    %c0_i32 = arith.constant 0 : i32
    %c0_i32_0 = arith.constant 0 : i32
    %c0_i32_1 = arith.constant 0 : i32
    return %c0_i32, %c0_i32_0 : i32, i32
  }
  func.func @transform_7(%arg0: i32) -> (i32, i32) {
    %c0_i32 = arith.constant 0 : i32
    %c0_i32_0 = arith.constant 0 : i32
    %c0_i32_1 = arith.constant 0 : i32
    return %c0_i32, %c0_i32_0 : i32, i32
  }
  func.func @transform_8(%arg0: i32) -> (i32, i32) {
    %c0_i32 = arith.constant 0 : i32
    %c0_i32_0 = arith.constant 0 : i32
    %c0_i32_1 = arith.constant 0 : i32
    return %c0_i32, %c0_i32_0 : i32, i32
  }
  func.func @transform_9(%arg0: i32) -> (i32, i32) {
    %c0_i32 = arith.constant 0 : i32
    %c0_i32_0 = arith.constant 0 : i32
    %c0_i32_1 = arith.constant 0 : i32
    return %c0_i32, %c0_i32_0 : i32, i32
  }
  func.func @transform_10(%arg0: i32) -> (i32, i32) {
    %c0_i32 = arith.constant 0 : i32
    %c0_i32_0 = arith.constant 0 : i32
    %c0_i32_1 = arith.constant 0 : i32
    return %c0_i32, %c0_i32_0 : i32, i32
  }
  func.func @transform_11(%arg0: i32) -> (i32, i32) {
    %c0_i32 = arith.constant 0 : i32
    %c0_i32_0 = arith.constant 0 : i32
    return %arg0, %c0_i32 : i32, i32
  }
  func.func @transform_12(%arg0: i32) -> (i32, i32) {
    %c0_i32 = arith.constant 0 : i32
    %c0_i32_0 = arith.constant 0 : i32
    return %arg0, %c0_i32 : i32, i32
  }
  func.func @transform_13(%arg0: i32) -> (i32, i32) {
    %c0_i32 = arith.constant 0 : i32
    %c0_i32_0 = arith.constant 0 : i32
    return %arg0, %c0_i32 : i32, i32
  }
}

module attributes {stable_mosaic.version = 14 : i64} {
  func.func @_edge_mlp_body(%arg0: i32, %arg1: memref<2000x128xf32, #tpu.memory_space<vmem>>, %arg2: memref<2000x16xf32, #tpu.memory_space<vmem>>, %arg3: memref<2x128xf32, #tpu.memory_space<vmem>>, %arg4: memref<128x128xf32, #tpu.memory_space<vmem>>, %arg5: memref<1x128xf32, #tpu.memory_space<vmem>>, %arg6: memref<128x1xf32, #tpu.memory_space<vmem>>, %arg7: memref<1x1xf32, #tpu.memory_space<vmem>>, %arg8: memref<2000x128xf32, #tpu.memory_space<vmem>>) attributes {dimension_semantics = [#tpu.dimension_semantics<arbitrary>], iteration_bounds = array<i64: 160>, scalar_prefetch = 0 : i64, scratch_operands = 0 : i64, tpu.core_type = #tpu.core_type<tc>, window_params = [{transform_indices = @transform_0, window_bounds = array<i64: 2000, 128>}, {transform_indices = @transform_1, window_bounds = array<i64: 2000, 16>}, {pipeline_mode = #tpu.pipeline_mode<synchronous>, transform_indices = @transform_2, window_bounds = array<i64: 2, 128>}, {pipeline_mode = #tpu.pipeline_mode<synchronous>, transform_indices = @transform_3, window_bounds = array<i64: 128, 128>}, {pipeline_mode = #tpu.pipeline_mode<synchronous>, transform_indices = @transform_4, window_bounds = array<i64: 1, 128>}, {pipeline_mode = #tpu.pipeline_mode<synchronous>, transform_indices = @transform_5, window_bounds = array<i64: 128, 1>}, {pipeline_mode = #tpu.pipeline_mode<synchronous>, transform_indices = @transform_6, window_bounds = array<i64: 1, 1>}, {transform_indices = @transform_7, window_bounds = array<i64: 2000, 128>}]} {
    %get3A = arith.constant 0 : index
    %get3A_0 = arith.constant 0 : index
    %get3A_1 = vector.load %arg1[%get3A, %get3A_0] : memref<2000x128xf32, #tpu.memory_space<vmem>>, vector<2000x128xf32>
    %get3A_2 = arith.constant 0 : index
    %get3A_3 = arith.constant 0 : index
    %get3A_4 = vector.load %arg2[%get3A_2, %get3A_3] : memref<2000x16xf32, #tpu.memory_space<vmem>>, vector<2000x16xf32>
    %slice3A = vector.extract_strided_slice %get3A_4 {offsets = [0, 0], sizes = [2000, 2], strides = [1, 1]} : vector<2000x16xf32> to vector<2000x2xf32>
    %get3A_5 = arith.constant 0 : index
    %get3A_6 = arith.constant 0 : index
    %get3A_7 = vector.load %arg3[%get3A_5, %get3A_6] : memref<2x128xf32, #tpu.memory_space<vmem>>, vector<2x128xf32>
    %dot_general3A = arith.constant dense<0.000000e+00> : vector<2000x128xf32>
    %dot_general3A_8 = tpu.matmul %slice3A, %get3A_7, %dot_general3A {dimension_numbers = #tpu.dot_dimension_numbers<[1], [0], [0], [1], [0, 0, 1, 1], [], []>, transpose_lhs_hint = false} : vector<2000x2xf32>, vector<2x128xf32>, vector<2000x128xf32> -> vector<2000x128xf32>
    %add3A = arith.addf %get3A_1, %dot_general3A_8 : vector<2000x128xf32>
    %logistic3A = arith.negf %add3A : vector<2000x128xf32>
    %logistic3A_9 = math.exp %logistic3A : vector<2000x128xf32>
    %logistic3A_10 = arith.constant 1.000000e+00 : f32
    %logistic3A_11 = vector.broadcast %logistic3A_10 : f32 to vector<2000x128xf32>
    %logistic3A_12 = arith.addf %logistic3A_11, %logistic3A_9 : vector<2000x128xf32>
    %logistic3A_13 = arith.divf %logistic3A_11, %logistic3A_12 : vector<2000x128xf32>
    %mul3A = arith.mulf %add3A, %logistic3A_13 : vector<2000x128xf32>
    %get3A_14 = arith.constant 0 : index
    %get3A_15 = arith.constant 0 : index
    %get3A_16 = vector.load %arg4[%get3A_14, %get3A_15] : memref<128x128xf32, #tpu.memory_space<vmem>>, vector<128x128xf32>
    %dot_general3A_17 = arith.constant dense<0.000000e+00> : vector<2000x128xf32>
    %dot_general3A_18 = tpu.matmul %mul3A, %get3A_16, %dot_general3A_17 {dimension_numbers = #tpu.dot_dimension_numbers<[1], [0], [0], [1], [0, 0, 1, 1], [], []>, transpose_lhs_hint = false} : vector<2000x128xf32>, vector<128x128xf32>, vector<2000x128xf32> -> vector<2000x128xf32>
    %get3A_19 = arith.constant 0 : index
    %get3A_20 = arith.constant 0 : index
    %get3A_21 = vector.load %arg5[%get3A_19, %get3A_20] : memref<1x128xf32, #tpu.memory_space<vmem>>, vector<1x128xf32>
    %add3A_22 = vector.broadcast %get3A_21 : vector<1x128xf32> to vector<2000x128xf32>
    %add3A_23 = arith.addf %dot_general3A_18, %add3A_22 : vector<2000x128xf32>
    %logistic3A_24 = arith.negf %add3A_23 : vector<2000x128xf32>
    %logistic3A_25 = math.exp %logistic3A_24 : vector<2000x128xf32>
    %logistic3A_26 = arith.constant 1.000000e+00 : f32
    %logistic3A_27 = vector.broadcast %logistic3A_26 : f32 to vector<2000x128xf32>
    %logistic3A_28 = arith.addf %logistic3A_27, %logistic3A_25 : vector<2000x128xf32>
    %logistic3A_29 = arith.divf %logistic3A_27, %logistic3A_28 : vector<2000x128xf32>
    %mul3A_30 = arith.mulf %add3A_23, %logistic3A_29 : vector<2000x128xf32>
    %get3A_31 = arith.constant 0 : index
    %get3A_32 = arith.constant 0 : index
    %get3A_33 = vector.load %arg6[%get3A_31, %get3A_32] : memref<128x1xf32, #tpu.memory_space<vmem>>, vector<128x1xf32>
    %dot_general3A_34 = arith.constant dense<0.000000e+00> : vector<2000x1xf32>
    %dot_general3A_35 = tpu.matmul %mul3A_30, %get3A_33, %dot_general3A_34 {dimension_numbers = #tpu.dot_dimension_numbers<[1], [0], [0], [1], [0, 0, 1, 1], [], []>, transpose_lhs_hint = false} : vector<2000x128xf32>, vector<128x1xf32>, vector<2000x1xf32> -> vector<2000x1xf32>
    %get3A_36 = arith.constant 0 : index
    %get3A_37 = arith.constant 0 : index
    %get3A_38 = vector.load %arg7[%get3A_36, %get3A_37] : memref<1x1xf32, #tpu.memory_space<vmem>>, vector<1x1xf32>
    %add3A_39 = vector.broadcast %get3A_38 : vector<1x1xf32> to vector<2000x1xf32>
    %add3A_40 = arith.addf %dot_general3A_35, %add3A_39 : vector<2000x1xf32>
    %logistic3A_41 = arith.negf %add3A_40 : vector<2000x1xf32>
    %logistic3A_42 = math.exp %logistic3A_41 : vector<2000x1xf32>
    %logistic3A_43 = arith.constant 1.000000e+00 : f32
    %logistic3A_44 = vector.broadcast %logistic3A_43 : f32 to vector<2000x1xf32>
    %logistic3A_45 = arith.addf %logistic3A_44, %logistic3A_42 : vector<2000x1xf32>
    %logistic3A_46 = arith.divf %logistic3A_44, %logistic3A_45 : vector<2000x1xf32>
    %mul3A_47 = vector.broadcast %logistic3A_46 : vector<2000x1xf32> to vector<2000x128xf32>
    %mul3A_48 = arith.mulf %mul3A_30, %mul3A_47 : vector<2000x128xf32>
    %swap3A = arith.constant 0 : index
    %swap3A_49 = arith.constant 0 : index
    %swap3A_50 = vector.load %arg8[%swap3A, %swap3A_49] : memref<2000x128xf32, #tpu.memory_space<vmem>>, vector<2000x128xf32>
    tpu.vector_store %arg8[%swap3A, %swap3A_49], %mul3A_48 {strides = array<i32>} : memref<2000x128xf32, #tpu.memory_space<vmem>>, vector<2000x128xf32>,
    return
  }
  func.func @transform_0(%arg0: i32) -> (i32, i32) {
    %c0_i32 = arith.constant 0 : i32
    %c0_i32_0 = arith.constant 0 : i32
    return %arg0, %c0_i32 : i32, i32
  }
  func.func @transform_1(%arg0: i32) -> (i32, i32) {
    %c0_i32 = arith.constant 0 : i32
    %c0_i32_0 = arith.constant 0 : i32
    return %arg0, %c0_i32 : i32, i32
  }
  func.func @transform_2(%arg0: i32) -> (i32, i32) {
    %c0_i32 = arith.constant 0 : i32
    %c0_i32_0 = arith.constant 0 : i32
    %c0_i32_1 = arith.constant 0 : i32
    return %c0_i32, %c0_i32_0 : i32, i32
  }
  func.func @transform_3(%arg0: i32) -> (i32, i32) {
    %c0_i32 = arith.constant 0 : i32
    %c0_i32_0 = arith.constant 0 : i32
    %c0_i32_1 = arith.constant 0 : i32
    return %c0_i32, %c0_i32_0 : i32, i32
  }
  func.func @transform_4(%arg0: i32) -> (i32, i32) {
    %c0_i32 = arith.constant 0 : i32
    %c0_i32_0 = arith.constant 0 : i32
    %c0_i32_1 = arith.constant 0 : i32
    return %c0_i32, %c0_i32_0 : i32, i32
  }
  func.func @transform_5(%arg0: i32) -> (i32, i32) {
    %c0_i32 = arith.constant 0 : i32
    %c0_i32_0 = arith.constant 0 : i32
    %c0_i32_1 = arith.constant 0 : i32
    return %c0_i32, %c0_i32_0 : i32, i32
  }
  func.func @transform_6(%arg0: i32) -> (i32, i32) {
    %c0_i32 = arith.constant 0 : i32
    %c0_i32_0 = arith.constant 0 : i32
    %c0_i32_1 = arith.constant 0 : i32
    return %c0_i32, %c0_i32_0 : i32, i32
  }
  func.func @transform_7(%arg0: i32) -> (i32, i32) {
    %c0_i32 = arith.constant 0 : i32
    %c0_i32_0 = arith.constant 0 : i32
    return %arg0, %c0_i32 : i32, i32
  }
}

module attributes {stable_mosaic.version = 14 : i64} {
  func.func @_node_mlp_fused_body(%arg0: i32, %arg1: memref<2000x128xf32, #tpu.memory_space<vmem>>, %arg2: memref<2000x128xf32, #tpu.memory_space<vmem>>, %arg3: memref<2000x128xf32, #tpu.memory_space<vmem>>, %arg4: memref<128x128xf32, #tpu.memory_space<vmem>>, %arg5: memref<128x128xf32, #tpu.memory_space<vmem>>, %arg6: memref<1x128xf32, #tpu.memory_space<vmem>>, %arg7: memref<128x128xf32, #tpu.memory_space<vmem>>, %arg8: memref<1x128xf32, #tpu.memory_space<vmem>>, %arg9: memref<128x128xf32, #tpu.memory_space<vmem>>, %arg10: memref<128x128xf32, #tpu.memory_space<vmem>>, %arg11: memref<1x128xf32, #tpu.memory_space<vmem>>, %arg12: memref<2000x128xf32, #tpu.memory_space<vmem>>, %arg13: memref<2000x128xf32, #tpu.memory_space<vmem>>, %arg14: memref<2000x128xf32, #tpu.memory_space<vmem>>) attributes {dimension_semantics = [#tpu.dimension_semantics<arbitrary>], iteration_bounds = array<i64: 5>, scalar_prefetch = 0 : i64, scratch_operands = 0 : i64, tpu.core_type = #tpu.core_type<tc>, window_params = [{transform_indices = @transform_0, window_bounds = array<i64: 2000, 128>}, {transform_indices = @transform_1, window_bounds = array<i64: 2000, 128>}, {transform_indices = @transform_2, window_bounds = array<i64: 2000, 128>}, {pipeline_mode = #tpu.pipeline_mode<synchronous>, transform_indices = @transform_3, window_bounds = array<i64: 128, 128>}, {pipeline_mode = #tpu.pipeline_mode<synchronous>, transform_indices = @transform_4, window_bounds = array<i64: 128, 128>}, {pipeline_mode = #tpu.pipeline_mode<synchronous>, transform_indices = @transform_5, window_bounds = array<i64: 1, 128>}, {pipeline_mode = #tpu.pipeline_mode<synchronous>, transform_indices = @transform_6, window_bounds = array<i64: 128, 128>}, {pipeline_mode = #tpu.pipeline_mode<synchronous>, transform_indices = @transform_7, window_bounds = array<i64: 1, 128>}, {pipeline_mode = #tpu.pipeline_mode<synchronous>, transform_indices = @transform_8, window_bounds = array<i64: 128, 128>}, {pipeline_mode = #tpu.pipeline_mode<synchronous>, transform_indices = @transform_9, window_bounds = array<i64: 128, 128>}, {pipeline_mode = #tpu.pipeline_mode<synchronous>, transform_indices = @transform_10, window_bounds = array<i64: 1, 128>}, {transform_indices = @transform_11, window_bounds = array<i64: 2000, 128>}, {transform_indices = @transform_12, window_bounds = array<i64: 2000, 128>}, {transform_indices = @transform_13, window_bounds = array<i64: 2000, 128>}]} {
    %get3A = arith.constant 0 : index
    %get3A_0 = arith.constant 0 : index
    %get3A_1 = vector.load %arg1[%get3A, %get3A_0] : memref<2000x128xf32, #tpu.memory_space<vmem>>, vector<2000x128xf32>
    %get3A_2 = arith.constant 0 : index
    %get3A_3 = arith.constant 0 : index
    %get3A_4 = vector.load %arg2[%get3A_2, %get3A_3] : memref<2000x128xf32, #tpu.memory_space<vmem>>, vector<2000x128xf32>
    %get3A_5 = arith.constant 0 : index
    %get3A_6 = arith.constant 0 : index
    %get3A_7 = vector.load %arg3[%get3A_5, %get3A_6] : memref<2000x128xf32, #tpu.memory_space<vmem>>, vector<2000x128xf32>
    %add3A = arith.addf %get3A_4, %get3A_7 : vector<2000x128xf32>
    %mul3A = arith.constant 0.00999999977 : f32
    %mul3A_8 = vector.broadcast %mul3A : f32 to vector<2000x128xf32>
    %mul3A_9 = arith.mulf %add3A, %mul3A_8 : vector<2000x128xf32>
    %get3A_10 = arith.constant 0 : index
    %get3A_11 = arith.constant 0 : index
    %get3A_12 = vector.load %arg4[%get3A_10, %get3A_11] : memref<128x128xf32, #tpu.memory_space<vmem>>, vector<128x128xf32>
    %dot_general3A = arith.constant dense<0.000000e+00> : vector<2000x128xf32>
    %dot_general3A_13 = tpu.matmul %get3A_1, %get3A_12, %dot_general3A {dimension_numbers = #tpu.dot_dimension_numbers<[1], [0], [0], [1], [0, 0, 1, 1], [], []>, transpose_lhs_hint = false} : vector<2000x128xf32>, vector<128x128xf32>, vector<2000x128xf32> -> vector<2000x128xf32>
    %get3A_14 = arith.constant 0 : index
    %get3A_15 = arith.constant 0 : index
    %get3A_16 = vector.load %arg5[%get3A_14, %get3A_15] : memref<128x128xf32, #tpu.memory_space<vmem>>, vector<128x128xf32>
    %dot_general3A_17 = arith.constant dense<0.000000e+00> : vector<2000x128xf32>
    %dot_general3A_18 = tpu.matmul %mul3A_9, %get3A_16, %dot_general3A_17 {dimension_numbers = #tpu.dot_dimension_numbers<[1], [0], [0], [1], [0, 0, 1, 1], [], []>, transpose_lhs_hint = false} : vector<2000x128xf32>, vector<128x128xf32>, vector<2000x128xf32> -> vector<2000x128xf32>
    %add3A_19 = arith.addf %dot_general3A_13, %dot_general3A_18 : vector<2000x128xf32>
    %get3A_20 = arith.constant 0 : index
    %get3A_21 = arith.constant 0 : index
    %get3A_22 = vector.load %arg6[%get3A_20, %get3A_21] : memref<1x128xf32, #tpu.memory_space<vmem>>, vector<1x128xf32>
    %add3A_23 = vector.broadcast %get3A_22 : vector<1x128xf32> to vector<2000x128xf32>
    %add3A_24 = arith.addf %add3A_19, %add3A_23 : vector<2000x128xf32>
    %logistic3A = arith.negf %add3A_24 : vector<2000x128xf32>
    %logistic3A_25 = math.exp %logistic3A : vector<2000x128xf32>
    %logistic3A_26 = arith.constant 1.000000e+00 : f32
    %logistic3A_27 = vector.broadcast %logistic3A_26 : f32 to vector<2000x128xf32>
    %logistic3A_28 = arith.addf %logistic3A_27, %logistic3A_25 : vector<2000x128xf32>
    %logistic3A_29 = arith.divf %logistic3A_27, %logistic3A_28 : vector<2000x128xf32>
    %mul3A_30 = arith.mulf %add3A_24, %logistic3A_29 : vector<2000x128xf32>
    %get3A_31 = arith.constant 0 : index
    %get3A_32 = arith.constant 0 : index
    %get3A_33 = vector.load %arg7[%get3A_31, %get3A_32] : memref<128x128xf32, #tpu.memory_space<vmem>>, vector<128x128xf32>
    %dot_general3A_34 = arith.constant dense<0.000000e+00> : vector<2000x128xf32>
    %dot_general3A_35 = tpu.matmul %mul3A_30, %get3A_33, %dot_general3A_34 {dimension_numbers = #tpu.dot_dimension_numbers<[1], [0], [0], [1], [0, 0, 1, 1], [], []>, transpose_lhs_hint = false} : vector<2000x128xf32>, vector<128x128xf32>, vector<2000x128xf32> -> vector<2000x128xf32>
    %get3A_36 = arith.constant 0 : index
    %get3A_37 = arith.constant 0 : index
    %get3A_38 = vector.load %arg8[%get3A_36, %get3A_37] : memref<1x128xf32, #tpu.memory_space<vmem>>, vector<1x128xf32>
    %add3A_39 = vector.broadcast %get3A_38 : vector<1x128xf32> to vector<2000x128xf32>
    %add3A_40 = arith.addf %dot_general3A_35, %add3A_39 : vector<2000x128xf32>
    %add3A_41 = arith.addf %get3A_1, %add3A_40 : vector<2000x128xf32>
    %swap3A = arith.constant 0 : index
    %swap3A_42 = arith.constant 0 : index
    %swap3A_43 = vector.load %arg12[%swap3A, %swap3A_42] : memref<2000x128xf32, #tpu.memory_space<vmem>>, vector<2000x128xf32>
    tpu.vector_store %arg12[%swap3A, %swap3A_42], %add3A_41 {strides = array<i32>} : memref<2000x128xf32, #tpu.memory_space<vmem>>, vector<2000x128xf32>,
    %get3A_44 = arith.constant 0 : index
    %get3A_45 = arith.constant 0 : index
    %get3A_46 = vector.load %arg9[%get3A_44, %get3A_45] : memref<128x128xf32, #tpu.memory_space<vmem>>, vector<128x128xf32>
    %dot_general3A_47 = arith.constant dense<0.000000e+00> : vector<2000x128xf32>
    %dot_general3A_48 = tpu.matmul %add3A_41, %get3A_46, %dot_general3A_47 {dimension_numbers = #tpu.dot_dimension_numbers<[1], [0], [0], [1], [0, 0, 1, 1], [], []>, transpose_lhs_hint = false} : vector<2000x128xf32>, vector<128x128xf32>, vector<2000x128xf32> -> vector<2000x128xf32>
    %get3A_49 = arith.constant 0 : index
    %get3A_50 = arith.constant 0 : index
    %get3A_51 = vector.load %arg11[%get3A_49, %get3A_50] : memref<1x128xf32, #tpu.memory_space<vmem>>, vector<1x128xf32>
    %add3A_52 = vector.broadcast %get3A_51 : vector<1x128xf32> to vector<2000x128xf32>
    %add3A_53 = arith.addf %dot_general3A_48, %add3A_52 : vector<2000x128xf32>
    %swap3A_54 = arith.constant 0 : index
    %swap3A_55 = arith.constant 0 : index
    %swap3A_56 = vector.load %arg13[%swap3A_54, %swap3A_55] : memref<2000x128xf32, #tpu.memory_space<vmem>>, vector<2000x128xf32>
    tpu.vector_store %arg13[%swap3A_54, %swap3A_55], %add3A_53 {strides = array<i32>} : memref<2000x128xf32, #tpu.memory_space<vmem>>, vector<2000x128xf32>,
    %get3A_57 = arith.constant 0 : index
    %get3A_58 = arith.constant 0 : index
    %get3A_59 = vector.load %arg10[%get3A_57, %get3A_58] : memref<128x128xf32, #tpu.memory_space<vmem>>, vector<128x128xf32>
    %dot_general3A_60 = arith.constant dense<0.000000e+00> : vector<2000x128xf32>
    %dot_general3A_61 = tpu.matmul %add3A_41, %get3A_59, %dot_general3A_60 {dimension_numbers = #tpu.dot_dimension_numbers<[1], [0], [0], [1], [0, 0, 1, 1], [], []>, transpose_lhs_hint = false} : vector<2000x128xf32>, vector<128x128xf32>, vector<2000x128xf32> -> vector<2000x128xf32>
    %swap3A_62 = arith.constant 0 : index
    %swap3A_63 = arith.constant 0 : index
    %swap3A_64 = vector.load %arg14[%swap3A_62, %swap3A_63] : memref<2000x128xf32, #tpu.memory_space<vmem>>, vector<2000x128xf32>
    tpu.vector_store %arg14[%swap3A_62, %swap3A_63], %dot_general3A_61 {strides = array<i32>} : memref<2000x128xf32, #tpu.memory_space<vmem>>, vector<2000x128xf32>,
    return
  }
  func.func @transform_0(%arg0: i32) -> (i32, i32) {
    %c0_i32 = arith.constant 0 : i32
    %c0_i32_0 = arith.constant 0 : i32
    return %arg0, %c0_i32 : i32, i32
  }
  func.func @transform_1(%arg0: i32) -> (i32, i32) {
    %c0_i32 = arith.constant 0 : i32
    %c0_i32_0 = arith.constant 0 : i32
    return %arg0, %c0_i32 : i32, i32
  }
  func.func @transform_2(%arg0: i32) -> (i32, i32) {
    %c0_i32 = arith.constant 0 : i32
    %c0_i32_0 = arith.constant 0 : i32
    return %arg0, %c0_i32 : i32, i32
  }
  func.func @transform_3(%arg0: i32) -> (i32, i32) {
    %c0_i32 = arith.constant 0 : i32
    %c0_i32_0 = arith.constant 0 : i32
    %c0_i32_1 = arith.constant 0 : i32
    return %c0_i32, %c0_i32_0 : i32, i32
  }
  func.func @transform_4(%arg0: i32) -> (i32, i32) {
    %c0_i32 = arith.constant 0 : i32
    %c0_i32_0 = arith.constant 0 : i32
    %c0_i32_1 = arith.constant 0 : i32
    return %c0_i32, %c0_i32_0 : i32, i32
  }
  func.func @transform_5(%arg0: i32) -> (i32, i32) {
    %c0_i32 = arith.constant 0 : i32
    %c0_i32_0 = arith.constant 0 : i32
    %c0_i32_1 = arith.constant 0 : i32
    return %c0_i32, %c0_i32_0 : i32, i32
  }
  func.func @transform_6(%arg0: i32) -> (i32, i32) {
    %c0_i32 = arith.constant 0 : i32
    %c0_i32_0 = arith.constant 0 : i32
    %c0_i32_1 = arith.constant 0 : i32
    return %c0_i32, %c0_i32_0 : i32, i32
  }
  func.func @transform_7(%arg0: i32) -> (i32, i32) {
    %c0_i32 = arith.constant 0 : i32
    %c0_i32_0 = arith.constant 0 : i32
    %c0_i32_1 = arith.constant 0 : i32
    return %c0_i32, %c0_i32_0 : i32, i32
  }
  func.func @transform_8(%arg0: i32) -> (i32, i32) {
    %c0_i32 = arith.constant 0 : i32
    %c0_i32_0 = arith.constant 0 : i32
    %c0_i32_1 = arith.constant 0 : i32
    return %c0_i32, %c0_i32_0 : i32, i32
  }
  func.func @transform_9(%arg0: i32) -> (i32, i32) {
    %c0_i32 = arith.constant 0 : i32
    %c0_i32_0 = arith.constant 0 : i32
    %c0_i32_1 = arith.constant 0 : i32
    return %c0_i32, %c0_i32_0 : i32, i32
  }
  func.func @transform_10(%arg0: i32) -> (i32, i32) {
    %c0_i32 = arith.constant 0 : i32
    %c0_i32_0 = arith.constant 0 : i32
    %c0_i32_1 = arith.constant 0 : i32
    return %c0_i32, %c0_i32_0 : i32, i32
  }
  func.func @transform_11(%arg0: i32) -> (i32, i32) {
    %c0_i32 = arith.constant 0 : i32
    %c0_i32_0 = arith.constant 0 : i32
    return %arg0, %c0_i32 : i32, i32
  }
  func.func @transform_12(%arg0: i32) -> (i32, i32) {
    %c0_i32 = arith.constant 0 : i32
    %c0_i32_0 = arith.constant 0 : i32
    return %arg0, %c0_i32 : i32, i32
  }
  func.func @transform_13(%arg0: i32) -> (i32, i32) {
    %c0_i32 = arith.constant 0 : i32
    %c0_i32_0 = arith.constant 0 : i32
    return %arg0, %c0_i32 : i32, i32
  }
}

module attributes {stable_mosaic.version = 14 : i64} {
  func.func @_coord_edge_body(%arg0: i32, %arg1: memref<2000x128xf32, #tpu.memory_space<vmem>>, %arg2: memref<2000x16xf32, #tpu.memory_space<vmem>>, %arg3: memref<2x128xf32, #tpu.memory_space<vmem>>, %arg4: memref<128x128xf32, #tpu.memory_space<vmem>>, %arg5: memref<1x128xf32, #tpu.memory_space<vmem>>, %arg6: memref<128x1xf32, #tpu.memory_space<vmem>>, %arg7: memref<2000x16xf32, #tpu.memory_space<vmem>>) attributes {dimension_semantics = [#tpu.dimension_semantics<arbitrary>], iteration_bounds = array<i64: 160>, scalar_prefetch = 0 : i64, scratch_operands = 0 : i64, tpu.core_type = #tpu.core_type<tc>, window_params = [{transform_indices = @transform_0, window_bounds = array<i64: 2000, 128>}, {transform_indices = @transform_1, window_bounds = array<i64: 2000, 16>}, {pipeline_mode = #tpu.pipeline_mode<synchronous>, transform_indices = @transform_2, window_bounds = array<i64: 2, 128>}, {pipeline_mode = #tpu.pipeline_mode<synchronous>, transform_indices = @transform_3, window_bounds = array<i64: 128, 128>}, {pipeline_mode = #tpu.pipeline_mode<synchronous>, transform_indices = @transform_4, window_bounds = array<i64: 1, 128>}, {pipeline_mode = #tpu.pipeline_mode<synchronous>, transform_indices = @transform_5, window_bounds = array<i64: 128, 1>}, {transform_indices = @transform_6, window_bounds = array<i64: 2000, 16>}]} {
    %get3A = arith.constant 0 : index
    %get3A_0 = arith.constant 0 : index
    %get3A_1 = vector.load %arg2[%get3A, %get3A_0] : memref<2000x16xf32, #tpu.memory_space<vmem>>, vector<2000x16xf32>
    %slice3A = vector.extract_strided_slice %get3A_1 {offsets = [0, 0], sizes = [2000, 2], strides = [1, 1]} : vector<2000x16xf32> to vector<2000x2xf32>
    %get3A_2 = arith.constant 0 : index
    %get3A_3 = arith.constant 0 : index
    %get3A_4 = vector.load %arg1[%get3A_2, %get3A_3] : memref<2000x128xf32, #tpu.memory_space<vmem>>, vector<2000x128xf32>
    %get3A_5 = arith.constant 0 : index
    %get3A_6 = arith.constant 0 : index
    %get3A_7 = vector.load %arg3[%get3A_5, %get3A_6] : memref<2x128xf32, #tpu.memory_space<vmem>>, vector<2x128xf32>
    %dot_general3A = arith.constant dense<0.000000e+00> : vector<2000x128xf32>
    %dot_general3A_8 = tpu.matmul %slice3A, %get3A_7, %dot_general3A {dimension_numbers = #tpu.dot_dimension_numbers<[1], [0], [0], [1], [0, 0, 1, 1], [], []>, transpose_lhs_hint = false} : vector<2000x2xf32>, vector<2x128xf32>, vector<2000x128xf32> -> vector<2000x128xf32>
    %add3A = arith.addf %get3A_4, %dot_general3A_8 : vector<2000x128xf32>
    %logistic3A = arith.negf %add3A : vector<2000x128xf32>
    %logistic3A_9 = math.exp %logistic3A : vector<2000x128xf32>
    %logistic3A_10 = arith.constant 1.000000e+00 : f32
    %logistic3A_11 = vector.broadcast %logistic3A_10 : f32 to vector<2000x128xf32>
    %logistic3A_12 = arith.addf %logistic3A_11, %logistic3A_9 : vector<2000x128xf32>
    %logistic3A_13 = arith.divf %logistic3A_11, %logistic3A_12 : vector<2000x128xf32>
    %mul3A = arith.mulf %add3A, %logistic3A_13 : vector<2000x128xf32>
    %get3A_14 = arith.constant 0 : index
    %get3A_15 = arith.constant 0 : index
    %get3A_16 = vector.load %arg4[%get3A_14, %get3A_15] : memref<128x128xf32, #tpu.memory_space<vmem>>, vector<128x128xf32>
    %dot_general3A_17 = arith.constant dense<0.000000e+00> : vector<2000x128xf32>
    %dot_general3A_18 = tpu.matmul %mul3A, %get3A_16, %dot_general3A_17 {dimension_numbers = #tpu.dot_dimension_numbers<[1], [0], [0], [1], [0, 0, 1, 1], [], []>, transpose_lhs_hint = false} : vector<2000x128xf32>, vector<128x128xf32>, vector<2000x128xf32> -> vector<2000x128xf32>
    %get3A_19 = arith.constant 0 : index
    %get3A_20 = arith.constant 0 : index
    %get3A_21 = vector.load %arg5[%get3A_19, %get3A_20] : memref<1x128xf32, #tpu.memory_space<vmem>>, vector<1x128xf32>
    %add3A_22 = vector.broadcast %get3A_21 : vector<1x128xf32> to vector<2000x128xf32>
    %add3A_23 = arith.addf %dot_general3A_18, %add3A_22 : vector<2000x128xf32>
    %logistic3A_24 = arith.negf %add3A_23 : vector<2000x128xf32>
    %logistic3A_25 = math.exp %logistic3A_24 : vector<2000x128xf32>
    %logistic3A_26 = arith.constant 1.000000e+00 : f32
    %logistic3A_27 = vector.broadcast %logistic3A_26 : f32 to vector<2000x128xf32>
    %logistic3A_28 = arith.addf %logistic3A_27, %logistic3A_25 : vector<2000x128xf32>
    %logistic3A_29 = arith.divf %logistic3A_27, %logistic3A_28 : vector<2000x128xf32>
    %mul3A_30 = arith.mulf %add3A_23, %logistic3A_29 : vector<2000x128xf32>
    %get3A_31 = arith.constant 0 : index
    %get3A_32 = arith.constant 0 : index
    %get3A_33 = vector.load %arg6[%get3A_31, %get3A_32] : memref<128x1xf32, #tpu.memory_space<vmem>>, vector<128x1xf32>
    %dot_general3A_34 = arith.constant dense<0.000000e+00> : vector<2000x1xf32>
    %dot_general3A_35 = tpu.matmul %mul3A_30, %get3A_33, %dot_general3A_34 {dimension_numbers = #tpu.dot_dimension_numbers<[1], [0], [0], [1], [0, 0, 1, 1], [], []>, transpose_lhs_hint = false} : vector<2000x128xf32>, vector<128x1xf32>, vector<2000x1xf32> -> vector<2000x1xf32>
    %broadcast_in_dim3A = arith.constant 0.000000e+00 : f32
    %broadcast_in_dim3A_36 = vector.broadcast %broadcast_in_dim3A : f32 to vector<2000x13xf32>
    %slice3A_37 = vector.extract_strided_slice %get3A_1 {offsets = [0, 2], sizes = [2000, 3], strides = [1, 1]} : vector<2000x16xf32> to vector<2000x3xf32>
    %mul3A_38 = vector.broadcast %dot_general3A_35 : vector<2000x1xf32> to vector<2000x3xf32>
    %mul3A_39 = arith.mulf %slice3A_37, %mul3A_38 : vector<2000x3xf32>
    %concatenate3A = tpu.concatenate %mul3A_39, %broadcast_in_dim3A_36 in 1 : vector<2000x3xf32>, vector<2000x13xf32> -> vector<2000x16xf32>
    %swap3A = arith.constant 0 : index
    %swap3A_40 = arith.constant 0 : index
    %swap3A_41 = vector.load %arg7[%swap3A, %swap3A_40] : memref<2000x16xf32, #tpu.memory_space<vmem>>, vector<2000x16xf32>
    tpu.vector_store %arg7[%swap3A, %swap3A_40], %concatenate3A {strides = array<i32>} : memref<2000x16xf32, #tpu.memory_space<vmem>>, vector<2000x16xf32>,
    return
  }
  func.func @transform_0(%arg0: i32) -> (i32, i32) {
    %c0_i32 = arith.constant 0 : i32
    %c0_i32_0 = arith.constant 0 : i32
    return %arg0, %c0_i32 : i32, i32
  }
  func.func @transform_1(%arg0: i32) -> (i32, i32) {
    %c0_i32 = arith.constant 0 : i32
    %c0_i32_0 = arith.constant 0 : i32
    return %arg0, %c0_i32 : i32, i32
  }
  func.func @transform_2(%arg0: i32) -> (i32, i32) {
    %c0_i32 = arith.constant 0 : i32
    %c0_i32_0 = arith.constant 0 : i32
    %c0_i32_1 = arith.constant 0 : i32
    return %c0_i32, %c0_i32_0 : i32, i32
  }
  func.func @transform_3(%arg0: i32) -> (i32, i32) {
    %c0_i32 = arith.constant 0 : i32
    %c0_i32_0 = arith.constant 0 : i32
    %c0_i32_1 = arith.constant 0 : i32
    return %c0_i32, %c0_i32_0 : i32, i32
  }
  func.func @transform_4(%arg0: i32) -> (i32, i32) {
    %c0_i32 = arith.constant 0 : i32
    %c0_i32_0 = arith.constant 0 : i32
    %c0_i32_1 = arith.constant 0 : i32
    return %c0_i32, %c0_i32_0 : i32, i32
  }
  func.func @transform_5(%arg0: i32) -> (i32, i32) {
    %c0_i32 = arith.constant 0 : i32
    %c0_i32_0 = arith.constant 0 : i32
    %c0_i32_1 = arith.constant 0 : i32
    return %c0_i32, %c0_i32_0 : i32, i32
  }
  func.func @transform_6(%arg0: i32) -> (i32, i32) {
    %c0_i32 = arith.constant 0 : i32
    %c0_i32_0 = arith.constant 0 : i32
    return %arg0, %c0_i32 : i32, i32
  }
}

module attributes {stable_mosaic.version = 14 : i64} {
  func.func @_coord_apply_body(%arg0: i32, %arg1: memref<2000x3xf32, #tpu.memory_space<vmem>>, %arg2: memref<2000x16xf32, #tpu.memory_space<vmem>>, %arg3: memref<2000x16xf32, #tpu.memory_space<vmem>>, %arg4: memref<2000x3xf32, #tpu.memory_space<vmem>>) attributes {dimension_semantics = [#tpu.dimension_semantics<arbitrary>], iteration_bounds = array<i64: 5>, scalar_prefetch = 0 : i64, scratch_operands = 0 : i64, tpu.core_type = #tpu.core_type<tc>, window_params = [{transform_indices = @transform_0, window_bounds = array<i64: 2000, 3>}, {transform_indices = @transform_1, window_bounds = array<i64: 2000, 16>}, {transform_indices = @transform_2, window_bounds = array<i64: 2000, 16>}, {transform_indices = @transform_3, window_bounds = array<i64: 2000, 3>}]} {
    %get3A = arith.constant 0 : index
    %get3A_0 = arith.constant 0 : index
    %get3A_1 = vector.load %arg2[%get3A, %get3A_0] : memref<2000x16xf32, #tpu.memory_space<vmem>>, vector<2000x16xf32>
    %get3A_2 = arith.constant 0 : index
    %get3A_3 = arith.constant 0 : index
    %get3A_4 = vector.load %arg3[%get3A_2, %get3A_3] : memref<2000x16xf32, #tpu.memory_space<vmem>>, vector<2000x16xf32>
    %add3A = arith.addf %get3A_1, %get3A_4 : vector<2000x16xf32>
    %mul3A = arith.constant 0.00999999977 : f32
    %mul3A_5 = vector.broadcast %mul3A : f32 to vector<2000x16xf32>
    %mul3A_6 = arith.mulf %add3A, %mul3A_5 : vector<2000x16xf32>
    %get3A_7 = arith.constant 0 : index
    %get3A_8 = arith.constant 0 : index
    %get3A_9 = vector.load %arg1[%get3A_7, %get3A_8] : memref<2000x3xf32, #tpu.memory_space<vmem>>, vector<2000x3xf32>
    %slice3A = vector.extract_strided_slice %mul3A_6 {offsets = [0, 0], sizes = [2000, 3], strides = [1, 1]} : vector<2000x16xf32> to vector<2000x3xf32>
    %add3A_10 = arith.addf %get3A_9, %slice3A : vector<2000x3xf32>
    %swap3A = arith.constant 0 : index
    %swap3A_11 = arith.constant 0 : index
    %swap3A_12 = vector.load %arg4[%swap3A, %swap3A_11] : memref<2000x3xf32, #tpu.memory_space<vmem>>, vector<2000x3xf32>
    tpu.vector_store %arg4[%swap3A, %swap3A_11], %add3A_10 {strides = array<i32>} : memref<2000x3xf32, #tpu.memory_space<vmem>>, vector<2000x3xf32>,
    return
  }
  func.func @transform_0(%arg0: i32) -> (i32, i32) {
    %c0_i32 = arith.constant 0 : i32
    %c0_i32_0 = arith.constant 0 : i32
    return %arg0, %c0_i32 : i32, i32
  }
  func.func @transform_1(%arg0: i32) -> (i32, i32) {
    %c0_i32 = arith.constant 0 : i32
    %c0_i32_0 = arith.constant 0 : i32
    return %arg0, %c0_i32 : i32, i32
  }
  func.func @transform_2(%arg0: i32) -> (i32, i32) {
    %c0_i32 = arith.constant 0 : i32
    %c0_i32_0 = arith.constant 0 : i32
    return %arg0, %c0_i32 : i32, i32
  }
  func.func @transform_3(%arg0: i32) -> (i32, i32) {
    %c0_i32 = arith.constant 0 : i32
    %c0_i32_0 = arith.constant 0 : i32
    return %arg0, %c0_i32 : i32, i32
  }
}

</mosaic_0001>

<sc_bundles>
// kernel: kernel.15.cloned.1.call-start
scs
__scs_entry_jumppad:
0x0: {  	(pc) =	sbr.rel $0x88, $3  }
0x1: {  	(tag) =	ssettag $0x0;
	lr =	simm.s32 $0x1  }
0x2: {  	[smem:$0x3F84] =	sst lr;
	_ =	strace $0xD0000000  }
0x3: {  	_ = 	snop  }
0x4: {  	_ = 	snop  }
0x5: {  	_ = 	snop  }
0x6: {  	_ = 	snop  }
0x7: {  	_ = 	snop  }
__scs_overlays_trampoline_lowered:
0x8: {  	[smem:$0x3F93] =	sst s0  }
0x9: {  	[smem:$0x3F94] =	sst s1  }
0xa: {  	[smem:$0x3F95] =	sst s2  }
0xb: {  	[smem:$0x3F96] =	sst s3  }
0xc: {  	[smem:$0x3F97] =	sst s4  }
0xd: {  	[smem:$0x3F98] =	sst s5  }
0xe: {  	[smem:$0x3F99] =	sst s6  }
0xf: {  	[smem:$0x3F9A] =	sst s7  }
0x10: {  	[smem:$0x3F9B] =	sst s8  }
0x11: {  	[smem:$0x3F9C] =	sst s9;
	s0 =	simm.s32 @!p0 $0x0  }
0x12: {  	s1 =	sld [smem:$0x3F82];
	s0 =	simm.s32 @p0 $0x1  }
0x13: {  	[smem:$0x3F9D] =	sst s0;
	s0 =	simm.s32 @!p1 $0x0  }
0x14: {  	s2 =	sld [smem:$0x3F81];
	s0 =	simm.s32 @p1 $0x1  }
0x15: {  	[smem:$0x3F9E] =	sst s0;
	s0 =	simm.s32 @!p2 $0x0  }
0x16: {  	s3 =	sld [smem:$0x3FDB];
	s0 =	simm.s32 @p2 $0x1  }
0x17: {  	s4 =	simm.s32 $0x1BF5;
	[smem:$0x3FA0] =	sst s0  }
0x18: {  	s0 =	sld [smem:$0x3F83];
	_ =	swait.ge [sflag:s4], $0x0  }
0x19: {  	s7 =	sld [smem:$0x3F84]  }
0x1a: {  	s8 =	sadd.s32 $0xFFFFE003, lr  }
0x1b: {  	s9 =	sadd.s32 $0xFFFFFEF7, lr;
	s5 =	simm.s32 $0xFFFFFFFF;
	p2 =	slt.u32 s8, $0xFFFFF086  }
0x1c: {  	p1 =	slt.u32 s9, $0xF7A;
	s5 =	simm.s32 @!p2 $0x0  }
0x1d: {  	s5 =	simm.s32 @p1 $0x1;
	p0 =	seq.s32 s7, s2  }
0x1e: {  	s7 =	smul.u32 @!p0 $0xF7A, s2;
	p2 =	seq.s32 @!p0 s5, $0x0  }
0x1f: {  	s9 =	smul.u32 $0xF7A, s1;
	s8 =	simm.s32 @!p0 $0x1BF5;
	p2 =	por !p2, p0  }
0x20: {  	[sflag:s8] =	ssyncset.s32 @!p0 $0xFFFFF086;
	s6 =	sadd.s32 @!p0 s3, s7;
	s7 =	simm.s32 @!p0 $0x108  }
0x21: {  	s3 =	sadd.s32 s3, s9;
	s6 =	sadd.s32 @!p0 $0x88, s6;
	s7 =	simm.s32 @p2 $0x1082  }
0x22: {  	[simem:s7], [sflag:s8] =	dma.local @!p0 [hbm:s6], $0xF7A  }
0x23: {  	s9 =	sor.u32 $0xD0000000, s2;
	s6 =	simm.s32 $0x108;
	_ =	swait.ge @!p0 [sflag:s8], $0x0  }
0x24: {  	s3 =	sadd.s32 $0x88, s3;
	s6 =	simm.s32 @!p1 $0x1082;
	[sflag:s4] =	ssyncset.s32 $0xFFFFF086  }
0x25: {  	[simem:s6], [sflag:s4] =	dma.local [hbm:s3], $0xF7A  }
0x26: {  	[smem:$0x3F84] =	sst s1;
	(tag) =	ssettag s2;
	_ =	strace s9  }
0x27: {  	s1 =	sld [smem:$0x3F94]  }
0x28: {  	s2 =	sld [smem:$0x3F95]  }
0x29: {  	s4 =	sld [smem:$0x3F97]  }
0x2a: {  	p0 =	seq.s32 s5, $0x0;
	s5 =	sld [smem:$0x3F98]  }
0x2b: {  	s6 =	sld [smem:$0x3F99]  }
0x2c: {  	s7 =	sld [smem:$0x3F9A]  }
0x2d: {  	s3 =	simm.s32 $0x108;
	s8 =	sld [smem:$0x3F9B]  }
0x2e: {  	s3 =	simm.s32 @!p0 $0x1082;
	s9 =	sld [smem:$0x3F9C]  }
0x2f: {  	lr =	sadd.s32 s0, s3;
	s0 =	sld [smem:$0x3F93]  }
0x30: {  	s3 =	sld [smem:$0x3F96]  }
0x31: {  	[smem:$0x3F9F] =	sst s10  }
0x32: {  	s10 =	sld [smem:$0x3F9D];
	_ =	sdelay $0x3  }
0x33: {  	p0 =	seq.s32 s10, $0x1;
	s10 =	sld [smem:$0x3F9F];
	_ =	sdelay $0x3  }
0x34: {  	[smem:$0x3F9F] =	sst s10  }
0x35: {  	s10 =	sld [smem:$0x3F9E];
	_ =	sdelay $0x3  }
0x36: {  	p1 =	seq.s32 s10, $0x1;
	s10 =	sld [smem:$0x3F9F];
	_ =	sdelay $0x3  }
0x37: {  	[smem:$0x3F9F] =	sst s10  }
0x38: {  	s10 =	sld [smem:$0x3FA0]  }
0x39: {  	_ = 	snop;
	(pc) =	sbr.ind lr, $3  }
0x3a: {  	_ = 	snop  }
0x3b: {  	_ = 	snop  }
0x3c: {  	p2 =	seq.s32 s10, $0x1;
	s10 =	sld [smem:$0x3F9F]  }
0x3d: {  	_ =	shalt  }
0x3e: {  	_ =	shalt  }
0x3f: {  	_ =	shalt  }
0x40: {  	_ =	shalt  }
0x41: {  	_ =	shalt  }
0x42: {  	_ =	shalt  }
0x43: {  	_ =	shalt  }
0x44: {  	_ =	shalt  }
0x45: {  	_ =	shalt  }
0x46: {  	_ =	shalt  }
0x47: {  	_ =	shalt  }
0x48: {  	_ =	shalt  }
0x49: {  	_ =	shalt  }
0x4a: {  	_ =	shalt  }
0x4b: {  	_ =	shalt  }
0x4c: {  	_ =	shalt  }
0x4d: {  	_ =	shalt  }
0x4e: {  	_ =	shalt  }
0x4f: {  	_ =	shalt  }
0x50: {  	_ =	shalt  }
0x51: {  	_ =	shalt  }
0x52: {  	_ =	shalt  }
0x53: {  	_ =	shalt  }
0x54: {  	_ =	shalt  }
0x55: {  	_ =	shalt  }
0x56: {  	_ =	shalt  }
0x57: {  	_ =	shalt  }
0x58: {  	_ =	shalt  }
0x59: {  	_ =	shalt  }
0x5a: {  	_ =	shalt  }
0x5b: {  	_ =	shalt  }
0x5c: {  	_ =	shalt  }
0x5d: {  	_ =	shalt  }
0x5e: {  	_ =	shalt  }
0x5f: {  	_ =	shalt  }
0x60: {  	_ =	shalt  }
0x61: {  	_ =	shalt  }
0x62: {  	_ =	shalt  }
0x63: {  	_ =	shalt  }
0x64: {  	_ =	shalt  }
0x65: {  	_ =	shalt  }
0x66: {  	_ =	shalt  }
0x67: {  	_ =	shalt  }
0x68: {  	_ =	shalt  }
0x69: {  	_ =	shalt  }
0x6a: {  	_ =	shalt  }
0x6b: {  	_ =	shalt  }
0x6c: {  	_ =	shalt  }
0x6d: {  	_ =	shalt  }
0x6e: {  	_ =	shalt  }
0x6f: {  	_ =	shalt  }
0x70: {  	_ =	shalt  }
0x71: {  	_ =	shalt  }
0x72: {  	_ =	shalt  }
0x73: {  	_ =	shalt  }
0x74: {  	_ =	shalt  }
0x75: {  	_ =	shalt  }
0x76: {  	_ =	shalt  }
0x77: {  	_ =	shalt  }
0x78: {  	_ =	shalt  }
0x79: {  	_ =	shalt  }
0x7a: {  	_ =	shalt  }
0x7b: {  	_ =	shalt  }
0x7c: {  	_ =	shalt  }
0x7d: {  	_ =	shalt  }
0x7e: {  	_ =	shalt  }
0x7f: {  	_ =	shalt  }
0x80: {  	_ =	shalt  }
0x81: {  	_ =	shalt  }
0x82: {  	_ =	shalt  }
0x83: {  	_ =	shalt  }
0x84: {  	_ =	shalt  }
0x85: {  	_ =	shalt  }
0x86: {  	_ =	shalt  }
0x87: {  	_ =	shalt  }
.Lfunc_end0:
.L_simem_size_0:
called_computation_lowered:
.L_overlay_start_0:
0x88: {  	s2 =	sld [smem:$0x3FD9]  }
0x89: {  	s3 =	sld [smem:$0x3FFE];
	_ =	sdelay $0x1  }
0x8a: {  	s1 =	srdreg.scid  }
0x8b: {  	s0 =	sand.u32 $0x1, s1  }
0x8c: {  	s14 =	sshll.u32 s0, $0xA;
	s2 =	sadd.s32 s3, s2  }
0x8d: {  	s2 =	sadd.s32 s2, s14  }
0x8e: {  	[smem:$0x3FAB] =	sst s2  }
0x8f: {  	_ = 	snop  }
0x90: {  	s2 =	sld [smem:$0x3FD0];
	_ =	sdelay $0x2  }
0x91: {  	s15 =	simm.s32 $0xA;
	s4 =	simm.s32 $0x10  }
0x92: {  	[smem:s4], [sflag:s15] =	dma.local [hbm:s2], $0x1  }
0x93: {  	_ =	swait.eq [sflag:s15], $0x1  }
0x94: {  	[sflag:s15] =	ssyncset.done $0x0  }
0x95: {  	[sflag:s15] =	ssyncadd.s32 $0xFFFFFFFF  }
0x96: {  	s16 =	sld [smem:$0x10];
	(tm) =	ssettm $0x1  }
0x97: {  	s17 =	sld [smem:$0x3FFB];
	_ =	sdelay $0x3  }
0x98: {  	_ =	strace s17  }
0x99: {  	s3 =	sld [smem:$0x3FFC];
	_ =	sdelay $0x3  }
0x9a: {  	_ =	strace s3  }
0x9b: {  	s3 =	sld [smem:$0x3FFD];
	_ =	sdelay $0x3  }
0x9c: {  	_ =	strace s3  }
0x9d: {  	_ =	strace $0x8FFFFFFF  }
0x9e: {  	s18 =	sld [smem:$0x3FDB];
	_ =	sdelay $0x1  }
0x9f: {  	s19 =	simm.s32 $_scs_section_size  }
0xa0: {  	s5 =	simm.s32 $_size__tile_overlayer_lowered;
	s6 =	simm.s32 $_tile_overlayer_lowered  }
0xa1: {  	s22 =	simm.s32 $0x1BFF;
	s21 =	sshll.u32 s6, $0x1;
	s3 =	sadd.s32 s19, s18  }
0xa2: {  	s7 =	simm.s32 $0x0;
	s20 =	sshll.u32 s5, $0x1;
	s5 =	sadd.s32 s21, s3  }
0xa3: {  	[timem:s7], [sflag:s22] =	dma.local [hbm:s5], s20  }
0xa4: {  	_ =	swait.ge [sflag:s22], s20  }
0xa5: {  	s4 =	ssub.s32 $0x0, s20;
	[sflag:s22] =	ssyncset.done $0x0  }
0xa6: {  	[sflag:s22] =	ssyncadd.s32 s4;
	_ =	sdelay $0x1  }
0xa7: {  	s23 =	simm.s32 $0x1B8B  }
0xa8: {  	_ =	swait.ge [sflag:s23], $0x1  }
0xa9: {  	[sflag:s23] =	ssyncset.done $0x0  }
0xaa: {  	s25 =	simm.s32 $0x1B8E;
	s24 =	sld [smem:$0x3FFE];
	[sflag:s23] =	ssyncadd.s32 $0xFFFFFFFF  }
0xab: {  	s26 =	simm.s32 $execute0_lowered;
	[smem:$0x3FD2] =	sst s25  }
0xac: {  	s5 =	sshll.u32 s26, $0x1;
	_ =	strace $0x80000046;
	[dreg:$0x1] =	wrdreg $0xFFFFFFFF  }
0xad: {  	s28 =	simm.s32 $_size_execute0_lowered;
	s3 =	sadd.s32 s3, s5;
	[dreg:$0x0] =	wrdreg $0x0  }
0xae: {  	s5 =	sshll.u32 s28, $0x1;
	[dreg:$0x2] =	wrdreg s3  }
0xaf: {  	[dreg:$0x3] =	wrdreg s5  }
0xb0: {  	[dreg:$0x4] =	wrdreg $0xC0  }
0xb1: {  	_ =	task [dreg:s7], $0x5FFFF  }
0xb2: {  	[dreg:$0x1] =	wrdreg $0xFFFFFFFF  }
0xb3: {  	[dreg:$0x0] =	wrdreg $0x60  }
0xb4: {  	[dreg:$0x2] =	wrdreg s16  }
0xb5: {  	[dreg:$0x3] =	wrdreg s24  }
0xb6: {  	[dreg:$0x4] =	wrdreg $0x9  }
0xb7: {  	_ =	task.clear_ibuf [dreg:s7], $0x5FFFF;
	_ =	strace $0x90000046  }
0xb8: {  	s29 =	simm.s32 $0x9;
	_ =	strace $0x80000048  }
0xb9: {  	_ =	swait.ge [sflag:s29], $0x1  }
0xba: {  	[sflag:s29] =	ssyncadd.s32 $0xFFFFFFFF  }
0xbb: {  	_ =	strace $0x90000048  }
0xbc: {  	_ =	sfence  }
0xbd: {  	s30 =	sld [smem:$0x0];
	_ =	sdelay $0x2  }
0xbe: {  	s31 =	sshll.u32 s1, $0xD;
	s1 =	sshrl.u32 s1, $0x2  }
0xbf: {  	s3 =	sand.u32 $0x4000, s31;
	s1 =	sadd.s32 s1, s30  }
0xc0: {  	s0 =	sor.u32 s3, s0;
	s1 =	sshll.u32 s1, $0x11  }
0xc1: {  	s0 =	sor.u32 s1, s0  }
0xc2: {  	s0 =	sadd.s32 $0x8F2B, s0  }
0xc3: {  	[sflag:s0] =	ssyncadd.remote.s32 $0x1  }
0xc4: {  	_ =	sfence.sel $0xFFFF  }
0xc5: {  	[dreg:$0x0] =	wrdreg $0xFFFFFFFF;
	(pc) =	sbr.abs _section_cstart, $3  }
0xc6: {  	[dreg:$0x1] =	wrdreg $0xFFFFFFFF  }
0xc7: {  	_ =	task.clear_ibuf [dreg:s7], $0x2FFFF;
	_ =	strace $0x9FFFFFFF  }
0xc8: {  	(tm) =	ssettm $0x7FFFFFFF  }
0xc9: {  	_ =	shalt  }
tec
execute0_lowered:
.L_overlay_start_1:
0x0: {  	(tag) =	ssettag $0x1  }
0x1: {  	s1 =	rddreg [dreg:$0x0]  }
0x2: {  	s0 =	rddreg [dreg:$0x1];
	s2 =	simm.s32 $0x0  }
0x3: {  	s3 =	srdreg.scid;
	s8 =	stileid.u32;
	s18 =	simm.s32 $0x5  }
0x4: {  	s19 =	simm.s32 $0x100;
	s20 =	simm.s32 $0x50;
	s21 =	simm.s32 $0x200  }
0x5: {  	s22 =	simm.s32 $0x5200;
	s23 =	simm.s32 $0xA200;
	s28 =	simm.s32 $0x2A00  }
0x6: {  	s30 =	simm.s32 $0xCA00;
	s16 =	simm.s32 $0x0;
	[smem:$0x7FF] =	sst s2  }
0x7: {  	s3 =	sand.u32 $0x1, s3;
	s4 =	sadd.s32 $0x6AE00, s0;
	s5 =	sadd.s32 $0x43C00, s0  }
0x8: {  	s6 =	sadd.s32 $0x12C00, s0;
	s9 =	sadd.s32 $0x92000, s0;
	s7 =	sshll.u32 s3, $0x4  }
0x9: {  	_ =	strace $0x80000047;
	s3 =	ssub.s32 $0x2, s3;
	s10 =	sor.u32 s8, s7  }
0xa: {  	s7 =	sadd.s32 $0x8E00, s0;
	s11 =	sshrl.u32 s3, $0x1;
	s8 =	smul.u32 $0x2710, s10  }
0xb: {  	s12 =	smul.u32 $0x138800, s10;
	s10 =	sadd.s32 $0x574000, s0;
	s24 =	ssub.s32 s3, s11  }
0xc: {  	s11 =	simm.s32 $0x2;
	s0 =	smax.u32 s24, $0x1;
	s24 =	simm.s32 $0xF200  }
0xd: {  	s25 =	sshrl.u32 s8, $0x3;
	s29 =	sshrl.u32 s12, $0x3;
	s13 =	sadd.s32 $0x50, s8  }
0xe: {  	s14 =	sadd.s32 $0xA0, s8;
	[dreg:$0x7] =	wrdreg s0;
	s3 =	sadd.s32 s7, s25  }
0xf: {  	s26 =	sadd.s32 s6, s25;
	[dreg:$0x4] =	wrdreg s3;
	s3 =	sadd.s32 $0x26C00, s29  }
0x10: {  	s0 =	simm.s32 $0x1;
	[dreg:$0x3] =	wrdreg s26;
	s31 =	sadd.s32 s9, s3  }
0x11: {  	s25 =	simm.s32 $0x80;
	s3 =	sadd.s32 s10, s3;
	[dreg:$0x5] =	wrdreg s31  }
0x12: {  	s26 =	simm.s32 $0x180;
	[dreg:$0x6] =	wrdreg s3;
	s3 =	simm.s32 $0x3  }
.LBB2_1:
0x13: {  	[dreg:$0x8] =	wrdreg s16  }
0x14: {  	s12 =	rddreg [dreg:$0x3]  }
0x15: {  	[tilespmem:s2], [sflag:$0x5] =	stream.linear.gather [hbm4b:s12+s2], $0x50, $0x38;
	[tilespmem:$0x14200] =	vst v63  }
0x16: {  	_ =	swait.ge [sflag:s18], $0x50  }
0x17: {  	[sflag:s18] =	ssyncset.done $0x0  }
0x18: {  	s31 =	rddreg [dreg:$0x4];
	[sflag:s18] =	ssyncadd.s32 $0xFFFFFFB0  }
0x19: {  	[tilespmem:s19], [sflag:$0x5] =	stream.linear.gather [hbm4b:s31+s2], $0x50, $0x38;
	[tilespmem:$0x14200] =	vst v63  }
0x1a: {  	_ =	swait.ge [sflag:s18], $0x50  }
0x1b: {  	[sflag:s18] =	ssyncset.done $0x0  }
0x1c: {  	[sflag:s18] =	ssyncadd.s32 $0xFFFFFFB0  }
0x1d: {  	[tilespmem:s21], [sflag:$0x1] =	stream.indirect.gather [hbm4b:s1+s20], $0x80, s2, s20, $0xb8;
	[tilespmem:$0x14200] =	vst v63  }
0x1e: {  	_ = 	snop  }
0x1f: {  	[tilespmem:s22], [sflag:$0x1] =	stream.indirect.gather [hbm4b:s4+s20], $0x80, s19, s20, $0xb8;
	[tilespmem:$0x14200] =	vst v63  }
0x20: {  	_ = 	snop  }
0x21: {  	[tilespmem:s23], [sflag:$0x1] =	stream.indirect.gather [hbm4b:s5+s20], $0x80, s2, s20, $0xb8;
	[tilespmem:$0x14200] =	vst v63  }
0x22: {  	s16 =	simm.s32 $0x0  }
0x23: {  	[tilespmem:s24], [sflag:$0x1] =	stream.indirect.gather [hbm4b:s5+s20], $0x80, s19, s20, $0xb8;
	[tilespmem:$0x14200] =	vst v63  }
.LBB2_2:
0x24: {  	p0 =	seq.s32 s16, $0x0  }
0x25: {  	s15 =	simm.s32 @!p0 $0x4  }
0x26: {  	_ =	swait.ge @!p0 [sflag:s15], $0x2800  }
0x27: {  	s12 =	smul.u32 $0xA0, s16;
	[sflag:s15] =	ssyncset.done @!p0 $0x0  }
0x28: {  	[sflag:s15] =	ssyncadd.s32 @!p0 $0xFFFFD800  }
0x29: {  	s17 =	sadd.s32 s12, s13;
	_ =	swait.ge @!p0 [sflag:s15], $0x2800  }
0x2a: {  	s29 =	sshrl.u32 s17, $0x3;
	[sflag:s15] =	ssyncset.done @!p0 $0x0  }
0x2b: {  	s31 =	simm.s32 $0x0;
	[sflag:s15] =	ssyncadd.s32 @!p0 $0xFFFFD800;
	s15 =	sadd.s32 s6, s29  }
0x2c: {  	[tilespmem:s25], [sflag:$0x5] =	stream.linear.gather [hbm4b:s15+s31], $0x50, $0x38;
	[tilespmem:$0x14200] =	vst v63  }
0x2d: {  	_ =	swait.ge [sflag:s18], $0x50  }
0x2e: {  	[sflag:s18] =	ssyncset.done $0x0  }
0x2f: {  	s15 =	sadd.s32 s7, s29;
	[sflag:s18] =	ssyncadd.s32 $0xFFFFFFB0  }
0x30: {  	[tilespmem:s26], [sflag:$0x5] =	stream.linear.gather [hbm4b:s15+s31], $0x50, $0x38;
	[tilespmem:$0x14200] =	vst v63  }
0x31: {  	_ =	swait.ge [sflag:s18], $0x50  }
0x32: {  	[sflag:s18] =	ssyncset.done $0x0  }
0x33: {  	[sflag:s18] =	ssyncadd.s32 $0xFFFFFFB0  }
0x34: {  	[tilespmem:s28], [sflag:$0x2] =	stream.indirect.gather [hbm4b:s1+s20], $0x80, s25, s20, $0xb8;
	[tilespmem:$0x14200] =	vst v63  }
0x35: {  	s31 =	simm.s32 $0x7A00  }
0x36: {  	[tilespmem:s31], [sflag:$0x2] =	stream.indirect.gather [hbm4b:s4+s20], $0x80, s26, s20, $0xb8;
	[tilespmem:$0x14200] =	vst v63  }
0x37: {  	_ = 	snop  }
0x38: {  	[tilespmem:s30], [sflag:$0x2] =	stream.indirect.gather [hbm4b:s5+s20], $0x80, s25, s20, $0xb8;
	[tilespmem:$0x14200] =	vst v63  }
0x39: {  	s31 =	simm.s32 $0x11A00  }
0x3a: {  	[tilespmem:s31], [sflag:$0x2] =	stream.indirect.gather [hbm4b:s5+s20], $0x80, s26, s20, $0xb8;
	[tilespmem:$0x14200] =	vst v63  }
0x3b: {  	_ =	swait.ge [sflag:s0], $0x2800  }
0x3c: {  	[sflag:s0] =	ssyncset.done $0x0  }
0x3d: {  	[sflag:s0] =	ssyncadd.s32 $0xFFFFD800  }
0x3e: {  	_ =	swait.ge [sflag:s0], $0x2800  }
0x3f: {  	[sflag:s0] =	ssyncset.done $0x0  }
0x40: {  	[sflag:s0] =	ssyncadd.s32 $0xFFFFD800  }
0x41: {  	_ =	swait.ge [sflag:s0], $0x2800  }
0x42: {  	[sflag:s0] =	ssyncset.done $0x0  }
0x43: {  	[sflag:s0] =	ssyncadd.s32 $0xFFFFD800  }
0x44: {  	_ =	swait.ge [sflag:s0], $0x2800  }
0x45: {  	[sflag:s0] =	ssyncset.done $0x0  }
0x46: {  	s15 =	simm.s32 $0x0;
	[sflag:s0] =	ssyncadd.s32 $0xFFFFD800  }
0x47: {  	v6 =	vld [tilespmem:s15+$0x5200]  }
0x48: {  	v7 =	vld [tilespmem:s15+$0x5210]  }
0x49: {  	v9 =	vld [tilespmem:s15+$0x5220]  }
0x4a: {  	v11 =	vld [tilespmem:s15+$0x5230]  }
0x4b: {  	v5 =	vld [tilespmem:s15+$0x5240]  }
0x4c: {  	v4 =	vld [tilespmem:s15+$0x5250]  }
0x4d: {  	v3 =	vld [tilespmem:s15+$0x5260]  }
0x4e: {  	v2 =	vld [tilespmem:s15+$0x5270]  }
0x4f: {  	v1 =	vld [tilespmem:s15+$0xF200]  }
0x50: {  	v8 =	vld [tilespmem:s15+$0x200]  }
0x51: {  	v12 =	vld [tilespmem:s15+$0x210]  }
0x52: {  	v0 =	vld [tilespmem:s15+$0xF210]  }
0x53: {  	v13 =	vld [tilespmem:s15+$0x220]  }
0x54: {  	v14 =	vld [tilespmem:s15+$0x230]  }
0x55: {  	v10 =	vld [tilespmem:s15+$0x240]  }
0x56: {  	v15 =	vadd.f32 v6, v8;
	v8 =	vld [tilespmem:s15+$0x250];
	v12 =	vadd.f32 v7, v12  }
0x57: {  	v6 =	vld [tilespmem:s15+$0x260]  }
0x58: {  	v7 =	vld [tilespmem:s15+$0x270];
	[tilespmem:s15+$0x210] =	vst v12;
	v12 =	vadd.f32 v9, v13  }
0x59: {  	s29 =	simm.s32 $0x200;
	v11 =	vadd.f32 v11, v14;
	[tilespmem:s15+$0x200] =	vst v15;
	v9 =	vld [tilespmem:s15+$0xA200]  }
.LBB2_3:
0x5a: {  	s31 =	sshra.s32 s29, $0x2;
	p0 =	sne.s32 s29, $0x9E00;
	[tilespmem:s15+$0x220] =	vst v12;
	v5 =	vadd.f32 v5, v10;
	v10 =	vld [tilespmem:s15+$0xA210]  }
0x5b: {  	v12 =	vld [tilespmem:s31+$0x5200];
	[tilespmem:s15+$0x230] =	vst v11;
	v4 =	vadd.f32 v4, v8  }
0x5c: {  	v11 =	vld [tilespmem:s31+$0x5210];
	[tilespmem:s15+$0x240] =	vst v5;
	v3 =	vadd.f32 v3, v6  }
0x5d: {  	v13 =	vld [tilespmem:s31+$0x5220];
	[tilespmem:s15+$0x250] =	vst v4;
	v2 =	vadd.f32 v2, v7  }
0x5e: {  	v14 =	vld [tilespmem:s31+$0x5230];
	[tilespmem:s15+$0x260] =	vst v3;
	v1 =	vsub.f32 v9, v1  }
0x5f: {  	v5 =	vld [tilespmem:s31+$0x5240];
	[tilespmem:s15+$0x270] =	vst v2;
	v0 =	vsub.f32 v10, v0  }
0x60: {  	v4 =	vld [tilespmem:s31+$0x5250];
	[tilespmem:s15+$0xA200] =	vst v1  }
0x61: {  	v3 =	vld [tilespmem:s31+$0x5260];
	[tilespmem:s15+$0xA210] =	vst v0;
	s15 =	smov.u32 s31  }
0x62: {  	v2 =	vld [tilespmem:s15+$0x5270]  }
0x63: {  	v1 =	vld [tilespmem:s15+$0xF200]  }
0x64: {  	v0 =	vld [tilespmem:s15+$0xF210]  }
0x65: {  	v6 =	vld [tilespmem:s15+$0x200]  }
0x66: {  	v7 =	vld [tilespmem:s15+$0x210]  }
0x67: {  	v9 =	vld [tilespmem:s15+$0x220]  }
0x68: {  	v15 =	vld [tilespmem:s15+$0x230]  }
.Ltmp0:
0x69: {  	v10 =	vld [tilespmem:s15+$0x240];
	(pc) =	sbr.rel @p0 .LBB2_3-.Ltmp0, $4  }
0x6a: {  	v12 =	vadd.f32 v12, v6;
	v8 =	vld [tilespmem:s15+$0x250]  }
0x6b: {  	v11 =	vadd.f32 v11, v7;
	v6 =	vld [tilespmem:s15+$0x260]  }
0x6c: {  	[tilespmem:s15+$0x200] =	vst v12;
	v12 =	vadd.f32 v13, v9;
	v7 =	vld [tilespmem:s15+$0x270]  }
0x6d: {  	s29 =	sadd.s32 $0x200, s29;
	[tilespmem:s15+$0x210] =	vst v11;
	v11 =	vadd.f32 v14, v15;
	v9 =	vld [tilespmem:s15+$0xA200]  }
0x6e: {  	[tilespmem:s15+$0x220] =	vst v12;
	v5 =	vadd.f32 v5, v10;
	v10 =	vld [tilespmem:s15+$0xA210]  }
0x6f: {  	[tilespmem:s15+$0x230] =	vst v11;
	v4 =	vadd.f32 v4, v8  }
0x70: {  	[tilespmem:s15+$0x240] =	vst v5;
	v3 =	vadd.f32 v3, v6  }
0x71: {  	[tilespmem:s15+$0x250] =	vst v4;
	v2 =	vadd.f32 v2, v7  }
0x72: {  	[tilespmem:s15+$0x260] =	vst v3;
	v1 =	vsub.f32 v9, v1  }
0x73: {  	s29 =	sadd.s32 s8, s12;
	[tilespmem:s15+$0x270] =	vst v2;
	v0 =	vsub.f32 v10, v0  }
0x74: {  	s29 =	sshll.u32 s29, $0x4;
	[tilespmem:s15+$0xA200] =	vst v1  }
0x75: {  	s31 =	simm.s32 $0x0;
	[tilespmem:s15+$0xA210] =	vst v0;
	s15 =	sadd.s32 s9, s29  }
0x76: {  	[hbm4b:s15+s31] =	stream.linear.scatter [tilespmem:s21], [sflag:$0x3], $0x2800, $0x38;
	[tilespmem:$0x14200] =	vst v63  }
0x77: {  	s29 =	sadd.s32 s10, s29  }
0x78: {  	[hbm4b:s29+s31] =	stream.linear.scatter [tilespmem:s23], [sflag:$0x3], $0x2800, $0x38;
	[tilespmem:$0x14200] =	vst v63  }
0x79: {  	_ =	swait.ge [sflag:s3], $0x2800  }
0x7a: {  	[sflag:s3] =	ssyncset.done $0x0  }
0x7b: {  	[sflag:s3] =	ssyncadd.s32 $0xFFFFD800  }
0x7c: {  	s15 =	sadd.s32 s12, s14;
	_ =	swait.ge [sflag:s3], $0x2800  }
0x7d: {  	s12 =	sshrl.u32 s15, $0x3;
	[sflag:s3] =	ssyncset.done $0x0  }
0x7e: {  	s29 =	sadd.s32 s6, s12;
	[sflag:s3] =	ssyncadd.s32 $0xFFFFD800  }
0x7f: {  	[tilespmem:s31], [sflag:$0x5] =	stream.linear.gather [hbm4b:s29+s31], $0x50, $0x38;
	[tilespmem:$0x14200] =	vst v63  }
0x80: {  	_ =	swait.ge [sflag:s18], $0x50  }
0x81: {  	[sflag:s18] =	ssyncset.done $0x0  }
0x82: {  	s12 =	sadd.s32 s7, s12;
	[sflag:s18] =	ssyncadd.s32 $0xFFFFFFB0  }
0x83: {  	[tilespmem:s19], [sflag:$0x5] =	stream.linear.gather [hbm4b:s12+s31], $0x50, $0x38;
	[tilespmem:$0x14200] =	vst v63  }
0x84: {  	_ =	swait.ge [sflag:s18], $0x50  }
0x85: {  	[sflag:s18] =	ssyncset.done $0x0  }
0x86: {  	[sflag:s18] =	ssyncadd.s32 $0xFFFFFFB0  }
0x87: {  	[tilespmem:s21], [sflag:$0x1] =	stream.indirect.gather [hbm4b:s1+s20], $0x80, s31, s20, $0xb8;
	[tilespmem:$0x14200] =	vst v63  }
0x88: {  	_ = 	snop  }
0x89: {  	[tilespmem:s22], [sflag:$0x1] =	stream.indirect.gather [hbm4b:s4+s20], $0x80, s19, s20, $0xb8;
	[tilespmem:$0x14200] =	vst v63  }
0x8a: {  	_ = 	snop  }
0x8b: {  	[tilespmem:s23], [sflag:$0x1] =	stream.indirect.gather [hbm4b:s5+s20], $0x80, s31, s20, $0xb8;
	[tilespmem:$0x14200] =	vst v63  }
0x8c: {  	_ = 	snop  }
0x8d: {  	[tilespmem:s24], [sflag:$0x1] =	stream.indirect.gather [hbm4b:s5+s20], $0x80, s19, s20, $0xb8;
	[tilespmem:$0x14200] =	vst v63  }
0x8e: {  	_ =	swait.ge [sflag:s11], $0x2800  }
0x8f: {  	[sflag:s11] =	ssyncset.done $0x0  }
0x90: {  	[sflag:s11] =	ssyncadd.s32 $0xFFFFD800  }
0x91: {  	_ =	swait.ge [sflag:s11], $0x2800  }
0x92: {  	[sflag:s11] =	ssyncset.done $0x0  }
0x93: {  	[sflag:s11] =	ssyncadd.s32 $0xFFFFD800  }
0x94: {  	_ =	swait.ge [sflag:s11], $0x2800  }
0x95: {  	[sflag:s11] =	ssyncset.done $0x0  }
0x96: {  	[sflag:s11] =	ssyncadd.s32 $0xFFFFD800  }
0x97: {  	_ =	swait.ge [sflag:s11], $0x2800  }
0x98: {  	[sflag:s11] =	ssyncset.done $0x0  }
0x99: {  	s12 =	simm.s32 $0x0;
	[sflag:s11] =	ssyncadd.s32 $0xFFFFD800  }
0x9a: {  	v6 =	vld [tilespmem:s12+$0x7A00]  }
0x9b: {  	v7 =	vld [tilespmem:s12+$0x7A10]  }
0x9c: {  	v9 =	vld [tilespmem:s12+$0x7A20]  }
0x9d: {  	v11 =	vld [tilespmem:s12+$0x7A30]  }
0x9e: {  	v5 =	vld [tilespmem:s12+$0x7A40]  }
0x9f: {  	v4 =	vld [tilespmem:s12+$0x7A50]  }
0xa0: {  	v3 =	vld [tilespmem:s12+$0x7A60]  }
0xa1: {  	v2 =	vld [tilespmem:s12+$0x7A70]  }
0xa2: {  	v1 =	vld [tilespmem:s12+$0x11A00]  }
0xa3: {  	v8 =	vld [tilespmem:s12+$0x2A00]  }
0xa4: {  	v12 =	vld [tilespmem:s12+$0x2A10]  }
0xa5: {  	v0 =	vld [tilespmem:s12+$0x11A10]  }
0xa6: {  	v13 =	vld [tilespmem:s12+$0x2A20]  }
0xa7: {  	v14 =	vld [tilespmem:s12+$0x2A30]  }
0xa8: {  	v10 =	vld [tilespmem:s12+$0x2A40]  }
0xa9: {  	v15 =	vadd.f32 v6, v8;
	v8 =	vld [tilespmem:s12+$0x2A50];
	v12 =	vadd.f32 v7, v12  }
0xaa: {  	v6 =	vld [tilespmem:s12+$0x2A60]  }
0xab: {  	v7 =	vld [tilespmem:s12+$0x2A70];
	[tilespmem:s12+$0x2A10] =	vst v12;
	v12 =	vadd.f32 v9, v13  }
0xac: {  	s15 =	simm.s32 $0x200;
	v11 =	vadd.f32 v11, v14;
	[tilespmem:s12+$0x2A00] =	vst v15;
	v9 =	vld [tilespmem:s12+$0xCA00]  }
.LBB2_5:
0xad: {  	s29 =	sshra.s32 s15, $0x2;
	p0 =	sne.s32 s15, $0x9E00;
	[tilespmem:s12+$0x2A20] =	vst v12;
	v5 =	vadd.f32 v5, v10;
	v10 =	vld [tilespmem:s12+$0xCA10]  }
0xae: {  	v12 =	vld [tilespmem:s29+$0x7A00];
	[tilespmem:s12+$0x2A30] =	vst v11;
	v4 =	vadd.f32 v4, v8  }
0xaf: {  	v11 =	vld [tilespmem:s29+$0x7A10];
	[tilespmem:s12+$0x2A40] =	vst v5;
	v3 =	vadd.f32 v3, v6  }
0xb0: {  	v13 =	vld [tilespmem:s29+$0x7A20];
	[tilespmem:s12+$0x2A50] =	vst v4;
	v2 =	vadd.f32 v2, v7  }
0xb1: {  	v14 =	vld [tilespmem:s29+$0x7A30];
	[tilespmem:s12+$0x2A60] =	vst v3;
	v1 =	vsub.f32 v9, v1  }
0xb2: {  	v5 =	vld [tilespmem:s29+$0x7A40];
	[tilespmem:s12+$0x2A70] =	vst v2;
	v0 =	vsub.f32 v10, v0  }
0xb3: {  	v4 =	vld [tilespmem:s29+$0x7A50];
	[tilespmem:s12+$0xCA00] =	vst v1  }
0xb4: {  	v3 =	vld [tilespmem:s29+$0x7A60];
	[tilespmem:s12+$0xCA10] =	vst v0;
	s12 =	smov.u32 s29  }
0xb5: {  	v2 =	vld [tilespmem:s12+$0x7A70]  }
0xb6: {  	v1 =	vld [tilespmem:s12+$0x11A00]  }
0xb7: {  	v0 =	vld [tilespmem:s12+$0x11A10]  }
0xb8: {  	v6 =	vld [tilespmem:s12+$0x2A00]  }
0xb9: {  	v7 =	vld [tilespmem:s12+$0x2A10]  }
0xba: {  	v9 =	vld [tilespmem:s12+$0x2A20]  }
0xbb: {  	v15 =	vld [tilespmem:s12+$0x2A30]  }
.Ltmp1:
0xbc: {  	v10 =	vld [tilespmem:s12+$0x2A40];
	(pc) =	sbr.rel @p0 .LBB2_5-.Ltmp1, $4  }
0xbd: {  	v12 =	vadd.f32 v12, v6;
	v8 =	vld [tilespmem:s12+$0x2A50]  }
0xbe: {  	v11 =	vadd.f32 v11, v7;
	v6 =	vld [tilespmem:s12+$0x2A60]  }
0xbf: {  	[tilespmem:s12+$0x2A00] =	vst v12;
	v12 =	vadd.f32 v13, v9;
	v7 =	vld [tilespmem:s12+$0x2A70]  }
0xc0: {  	s15 =	sadd.s32 $0x200, s15;
	[tilespmem:s12+$0x2A10] =	vst v11;
	v11 =	vadd.f32 v14, v15;
	v9 =	vld [tilespmem:s12+$0xCA00]  }
0xc1: {  	[tilespmem:s12+$0x2A20] =	vst v12;
	v5 =	vadd.f32 v5, v10;
	v63 =	vld [tilespmem:s12+$0xCA10]  }
0xc2: {  	[tilespmem:s12+$0x2A30] =	vst v11;
	v4 =	vadd.f32 v4, v8  }
0xc3: {  	[tilespmem:s12+$0x2A40] =	vst v5;
	v3 =	vadd.f32 v3, v6  }
0xc4: {  	[tilespmem:s12+$0x2A50] =	vst v4;
	v2 =	vadd.f32 v2, v7  }
0xc5: {  	s16 =	sadd.s32 $0x1, s16;
	[tilespmem:s12+$0x2A60] =	vst v3;
	v1 =	vsub.f32 v9, v1  }
0xc6: {  	p0 =	sne.s32 s16, $0x3E;
	[tilespmem:s12+$0x2A70] =	vst v2;
	v0 =	vsub.f32 v63, v0  }
.Ltmp2:
0xc7: {  	s15 =	sshll.u32 s17, $0x4;
	[tilespmem:s12+$0xCA00] =	vst v1;
	(pc) =	sbr.rel @p0 .LBB2_2-.Ltmp2, $4  }
0xc8: {  	s29 =	sadd.s32 s9, s15;
	[tilespmem:s12+$0xCA10] =	vst v0  }
0xc9: {  	[hbm4b:s29+s2] =	stream.linear.scatter [tilespmem:s28], [sflag:$0x4], $0x2800, $0x38;
	[tilespmem:$0x14200] =	vst v63  }
0xca: {  	s31 =	sadd.s32 s10, s15  }
0xcb: {  	[hbm4b:s31+s2] =	stream.linear.scatter [tilespmem:s30], [sflag:$0x4], $0x2800, $0x38;
	[tilespmem:$0x14200] =	vst v63  }
0xcc: {  	_ =	swait.ge [sflag:s0], $0x2800  }
0xcd: {  	[sflag:s0] =	ssyncset.done $0x0  }
0xce: {  	[sflag:s0] =	ssyncadd.s32 $0xFFFFD800  }
0xcf: {  	_ =	swait.ge [sflag:s0], $0x2800  }
0xd0: {  	[sflag:s0] =	ssyncset.done $0x0  }
0xd1: {  	[sflag:s0] =	ssyncadd.s32 $0xFFFFD800  }
0xd2: {  	_ =	swait.ge [sflag:s0], $0x2800  }
0xd3: {  	[sflag:s0] =	ssyncset.done $0x0  }
0xd4: {  	[sflag:s0] =	ssyncadd.s32 $0xFFFFD800  }
0xd5: {  	_ =	swait.ge [sflag:s0], $0x2800  }
0xd6: {  	[sflag:s0] =	ssyncset.done $0x0  }
0xd7: {  	s12 =	simm.s32 $0x0;
	[sflag:s0] =	ssyncadd.s32 $0xFFFFD800  }
0xd8: {  	v6 =	vld [tilespmem:s12+$0x5200]  }
0xd9: {  	v7 =	vld [tilespmem:s12+$0x5210]  }
0xda: {  	v9 =	vld [tilespmem:s12+$0x5220]  }
0xdb: {  	v11 =	vld [tilespmem:s12+$0x5230]  }
0xdc: {  	v5 =	vld [tilespmem:s12+$0x5240]  }
0xdd: {  	v4 =	vld [tilespmem:s12+$0x5250]  }
0xde: {  	v3 =	vld [tilespmem:s12+$0x5260]  }
0xdf: {  	v2 =	vld [tilespmem:s12+$0x5270]  }
0xe0: {  	v1 =	vld [tilespmem:s12+$0xF200]  }
0xe1: {  	v8 =	vld [tilespmem:s12+$0x200]  }
0xe2: {  	v12 =	vld [tilespmem:s12+$0x210]  }
0xe3: {  	v0 =	vld [tilespmem:s12+$0xF210]  }
0xe4: {  	v13 =	vld [tilespmem:s12+$0x220]  }
0xe5: {  	v14 =	vld [tilespmem:s12+$0x230]  }
0xe6: {  	v10 =	vld [tilespmem:s12+$0x240]  }
0xe7: {  	v15 =	vadd.f32 v6, v8;
	v8 =	vld [tilespmem:s12+$0x250];
	v12 =	vadd.f32 v7, v12  }
0xe8: {  	v6 =	vld [tilespmem:s12+$0x260]  }
0xe9: {  	v7 =	vld [tilespmem:s12+$0x270];
	[tilespmem:s12+$0x210] =	vst v12;
	v12 =	vadd.f32 v9, v13  }
0xea: {  	s15 =	simm.s32 $0x200;
	v11 =	vadd.f32 v11, v14;
	[tilespmem:s12+$0x200] =	vst v15;
	v9 =	vld [tilespmem:s12+$0xA200]  }
.LBB2_8:
0xeb: {  	s16 =	sshra.s32 s15, $0x2;
	p0 =	sne.s32 s15, $0x9E00;
	[tilespmem:s12+$0x220] =	vst v12;
	v5 =	vadd.f32 v5, v10;
	v10 =	vld [tilespmem:s12+$0xA210]  }
0xec: {  	v12 =	vld [tilespmem:s16+$0x5200];
	[tilespmem:s12+$0x230] =	vst v11;
	v4 =	vadd.f32 v4, v8  }
0xed: {  	v11 =	vld [tilespmem:s16+$0x5210];
	[tilespmem:s12+$0x240] =	vst v5;
	v3 =	vadd.f32 v3, v6  }
0xee: {  	v13 =	vld [tilespmem:s16+$0x5220];
	[tilespmem:s12+$0x250] =	vst v4;
	v2 =	vadd.f32 v2, v7  }
0xef: {  	v14 =	vld [tilespmem:s16+$0x5230];
	[tilespmem:s12+$0x260] =	vst v3;
	v1 =	vsub.f32 v9, v1  }
0xf0: {  	v5 =	vld [tilespmem:s16+$0x5240];
	[tilespmem:s12+$0x270] =	vst v2;
	v0 =	vsub.f32 v10, v0  }
0xf1: {  	v4 =	vld [tilespmem:s16+$0x5250];
	[tilespmem:s12+$0xA200] =	vst v1  }
0xf2: {  	v3 =	vld [tilespmem:s16+$0x5260];
	[tilespmem:s12+$0xA210] =	vst v0;
	s12 =	smov.u32 s16  }
0xf3: {  	v2 =	vld [tilespmem:s12+$0x5270]  }
0xf4: {  	v1 =	vld [tilespmem:s12+$0xF200]  }
0xf5: {  	v0 =	vld [tilespmem:s12+$0xF210]  }
0xf6: {  	v6 =	vld [tilespmem:s12+$0x200]  }
0xf7: {  	v7 =	vld [tilespmem:s12+$0x210]  }
0xf8: {  	v9 =	vld [tilespmem:s12+$0x220]  }
0xf9: {  	v15 =	vld [tilespmem:s12+$0x230]  }
.Ltmp3:
0xfa: {  	v10 =	vld [tilespmem:s12+$0x240];
	(pc) =	sbr.rel @p0 .LBB2_8-.Ltmp3, $4  }
0xfb: {  	v12 =	vadd.f32 v12, v6;
	v8 =	vld [tilespmem:s12+$0x250]  }
0xfc: {  	v11 =	vadd.f32 v11, v7;
	v6 =	vld [tilespmem:s12+$0x260]  }
0xfd: {  	[tilespmem:s12+$0x200] =	vst v12;
	v12 =	vadd.f32 v13, v9;
	v7 =	vld [tilespmem:s12+$0x270]  }
0xfe: {  	s15 =	sadd.s32 $0x200, s15;
	[tilespmem:s12+$0x210] =	vst v11;
	v11 =	vadd.f32 v14, v15;
	v9 =	vld [tilespmem:s12+$0xA200]  }
0xff: {  	[tilespmem:s12+$0x220] =	vst v12;
	v5 =	vadd.f32 v5, v10;
	v63 =	vld [tilespmem:s12+$0xA210]  }
0x100: {  	[tilespmem:s12+$0x230] =	vst v11;
	v4 =	vadd.f32 v4, v8  }
0x101: {  	[tilespmem:s12+$0x240] =	vst v5;
	v3 =	vadd.f32 v3, v6  }
0x102: {  	[tilespmem:s12+$0x250] =	vst v4;
	v2 =	vadd.f32 v2, v7  }
0x103: {  	[tilespmem:s12+$0x260] =	vst v3;
	v1 =	vsub.f32 v9, v1  }
0x104: {  	[tilespmem:s12+$0x270] =	vst v2;
	v0 =	vsub.f32 v63, v0  }
0x105: {  	[tilespmem:s12+$0xA200] =	vst v1  }
0x106: {  	s17 =	rddreg [dreg:$0x5];
	[tilespmem:s12+$0xA210] =	vst v0  }
0x107: {  	[hbm4b:s17+s2] =	stream.linear.scatter [tilespmem:s21], [sflag:$0x3], $0x2800, $0x38;
	[tilespmem:$0x14200] =	vst v63  }
0x108: {  	s29 =	rddreg [dreg:$0x6]  }
0x109: {  	[hbm4b:s29+s2] =	stream.linear.scatter [tilespmem:s23], [sflag:$0x3], $0x2800, $0x38;
	[tilespmem:$0x14200] =	vst v63  }
0x10a: {  	_ =	swait.ge [sflag:s3], $0x2800  }
0x10b: {  	[sflag:s3] =	ssyncset.done $0x0  }
0x10c: {  	[sflag:s3] =	ssyncadd.s32 $0xFFFFD800  }
0x10d: {  	_ =	swait.ge [sflag:s3], $0x2800  }
0x10e: {  	[sflag:s3] =	ssyncset.done $0x0  }
0x10f: {  	s15 =	simm.s32 $0x4;
	[sflag:s3] =	ssyncadd.s32 $0xFFFFD800  }
0x110: {  	_ =	swait.ge [sflag:s15], $0x2800  }
0x111: {  	[sflag:s15] =	ssyncset.done $0x0  }
0x112: {  	[sflag:s15] =	ssyncadd.s32 $0xFFFFD800  }
0x113: {  	_ =	swait.ge [sflag:s15], $0x2800  }
0x114: {  	s16 =	rddreg [dreg:$0x8]  }
0x115: {  	s31 =	rddreg [dreg:$0x7];
	s16 =	sadd.s32 $0x1, s16  }
0x116: {  	p0 =	sne.s32 s16, s31  }
.Ltmp4:
0x117: {  	_ = 	snop;
	(pc) =	sbr.rel @p0 .LBB2_1-.Ltmp4, $3  }
0x118: {  	_ =	sdelay $0x1  }
0x119: {  	[sflag:s15] =	ssyncset.done $0x0  }
0x11a: {  	[sflag:s15] =	ssyncadd.s32 $0xFFFFD800  }
0x11b: {  	_ =	sfence.sel $0x180000  }
0x11c: {  	[bflag:$0x0] =	sbarrier.arrive $0xFFFF  }
0x11d: {  	_ =	strace $0x90000047  }
0x11e: {  	s0 =	stileid.u32;
	[bflag:$0x2] =	sbarrier.arrive $0xFFFF  }
0x11f: {  	p0 =	sne.s32 s0, $0x0;
	s0 =	rddreg [dreg:$0x2]  }
0x120: {  	s0 =	sadd.s32 @!p0 $0x100000, s0  }
0x121: {  	[sflag:s0] =	ssyncadd.tile.s32 @!p0 $0x1;
	_ =	shalt  }
.Lfunc_end2:
_tile_overlayer_lowered:
.L_overlay_start_2:
0x122: {  	(tag) =	ssettag $0x2  }
0x123: {  	s0 =	rddreg [dreg:$0x0];
	s2 =	stileid.u32  }
0x124: {  	s1 =	rddreg [dreg:$0x1];
	p0 =	sne.s32 s2, $0x0  }
0x125: {  	s3 =	rddreg [dreg:$0x2];
	[bflag:$0x3] =	sbarrier.arrive $0xFFFF;
	s2 =	simm.s32 @!p0 $0x1C05  }
0x126: {  	[timem:s3], [sflag:s2] =	dma.local @!p0 [hbm:s0], s1  }
0x127: {  	s0 =	simm.s32 @!p0 $0x5  }
0x128: {  	_ =	swait.ge @!p0 [sflag:s0], s1  }
0x129: {  	s1 =	ssub.s32 @!p0 $0x0, s1;
	[sflag:s0] =	ssyncset.done @!p0 $0x0  }
0x12a: {  	[sflag:s0] =	ssyncadd.s32 @!p0 s1  }
0x12b: {  	[bflag:$0x3] =	sbarrier.arrive $0xFFFF  }
0x12c: {  	_ =	shalt  }

// kernel: kernel.18.cloned.1.call-start
scs
__scs_entry_jumppad:
0x0: {  	(pc) =	sbr.rel $0x88, $3  }
0x1: {  	(tag) =	ssettag $0x0;
	lr =	simm.s32 $0x1  }
0x2: {  	[smem:$0x3F84] =	sst lr;
	_ =	strace $0xD0000000  }
0x3: {  	_ = 	snop  }
0x4: {  	_ = 	snop  }
0x5: {  	_ = 	snop  }
0x6: {  	_ = 	snop  }
0x7: {  	_ = 	snop  }
__scs_overlays_trampoline_lowered:
0x8: {  	[smem:$0x3F93] =	sst s0  }
0x9: {  	[smem:$0x3F94] =	sst s1  }
0xa: {  	[smem:$0x3F95] =	sst s2  }
0xb: {  	[smem:$0x3F96] =	sst s3  }
0xc: {  	[smem:$0x3F97] =	sst s4  }
0xd: {  	[smem:$0x3F98] =	sst s5  }
0xe: {  	[smem:$0x3F99] =	sst s6  }
0xf: {  	[smem:$0x3F9A] =	sst s7  }
0x10: {  	[smem:$0x3F9B] =	sst s8  }
0x11: {  	[smem:$0x3F9C] =	sst s9;
	s0 =	simm.s32 @!p0 $0x0  }
0x12: {  	s1 =	sld [smem:$0x3F82];
	s0 =	simm.s32 @p0 $0x1  }
0x13: {  	[smem:$0x3F9D] =	sst s0;
	s0 =	simm.s32 @!p1 $0x0  }
0x14: {  	s2 =	sld [smem:$0x3F81];
	s0 =	simm.s32 @p1 $0x1  }
0x15: {  	[smem:$0x3F9E] =	sst s0;
	s0 =	simm.s32 @!p2 $0x0  }
0x16: {  	s3 =	sld [smem:$0x3FDB];
	s0 =	simm.s32 @p2 $0x1  }
0x17: {  	s4 =	simm.s32 $0x1BF5;
	[smem:$0x3FA0] =	sst s0  }
0x18: {  	s0 =	sld [smem:$0x3F83];
	_ =	swait.ge [sflag:s4], $0x0  }
0x19: {  	s7 =	sld [smem:$0x3F84]  }
0x1a: {  	s8 =	sadd.s32 $0xFFFFE003, lr  }
0x1b: {  	s9 =	sadd.s32 $0xFFFFFEF7, lr;
	s5 =	simm.s32 $0xFFFFFFFF;
	p2 =	slt.u32 s8, $0xFFFFF086  }
0x1c: {  	p1 =	slt.u32 s9, $0xF7A;
	s5 =	simm.s32 @!p2 $0x0  }
0x1d: {  	s5 =	simm.s32 @p1 $0x1;
	p0 =	seq.s32 s7, s2  }
0x1e: {  	s7 =	smul.u32 @!p0 $0xF7A, s2;
	p2 =	seq.s32 @!p0 s5, $0x0  }
0x1f: {  	s9 =	smul.u32 $0xF7A, s1;
	s8 =	simm.s32 @!p0 $0x1BF5;
	p2 =	por !p2, p0  }
0x20: {  	[sflag:s8] =	ssyncset.s32 @!p0 $0xFFFFF086;
	s6 =	sadd.s32 @!p0 s3, s7;
	s7 =	simm.s32 @!p0 $0x108  }
0x21: {  	s3 =	sadd.s32 s3, s9;
	s6 =	sadd.s32 @!p0 $0x88, s6;
	s7 =	simm.s32 @p2 $0x1082  }
0x22: {  	[simem:s7], [sflag:s8] =	dma.local @!p0 [hbm:s6], $0xF7A  }
0x23: {  	s9 =	sor.u32 $0xD0000000, s2;
	s6 =	simm.s32 $0x108;
	_ =	swait.ge @!p0 [sflag:s8], $0x0  }
0x24: {  	s3 =	sadd.s32 $0x88, s3;
	s6 =	simm.s32 @!p1 $0x1082;
	[sflag:s4] =	ssyncset.s32 $0xFFFFF086  }
0x25: {  	[simem:s6], [sflag:s4] =	dma.local [hbm:s3], $0xF7A  }
0x26: {  	[smem:$0x3F84] =	sst s1;
	(tag) =	ssettag s2;
	_ =	strace s9  }
0x27: {  	s1 =	sld [smem:$0x3F94]  }
0x28: {  	s2 =	sld [smem:$0x3F95]  }
0x29: {  	s4 =	sld [smem:$0x3F97]  }
0x2a: {  	p0 =	seq.s32 s5, $0x0;
	s5 =	sld [smem:$0x3F98]  }
0x2b: {  	s6 =	sld [smem:$0x3F99]  }
0x2c: {  	s7 =	sld [smem:$0x3F9A]  }
0x2d: {  	s3 =	simm.s32 $0x108;
	s8 =	sld [smem:$0x3F9B]  }
0x2e: {  	s3 =	simm.s32 @!p0 $0x1082;
	s9 =	sld [smem:$0x3F9C]  }
0x2f: {  	lr =	sadd.s32 s0, s3;
	s0 =	sld [smem:$0x3F93]  }
0x30: {  	s3 =	sld [smem:$0x3F96]  }
0x31: {  	[smem:$0x3F9F] =	sst s10  }
0x32: {  	s10 =	sld [smem:$0x3F9D];
	_ =	sdelay $0x3  }
0x33: {  	p0 =	seq.s32 s10, $0x1;
	s10 =	sld [smem:$0x3F9F];
	_ =	sdelay $0x3  }
0x34: {  	[smem:$0x3F9F] =	sst s10  }
0x35: {  	s10 =	sld [smem:$0x3F9E];
	_ =	sdelay $0x3  }
0x36: {  	p1 =	seq.s32 s10, $0x1;
	s10 =	sld [smem:$0x3F9F];
	_ =	sdelay $0x3  }
0x37: {  	[smem:$0x3F9F] =	sst s10  }
0x38: {  	s10 =	sld [smem:$0x3FA0]  }
0x39: {  	_ = 	snop;
	(pc) =	sbr.ind lr, $3  }
0x3a: {  	_ = 	snop  }
0x3b: {  	_ = 	snop  }
0x3c: {  	p2 =	seq.s32 s10, $0x1;
	s10 =	sld [smem:$0x3F9F]  }
0x3d: {  	_ =	shalt  }
0x3e: {  	_ =	shalt  }
0x3f: {  	_ =	shalt  }
0x40: {  	_ =	shalt  }
0x41: {  	_ =	shalt  }
0x42: {  	_ =	shalt  }
0x43: {  	_ =	shalt  }
0x44: {  	_ =	shalt  }
0x45: {  	_ =	shalt  }
0x46: {  	_ =	shalt  }
0x47: {  	_ =	shalt  }
0x48: {  	_ =	shalt  }
0x49: {  	_ =	shalt  }
0x4a: {  	_ =	shalt  }
0x4b: {  	_ =	shalt  }
0x4c: {  	_ =	shalt  }
0x4d: {  	_ =	shalt  }
0x4e: {  	_ =	shalt  }
0x4f: {  	_ =	shalt  }
0x50: {  	_ =	shalt  }
0x51: {  	_ =	shalt  }
0x52: {  	_ =	shalt  }
0x53: {  	_ =	shalt  }
0x54: {  	_ =	shalt  }
0x55: {  	_ =	shalt  }
0x56: {  	_ =	shalt  }
0x57: {  	_ =	shalt  }
0x58: {  	_ =	shalt  }
0x59: {  	_ =	shalt  }
0x5a: {  	_ =	shalt  }
0x5b: {  	_ =	shalt  }
0x5c: {  	_ =	shalt  }
0x5d: {  	_ =	shalt  }
0x5e: {  	_ =	shalt  }
0x5f: {  	_ =	shalt  }
0x60: {  	_ =	shalt  }
0x61: {  	_ =	shalt  }
0x62: {  	_ =	shalt  }
0x63: {  	_ =	shalt  }
0x64: {  	_ =	shalt  }
0x65: {  	_ =	shalt  }
0x66: {  	_ =	shalt  }
0x67: {  	_ =	shalt  }
0x68: {  	_ =	shalt  }
0x69: {  	_ =	shalt  }
0x6a: {  	_ =	shalt  }
0x6b: {  	_ =	shalt  }
0x6c: {  	_ =	shalt  }
0x6d: {  	_ =	shalt  }
0x6e: {  	_ =	shalt  }
0x6f: {  	_ =	shalt  }
0x70: {  	_ =	shalt  }
0x71: {  	_ =	shalt  }
0x72: {  	_ =	shalt  }
0x73: {  	_ =	shalt  }
0x74: {  	_ =	shalt  }
0x75: {  	_ =	shalt  }
0x76: {  	_ =	shalt  }
0x77: {  	_ =	shalt  }
0x78: {  	_ =	shalt  }
0x79: {  	_ =	shalt  }
0x7a: {  	_ =	shalt  }
0x7b: {  	_ =	shalt  }
0x7c: {  	_ =	shalt  }
0x7d: {  	_ =	shalt  }
0x7e: {  	_ =	shalt  }
0x7f: {  	_ =	shalt  }
0x80: {  	_ =	shalt  }
0x81: {  	_ =	shalt  }
0x82: {  	_ =	shalt  }
0x83: {  	_ =	shalt  }
0x84: {  	_ =	shalt  }
0x85: {  	_ =	shalt  }
0x86: {  	_ =	shalt  }
0x87: {  	_ =	shalt  }
.Lfunc_end0:
.L_simem_size_0:
called_computation.1_lowered:
.L_overlay_start_0:
0x88: {  	s2 =	sld [smem:$0x3FD9]  }
0x89: {  	s3 =	sld [smem:$0x3FFE];
	_ =	sdelay $0x1  }
0x8a: {  	s1 =	srdreg.scid  }
0x8b: {  	s0 =	sand.u32 $0x1, s1  }
0x8c: {  	s16 =	sshll.u32 s0, $0xA;
	s2 =	sadd.s32 s3, s2  }
0x8d: {  	s2 =	sadd.s32 s2, s16  }
0x8e: {  	[smem:$0x3FAB] =	sst s2  }
0x8f: {  	_ = 	snop  }
0x90: {  	(tm) =	ssettm $0x1  }
0x91: {  	s17 =	sld [smem:$0x3FFB];
	_ =	sdelay $0x3  }
0x92: {  	_ =	strace s17  }
0x93: {  	s2 =	sld [smem:$0x3FFC];
	_ =	sdelay $0x3  }
0x94: {  	_ =	strace s2  }
0x95: {  	s2 =	sld [smem:$0x3FFD];
	_ =	sdelay $0x3  }
0x96: {  	_ =	strace s2  }
0x97: {  	_ =	strace $0x8FFFFFFF  }
0x98: {  	s18 =	sld [smem:$0x3FDB];
	_ =	sdelay $0x1  }
0x99: {  	s19 =	simm.s32 $_scs_section_size  }
0x9a: {  	s4 =	simm.s32 $_size__tile_overlayer_lowered;
	s5 =	simm.s32 $_tile_overlayer_lowered  }
0x9b: {  	s22 =	simm.s32 $0x1BFF;
	s21 =	sshll.u32 s5, $0x1;
	s2 =	sadd.s32 s19, s18  }
0x9c: {  	s6 =	simm.s32 $0x0;
	s20 =	sshll.u32 s4, $0x1;
	s4 =	sadd.s32 s21, s2  }
0x9d: {  	[timem:s6], [sflag:s22] =	dma.local [hbm:s4], s20  }
0x9e: {  	_ =	swait.ge [sflag:s22], s20  }
0x9f: {  	s3 =	ssub.s32 $0x0, s20;
	[sflag:s22] =	ssyncset.done $0x0  }
0xa0: {  	[sflag:s22] =	ssyncadd.s32 s3;
	_ =	sdelay $0x1  }
0xa1: {  	s23 =	simm.s32 $0x1B8B  }
0xa2: {  	_ =	swait.ge [sflag:s23], $0x1  }
0xa3: {  	[sflag:s23] =	ssyncset.done $0x0  }
0xa4: {  	s25 =	simm.s32 $0x1B8E;
	s24 =	sld [smem:$0x3FFE];
	[sflag:s23] =	ssyncadd.s32 $0xFFFFFFFF  }
0xa5: {  	s26 =	simm.s32 $execute0_lowered;
	[smem:$0x3FD2] =	sst s25  }
0xa6: {  	s4 =	sshll.u32 s26, $0x1;
	_ =	strace $0x80000049;
	[dreg:$0x1] =	wrdreg $0xFFFFFFFF  }
0xa7: {  	s28 =	simm.s32 $_size_execute0_lowered;
	s2 =	sadd.s32 s2, s4;
	[dreg:$0x0] =	wrdreg $0x0  }
0xa8: {  	s4 =	sshll.u32 s28, $0x1;
	[dreg:$0x2] =	wrdreg s2  }
0xa9: {  	[dreg:$0x3] =	wrdreg s4  }
0xaa: {  	[dreg:$0x4] =	wrdreg $0xC0  }
0xab: {  	_ =	task [dreg:s6], $0x5FFFF  }
0xac: {  	[dreg:$0x1] =	wrdreg $0xFFFFFFFF  }
0xad: {  	[dreg:$0x0] =	wrdreg $0x60  }
0xae: {  	[dreg:$0x2] =	wrdreg s24  }
0xaf: {  	[dreg:$0x3] =	wrdreg $0x51000  }
0xb0: {  	[dreg:$0x4] =	wrdreg $0x9  }
0xb1: {  	_ =	task.clear_ibuf [dreg:s6], $0x5FFFF;
	_ =	strace $0x90000049  }
0xb2: {  	s29 =	simm.s32 $0x9;
	_ =	strace $0x8000004B  }
0xb3: {  	_ =	swait.ge [sflag:s29], $0x1  }
0xb4: {  	[sflag:s29] =	ssyncadd.s32 $0xFFFFFFFF  }
0xb5: {  	_ =	strace $0x9000004B  }
0xb6: {  	_ =	sfence  }
0xb7: {  	s30 =	sld [smem:$0x0];
	_ =	sdelay $0x2  }
0xb8: {  	s31 =	sshll.u32 s1, $0xD;
	s1 =	sshrl.u32 s1, $0x2  }
0xb9: {  	s3 =	sand.u32 $0x4000, s31;
	s1 =	sadd.s32 s1, s30  }
0xba: {  	s0 =	sor.u32 s3, s0;
	s1 =	sshll.u32 s1, $0x11  }
0xbb: {  	s0 =	sor.u32 s1, s0  }
0xbc: {  	s0 =	sadd.s32 $0x8F2B, s0  }
0xbd: {  	[sflag:s0] =	ssyncadd.remote.s32 $0x1  }
0xbe: {  	_ =	sfence.sel $0xFFFF  }
0xbf: {  	[dreg:$0x0] =	wrdreg $0xFFFFFFFF;
	(pc) =	sbr.abs _section_cstart, $3  }
0xc0: {  	[dreg:$0x1] =	wrdreg $0xFFFFFFFF  }
0xc1: {  	_ =	task.clear_ibuf [dreg:s6], $0x2FFFF;
	_ =	strace $0x9FFFFFFF  }
0xc2: {  	(tm) =	ssettm $0x7FFFFFFF  }
0xc3: {  	_ =	shalt  }
tec
execute0_lowered:
.L_overlay_start_1:
0x0: {  	(tag) =	ssettag $0x1  }
0x1: {  	s0 =	rddreg [dreg:$0x0]  }
0x2: {  	s1 =	rddreg [dreg:$0x1]  }
0x3: {  	s2 =	simm.s32 $0x0;
	s4 =	srdreg.scid;
	s21 =	stileid.u32  }
0x4: {  	s28 =	simm.s32 $0x3;
	s29 =	simm.s32 $0x2;
	s30 =	simm.s32 $0x4  }
0x5: {  	s31 =	simm.s32 $0x0;
	[smem:$0x7FF] =	sst s2;
	s3 =	sadd.s32 $0xF38000, s0  }
0x6: {  	s5 =	sadd.s32 $0x12C00, s0;
	s6 =	sadd.s32 $0x43C00, s0;
	s4 =	sand.u32 $0x1, s4  }
0x7: {  	s9 =	smul.u32 $0x4E000, s21;
	s11 =	sadd.s32 $0x46400, s0;
	s25 =	sshll.u32 s21, $0x6  }
0x8: {  	s26 =	sadd.s32 $0x138000, s1;
	s15 =	smul.u32 $0x13800, s21;
	s0 =	sadd.s32 $0x46300, s0  }
0x9: {  	p0 =	sne.s32 s21, $0xF;
	_ =	strace $0x8000004A;
	[dreg:$0x3] =	wrdreg s6  }
0xa: {  	s23 =	ssub.s32 $0x2, s4;
	s14 =	smul.u32 $0x138800, s4;
	[dreg:$0x5] =	wrdreg s26  }
0xb: {  	s7 =	sshll.u32 s4, $0x4;
	[dreg:$0x6] =	wrdreg s0;
	s18 =	smul.u32 $0x27100, s4  }
0xc: {  	s22 =	smul.u32 $0x271000, s4;
	s8 =	sshrl.u32 s23, $0x1;
	s7 =	sor.u32 s21, s7  }
0xd: {  	s24 =	sshrl.u32 s9, $0x2;
	s13 =	ssub.s32 s23, s8;
	s12 =	smul.u32 $0x2710, s7  }
0xe: {  	s10 =	smul.u32 $0x27100, s7;
	s6 =	sadd.s32 s24, s1;
	s15 =	sadd.s32 s15, s14  }
0xf: {  	s14 =	sshrl.u32 s14, $0x3;
	[dreg:$0x4] =	wrdreg s6;
	s6 =	sor.u32 $0x1C05, s25  }
0x10: {  	s19 =	sshrl.u32 s15, $0x3;
	s14 =	sadd.s32 s11, s14;
	s13 =	smax.u32 s13, $0x1  }
0x11: {  	s8 =	sshrl.u32 s12, $0x3;
	s10 =	sadd.s32 s3, s10;
	s16 =	sadd.s32 $0x50, s12  }
0x12: {  	s17 =	sadd.s32 $0xA0, s12;
	s11 =	sadd.s32 s11, s19;
	s12 =	sadd.s32 $0x27000, s14  }
0x13: {  	s19 =	smul.u32 $0x2710, s21;
	s9 =	sadd.s32 s5, s8;
	s20 =	sshrl.u32 s16, $0x3  }
0x14: {  	s0 =	sshll.u32 s16, $0x4;
	s16 =	sshrl.u32 s17, $0x3;
	s23 =	sshll.u32 s17, $0x4  }
0x15: {  	s14 =	sadd.s32 s5, s20;
	s15 =	sadd.s32 s3, s0;
	s16 =	sadd.s32 s5, s16  }
0x16: {  	s20 =	smul.u32 $0x27100, s21;
	s18 =	sadd.s32 s19, s18;
	s17 =	sadd.s32 s3, s23  }
0x17: {  	s0 =	sadd.s32 s22, s3;
	s21 =	simm.s32 $0x5;
	s22 =	simm.s32 $0x100  }
0x18: {  	s23 =	simm.s32 $0x80;
	s24 =	sadd.s32 $0x140, s18;
	s25 =	sadd.s32 $0xF0, s18  }
0x19: {  	s0 =	sadd.s32 s20, s0;
	s3 =	sshrl.u32 s24, $0x3;
	s26 =	sshrl.u32 s25, $0x3  }
0x1a: {  	s24 =	simm.s32 $0x2900;
	s25 =	simm.s32 $0x1;
	s18 =	sadd.s32 $0x1400, s0  }
0x1b: {  	s19 =	sadd.s32 s3, s5;
	s20 =	sadd.s32 s26, s5;
	s26 =	simm.s32 $0x50  }
.LBB2_1:
0x1c: {  	s0 =	rddreg [dreg:$0x4]  }
0x1d: {  	s3 =	rddreg [dreg:$0x3];
	s0 =	sshrl.u32 s0, $0x3  }
0x1e: {  	[spmem:s0], [sflag:s6] =	dma.local [hbm:s3], $0x2700  }
0x1f: {  	_ =	swait.ge [sflag:s21], $0x2700  }
0x20: {  	[sflag:s21] =	ssyncset.done $0x0;
	s3 =	rddreg [dreg:$0x5]  }
0x21: {  	s4 =	rddreg [dreg:$0x6];
	[sflag:s21] =	ssyncadd.s32 $0xFFFFD900;
	s3 =	sshrl.u32 @!p0 s3, $0x3  }
0x22: {  	[spmem:s3], [sflag:s6] =	dma.local @!p0 [hbm:s4], $0x100  }
0x23: {  	s4 =	simm.s32 @!p0 $0x5  }
0x24: {  	_ =	swait.ge @!p0 [sflag:s4], $0x100  }
0x25: {  	[sflag:s4] =	ssyncset.done @!p0 $0x0  }
0x26: {  	[sflag:s4] =	ssyncadd.s32 @!p0 $0xFFFFFF00  }
0x27: {  	[bflag:$0x0] =	sbarrier.arrive $0xFFFF  }
0x28: {  	[tilespmem:s2], [sflag:$0x5] =	stream.linear.gather [hbm4b:s9+s2], $0x50, $0x38;
	[tilespmem:$0x18980] =	vst v63  }
0x29: {  	_ =	swait.ge [sflag:s21], $0x50  }
0x2a: {  	[sflag:s21] =	ssyncset.done $0x0  }
0x2b: {  	[sflag:s21] =	ssyncadd.s32 $0xFFFFFFB0  }
0x2c: {  	[tilespmem:s22], [sflag:$0x1] =	stream.linear.gather [hbm4b:s10+s2], $0x2800, $0x38;
	[tilespmem:$0x18980] =	vst v63  }
0x2d: {  	_ = 	snop  }
0x2e: {  	[tilespmem:s23], [sflag:$0x5] =	stream.linear.gather [hbm4b:s14+s2], $0x50, $0x38;
	[tilespmem:$0x18980] =	vst v63  }
0x2f: {  	_ =	swait.ge [sflag:s21], $0x50  }
0x30: {  	[sflag:s21] =	ssyncset.done $0x0  }
0x31: {  	[sflag:s21] =	ssyncadd.s32 $0xFFFFFFB0  }
0x32: {  	[tilespmem:s24], [sflag:$0x2] =	stream.linear.gather [hbm4b:s15+s2], $0x2800, $0x38;
	[tilespmem:$0x18980] =	vst v63  }
0x33: {  	_ =	swait.ge [sflag:s25], $0x2800  }
0x34: {  	[sflag:s25] =	ssyncset.done $0x0  }
0x35: {  	[sflag:s25] =	ssyncadd.s32 $0xFFFFD800  }
0x36: {  	[spmem:s1] =	stream.indirect.scatter.add.f32 [tilespmem:s22], [sflag:$0x3], $0x80, s2, s26, $0xb8;
	[tilespmem:$0x18980] =	vst v63  }
0x37: {  	_ =	swait.ge [sflag:s28], $0x2800  }
0x38: {  	[sflag:s28] =	ssyncset.done $0x0  }
0x39: {  	[sflag:s28] =	ssyncadd.s32 $0xFFFFD800  }
0x3a: {  	[tilespmem:s2], [sflag:$0x5] =	stream.linear.gather [hbm4b:s16+s2], $0x50, $0x38;
	[tilespmem:$0x18980] =	vst v63  }
0x3b: {  	_ =	swait.ge [sflag:s21], $0x50  }
0x3c: {  	[sflag:s21] =	ssyncset.done $0x0  }
0x3d: {  	[sflag:s21] =	ssyncadd.s32 $0xFFFFFFB0  }
0x3e: {  	[tilespmem:s22], [sflag:$0x1] =	stream.linear.gather [hbm4b:s17+s2], $0x2800, $0x38;
	[tilespmem:$0x18980] =	vst v63  }
0x3f: {  	_ =	swait.ge [sflag:s29], $0x2800  }
0x40: {  	[sflag:s29] =	ssyncset.done $0x0  }
0x41: {  	[sflag:s29] =	ssyncadd.s32 $0xFFFFD800  }
0x42: {  	[spmem:s1] =	stream.indirect.scatter.add.f32 [tilespmem:s24], [sflag:$0x4], $0x80, s23, s26, $0xb8;
	[tilespmem:$0x18980] =	vst v63  }
0x43: {  	_ =	swait.ge [sflag:s30], $0x2800  }
0x44: {  	[sflag:s30] =	ssyncset.done $0x0  }
0x45: {  	s5 =	sadd.s32 $0x0, s20;
	[sflag:s30] =	ssyncadd.s32 $0xFFFFD800  }
0x46: {  	[tilespmem:s23], [sflag:$0x5] =	stream.linear.gather [hbm4b:s5+s2], $0x50, $0x38;
	[tilespmem:$0x18980] =	vst v63  }
0x47: {  	_ =	swait.ge [sflag:s21], $0x50  }
0x48: {  	[sflag:s21] =	ssyncset.done $0x0  }
0x49: {  	s7 =	sadd.s32 $0xFFFFFB00, s18;
	[sflag:s21] =	ssyncadd.s32 $0xFFFFFFB0  }
0x4a: {  	[tilespmem:s24], [sflag:$0x2] =	stream.linear.gather [hbm4b:s7+s2], $0x2800, $0x38;
	[tilespmem:$0x18980] =	vst v63  }
0x4b: {  	_ =	swait.ge [sflag:s25], $0x2800  }
0x4c: {  	[sflag:s25] =	ssyncset.done $0x0  }
0x4d: {  	[sflag:s25] =	ssyncadd.s32 $0xFFFFD800  }
0x4e: {  	[spmem:s1] =	stream.indirect.scatter.add.f32 [tilespmem:s22], [sflag:$0x3], $0x80, s2, s26, $0xb8;
	[tilespmem:$0x18980] =	vst v63  }
0x4f: {  	_ =	swait.ge [sflag:s28], $0x2800  }
0x50: {  	[sflag:s28] =	ssyncset.done $0x0  }
0x51: {  	s8 =	sadd.s32 $0x0, s19;
	[sflag:s28] =	ssyncadd.s32 $0xFFFFD800  }
0x52: {  	[tilespmem:s2], [sflag:$0x5] =	stream.linear.gather [hbm4b:s8+s2], $0x50, $0x38;
	[tilespmem:$0x18980] =	vst v63  }
0x53: {  	_ =	swait.ge [sflag:s21], $0x50  }
0x54: {  	[sflag:s21] =	ssyncset.done $0x0  }
0x55: {  	[sflag:s21] =	ssyncadd.s32 $0xFFFFFFB0  }
0x56: {  	[tilespmem:s22], [sflag:$0x1] =	stream.linear.gather [hbm4b:s18+s2], $0x2800, $0x38;
	[tilespmem:$0x18980] =	vst v63  }
0x57: {  	_ =	swait.ge [sflag:s29], $0x2800  }
0x58: {  	[sflag:s29] =	ssyncset.done $0x0  }
0x59: {  	s4 =	simm.s32 $0x14;
	s5 =	sadd.s32 $0xA00, s18;
	[sflag:s29] =	ssyncadd.s32 $0xFFFFD800  }
.LBB2_2:
0x5a: {  	[spmem:s1] =	stream.indirect.scatter.add.f32 [tilespmem:s24], [sflag:$0x4], $0x80, s23, s26, $0xb8;
	[tilespmem:$0x18980] =	vst v63  }
0x5b: {  	s7 =	smov.u32 s4  }
0x5c: {  	p1 =	sne.s32 s4, $0x4B0;
	s4 =	sadd.s32 $0x14, s4;
	_ =	swait.ge [sflag:s30], $0x2800  }
0x5d: {  	[sflag:s30] =	ssyncset.done $0x0  }
0x5e: {  	s8 =	sadd.s32 s7, s20;
	[sflag:s30] =	ssyncadd.s32 $0xFFFFD800  }
0x5f: {  	[tilespmem:s23], [sflag:$0x5] =	stream.linear.gather [hbm4b:s8+s2], $0x50, $0x38;
	[tilespmem:$0x18980] =	vst v63  }
0x60: {  	_ =	swait.ge [sflag:s21], $0x50  }
0x61: {  	[sflag:s21] =	ssyncset.done $0x0  }
0x62: {  	s8 =	sadd.s32 $0xFFFFFB00, s5;
	[sflag:s21] =	ssyncadd.s32 $0xFFFFFFB0  }
0x63: {  	[tilespmem:s24], [sflag:$0x2] =	stream.linear.gather [hbm4b:s8+s2], $0x2800, $0x38;
	[tilespmem:$0x18980] =	vst v63  }
0x64: {  	_ =	swait.ge [sflag:s25], $0x2800  }
0x65: {  	[sflag:s25] =	ssyncset.done $0x0  }
0x66: {  	[sflag:s25] =	ssyncadd.s32 $0xFFFFD800  }
0x67: {  	[spmem:s1] =	stream.indirect.scatter.add.f32 [tilespmem:s22], [sflag:$0x3], $0x80, s2, s26, $0xb8;
	[tilespmem:$0x18980] =	vst v63  }
0x68: {  	_ =	swait.ge [sflag:s28], $0x2800  }
0x69: {  	[sflag:s28] =	ssyncset.done $0x0  }
0x6a: {  	s7 =	sadd.s32 s7, s19;
	[sflag:s28] =	ssyncadd.s32 $0xFFFFD800  }
0x6b: {  	[tilespmem:s2], [sflag:$0x5] =	stream.linear.gather [hbm4b:s7+s2], $0x50, $0x38;
	[tilespmem:$0x18980] =	vst v63  }
0x6c: {  	_ =	swait.ge [sflag:s21], $0x50  }
0x6d: {  	[sflag:s21] =	ssyncset.done $0x0  }
.Ltmp0:
0x6e: {  	[sflag:s21] =	ssyncadd.s32 $0xFFFFFFB0;
	(pc) =	sbr.rel @p1 .LBB2_2-.Ltmp0, $4  }
0x6f: {  	[tilespmem:s22], [sflag:$0x1] =	stream.linear.gather [hbm4b:s5+s2], $0x2800, $0x38;
	[tilespmem:$0x18980] =	vst v63  }
0x70: {  	_ =	swait.ge [sflag:s29], $0x2800  }
0x71: {  	[sflag:s29] =	ssyncset.done $0x0  }
0x72: {  	s5 =	sadd.s32 $0xA00, s5;
	[sflag:s29] =	ssyncadd.s32 $0xFFFFD800  }
0x73: {  	[spmem:s1] =	stream.indirect.scatter.add.f32 [tilespmem:s24], [sflag:$0x4], $0x80, s23, s26, $0xb8;
	[tilespmem:$0x18980] =	vst v63  }
0x74: {  	_ =	swait.ge [sflag:s25], $0x2800  }
0x75: {  	[sflag:s25] =	ssyncset.done $0x0  }
0x76: {  	[sflag:s25] =	ssyncadd.s32 $0xFFFFD800  }
0x77: {  	[spmem:s1] =	stream.indirect.scatter.add.f32 [tilespmem:s22], [sflag:$0x3], $0x80, s2, s26, $0xb8;
	[tilespmem:$0x18980] =	vst v63  }
0x78: {  	_ =	swait.ge [sflag:s28], $0x2800  }
0x79: {  	[sflag:s28] =	ssyncset.done $0x0  }
0x7a: {  	[sflag:s28] =	ssyncadd.s32 $0xFFFFD800  }
0x7b: {  	_ =	swait.ge [sflag:s30], $0x2800  }
0x7c: {  	[sflag:s30] =	ssyncset.done $0x0  }
0x7d: {  	[sflag:s30] =	ssyncadd.s32 $0xFFFFD800  }
0x7e: {  	[bflag:$0x0] =	sbarrier.arrive $0xFFFF  }
0x7f: {  	[hbm:s11], [sflag:s6] =	dma.local [spmem:s0], $0x2700  }
0x80: {  	s31 =	sadd.s32 $0x1, s31;
	_ =	swait.ge [sflag:s21], $0x2700  }
0x81: {  	p1 =	sne.s32 s31, s13;
	[sflag:s21] =	ssyncset.done $0x0  }
.Ltmp1:
0x82: {  	s0 =	simm.s32 @!p0 $0x5;
	[sflag:s21] =	ssyncadd.s32 $0xFFFFD900;
	(pc) =	sbr.rel @p1 .LBB2_1-.Ltmp1, $4  }
0x83: {  	[hbm:s12], [sflag:s6] =	dma.local @!p0 [spmem:s3], $0x100  }
0x84: {  	_ =	swait.ge @!p0 [sflag:s0], $0x100  }
0x85: {  	[sflag:s0] =	ssyncset.done @!p0 $0x0  }
0x86: {  	[sflag:s0] =	ssyncadd.s32 @!p0 $0xFFFFFF00  }
0x87: {  	_ =	sfence.sel $0x180000  }
0x88: {  	[bflag:$0x0] =	sbarrier.arrive $0xFFFF  }
0x89: {  	_ =	strace $0x9000004A  }
0x8a: {  	s0 =	stileid.u32;
	[bflag:$0x2] =	sbarrier.arrive $0xFFFF  }
0x8b: {  	p0 =	sne.s32 s0, $0x0;
	s0 =	rddreg [dreg:$0x2]  }
0x8c: {  	s0 =	sadd.s32 @!p0 $0x100000, s0  }
0x8d: {  	[sflag:s0] =	ssyncadd.tile.s32 @!p0 $0x1;
	_ =	shalt  }
.Lfunc_end2:
_tile_overlayer_lowered:
.L_overlay_start_2:
0x8e: {  	(tag) =	ssettag $0x2  }
0x8f: {  	s0 =	rddreg [dreg:$0x0];
	s2 =	stileid.u32  }
0x90: {  	s1 =	rddreg [dreg:$0x1];
	p0 =	sne.s32 s2, $0x0  }
0x91: {  	s3 =	rddreg [dreg:$0x2];
	[bflag:$0x3] =	sbarrier.arrive $0xFFFF;
	s2 =	simm.s32 @!p0 $0x1C05  }
0x92: {  	[timem:s3], [sflag:s2] =	dma.local @!p0 [hbm:s0], s1  }
0x93: {  	s0 =	simm.s32 @!p0 $0x5  }
0x94: {  	_ =	swait.ge @!p0 [sflag:s0], s1  }
0x95: {  	s1 =	ssub.s32 @!p0 $0x0, s1;
	[sflag:s0] =	ssyncset.done @!p0 $0x0  }
0x96: {  	[sflag:s0] =	ssyncadd.s32 @!p0 s1  }
0x97: {  	[bflag:$0x3] =	sbarrier.arrive $0xFFFF  }
0x98: {  	_ =	shalt  }

// kernel: kernel.21.cloned.1.call-start
scs
__scs_entry_jumppad:
0x0: {  	(pc) =	sbr.rel $0x88, $3  }
0x1: {  	(tag) =	ssettag $0x0;
	lr =	simm.s32 $0x1  }
0x2: {  	[smem:$0x3F84] =	sst lr;
	_ =	strace $0xD0000000  }
0x3: {  	_ = 	snop  }
0x4: {  	_ = 	snop  }
0x5: {  	_ = 	snop  }
0x6: {  	_ = 	snop  }
0x7: {  	_ = 	snop  }
__scs_overlays_trampoline_lowered:
0x8: {  	[smem:$0x3F93] =	sst s0  }
0x9: {  	[smem:$0x3F94] =	sst s1  }
0xa: {  	[smem:$0x3F95] =	sst s2  }
0xb: {  	[smem:$0x3F96] =	sst s3  }
0xc: {  	[smem:$0x3F97] =	sst s4  }
0xd: {  	[smem:$0x3F98] =	sst s5  }
0xe: {  	[smem:$0x3F99] =	sst s6  }
0xf: {  	[smem:$0x3F9A] =	sst s7  }
0x10: {  	[smem:$0x3F9B] =	sst s8  }
0x11: {  	[smem:$0x3F9C] =	sst s9;
	s0 =	simm.s32 @!p0 $0x0  }
0x12: {  	s1 =	sld [smem:$0x3F82];
	s0 =	simm.s32 @p0 $0x1  }
0x13: {  	[smem:$0x3F9D] =	sst s0;
	s0 =	simm.s32 @!p1 $0x0  }
0x14: {  	s2 =	sld [smem:$0x3F81];
	s0 =	simm.s32 @p1 $0x1  }
0x15: {  	[smem:$0x3F9E] =	sst s0;
	s0 =	simm.s32 @!p2 $0x0  }
0x16: {  	s3 =	sld [smem:$0x3FDB];
	s0 =	simm.s32 @p2 $0x1  }
0x17: {  	s4 =	simm.s32 $0x1BF5;
	[smem:$0x3FA0] =	sst s0  }
0x18: {  	s0 =	sld [smem:$0x3F83];
	_ =	swait.ge [sflag:s4], $0x0  }
0x19: {  	s7 =	sld [smem:$0x3F84]  }
0x1a: {  	s8 =	sadd.s32 $0xFFFFE003, lr  }
0x1b: {  	s9 =	sadd.s32 $0xFFFFFEF7, lr;
	s5 =	simm.s32 $0xFFFFFFFF;
	p2 =	slt.u32 s8, $0xFFFFF086  }
0x1c: {  	p1 =	slt.u32 s9, $0xF7A;
	s5 =	simm.s32 @!p2 $0x0  }
0x1d: {  	s5 =	simm.s32 @p1 $0x1;
	p0 =	seq.s32 s7, s2  }
0x1e: {  	s7 =	smul.u32 @!p0 $0xF7A, s2;
	p2 =	seq.s32 @!p0 s5, $0x0  }
0x1f: {  	s9 =	smul.u32 $0xF7A, s1;
	s8 =	simm.s32 @!p0 $0x1BF5;
	p2 =	por !p2, p0  }
0x20: {  	[sflag:s8] =	ssyncset.s32 @!p0 $0xFFFFF086;
	s6 =	sadd.s32 @!p0 s3, s7;
	s7 =	simm.s32 @!p0 $0x108  }
0x21: {  	s3 =	sadd.s32 s3, s9;
	s6 =	sadd.s32 @!p0 $0x88, s6;
	s7 =	simm.s32 @p2 $0x1082  }
0x22: {  	[simem:s7], [sflag:s8] =	dma.local @!p0 [hbm:s6], $0xF7A  }
0x23: {  	s9 =	sor.u32 $0xD0000000, s2;
	s6 =	simm.s32 $0x108;
	_ =	swait.ge @!p0 [sflag:s8], $0x0  }
0x24: {  	s3 =	sadd.s32 $0x88, s3;
	s6 =	simm.s32 @!p1 $0x1082;
	[sflag:s4] =	ssyncset.s32 $0xFFFFF086  }
0x25: {  	[simem:s6], [sflag:s4] =	dma.local [hbm:s3], $0xF7A  }
0x26: {  	[smem:$0x3F84] =	sst s1;
	(tag) =	ssettag s2;
	_ =	strace s9  }
0x27: {  	s1 =	sld [smem:$0x3F94]  }
0x28: {  	s2 =	sld [smem:$0x3F95]  }
0x29: {  	s4 =	sld [smem:$0x3F97]  }
0x2a: {  	p0 =	seq.s32 s5, $0x0;
	s5 =	sld [smem:$0x3F98]  }
0x2b: {  	s6 =	sld [smem:$0x3F99]  }
0x2c: {  	s7 =	sld [smem:$0x3F9A]  }
0x2d: {  	s3 =	simm.s32 $0x108;
	s8 =	sld [smem:$0x3F9B]  }
0x2e: {  	s3 =	simm.s32 @!p0 $0x1082;
	s9 =	sld [smem:$0x3F9C]  }
0x2f: {  	lr =	sadd.s32 s0, s3;
	s0 =	sld [smem:$0x3F93]  }
0x30: {  	s3 =	sld [smem:$0x3F96]  }
0x31: {  	[smem:$0x3F9F] =	sst s10  }
0x32: {  	s10 =	sld [smem:$0x3F9D];
	_ =	sdelay $0x3  }
0x33: {  	p0 =	seq.s32 s10, $0x1;
	s10 =	sld [smem:$0x3F9F];
	_ =	sdelay $0x3  }
0x34: {  	[smem:$0x3F9F] =	sst s10  }
0x35: {  	s10 =	sld [smem:$0x3F9E];
	_ =	sdelay $0x3  }
0x36: {  	p1 =	seq.s32 s10, $0x1;
	s10 =	sld [smem:$0x3F9F];
	_ =	sdelay $0x3  }
0x37: {  	[smem:$0x3F9F] =	sst s10  }
0x38: {  	s10 =	sld [smem:$0x3FA0]  }
0x39: {  	_ = 	snop;
	(pc) =	sbr.ind lr, $3  }
0x3a: {  	_ = 	snop  }
0x3b: {  	_ = 	snop  }
0x3c: {  	p2 =	seq.s32 s10, $0x1;
	s10 =	sld [smem:$0x3F9F]  }
0x3d: {  	_ =	shalt  }
0x3e: {  	_ =	shalt  }
0x3f: {  	_ =	shalt  }
0x40: {  	_ =	shalt  }
0x41: {  	_ =	shalt  }
0x42: {  	_ =	shalt  }
0x43: {  	_ =	shalt  }
0x44: {  	_ =	shalt  }
0x45: {  	_ =	shalt  }
0x46: {  	_ =	shalt  }
0x47: {  	_ =	shalt  }
0x48: {  	_ =	shalt  }
0x49: {  	_ =	shalt  }
0x4a: {  	_ =	shalt  }
0x4b: {  	_ =	shalt  }
0x4c: {  	_ =	shalt  }
0x4d: {  	_ =	shalt  }
0x4e: {  	_ =	shalt  }
0x4f: {  	_ =	shalt  }
0x50: {  	_ =	shalt  }
0x51: {  	_ =	shalt  }
0x52: {  	_ =	shalt  }
0x53: {  	_ =	shalt  }
0x54: {  	_ =	shalt  }
0x55: {  	_ =	shalt  }
0x56: {  	_ =	shalt  }
0x57: {  	_ =	shalt  }
0x58: {  	_ =	shalt  }
0x59: {  	_ =	shalt  }
0x5a: {  	_ =	shalt  }
0x5b: {  	_ =	shalt  }
0x5c: {  	_ =	shalt  }
0x5d: {  	_ =	shalt  }
0x5e: {  	_ =	shalt  }
0x5f: {  	_ =	shalt  }
0x60: {  	_ =	shalt  }
0x61: {  	_ =	shalt  }
0x62: {  	_ =	shalt  }
0x63: {  	_ =	shalt  }
0x64: {  	_ =	shalt  }
0x65: {  	_ =	shalt  }
0x66: {  	_ =	shalt  }
0x67: {  	_ =	shalt  }
0x68: {  	_ =	shalt  }
0x69: {  	_ =	shalt  }
0x6a: {  	_ =	shalt  }
0x6b: {  	_ =	shalt  }
0x6c: {  	_ =	shalt  }
0x6d: {  	_ =	shalt  }
0x6e: {  	_ =	shalt  }
0x6f: {  	_ =	shalt  }
0x70: {  	_ =	shalt  }
0x71: {  	_ =	shalt  }
0x72: {  	_ =	shalt  }
0x73: {  	_ =	shalt  }
0x74: {  	_ =	shalt  }
0x75: {  	_ =	shalt  }
0x76: {  	_ =	shalt  }
0x77: {  	_ =	shalt  }
0x78: {  	_ =	shalt  }
0x79: {  	_ =	shalt  }
0x7a: {  	_ =	shalt  }
0x7b: {  	_ =	shalt  }
0x7c: {  	_ =	shalt  }
0x7d: {  	_ =	shalt  }
0x7e: {  	_ =	shalt  }
0x7f: {  	_ =	shalt  }
0x80: {  	_ =	shalt  }
0x81: {  	_ =	shalt  }
0x82: {  	_ =	shalt  }
0x83: {  	_ =	shalt  }
0x84: {  	_ =	shalt  }
0x85: {  	_ =	shalt  }
0x86: {  	_ =	shalt  }
0x87: {  	_ =	shalt  }
.Lfunc_end0:
.L_simem_size_0:
called_computation.2_lowered:
.L_overlay_start_0:
0x88: {  	s2 =	sld [smem:$0x3FD9]  }
0x89: {  	s3 =	sld [smem:$0x3FFE];
	_ =	sdelay $0x1  }
0x8a: {  	s1 =	srdreg.scid  }
0x8b: {  	s0 =	sand.u32 $0x1, s1  }
0x8c: {  	s16 =	sshll.u32 s0, $0xA;
	s2 =	sadd.s32 s3, s2  }
0x8d: {  	s2 =	sadd.s32 s2, s16  }
0x8e: {  	[smem:$0x3FAB] =	sst s2  }
0x8f: {  	_ = 	snop  }
0x90: {  	(tm) =	ssettm $0x1  }
0x91: {  	s17 =	sld [smem:$0x3FFB];
	_ =	sdelay $0x3  }
0x92: {  	_ =	strace s17  }
0x93: {  	s2 =	sld [smem:$0x3FFC];
	_ =	sdelay $0x3  }
0x94: {  	_ =	strace s2  }
0x95: {  	s2 =	sld [smem:$0x3FFD];
	_ =	sdelay $0x3  }
0x96: {  	_ =	strace s2  }
0x97: {  	_ =	strace $0x8FFFFFFF  }
0x98: {  	s18 =	sld [smem:$0x3FDB];
	_ =	sdelay $0x1  }
0x99: {  	s19 =	simm.s32 $_scs_section_size  }
0x9a: {  	s4 =	simm.s32 $_size__tile_overlayer_lowered;
	s5 =	simm.s32 $_tile_overlayer_lowered  }
0x9b: {  	s22 =	simm.s32 $0x1BFF;
	s21 =	sshll.u32 s5, $0x1;
	s2 =	sadd.s32 s19, s18  }
0x9c: {  	s6 =	simm.s32 $0x0;
	s20 =	sshll.u32 s4, $0x1;
	s4 =	sadd.s32 s21, s2  }
0x9d: {  	[timem:s6], [sflag:s22] =	dma.local [hbm:s4], s20  }
0x9e: {  	_ =	swait.ge [sflag:s22], s20  }
0x9f: {  	s3 =	ssub.s32 $0x0, s20;
	[sflag:s22] =	ssyncset.done $0x0  }
0xa0: {  	[sflag:s22] =	ssyncadd.s32 s3;
	_ =	sdelay $0x1  }
0xa1: {  	s23 =	simm.s32 $0x1B8B  }
0xa2: {  	_ =	swait.ge [sflag:s23], $0x1  }
0xa3: {  	[sflag:s23] =	ssyncset.done $0x0  }
0xa4: {  	s25 =	simm.s32 $0x1B8E;
	s24 =	sld [smem:$0x3FFE];
	[sflag:s23] =	ssyncadd.s32 $0xFFFFFFFF  }
0xa5: {  	s26 =	simm.s32 $execute0_lowered;
	[smem:$0x3FD2] =	sst s25  }
0xa6: {  	s4 =	sshll.u32 s26, $0x1;
	_ =	strace $0x8000004C;
	[dreg:$0x1] =	wrdreg $0xFFFFFFFF  }
0xa7: {  	s28 =	simm.s32 $_size_execute0_lowered;
	s2 =	sadd.s32 s2, s4;
	[dreg:$0x0] =	wrdreg $0x0  }
0xa8: {  	s4 =	sshll.u32 s28, $0x1;
	[dreg:$0x2] =	wrdreg s2  }
0xa9: {  	[dreg:$0x3] =	wrdreg s4  }
0xaa: {  	[dreg:$0x4] =	wrdreg $0xC0  }
0xab: {  	_ =	task [dreg:s6], $0x5FFFF  }
0xac: {  	[dreg:$0x1] =	wrdreg $0xFFFFFFFF  }
0xad: {  	[dreg:$0x0] =	wrdreg $0x60  }
0xae: {  	[dreg:$0x2] =	wrdreg s24  }
0xaf: {  	[dreg:$0x3] =	wrdreg $0x9  }
0xb0: {  	_ =	task.clear_ibuf [dreg:s6], $0x4FFFF;
	_ =	strace $0x9000004C  }
0xb1: {  	s29 =	simm.s32 $0x9;
	_ =	strace $0x8000004E  }
0xb2: {  	_ =	swait.ge [sflag:s29], $0x1  }
0xb3: {  	[sflag:s29] =	ssyncadd.s32 $0xFFFFFFFF  }
0xb4: {  	_ =	strace $0x9000004E  }
0xb5: {  	_ =	sfence  }
0xb6: {  	s30 =	sld [smem:$0x0];
	_ =	sdelay $0x2  }
0xb7: {  	s31 =	sshll.u32 s1, $0xD;
	s1 =	sshrl.u32 s1, $0x2  }
0xb8: {  	s3 =	sand.u32 $0x4000, s31;
	s1 =	sadd.s32 s1, s30  }
0xb9: {  	s0 =	sor.u32 s3, s0;
	s1 =	sshll.u32 s1, $0x11  }
0xba: {  	s0 =	sor.u32 s1, s0  }
0xbb: {  	s0 =	sadd.s32 $0x8F2B, s0  }
0xbc: {  	[sflag:s0] =	ssyncadd.remote.s32 $0x1  }
0xbd: {  	_ =	sfence.sel $0xFFFF  }
0xbe: {  	[dreg:$0x0] =	wrdreg $0xFFFFFFFF;
	(pc) =	sbr.abs _section_cstart, $3  }
0xbf: {  	[dreg:$0x1] =	wrdreg $0xFFFFFFFF  }
0xc0: {  	_ =	task.clear_ibuf [dreg:s6], $0x2FFFF;
	_ =	strace $0x9FFFFFFF  }
0xc1: {  	(tm) =	ssettm $0x7FFFFFFF  }
tec
execute0_lowered:
.L_overlay_start_1:
0x0: {  	(tag) =	ssettag $0x1  }
0x1: {  	s0 =	rddreg [dreg:$0x0];
	s1 =	srdreg.scid  }
0x2: {  	s2 =	simm.s32 $0x0;
	s4 =	stileid.u32;
	s15 =	simm.s32 $0x5  }
0x3: {  	s16 =	simm.s32 $0x100;
	s17 =	simm.s32 $0x50;
	s18 =	simm.s32 $0x200  }
0x4: {  	s19 =	simm.s32 $0x5200;
	s20 =	simm.s32 $0x80;
	s21 =	simm.s32 $0x180  }
0x5: {  	s22 =	simm.s32 $0x2A00;
	s23 =	simm.s32 $0x7A00;
	s24 =	simm.s32 $0x1  }
0x6: {  	s25 =	simm.s32 $0x3;
	s28 =	simm.s32 $0x4;
	s29 =	simm.s32 $0x0  }
0x7: {  	s1 =	sand.u32 $0x1, s1;
	[smem:$0x7FF] =	sst s2;
	s6 =	sadd.s32 $0x12C00, s0  }
0x8: {  	s8 =	sadd.s32 $0x94800, s0;
	s3 =	sshll.u32 s1, $0x4;
	_ =	strace $0x8000004D  }
0x9: {  	s1 =	ssub.s32 $0x2, s1;
	s7 =	sor.u32 s4, s3;
	s3 =	sadd.s32 $0x46400, s0  }
0xa: {  	s4 =	sadd.s32 $0x6D600, s0;
	s26 =	sshrl.u32 s1, $0x1;
	s5 =	smul.u32 $0x2710, s7  }
0xb: {  	s9 =	smul.u32 $0x138800, s7;
	s7 =	sadd.s32 $0x8E00, s0;
	s0 =	ssub.s32 s1, s26  }
0xc: {  	s26 =	simm.s32 $0x2;
	s14 =	smax.u32 s0, $0x1;
	s30 =	sshrl.u32 s5, $0x3  }
0xd: {  	s9 =	sshrl.u32 s9, $0x3;
	s11 =	sadd.s32 $0x50, s5;
	s10 =	sadd.s32 s6, s30  }
0xe: {  	s1 =	sadd.s32 s7, s30;
	s31 =	sadd.s32 s8, s9;
	[dreg:$0x2] =	wrdreg s10  }
0xf: {  	s12 =	sadd.s32 $0xA0, s5;
	[dreg:$0x3] =	wrdreg s1;
	s13 =	sadd.s32 $0x26C00, s31  }
.LBB2_1:
0x10: {  	s0 =	rddreg [dreg:$0x2]  }
0x11: {  	[tilespmem:s2], [sflag:$0x5] =	stream.linear.gather [hbm4b:s0+s2], $0x50, $0x38;
	[tilespmem:$0xA200] =	vst v63  }
0x12: {  	_ =	swait.ge [sflag:s15], $0x50  }
0x13: {  	[sflag:s15] =	ssyncset.done $0x0  }
0x14: {  	s31 =	rddreg [dreg:$0x3];
	[sflag:s15] =	ssyncadd.s32 $0xFFFFFFB0  }
0x15: {  	[tilespmem:s16], [sflag:$0x5] =	stream.linear.gather [hbm4b:s31+s2], $0x50, $0x38;
	[tilespmem:$0xA200] =	vst v63  }
0x16: {  	_ =	swait.ge [sflag:s15], $0x50  }
0x17: {  	[sflag:s15] =	ssyncset.done $0x0  }
0x18: {  	[sflag:s15] =	ssyncadd.s32 $0xFFFFFFB0  }
0x19: {  	[tilespmem:s18], [sflag:$0x1] =	stream.indirect.gather [hbm4b:s3+s17], $0x80, s2, s17, $0xb8;
	[tilespmem:$0xA200] =	vst v63  }
0x1a: {  	s30 =	simm.s32 $0x0  }
0x1b: {  	[tilespmem:s19], [sflag:$0x1] =	stream.indirect.gather [hbm4b:s4+s17], $0x80, s16, s17, $0xb8;
	[tilespmem:$0xA200] =	vst v63  }
.LBB2_2:
0x1c: {  	s0 =	smul.u32 $0xA0, s30;
	p0 =	seq.s32 s30, $0x0  }
0x1d: {  	s1 =	simm.s32 @!p0 $0x4  }
0x1e: {  	s31 =	sadd.s32 s0, s11;
	_ =	swait.ge @!p0 [sflag:s1], $0x2800  }
0x1f: {  	[sflag:s1] =	ssyncset.done @!p0 $0x0;
	s9 =	sshrl.u32 s31, $0x3  }
0x20: {  	s10 =	simm.s32 $0x0;
	[sflag:s1] =	ssyncadd.s32 @!p0 $0xFFFFD800;
	s1 =	sadd.s32 s6, s9  }
0x21: {  	[tilespmem:s20], [sflag:$0x5] =	stream.linear.gather [hbm4b:s1+s10], $0x50, $0x38;
	[tilespmem:$0xA200] =	vst v63  }
0x22: {  	_ =	swait.ge [sflag:s15], $0x50  }
0x23: {  	[sflag:s15] =	ssyncset.done $0x0  }
0x24: {  	s9 =	sadd.s32 s7, s9;
	[sflag:s15] =	ssyncadd.s32 $0xFFFFFFB0  }
0x25: {  	[tilespmem:s21], [sflag:$0x5] =	stream.linear.gather [hbm4b:s9+s10], $0x50, $0x38;
	[tilespmem:$0xA200] =	vst v63  }
0x26: {  	_ =	swait.ge [sflag:s15], $0x50  }
0x27: {  	[sflag:s15] =	ssyncset.done $0x0  }
0x28: {  	[sflag:s15] =	ssyncadd.s32 $0xFFFFFFB0  }
0x29: {  	[tilespmem:s22], [sflag:$0x2] =	stream.indirect.gather [hbm4b:s3+s17], $0x80, s20, s17, $0xb8;
	[tilespmem:$0xA200] =	vst v63  }
0x2a: {  	_ = 	snop  }
0x2b: {  	[tilespmem:s23], [sflag:$0x2] =	stream.indirect.gather [hbm4b:s4+s17], $0x80, s21, s17, $0xb8;
	[tilespmem:$0xA200] =	vst v63  }
0x2c: {  	_ =	swait.ge [sflag:s24], $0x2800  }
0x2d: {  	[sflag:s24] =	ssyncset.done $0x0  }
0x2e: {  	[sflag:s24] =	ssyncadd.s32 $0xFFFFD800  }
0x2f: {  	_ =	swait.ge [sflag:s24], $0x2800  }
0x30: {  	[sflag:s24] =	ssyncset.done $0x0  }
0x31: {  	s1 =	simm.s32 $0x0;
	[sflag:s24] =	ssyncadd.s32 $0xFFFFD800  }
0x32: {  	v7 =	vld [tilespmem:s1+$0x5200]  }
0x33: {  	v11 =	vld [tilespmem:s1+$0x5210]  }
0x34: {  	v5 =	vld [tilespmem:s1+$0x5220]  }
0x35: {  	v4 =	vld [tilespmem:s1+$0x5230]  }
0x36: {  	v3 =	vld [tilespmem:s1+$0x5240]  }
0x37: {  	v2 =	vld [tilespmem:s1+$0x5250]  }
0x38: {  	v1 =	vld [tilespmem:s1+$0x5260]  }
0x39: {  	v0 =	vld [tilespmem:s1+$0x5270]  }
0x3a: {  	v12 =	vld [tilespmem:s1+$0x200]  }
0x3b: {  	v13 =	vld [tilespmem:s1+$0x210]  }
0x3c: {  	v10 =	vld [tilespmem:s1+$0x220]  }
0x3d: {  	v9 =	vld [tilespmem:s1+$0x230]  }
0x3e: {  	v8 =	vld [tilespmem:s1+$0x240]  }
0x3f: {  	v6 =	vld [tilespmem:s1+$0x250];
	v12 =	vadd.f32 v7, v12  }
0x40: {  	s9 =	simm.s32 $0x200;
	v11 =	vadd.f32 v11, v13;
	v7 =	vld [tilespmem:s1+$0x260]  }
.LBB2_3:
0x41: {  	s10 =	sshra.s32 s9, $0x2;
	p0 =	sne.s32 s9, $0x9E00;
	[tilespmem:s1+$0x200] =	vst v12;
	v5 =	vadd.f32 v5, v10;
	v10 =	vld [tilespmem:s1+$0x270]  }
0x42: {  	v12 =	vld [tilespmem:s10+$0x5200];
	[tilespmem:s1+$0x210] =	vst v11;
	v4 =	vadd.f32 v4, v9  }
0x43: {  	v11 =	vld [tilespmem:s10+$0x5210];
	[tilespmem:s1+$0x220] =	vst v5;
	v3 =	vadd.f32 v3, v8  }
0x44: {  	v5 =	vld [tilespmem:s10+$0x5220];
	[tilespmem:s1+$0x230] =	vst v4;
	v2 =	vadd.f32 v2, v6  }
0x45: {  	v4 =	vld [tilespmem:s10+$0x5230];
	[tilespmem:s1+$0x240] =	vst v3;
	v1 =	vadd.f32 v1, v7  }
0x46: {  	v3 =	vld [tilespmem:s10+$0x5240];
	[tilespmem:s1+$0x250] =	vst v2;
	v0 =	vadd.f32 v0, v10  }
0x47: {  	v2 =	vld [tilespmem:s10+$0x5250];
	[tilespmem:s1+$0x260] =	vst v1  }
0x48: {  	v1 =	vld [tilespmem:s10+$0x5260];
	[tilespmem:s1+$0x270] =	vst v0;
	s1 =	smov.u32 s10  }
0x49: {  	v0 =	vld [tilespmem:s1+$0x5270]  }
0x4a: {  	v6 =	vld [tilespmem:s1+$0x200]  }
0x4b: {  	v7 =	vld [tilespmem:s1+$0x210]  }
.Ltmp0:
0x4c: {  	v10 =	vld [tilespmem:s1+$0x220];
	(pc) =	sbr.rel @p0 .LBB2_3-.Ltmp0, $4  }
0x4d: {  	v9 =	vld [tilespmem:s1+$0x230]  }
0x4e: {  	v8 =	vld [tilespmem:s1+$0x240]  }
0x4f: {  	v12 =	vadd.f32 v12, v6;
	v6 =	vld [tilespmem:s1+$0x250]  }
0x50: {  	s9 =	sadd.s32 $0x200, s9;
	v11 =	vadd.f32 v11, v7;
	v7 =	vld [tilespmem:s1+$0x260]  }
0x51: {  	[tilespmem:s1+$0x200] =	vst v12;
	v5 =	vadd.f32 v5, v10;
	v10 =	vld [tilespmem:s1+$0x270]  }
0x52: {  	[tilespmem:s1+$0x210] =	vst v11;
	v4 =	vadd.f32 v4, v9  }
0x53: {  	[tilespmem:s1+$0x220] =	vst v5;
	v3 =	vadd.f32 v3, v8  }
0x54: {  	[tilespmem:s1+$0x230] =	vst v4;
	v2 =	vadd.f32 v2, v6  }
0x55: {  	[tilespmem:s1+$0x240] =	vst v3;
	v1 =	vadd.f32 v1, v7  }
0x56: {  	s9 =	sadd.s32 s5, s0;
	[tilespmem:s1+$0x250] =	vst v2;
	v0 =	vadd.f32 v0, v10  }
0x57: {  	s9 =	sshll.u32 s9, $0x4;
	[tilespmem:s1+$0x260] =	vst v1  }
0x58: {  	s10 =	sadd.s32 s8, s9;
	s9 =	simm.s32 $0x0;
	[tilespmem:s1+$0x270] =	vst v0  }
0x59: {  	[hbm4b:s10+s9] =	stream.linear.scatter [tilespmem:s18], [sflag:$0x3], $0x2800, $0x38;
	[tilespmem:$0xA200] =	vst v63  }
0x5a: {  	s1 =	sadd.s32 s0, s12;
	_ =	swait.ge [sflag:s25], $0x2800  }
0x5b: {  	s0 =	sshrl.u32 s1, $0x3;
	[sflag:s25] =	ssyncset.done $0x0  }
0x5c: {  	s10 =	sadd.s32 s6, s0;
	[sflag:s25] =	ssyncadd.s32 $0xFFFFD800  }
0x5d: {  	[tilespmem:s9], [sflag:$0x5] =	stream.linear.gather [hbm4b:s10+s9], $0x50, $0x38;
	[tilespmem:$0xA200] =	vst v63  }
0x5e: {  	_ =	swait.ge [sflag:s15], $0x50  }
0x5f: {  	[sflag:s15] =	ssyncset.done $0x0  }
0x60: {  	s0 =	sadd.s32 s7, s0;
	[sflag:s15] =	ssyncadd.s32 $0xFFFFFFB0  }
0x61: {  	[tilespmem:s16], [sflag:$0x5] =	stream.linear.gather [hbm4b:s0+s9], $0x50, $0x38;
	[tilespmem:$0xA200] =	vst v63  }
0x62: {  	_ =	swait.ge [sflag:s15], $0x50  }
0x63: {  	[sflag:s15] =	ssyncset.done $0x0  }
0x64: {  	[sflag:s15] =	ssyncadd.s32 $0xFFFFFFB0  }
0x65: {  	[tilespmem:s18], [sflag:$0x1] =	stream.indirect.gather [hbm4b:s3+s17], $0x80, s9, s17, $0xb8;
	[tilespmem:$0xA200] =	vst v63  }
0x66: {  	_ = 	snop  }
0x67: {  	[tilespmem:s19], [sflag:$0x1] =	stream.indirect.gather [hbm4b:s4+s17], $0x80, s16, s17, $0xb8;
	[tilespmem:$0xA200] =	vst v63  }
0x68: {  	_ =	swait.ge [sflag:s26], $0x2800  }
0x69: {  	[sflag:s26] =	ssyncset.done $0x0  }
0x6a: {  	[sflag:s26] =	ssyncadd.s32 $0xFFFFD800  }
0x6b: {  	_ =	swait.ge [sflag:s26], $0x2800  }
0x6c: {  	[sflag:s26] =	ssyncset.done $0x0  }
0x6d: {  	s0 =	simm.s32 $0x0;
	[sflag:s26] =	ssyncadd.s32 $0xFFFFD800  }
0x6e: {  	v7 =	vld [tilespmem:s0+$0x7A00]  }
0x6f: {  	v11 =	vld [tilespmem:s0+$0x7A10]  }
0x70: {  	v5 =	vld [tilespmem:s0+$0x7A20]  }
0x71: {  	v4 =	vld [tilespmem:s0+$0x7A30]  }
0x72: {  	v3 =	vld [tilespmem:s0+$0x7A40]  }
0x73: {  	v2 =	vld [tilespmem:s0+$0x7A50]  }
0x74: {  	v1 =	vld [tilespmem:s0+$0x7A60]  }
0x75: {  	v0 =	vld [tilespmem:s0+$0x7A70]  }
0x76: {  	v12 =	vld [tilespmem:s0+$0x2A00]  }
0x77: {  	v13 =	vld [tilespmem:s0+$0x2A10]  }
0x78: {  	v10 =	vld [tilespmem:s0+$0x2A20]  }
0x79: {  	v9 =	vld [tilespmem:s0+$0x2A30]  }
0x7a: {  	v8 =	vld [tilespmem:s0+$0x2A40]  }
0x7b: {  	v6 =	vld [tilespmem:s0+$0x2A50];
	v12 =	vadd.f32 v7, v12  }
0x7c: {  	s1 =	simm.s32 $0x200;
	v11 =	vadd.f32 v11, v13;
	v7 =	vld [tilespmem:s0+$0x2A60]  }
.LBB2_5:
0x7d: {  	s9 =	sshra.s32 s1, $0x2;
	p0 =	sne.s32 s1, $0x9E00;
	[tilespmem:s0+$0x2A00] =	vst v12;
	v5 =	vadd.f32 v5, v10;
	v10 =	vld [tilespmem:s0+$0x2A70]  }
0x7e: {  	v12 =	vld [tilespmem:s9+$0x7A00];
	[tilespmem:s0+$0x2A10] =	vst v11;
	v4 =	vadd.f32 v4, v9  }
0x7f: {  	v11 =	vld [tilespmem:s9+$0x7A10];
	[tilespmem:s0+$0x2A20] =	vst v5;
	v3 =	vadd.f32 v3, v8  }
0x80: {  	v5 =	vld [tilespmem:s9+$0x7A20];
	[tilespmem:s0+$0x2A30] =	vst v4;
	v2 =	vadd.f32 v2, v6  }
0x81: {  	v4 =	vld [tilespmem:s9+$0x7A30];
	[tilespmem:s0+$0x2A40] =	vst v3;
	v1 =	vadd.f32 v1, v7  }
0x82: {  	v3 =	vld [tilespmem:s9+$0x7A40];
	[tilespmem:s0+$0x2A50] =	vst v2;
	v0 =	vadd.f32 v0, v10  }
0x83: {  	v2 =	vld [tilespmem:s9+$0x7A50];
	[tilespmem:s0+$0x2A60] =	vst v1  }
0x84: {  	v1 =	vld [tilespmem:s9+$0x7A60];
	[tilespmem:s0+$0x2A70] =	vst v0;
	s0 =	smov.u32 s9  }
0x85: {  	v0 =	vld [tilespmem:s0+$0x7A70]  }
0x86: {  	v6 =	vld [tilespmem:s0+$0x2A00]  }
0x87: {  	v7 =	vld [tilespmem:s0+$0x2A10]  }
.Ltmp1:
0x88: {  	v10 =	vld [tilespmem:s0+$0x2A20];
	(pc) =	sbr.rel @p0 .LBB2_5-.Ltmp1, $4  }
0x89: {  	v9 =	vld [tilespmem:s0+$0x2A30]  }
0x8a: {  	v8 =	vld [tilespmem:s0+$0x2A40]  }
0x8b: {  	v12 =	vadd.f32 v12, v6;
	v6 =	vld [tilespmem:s0+$0x2A50]  }
0x8c: {  	s1 =	sadd.s32 $0x200, s1;
	v11 =	vadd.f32 v11, v7;
	v7 =	vld [tilespmem:s0+$0x2A60]  }
0x8d: {  	[tilespmem:s0+$0x2A00] =	vst v12;
	v5 =	vadd.f32 v5, v10;
	v63 =	vld [tilespmem:s0+$0x2A70]  }
0x8e: {  	[tilespmem:s0+$0x2A10] =	vst v11;
	v4 =	vadd.f32 v4, v9  }
0x8f: {  	s30 =	sadd.s32 $0x1, s30;
	[tilespmem:s0+$0x2A20] =	vst v5;
	v3 =	vadd.f32 v3, v8  }
0x90: {  	p0 =	sne.s32 s30, $0x3E;
	[tilespmem:s0+$0x2A30] =	vst v4;
	v2 =	vadd.f32 v2, v6  }
.Ltmp2:
0x91: {  	[tilespmem:s0+$0x2A40] =	vst v3;
	v1 =	vadd.f32 v1, v7;
	(pc) =	sbr.rel @p0 .LBB2_2-.Ltmp2, $4  }
0x92: {  	[tilespmem:s0+$0x2A50] =	vst v2;
	v0 =	vadd.f32 v0, v63  }
0x93: {  	s1 =	sshll.u32 s31, $0x4;
	[tilespmem:s0+$0x2A60] =	vst v1  }
0x94: {  	s31 =	sadd.s32 s8, s1;
	[tilespmem:s0+$0x2A70] =	vst v0  }
0x95: {  	[hbm4b:s31+s2] =	stream.linear.scatter [tilespmem:s22], [sflag:$0x4], $0x2800, $0x38;
	[tilespmem:$0xA200] =	vst v63  }
0x96: {  	_ =	swait.ge [sflag:s24], $0x2800  }
0x97: {  	[sflag:s24] =	ssyncset.done $0x0  }
0x98: {  	[sflag:s24] =	ssyncadd.s32 $0xFFFFD800  }
0x99: {  	_ =	swait.ge [sflag:s24], $0x2800  }
0x9a: {  	[sflag:s24] =	ssyncset.done $0x0  }
0x9b: {  	s0 =	simm.s32 $0x0;
	[sflag:s24] =	ssyncadd.s32 $0xFFFFD800  }
0x9c: {  	v7 =	vld [tilespmem:s0+$0x5200]  }
0x9d: {  	v11 =	vld [tilespmem:s0+$0x5210]  }
0x9e: {  	v5 =	vld [tilespmem:s0+$0x5220]  }
0x9f: {  	v4 =	vld [tilespmem:s0+$0x5230]  }
0xa0: {  	v3 =	vld [tilespmem:s0+$0x5240]  }
0xa1: {  	v2 =	vld [tilespmem:s0+$0x5250]  }
0xa2: {  	v1 =	vld [tilespmem:s0+$0x5260]  }
0xa3: {  	v0 =	vld [tilespmem:s0+$0x5270]  }
0xa4: {  	v12 =	vld [tilespmem:s0+$0x200]  }
0xa5: {  	v13 =	vld [tilespmem:s0+$0x210]  }
0xa6: {  	v10 =	vld [tilespmem:s0+$0x220]  }
0xa7: {  	v9 =	vld [tilespmem:s0+$0x230]  }
0xa8: {  	v8 =	vld [tilespmem:s0+$0x240]  }
0xa9: {  	v6 =	vld [tilespmem:s0+$0x250];
	v12 =	vadd.f32 v7, v12  }
0xaa: {  	s1 =	simm.s32 $0x200;
	v11 =	vadd.f32 v11, v13;
	v7 =	vld [tilespmem:s0+$0x260]  }
.LBB2_8:
0xab: {  	s9 =	sshra.s32 s1, $0x2;
	p0 =	sne.s32 s1, $0x9E00;
	[tilespmem:s0+$0x200] =	vst v12;
	v5 =	vadd.f32 v5, v10;
	v10 =	vld [tilespmem:s0+$0x270]  }
0xac: {  	v12 =	vld [tilespmem:s9+$0x5200];
	[tilespmem:s0+$0x210] =	vst v11;
	v4 =	vadd.f32 v4, v9  }
0xad: {  	v11 =	vld [tilespmem:s9+$0x5210];
	[tilespmem:s0+$0x220] =	vst v5;
	v3 =	vadd.f32 v3, v8  }
0xae: {  	v5 =	vld [tilespmem:s9+$0x5220];
	[tilespmem:s0+$0x230] =	vst v4;
	v2 =	vadd.f32 v2, v6  }
0xaf: {  	v4 =	vld [tilespmem:s9+$0x5230];
	[tilespmem:s0+$0x240] =	vst v3;
	v1 =	vadd.f32 v1, v7  }
0xb0: {  	v3 =	vld [tilespmem:s9+$0x5240];
	[tilespmem:s0+$0x250] =	vst v2;
	v0 =	vadd.f32 v0, v10  }
0xb1: {  	v2 =	vld [tilespmem:s9+$0x5250];
	[tilespmem:s0+$0x260] =	vst v1  }
0xb2: {  	v1 =	vld [tilespmem:s9+$0x5260];
	[tilespmem:s0+$0x270] =	vst v0;
	s0 =	smov.u32 s9  }
0xb3: {  	v0 =	vld [tilespmem:s0+$0x5270]  }
0xb4: {  	v6 =	vld [tilespmem:s0+$0x200]  }
0xb5: {  	v7 =	vld [tilespmem:s0+$0x210]  }
.Ltmp3:
0xb6: {  	v10 =	vld [tilespmem:s0+$0x220];
	(pc) =	sbr.rel @p0 .LBB2_8-.Ltmp3, $4  }
0xb7: {  	v9 =	vld [tilespmem:s0+$0x230]  }
0xb8: {  	v8 =	vld [tilespmem:s0+$0x240]  }
0xb9: {  	v12 =	vadd.f32 v12, v6;
	v6 =	vld [tilespmem:s0+$0x250]  }
0xba: {  	s1 =	sadd.s32 $0x200, s1;
	v11 =	vadd.f32 v11, v7;
	v7 =	vld [tilespmem:s0+$0x260]  }
0xbb: {  	[tilespmem:s0+$0x200] =	vst v12;
	v5 =	vadd.f32 v5, v10;
	v63 =	vld [tilespmem:s0+$0x270]  }
0xbc: {  	[tilespmem:s0+$0x210] =	vst v11;
	v4 =	vadd.f32 v4, v9  }
0xbd: {  	[tilespmem:s0+$0x220] =	vst v5;
	v3 =	vadd.f32 v3, v8  }
0xbe: {  	[tilespmem:s0+$0x230] =	vst v4;
	v2 =	vadd.f32 v2, v6  }
0xbf: {  	[tilespmem:s0+$0x240] =	vst v3;
	v1 =	vadd.f32 v1, v7  }
0xc0: {  	[tilespmem:s0+$0x250] =	vst v2;
	v0 =	vadd.f32 v0, v63  }
0xc1: {  	[tilespmem:s0+$0x260] =	vst v1  }
0xc2: {  	s29 =	sadd.s32 $0x1, s29;
	[tilespmem:s0+$0x270] =	vst v0  }
0xc3: {  	[hbm4b:s13+s2] =	stream.linear.scatter [tilespmem:s18], [sflag:$0x3], $0x2800, $0x38;
	[tilespmem:$0xA200] =	vst v63  }
0xc4: {  	p0 =	sne.s32 s29, s14;
	_ =	swait.ge [sflag:s25], $0x2800  }
.Ltmp4:
0xc5: {  	[sflag:s25] =	ssyncset.done $0x0;
	(pc) =	sbr.rel @p0 .LBB2_1-.Ltmp4, $4  }
0xc6: {  	[sflag:s25] =	ssyncadd.s32 $0xFFFFD800  }
0xc7: {  	_ =	swait.ge [sflag:s28], $0x2800  }
0xc8: {  	[sflag:s28] =	ssyncset.done $0x0  }
0xc9: {  	[sflag:s28] =	ssyncadd.s32 $0xFFFFD800  }
0xca: {  	_ =	sfence.sel $0x180000  }
0xcb: {  	[bflag:$0x0] =	sbarrier.arrive $0xFFFF  }
0xcc: {  	_ =	strace $0x9000004D  }
0xcd: {  	s0 =	stileid.u32;
	[bflag:$0x2] =	sbarrier.arrive $0xFFFF  }
0xce: {  	p0 =	sne.s32 s0, $0x0;
	s0 =	rddreg [dreg:$0x1]  }
0xcf: {  	s0 =	sadd.s32 @!p0 $0x100000, s0  }
0xd0: {  	[sflag:s0] =	ssyncadd.tile.s32 @!p0 $0x1;
	_ =	shalt  }
.Lfunc_end2:
_tile_overlayer_lowered:
.L_overlay_start_2:
0xd1: {  	(tag) =	ssettag $0x2  }
0xd2: {  	s0 =	rddreg [dreg:$0x0];
	s2 =	stileid.u32  }
0xd3: {  	s1 =	rddreg [dreg:$0x1];
	p0 =	sne.s32 s2, $0x0  }
0xd4: {  	s3 =	rddreg [dreg:$0x2];
	[bflag:$0x3] =	sbarrier.arrive $0xFFFF;
	s2 =	simm.s32 @!p0 $0x1C05  }
0xd5: {  	[timem:s3], [sflag:s2] =	dma.local @!p0 [hbm:s0], s1  }
0xd6: {  	s0 =	simm.s32 @!p0 $0x5  }
0xd7: {  	_ =	swait.ge @!p0 [sflag:s0], s1  }
0xd8: {  	s1 =	ssub.s32 @!p0 $0x0, s1;
	[sflag:s0] =	ssyncset.done @!p0 $0x0  }
0xd9: {  	[sflag:s0] =	ssyncadd.s32 @!p0 s1  }
0xda: {  	[bflag:$0x3] =	sbarrier.arrive $0xFFFF  }
0xdb: {  	_ =	shalt  }

// kernel: kernel.24.cloned.1.call-start
scs
__scs_entry_jumppad:
0x0: {  	(pc) =	sbr.rel $0x88, $3  }
0x1: {  	(tag) =	ssettag $0x0;
	lr =	simm.s32 $0x1  }
0x2: {  	[smem:$0x3F84] =	sst lr;
	_ =	strace $0xD0000000  }
0x3: {  	_ = 	snop  }
0x4: {  	_ = 	snop  }
0x5: {  	_ = 	snop  }
0x6: {  	_ = 	snop  }
0x7: {  	_ = 	snop  }
__scs_overlays_trampoline_lowered:
0x8: {  	[smem:$0x3F93] =	sst s0  }
0x9: {  	[smem:$0x3F94] =	sst s1  }
0xa: {  	[smem:$0x3F95] =	sst s2  }
0xb: {  	[smem:$0x3F96] =	sst s3  }
0xc: {  	[smem:$0x3F97] =	sst s4  }
0xd: {  	[smem:$0x3F98] =	sst s5  }
0xe: {  	[smem:$0x3F99] =	sst s6  }
0xf: {  	[smem:$0x3F9A] =	sst s7  }
0x10: {  	[smem:$0x3F9B] =	sst s8  }
0x11: {  	[smem:$0x3F9C] =	sst s9;
	s0 =	simm.s32 @!p0 $0x0  }
0x12: {  	s1 =	sld [smem:$0x3F82];
	s0 =	simm.s32 @p0 $0x1  }
0x13: {  	[smem:$0x3F9D] =	sst s0;
	s0 =	simm.s32 @!p1 $0x0  }
0x14: {  	s2 =	sld [smem:$0x3F81];
	s0 =	simm.s32 @p1 $0x1  }
0x15: {  	[smem:$0x3F9E] =	sst s0;
	s0 =	simm.s32 @!p2 $0x0  }
0x16: {  	s3 =	sld [smem:$0x3FDB];
	s0 =	simm.s32 @p2 $0x1  }
0x17: {  	s4 =	simm.s32 $0x1BF5;
	[smem:$0x3FA0] =	sst s0  }
0x18: {  	s0 =	sld [smem:$0x3F83];
	_ =	swait.ge [sflag:s4], $0x0  }
0x19: {  	s7 =	sld [smem:$0x3F84]  }
0x1a: {  	s8 =	sadd.s32 $0xFFFFE003, lr  }
0x1b: {  	s9 =	sadd.s32 $0xFFFFFEF7, lr;
	s5 =	simm.s32 $0xFFFFFFFF;
	p2 =	slt.u32 s8, $0xFFFFF086  }
0x1c: {  	p1 =	slt.u32 s9, $0xF7A;
	s5 =	simm.s32 @!p2 $0x0  }
0x1d: {  	s5 =	simm.s32 @p1 $0x1;
	p0 =	seq.s32 s7, s2  }
0x1e: {  	s7 =	smul.u32 @!p0 $0xF7A, s2;
	p2 =	seq.s32 @!p0 s5, $0x0  }
0x1f: {  	s9 =	smul.u32 $0xF7A, s1;
	s8 =	simm.s32 @!p0 $0x1BF5;
	p2 =	por !p2, p0  }
0x20: {  	[sflag:s8] =	ssyncset.s32 @!p0 $0xFFFFF086;
	s6 =	sadd.s32 @!p0 s3, s7;
	s7 =	simm.s32 @!p0 $0x108  }
0x21: {  	s3 =	sadd.s32 s3, s9;
	s6 =	sadd.s32 @!p0 $0x88, s6;
	s7 =	simm.s32 @p2 $0x1082  }
0x22: {  	[simem:s7], [sflag:s8] =	dma.local @!p0 [hbm:s6], $0xF7A  }
0x23: {  	s9 =	sor.u32 $0xD0000000, s2;
	s6 =	simm.s32 $0x108;
	_ =	swait.ge @!p0 [sflag:s8], $0x0  }
0x24: {  	s3 =	sadd.s32 $0x88, s3;
	s6 =	simm.s32 @!p1 $0x1082;
	[sflag:s4] =	ssyncset.s32 $0xFFFFF086  }
0x25: {  	[simem:s6], [sflag:s4] =	dma.local [hbm:s3], $0xF7A  }
0x26: {  	[smem:$0x3F84] =	sst s1;
	(tag) =	ssettag s2;
	_ =	strace s9  }
0x27: {  	s1 =	sld [smem:$0x3F94]  }
0x28: {  	s2 =	sld [smem:$0x3F95]  }
0x29: {  	s4 =	sld [smem:$0x3F97]  }
0x2a: {  	p0 =	seq.s32 s5, $0x0;
	s5 =	sld [smem:$0x3F98]  }
0x2b: {  	s6 =	sld [smem:$0x3F99]  }
0x2c: {  	s7 =	sld [smem:$0x3F9A]  }
0x2d: {  	s3 =	simm.s32 $0x108;
	s8 =	sld [smem:$0x3F9B]  }
0x2e: {  	s3 =	simm.s32 @!p0 $0x1082;
	s9 =	sld [smem:$0x3F9C]  }
0x2f: {  	lr =	sadd.s32 s0, s3;
	s0 =	sld [smem:$0x3F93]  }
0x30: {  	s3 =	sld [smem:$0x3F96]  }
0x31: {  	[smem:$0x3F9F] =	sst s10  }
0x32: {  	s10 =	sld [smem:$0x3F9D];
	_ =	sdelay $0x3  }
0x33: {  	p0 =	seq.s32 s10, $0x1;
	s10 =	sld [smem:$0x3F9F];
	_ =	sdelay $0x3  }
0x34: {  	[smem:$0x3F9F] =	sst s10  }
0x35: {  	s10 =	sld [smem:$0x3F9E];
	_ =	sdelay $0x3  }
0x36: {  	p1 =	seq.s32 s10, $0x1;
	s10 =	sld [smem:$0x3F9F];
	_ =	sdelay $0x3  }
0x37: {  	[smem:$0x3F9F] =	sst s10  }
0x38: {  	s10 =	sld [smem:$0x3FA0]  }
0x39: {  	_ = 	snop;
	(pc) =	sbr.ind lr, $3  }
0x3a: {  	_ = 	snop  }
0x3b: {  	_ = 	snop  }
0x3c: {  	p2 =	seq.s32 s10, $0x1;
	s10 =	sld [smem:$0x3F9F]  }
0x3d: {  	_ =	shalt  }
0x3e: {  	_ =	shalt  }
0x3f: {  	_ =	shalt  }
0x40: {  	_ =	shalt  }
0x41: {  	_ =	shalt  }
0x42: {  	_ =	shalt  }
0x43: {  	_ =	shalt  }
0x44: {  	_ =	shalt  }
0x45: {  	_ =	shalt  }
0x46: {  	_ =	shalt  }
0x47: {  	_ =	shalt  }
0x48: {  	_ =	shalt  }
0x49: {  	_ =	shalt  }
0x4a: {  	_ =	shalt  }
0x4b: {  	_ =	shalt  }
0x4c: {  	_ =	shalt  }
0x4d: {  	_ =	shalt  }
0x4e: {  	_ =	shalt  }
0x4f: {  	_ =	shalt  }
0x50: {  	_ =	shalt  }
0x51: {  	_ =	shalt  }
0x52: {  	_ =	shalt  }
0x53: {  	_ =	shalt  }
0x54: {  	_ =	shalt  }
0x55: {  	_ =	shalt  }
0x56: {  	_ =	shalt  }
0x57: {  	_ =	shalt  }
0x58: {  	_ =	shalt  }
0x59: {  	_ =	shalt  }
0x5a: {  	_ =	shalt  }
0x5b: {  	_ =	shalt  }
0x5c: {  	_ =	shalt  }
0x5d: {  	_ =	shalt  }
0x5e: {  	_ =	shalt  }
0x5f: {  	_ =	shalt  }
0x60: {  	_ =	shalt  }
0x61: {  	_ =	shalt  }
0x62: {  	_ =	shalt  }
0x63: {  	_ =	shalt  }
0x64: {  	_ =	shalt  }
0x65: {  	_ =	shalt  }
0x66: {  	_ =	shalt  }
0x67: {  	_ =	shalt  }
0x68: {  	_ =	shalt  }
0x69: {  	_ =	shalt  }
0x6a: {  	_ =	shalt  }
0x6b: {  	_ =	shalt  }
0x6c: {  	_ =	shalt  }
0x6d: {  	_ =	shalt  }
0x6e: {  	_ =	shalt  }
0x6f: {  	_ =	shalt  }
0x70: {  	_ =	shalt  }
0x71: {  	_ =	shalt  }
0x72: {  	_ =	shalt  }
0x73: {  	_ =	shalt  }
0x74: {  	_ =	shalt  }
0x75: {  	_ =	shalt  }
0x76: {  	_ =	shalt  }
0x77: {  	_ =	shalt  }
0x78: {  	_ =	shalt  }
0x79: {  	_ =	shalt  }
0x7a: {  	_ =	shalt  }
0x7b: {  	_ =	shalt  }
0x7c: {  	_ =	shalt  }
0x7d: {  	_ =	shalt  }
0x7e: {  	_ =	shalt  }
0x7f: {  	_ =	shalt  }
0x80: {  	_ =	shalt  }
0x81: {  	_ =	shalt  }
0x82: {  	_ =	shalt  }
0x83: {  	_ =	shalt  }
0x84: {  	_ =	shalt  }
0x85: {  	_ =	shalt  }
0x86: {  	_ =	shalt  }
0x87: {  	_ =	shalt  }
.Lfunc_end0:
.L_simem_size_0:
called_computation.3_lowered:
.L_overlay_start_0:
0x88: {  	s2 =	sld [smem:$0x3FD9]  }
0x89: {  	s3 =	sld [smem:$0x3FFE];
	_ =	sdelay $0x1  }
0x8a: {  	s1 =	srdreg.scid  }
0x8b: {  	s0 =	sand.u32 $0x1, s1  }
0x8c: {  	s16 =	sshll.u32 s0, $0xA;
	s2 =	sadd.s32 s3, s2  }
0x8d: {  	s2 =	sadd.s32 s2, s16  }
0x8e: {  	[smem:$0x3FAB] =	sst s2  }
0x8f: {  	_ = 	snop  }
0x90: {  	(tm) =	ssettm $0x1  }
0x91: {  	s17 =	sld [smem:$0x3FFB];
	_ =	sdelay $0x3  }
0x92: {  	_ =	strace s17  }
0x93: {  	s2 =	sld [smem:$0x3FFC];
	_ =	sdelay $0x3  }
0x94: {  	_ =	strace s2  }
0x95: {  	s2 =	sld [smem:$0x3FFD];
	_ =	sdelay $0x3  }
0x96: {  	_ =	strace s2  }
0x97: {  	_ =	strace $0x8FFFFFFF  }
0x98: {  	s18 =	sld [smem:$0x3FDB];
	_ =	sdelay $0x1  }
0x99: {  	s19 =	simm.s32 $_scs_section_size  }
0x9a: {  	s4 =	simm.s32 $_size__tile_overlayer_lowered;
	s5 =	simm.s32 $_tile_overlayer_lowered  }
0x9b: {  	s22 =	simm.s32 $0x1BFF;
	s21 =	sshll.u32 s5, $0x1;
	s2 =	sadd.s32 s19, s18  }
0x9c: {  	s6 =	simm.s32 $0x0;
	s20 =	sshll.u32 s4, $0x1;
	s4 =	sadd.s32 s21, s2  }
0x9d: {  	[timem:s6], [sflag:s22] =	dma.local [hbm:s4], s20  }
0x9e: {  	_ =	swait.ge [sflag:s22], s20  }
0x9f: {  	s3 =	ssub.s32 $0x0, s20;
	[sflag:s22] =	ssyncset.done $0x0  }
0xa0: {  	[sflag:s22] =	ssyncadd.s32 s3;
	_ =	sdelay $0x1  }
0xa1: {  	s23 =	simm.s32 $0x1B8B  }
0xa2: {  	_ =	swait.ge [sflag:s23], $0x1  }
0xa3: {  	[sflag:s23] =	ssyncset.done $0x0  }
0xa4: {  	s25 =	simm.s32 $0x1B8E;
	s24 =	sld [smem:$0x3FFE];
	[sflag:s23] =	ssyncadd.s32 $0xFFFFFFFF  }
0xa5: {  	s26 =	simm.s32 $execute0_lowered;
	[smem:$0x3FD2] =	sst s25  }
0xa6: {  	s4 =	sshll.u32 s26, $0x1;
	_ =	strace $0x8000004F;
	[dreg:$0x1] =	wrdreg $0xFFFFFFFF  }
0xa7: {  	s28 =	simm.s32 $_size_execute0_lowered;
	s2 =	sadd.s32 s2, s4;
	[dreg:$0x0] =	wrdreg $0x0  }
0xa8: {  	s4 =	sshll.u32 s28, $0x1;
	[dreg:$0x2] =	wrdreg s2  }
0xa9: {  	[dreg:$0x3] =	wrdreg s4  }
0xaa: {  	[dreg:$0x4] =	wrdreg $0xC0  }
0xab: {  	_ =	task [dreg:s6], $0x5FFFF  }
0xac: {  	[dreg:$0x1] =	wrdreg $0xFFFFFFFF  }
0xad: {  	[dreg:$0x0] =	wrdreg $0x60  }
0xae: {  	[dreg:$0x2] =	wrdreg s24  }
0xaf: {  	[dreg:$0x3] =	wrdreg $0x51000  }
0xb0: {  	[dreg:$0x4] =	wrdreg $0x9  }
0xb1: {  	_ =	task.clear_ibuf [dreg:s6], $0x5FFFF;
	_ =	strace $0x9000004F  }
0xb2: {  	s29 =	simm.s32 $0x9;
	_ =	strace $0x80000051  }
0xb3: {  	_ =	swait.ge [sflag:s29], $0x1  }
0xb4: {  	[sflag:s29] =	ssyncadd.s32 $0xFFFFFFFF  }
0xb5: {  	_ =	strace $0x90000051  }
0xb6: {  	_ =	sfence  }
0xb7: {  	s30 =	sld [smem:$0x0];
	_ =	sdelay $0x2  }
0xb8: {  	s31 =	sshll.u32 s1, $0xD;
	s1 =	sshrl.u32 s1, $0x2  }
0xb9: {  	s3 =	sand.u32 $0x4000, s31;
	s1 =	sadd.s32 s1, s30  }
0xba: {  	s0 =	sor.u32 s3, s0;
	s1 =	sshll.u32 s1, $0x11  }
0xbb: {  	s0 =	sor.u32 s1, s0  }
0xbc: {  	s0 =	sadd.s32 $0x8F2B, s0  }
0xbd: {  	[sflag:s0] =	ssyncadd.remote.s32 $0x1  }
0xbe: {  	_ =	sfence.sel $0xFFFF  }
0xbf: {  	[dreg:$0x0] =	wrdreg $0xFFFFFFFF;
	(pc) =	sbr.abs _section_cstart, $3  }
0xc0: {  	[dreg:$0x1] =	wrdreg $0xFFFFFFFF  }
0xc1: {  	_ =	task.clear_ibuf [dreg:s6], $0x2FFFF;
	_ =	strace $0x9FFFFFFF  }
0xc2: {  	(tm) =	ssettm $0x7FFFFFFF  }
0xc3: {  	_ =	shalt  }
tec
execute0_lowered:
.L_overlay_start_1:
0x0: {  	(tag) =	ssettag $0x1  }
0x1: {  	s0 =	rddreg [dreg:$0x0]  }
0x2: {  	s1 =	rddreg [dreg:$0x1]  }
0x3: {  	s2 =	simm.s32 $0x0;
	s4 =	srdreg.scid;
	s21 =	stileid.u32  }
0x4: {  	s28 =	simm.s32 $0x3;
	s29 =	simm.s32 $0x2;
	s30 =	simm.s32 $0x4  }
0x5: {  	s31 =	simm.s32 $0x0;
	[smem:$0x7FF] =	sst s2;
	s3 =	sadd.s32 $0x576800, s0  }
0x6: {  	s5 =	sadd.s32 $0x12C00, s0;
	s6 =	sadd.s32 $0x43C00, s0;
	s4 =	sand.u32 $0x1, s4  }
0x7: {  	s9 =	smul.u32 $0x4E000, s21;
	s11 =	sadd.s32 $0x46400, s0;
	s25 =	sshll.u32 s21, $0x6  }
0x8: {  	s26 =	sadd.s32 $0x138000, s1;
	s15 =	smul.u32 $0x13800, s21;
	s0 =	sadd.s32 $0x46300, s0  }
0x9: {  	p0 =	sne.s32 s21, $0xF;
	_ =	strace $0x80000050;
	[dreg:$0x3] =	wrdreg s6  }
0xa: {  	s23 =	ssub.s32 $0x2, s4;
	s14 =	smul.u32 $0x138800, s4;
	[dreg:$0x5] =	wrdreg s26  }
0xb: {  	s7 =	sshll.u32 s4, $0x4;
	[dreg:$0x6] =	wrdreg s0;
	s18 =	smul.u32 $0x27100, s4  }
0xc: {  	s22 =	smul.u32 $0x271000, s4;
	s8 =	sshrl.u32 s23, $0x1;
	s7 =	sor.u32 s21, s7  }
0xd: {  	s24 =	sshrl.u32 s9, $0x2;
	s13 =	ssub.s32 s23, s8;
	s12 =	smul.u32 $0x2710, s7  }
0xe: {  	s10 =	smul.u32 $0x27100, s7;
	s6 =	sadd.s32 s24, s1;
	s15 =	sadd.s32 s15, s14  }
0xf: {  	s14 =	sshrl.u32 s14, $0x3;
	[dreg:$0x4] =	wrdreg s6;
	s6 =	sor.u32 $0x1C05, s25  }
0x10: {  	s19 =	sshrl.u32 s15, $0x3;
	s14 =	sadd.s32 s11, s14;
	s13 =	smax.u32 s13, $0x1  }
0x11: {  	s8 =	sshrl.u32 s12, $0x3;
	s10 =	sadd.s32 s3, s10;
	s16 =	sadd.s32 $0x50, s12  }
0x12: {  	s17 =	sadd.s32 $0xA0, s12;
	s11 =	sadd.s32 s11, s19;
	s12 =	sadd.s32 $0x27000, s14  }
0x13: {  	s19 =	smul.u32 $0x2710, s21;
	s9 =	sadd.s32 s5, s8;
	s20 =	sshrl.u32 s16, $0x3  }
0x14: {  	s0 =	sshll.u32 s16, $0x4;
	s16 =	sshrl.u32 s17, $0x3;
	s23 =	sshll.u32 s17, $0x4  }
0x15: {  	s14 =	sadd.s32 s5, s20;
	s15 =	sadd.s32 s3, s0;
	s16 =	sadd.s32 s5, s16  }
0x16: {  	s20 =	smul.u32 $0x27100, s21;
	s18 =	sadd.s32 s19, s18;
	s17 =	sadd.s32 s3, s23  }
0x17: {  	s0 =	sadd.s32 s22, s3;
	s21 =	simm.s32 $0x5;
	s22 =	simm.s32 $0x100  }
0x18: {  	s23 =	simm.s32 $0x80;
	s24 =	sadd.s32 $0x140, s18;
	s25 =	sadd.s32 $0xF0, s18  }
0x19: {  	s0 =	sadd.s32 s20, s0;
	s3 =	sshrl.u32 s24, $0x3;
	s26 =	sshrl.u32 s25, $0x3  }
0x1a: {  	s24 =	simm.s32 $0x2900;
	s25 =	simm.s32 $0x1;
	s18 =	sadd.s32 $0x1400, s0  }
0x1b: {  	s19 =	sadd.s32 s3, s5;
	s20 =	sadd.s32 s26, s5;
	s26 =	simm.s32 $0x50  }
.LBB2_1:
0x1c: {  	s0 =	rddreg [dreg:$0x4]  }
0x1d: {  	s3 =	rddreg [dreg:$0x3];
	s0 =	sshrl.u32 s0, $0x3  }
0x1e: {  	[spmem:s0], [sflag:s6] =	dma.local [hbm:s3], $0x2700  }
0x1f: {  	_ =	swait.ge [sflag:s21], $0x2700  }
0x20: {  	[sflag:s21] =	ssyncset.done $0x0;
	s3 =	rddreg [dreg:$0x5]  }
0x21: {  	s4 =	rddreg [dreg:$0x6];
	[sflag:s21] =	ssyncadd.s32 $0xFFFFD900;
	s3 =	sshrl.u32 @!p0 s3, $0x3  }
0x22: {  	[spmem:s3], [sflag:s6] =	dma.local @!p0 [hbm:s4], $0x100  }
0x23: {  	s4 =	simm.s32 @!p0 $0x5  }
0x24: {  	_ =	swait.ge @!p0 [sflag:s4], $0x100  }
0x25: {  	[sflag:s4] =	ssyncset.done @!p0 $0x0  }
0x26: {  	[sflag:s4] =	ssyncadd.s32 @!p0 $0xFFFFFF00  }
0x27: {  	[bflag:$0x0] =	sbarrier.arrive $0xFFFF  }
0x28: {  	[tilespmem:s2], [sflag:$0x5] =	stream.linear.gather [hbm4b:s9+s2], $0x50, $0x38;
	[tilespmem:$0x18980] =	vst v63  }
0x29: {  	_ =	swait.ge [sflag:s21], $0x50  }
0x2a: {  	[sflag:s21] =	ssyncset.done $0x0  }
0x2b: {  	[sflag:s21] =	ssyncadd.s32 $0xFFFFFFB0  }
0x2c: {  	[tilespmem:s22], [sflag:$0x1] =	stream.linear.gather [hbm4b:s10+s2], $0x2800, $0x38;
	[tilespmem:$0x18980] =	vst v63  }
0x2d: {  	_ = 	snop  }
0x2e: {  	[tilespmem:s23], [sflag:$0x5] =	stream.linear.gather [hbm4b:s14+s2], $0x50, $0x38;
	[tilespmem:$0x18980] =	vst v63  }
0x2f: {  	_ =	swait.ge [sflag:s21], $0x50  }
0x30: {  	[sflag:s21] =	ssyncset.done $0x0  }
0x31: {  	[sflag:s21] =	ssyncadd.s32 $0xFFFFFFB0  }
0x32: {  	[tilespmem:s24], [sflag:$0x2] =	stream.linear.gather [hbm4b:s15+s2], $0x2800, $0x38;
	[tilespmem:$0x18980] =	vst v63  }
0x33: {  	_ =	swait.ge [sflag:s25], $0x2800  }
0x34: {  	[sflag:s25] =	ssyncset.done $0x0  }
0x35: {  	[sflag:s25] =	ssyncadd.s32 $0xFFFFD800  }
0x36: {  	[spmem:s1] =	stream.indirect.scatter.add.f32 [tilespmem:s22], [sflag:$0x3], $0x80, s2, s26, $0xb8;
	[tilespmem:$0x18980] =	vst v63  }
0x37: {  	_ =	swait.ge [sflag:s28], $0x2800  }
0x38: {  	[sflag:s28] =	ssyncset.done $0x0  }
0x39: {  	[sflag:s28] =	ssyncadd.s32 $0xFFFFD800  }
0x3a: {  	[tilespmem:s2], [sflag:$0x5] =	stream.linear.gather [hbm4b:s16+s2], $0x50, $0x38;
	[tilespmem:$0x18980] =	vst v63  }
0x3b: {  	_ =	swait.ge [sflag:s21], $0x50  }
0x3c: {  	[sflag:s21] =	ssyncset.done $0x0  }
0x3d: {  	[sflag:s21] =	ssyncadd.s32 $0xFFFFFFB0  }
0x3e: {  	[tilespmem:s22], [sflag:$0x1] =	stream.linear.gather [hbm4b:s17+s2], $0x2800, $0x38;
	[tilespmem:$0x18980] =	vst v63  }
0x3f: {  	_ =	swait.ge [sflag:s29], $0x2800  }
0x40: {  	[sflag:s29] =	ssyncset.done $0x0  }
0x41: {  	[sflag:s29] =	ssyncadd.s32 $0xFFFFD800  }
0x42: {  	[spmem:s1] =	stream.indirect.scatter.add.f32 [tilespmem:s24], [sflag:$0x4], $0x80, s23, s26, $0xb8;
	[tilespmem:$0x18980] =	vst v63  }
0x43: {  	_ =	swait.ge [sflag:s30], $0x2800  }
0x44: {  	[sflag:s30] =	ssyncset.done $0x0  }
0x45: {  	s5 =	sadd.s32 $0x0, s20;
	[sflag:s30] =	ssyncadd.s32 $0xFFFFD800  }
0x46: {  	[tilespmem:s23], [sflag:$0x5] =	stream.linear.gather [hbm4b:s5+s2], $0x50, $0x38;
	[tilespmem:$0x18980] =	vst v63  }
0x47: {  	_ =	swait.ge [sflag:s21], $0x50  }
0x48: {  	[sflag:s21] =	ssyncset.done $0x0  }
0x49: {  	s7 =	sadd.s32 $0xFFFFFB00, s18;
	[sflag:s21] =	ssyncadd.s32 $0xFFFFFFB0  }
0x4a: {  	[tilespmem:s24], [sflag:$0x2] =	stream.linear.gather [hbm4b:s7+s2], $0x2800, $0x38;
	[tilespmem:$0x18980] =	vst v63  }
0x4b: {  	_ =	swait.ge [sflag:s25], $0x2800  }
0x4c: {  	[sflag:s25] =	ssyncset.done $0x0  }
0x4d: {  	[sflag:s25] =	ssyncadd.s32 $0xFFFFD800  }
0x4e: {  	[spmem:s1] =	stream.indirect.scatter.add.f32 [tilespmem:s22], [sflag:$0x3], $0x80, s2, s26, $0xb8;
	[tilespmem:$0x18980] =	vst v63  }
0x4f: {  	_ =	swait.ge [sflag:s28], $0x2800  }
0x50: {  	[sflag:s28] =	ssyncset.done $0x0  }
0x51: {  	s8 =	sadd.s32 $0x0, s19;
	[sflag:s28] =	ssyncadd.s32 $0xFFFFD800  }
0x52: {  	[tilespmem:s2], [sflag:$0x5] =	stream.linear.gather [hbm4b:s8+s2], $0x50, $0x38;
	[tilespmem:$0x18980] =	vst v63  }
0x53: {  	_ =	swait.ge [sflag:s21], $0x50  }
0x54: {  	[sflag:s21] =	ssyncset.done $0x0  }
0x55: {  	[sflag:s21] =	ssyncadd.s32 $0xFFFFFFB0  }
0x56: {  	[tilespmem:s22], [sflag:$0x1] =	stream.linear.gather [hbm4b:s18+s2], $0x2800, $0x38;
	[tilespmem:$0x18980] =	vst v63  }
0x57: {  	_ =	swait.ge [sflag:s29], $0x2800  }
0x58: {  	[sflag:s29] =	ssyncset.done $0x0  }
0x59: {  	s4 =	simm.s32 $0x14;
	s5 =	sadd.s32 $0xA00, s18;
	[sflag:s29] =	ssyncadd.s32 $0xFFFFD800  }
.LBB2_2:
0x5a: {  	[spmem:s1] =	stream.indirect.scatter.add.f32 [tilespmem:s24], [sflag:$0x4], $0x80, s23, s26, $0xb8;
	[tilespmem:$0x18980] =	vst v63  }
0x5b: {  	s7 =	smov.u32 s4  }
0x5c: {  	p1 =	sne.s32 s4, $0x4B0;
	s4 =	sadd.s32 $0x14, s4;
	_ =	swait.ge [sflag:s30], $0x2800  }
0x5d: {  	[sflag:s30] =	ssyncset.done $0x0  }
0x5e: {  	s8 =	sadd.s32 s7, s20;
	[sflag:s30] =	ssyncadd.s32 $0xFFFFD800  }
0x5f: {  	[tilespmem:s23], [sflag:$0x5] =	stream.linear.gather [hbm4b:s8+s2], $0x50, $0x38;
	[tilespmem:$0x18980] =	vst v63  }
0x60: {  	_ =	swait.ge [sflag:s21], $0x50  }
0x61: {  	[sflag:s21] =	ssyncset.done $0x0  }
0x62: {  	s8 =	sadd.s32 $0xFFFFFB00, s5;
	[sflag:s21] =	ssyncadd.s32 $0xFFFFFFB0  }
0x63: {  	[tilespmem:s24], [sflag:$0x2] =	stream.linear.gather [hbm4b:s8+s2], $0x2800, $0x38;
	[tilespmem:$0x18980] =	vst v63  }
0x64: {  	_ =	swait.ge [sflag:s25], $0x2800  }
0x65: {  	[sflag:s25] =	ssyncset.done $0x0  }
0x66: {  	[sflag:s25] =	ssyncadd.s32 $0xFFFFD800  }
0x67: {  	[spmem:s1] =	stream.indirect.scatter.add.f32 [tilespmem:s22], [sflag:$0x3], $0x80, s2, s26, $0xb8;
	[tilespmem:$0x18980] =	vst v63  }
0x68: {  	_ =	swait.ge [sflag:s28], $0x2800  }
0x69: {  	[sflag:s28] =	ssyncset.done $0x0  }
0x6a: {  	s7 =	sadd.s32 s7, s19;
	[sflag:s28] =	ssyncadd.s32 $0xFFFFD800  }
0x6b: {  	[tilespmem:s2], [sflag:$0x5] =	stream.linear.gather [hbm4b:s7+s2], $0x50, $0x38;
	[tilespmem:$0x18980] =	vst v63  }
0x6c: {  	_ =	swait.ge [sflag:s21], $0x50  }
0x6d: {  	[sflag:s21] =	ssyncset.done $0x0  }
.Ltmp0:
0x6e: {  	[sflag:s21] =	ssyncadd.s32 $0xFFFFFFB0;
	(pc) =	sbr.rel @p1 .LBB2_2-.Ltmp0, $4  }
0x6f: {  	[tilespmem:s22], [sflag:$0x1] =	stream.linear.gather [hbm4b:s5+s2], $0x2800, $0x38;
	[tilespmem:$0x18980] =	vst v63  }
0x70: {  	_ =	swait.ge [sflag:s29], $0x2800  }
0x71: {  	[sflag:s29] =	ssyncset.done $0x0  }
0x72: {  	s5 =	sadd.s32 $0xA00, s5;
	[sflag:s29] =	ssyncadd.s32 $0xFFFFD800  }
0x73: {  	[spmem:s1] =	stream.indirect.scatter.add.f32 [tilespmem:s24], [sflag:$0x4], $0x80, s23, s26, $0xb8;
	[tilespmem:$0x18980] =	vst v63  }
0x74: {  	_ =	swait.ge [sflag:s25], $0x2800  }
0x75: {  	[sflag:s25] =	ssyncset.done $0x0  }
0x76: {  	[sflag:s25] =	ssyncadd.s32 $0xFFFFD800  }
0x77: {  	[spmem:s1] =	stream.indirect.scatter.add.f32 [tilespmem:s22], [sflag:$0x3], $0x80, s2, s26, $0xb8;
	[tilespmem:$0x18980] =	vst v63  }
0x78: {  	_ =	swait.ge [sflag:s28], $0x2800  }
0x79: {  	[sflag:s28] =	ssyncset.done $0x0  }
0x7a: {  	[sflag:s28] =	ssyncadd.s32 $0xFFFFD800  }
0x7b: {  	_ =	swait.ge [sflag:s30], $0x2800  }
0x7c: {  	[sflag:s30] =	ssyncset.done $0x0  }
0x7d: {  	[sflag:s30] =	ssyncadd.s32 $0xFFFFD800  }
0x7e: {  	[bflag:$0x0] =	sbarrier.arrive $0xFFFF  }
0x7f: {  	[hbm:s11], [sflag:s6] =	dma.local [spmem:s0], $0x2700  }
0x80: {  	s31 =	sadd.s32 $0x1, s31;
	_ =	swait.ge [sflag:s21], $0x2700  }
0x81: {  	p1 =	sne.s32 s31, s13;
	[sflag:s21] =	ssyncset.done $0x0  }
.Ltmp1:
0x82: {  	s0 =	simm.s32 @!p0 $0x5;
	[sflag:s21] =	ssyncadd.s32 $0xFFFFD900;
	(pc) =	sbr.rel @p1 .LBB2_1-.Ltmp1, $4  }
0x83: {  	[hbm:s12], [sflag:s6] =	dma.local @!p0 [spmem:s3], $0x100  }
0x84: {  	_ =	swait.ge @!p0 [sflag:s0], $0x100  }
0x85: {  	[sflag:s0] =	ssyncset.done @!p0 $0x0  }
0x86: {  	[sflag:s0] =	ssyncadd.s32 @!p0 $0xFFFFFF00  }
0x87: {  	_ =	sfence.sel $0x180000  }
0x88: {  	[bflag:$0x0] =	sbarrier.arrive $0xFFFF  }
0x89: {  	_ =	strace $0x90000050  }
0x8a: {  	s0 =	stileid.u32;
	[bflag:$0x2] =	sbarrier.arrive $0xFFFF  }
0x8b: {  	p0 =	sne.s32 s0, $0x0;
	s0 =	rddreg [dreg:$0x2]  }
0x8c: {  	s0 =	sadd.s32 @!p0 $0x100000, s0  }
0x8d: {  	[sflag:s0] =	ssyncadd.tile.s32 @!p0 $0x1;
	_ =	shalt  }
.Lfunc_end2:
_tile_overlayer_lowered:
.L_overlay_start_2:
0x8e: {  	(tag) =	ssettag $0x2  }
0x8f: {  	s0 =	rddreg [dreg:$0x0];
	s2 =	stileid.u32  }
0x90: {  	s1 =	rddreg [dreg:$0x1];
	p0 =	sne.s32 s2, $0x0  }
0x91: {  	s3 =	rddreg [dreg:$0x2];
	[bflag:$0x3] =	sbarrier.arrive $0xFFFF;
	s2 =	simm.s32 @!p0 $0x1C05  }
0x92: {  	[timem:s3], [sflag:s2] =	dma.local @!p0 [hbm:s0], s1  }
0x93: {  	s0 =	simm.s32 @!p0 $0x5  }
0x94: {  	_ =	swait.ge @!p0 [sflag:s0], s1  }
0x95: {  	s1 =	ssub.s32 @!p0 $0x0, s1;
	[sflag:s0] =	ssyncset.done @!p0 $0x0  }
0x96: {  	[sflag:s0] =	ssyncadd.s32 @!p0 s1  }
0x97: {  	[bflag:$0x3] =	sbarrier.arrive $0xFFFF  }
0x98: {  	_ =	shalt  }

// kernel: kernel.27.cloned.1.call-start
scs
__scs_entry_jumppad:
0x0: {  	(pc) =	sbr.rel $0x88, $3  }
0x1: {  	(tag) =	ssettag $0x0;
	lr =	simm.s32 $0x1  }
0x2: {  	[smem:$0x3F84] =	sst lr;
	_ =	strace $0xD0000000  }
0x3: {  	_ = 	snop  }
0x4: {  	_ = 	snop  }
0x5: {  	_ = 	snop  }
0x6: {  	_ = 	snop  }
0x7: {  	_ = 	snop  }
__scs_overlays_trampoline_lowered:
0x8: {  	[smem:$0x3F93] =	sst s0  }
0x9: {  	[smem:$0x3F94] =	sst s1  }
0xa: {  	[smem:$0x3F95] =	sst s2  }
0xb: {  	[smem:$0x3F96] =	sst s3  }
0xc: {  	[smem:$0x3F97] =	sst s4  }
0xd: {  	[smem:$0x3F98] =	sst s5  }
0xe: {  	[smem:$0x3F99] =	sst s6  }
0xf: {  	[smem:$0x3F9A] =	sst s7  }
0x10: {  	[smem:$0x3F9B] =	sst s8  }
0x11: {  	[smem:$0x3F9C] =	sst s9;
	s0 =	simm.s32 @!p0 $0x0  }
0x12: {  	s1 =	sld [smem:$0x3F82];
	s0 =	simm.s32 @p0 $0x1  }
0x13: {  	[smem:$0x3F9D] =	sst s0;
	s0 =	simm.s32 @!p1 $0x0  }
0x14: {  	s2 =	sld [smem:$0x3F81];
	s0 =	simm.s32 @p1 $0x1  }
0x15: {  	[smem:$0x3F9E] =	sst s0;
	s0 =	simm.s32 @!p2 $0x0  }
0x16: {  	s3 =	sld [smem:$0x3FDB];
	s0 =	simm.s32 @p2 $0x1  }
0x17: {  	s4 =	simm.s32 $0x1BF5;
	[smem:$0x3FA0] =	sst s0  }
0x18: {  	s0 =	sld [smem:$0x3F83];
	_ =	swait.ge [sflag:s4], $0x0  }
0x19: {  	s7 =	sld [smem:$0x3F84]  }
0x1a: {  	s8 =	sadd.s32 $0xFFFFE003, lr  }
0x1b: {  	s9 =	sadd.s32 $0xFFFFFEF7, lr;
	s5 =	simm.s32 $0xFFFFFFFF;
	p2 =	slt.u32 s8, $0xFFFFF086  }
0x1c: {  	p1 =	slt.u32 s9, $0xF7A;
	s5 =	simm.s32 @!p2 $0x0  }
0x1d: {  	s5 =	simm.s32 @p1 $0x1;
	p0 =	seq.s32 s7, s2  }
0x1e: {  	s7 =	smul.u32 @!p0 $0xF7A, s2;
	p2 =	seq.s32 @!p0 s5, $0x0  }
0x1f: {  	s9 =	smul.u32 $0xF7A, s1;
	s8 =	simm.s32 @!p0 $0x1BF5;
	p2 =	por !p2, p0  }
0x20: {  	[sflag:s8] =	ssyncset.s32 @!p0 $0xFFFFF086;
	s6 =	sadd.s32 @!p0 s3, s7;
	s7 =	simm.s32 @!p0 $0x108  }
0x21: {  	s3 =	sadd.s32 s3, s9;
	s6 =	sadd.s32 @!p0 $0x88, s6;
	s7 =	simm.s32 @p2 $0x1082  }
0x22: {  	[simem:s7], [sflag:s8] =	dma.local @!p0 [hbm:s6], $0xF7A  }
0x23: {  	s9 =	sor.u32 $0xD0000000, s2;
	s6 =	simm.s32 $0x108;
	_ =	swait.ge @!p0 [sflag:s8], $0x0  }
0x24: {  	s3 =	sadd.s32 $0x88, s3;
	s6 =	simm.s32 @!p1 $0x1082;
	[sflag:s4] =	ssyncset.s32 $0xFFFFF086  }
0x25: {  	[simem:s6], [sflag:s4] =	dma.local [hbm:s3], $0xF7A  }
0x26: {  	[smem:$0x3F84] =	sst s1;
	(tag) =	ssettag s2;
	_ =	strace s9  }
0x27: {  	s1 =	sld [smem:$0x3F94]  }
0x28: {  	s2 =	sld [smem:$0x3F95]  }
0x29: {  	s4 =	sld [smem:$0x3F97]  }
0x2a: {  	p0 =	seq.s32 s5, $0x0;
	s5 =	sld [smem:$0x3F98]  }
0x2b: {  	s6 =	sld [smem:$0x3F99]  }
0x2c: {  	s7 =	sld [smem:$0x3F9A]  }
0x2d: {  	s3 =	simm.s32 $0x108;
	s8 =	sld [smem:$0x3F9B]  }
0x2e: {  	s3 =	simm.s32 @!p0 $0x1082;
	s9 =	sld [smem:$0x3F9C]  }
0x2f: {  	lr =	sadd.s32 s0, s3;
	s0 =	sld [smem:$0x3F93]  }
0x30: {  	s3 =	sld [smem:$0x3F96]  }
0x31: {  	[smem:$0x3F9F] =	sst s10  }
0x32: {  	s10 =	sld [smem:$0x3F9D];
	_ =	sdelay $0x3  }
0x33: {  	p0 =	seq.s32 s10, $0x1;
	s10 =	sld [smem:$0x3F9F];
	_ =	sdelay $0x3  }
0x34: {  	[smem:$0x3F9F] =	sst s10  }
0x35: {  	s10 =	sld [smem:$0x3F9E];
	_ =	sdelay $0x3  }
0x36: {  	p1 =	seq.s32 s10, $0x1;
	s10 =	sld [smem:$0x3F9F];
	_ =	sdelay $0x3  }
0x37: {  	[smem:$0x3F9F] =	sst s10  }
0x38: {  	s10 =	sld [smem:$0x3FA0]  }
0x39: {  	_ = 	snop;
	(pc) =	sbr.ind lr, $3  }
0x3a: {  	_ = 	snop  }
0x3b: {  	_ = 	snop  }
0x3c: {  	p2 =	seq.s32 s10, $0x1;
	s10 =	sld [smem:$0x3F9F]  }
0x3d: {  	_ =	shalt  }
0x3e: {  	_ =	shalt  }
0x3f: {  	_ =	shalt  }
0x40: {  	_ =	shalt  }
0x41: {  	_ =	shalt  }
0x42: {  	_ =	shalt  }
0x43: {  	_ =	shalt  }
0x44: {  	_ =	shalt  }
0x45: {  	_ =	shalt  }
0x46: {  	_ =	shalt  }
0x47: {  	_ =	shalt  }
0x48: {  	_ =	shalt  }
0x49: {  	_ =	shalt  }
0x4a: {  	_ =	shalt  }
0x4b: {  	_ =	shalt  }
0x4c: {  	_ =	shalt  }
0x4d: {  	_ =	shalt  }
0x4e: {  	_ =	shalt  }
0x4f: {  	_ =	shalt  }
0x50: {  	_ =	shalt  }
0x51: {  	_ =	shalt  }
0x52: {  	_ =	shalt  }
0x53: {  	_ =	shalt  }
0x54: {  	_ =	shalt  }
0x55: {  	_ =	shalt  }
0x56: {  	_ =	shalt  }
0x57: {  	_ =	shalt  }
0x58: {  	_ =	shalt  }
0x59: {  	_ =	shalt  }
0x5a: {  	_ =	shalt  }
0x5b: {  	_ =	shalt  }
0x5c: {  	_ =	shalt  }
0x5d: {  	_ =	shalt  }
0x5e: {  	_ =	shalt  }
0x5f: {  	_ =	shalt  }
0x60: {  	_ =	shalt  }
0x61: {  	_ =	shalt  }
0x62: {  	_ =	shalt  }
0x63: {  	_ =	shalt  }
0x64: {  	_ =	shalt  }
0x65: {  	_ =	shalt  }
0x66: {  	_ =	shalt  }
0x67: {  	_ =	shalt  }
0x68: {  	_ =	shalt  }
0x69: {  	_ =	shalt  }
0x6a: {  	_ =	shalt  }
0x6b: {  	_ =	shalt  }
0x6c: {  	_ =	shalt  }
0x6d: {  	_ =	shalt  }
0x6e: {  	_ =	shalt  }
0x6f: {  	_ =	shalt  }
0x70: {  	_ =	shalt  }
0x71: {  	_ =	shalt  }
0x72: {  	_ =	shalt  }
0x73: {  	_ =	shalt  }
0x74: {  	_ =	shalt  }
0x75: {  	_ =	shalt  }
0x76: {  	_ =	shalt  }
0x77: {  	_ =	shalt  }
0x78: {  	_ =	shalt  }
0x79: {  	_ =	shalt  }
0x7a: {  	_ =	shalt  }
0x7b: {  	_ =	shalt  }
0x7c: {  	_ =	shalt  }
0x7d: {  	_ =	shalt  }
0x7e: {  	_ =	shalt  }
0x7f: {  	_ =	shalt  }
0x80: {  	_ =	shalt  }
0x81: {  	_ =	shalt  }
0x82: {  	_ =	shalt  }
0x83: {  	_ =	shalt  }
0x84: {  	_ =	shalt  }
0x85: {  	_ =	shalt  }
0x86: {  	_ =	shalt  }
0x87: {  	_ =	shalt  }
.Lfunc_end0:
.L_simem_size_0:
called_computation.4_lowered:
.L_overlay_start_0:
0x88: {  	s2 =	sld [smem:$0x3FD9]  }
0x89: {  	s3 =	sld [smem:$0x3FFE];
	_ =	sdelay $0x1  }
0x8a: {  	s1 =	srdreg.scid  }
0x8b: {  	s0 =	sand.u32 $0x1, s1  }
0x8c: {  	s16 =	sshll.u32 s0, $0xA;
	s2 =	sadd.s32 s3, s2  }
0x8d: {  	s2 =	sadd.s32 s2, s16  }
0x8e: {  	[smem:$0x3FAB] =	sst s2  }
0x8f: {  	_ = 	snop  }
0x90: {  	(tm) =	ssettm $0x1  }
0x91: {  	s17 =	sld [smem:$0x3FFB];
	_ =	sdelay $0x3  }
0x92: {  	_ =	strace s17  }
0x93: {  	s2 =	sld [smem:$0x3FFC];
	_ =	sdelay $0x3  }
0x94: {  	_ =	strace s2  }
0x95: {  	s2 =	sld [smem:$0x3FFD];
	_ =	sdelay $0x3  }
0x96: {  	_ =	strace s2  }
0x97: {  	_ =	strace $0x8FFFFFFF  }
0x98: {  	s18 =	sld [smem:$0x3FDB];
	_ =	sdelay $0x1  }
0x99: {  	s19 =	simm.s32 $_scs_section_size  }
0x9a: {  	s4 =	simm.s32 $_size__tile_overlayer_lowered;
	s5 =	simm.s32 $_tile_overlayer_lowered  }
0x9b: {  	s22 =	simm.s32 $0x1BFF;
	s21 =	sshll.u32 s5, $0x1;
	s2 =	sadd.s32 s19, s18  }
0x9c: {  	s6 =	simm.s32 $0x0;
	s20 =	sshll.u32 s4, $0x1;
	s4 =	sadd.s32 s21, s2  }
0x9d: {  	[timem:s6], [sflag:s22] =	dma.local [hbm:s4], s20  }
0x9e: {  	_ =	swait.ge [sflag:s22], s20  }
0x9f: {  	s3 =	ssub.s32 $0x0, s20;
	[sflag:s22] =	ssyncset.done $0x0  }
0xa0: {  	[sflag:s22] =	ssyncadd.s32 s3;
	_ =	sdelay $0x1  }
0xa1: {  	s23 =	simm.s32 $0x1B8B  }
0xa2: {  	_ =	swait.ge [sflag:s23], $0x1  }
0xa3: {  	[sflag:s23] =	ssyncset.done $0x0  }
0xa4: {  	s25 =	simm.s32 $0x1B8E;
	s24 =	sld [smem:$0x3FFE];
	[sflag:s23] =	ssyncadd.s32 $0xFFFFFFFF  }
0xa5: {  	s26 =	simm.s32 $execute0_lowered;
	[smem:$0x3FD2] =	sst s25  }
0xa6: {  	s4 =	sshll.u32 s26, $0x1;
	_ =	strace $0x80000052;
	[dreg:$0x1] =	wrdreg $0xFFFFFFFF  }
0xa7: {  	s28 =	simm.s32 $_size_execute0_lowered;
	s2 =	sadd.s32 s2, s4;
	[dreg:$0x0] =	wrdreg $0x0  }
0xa8: {  	s4 =	sshll.u32 s28, $0x1;
	[dreg:$0x2] =	wrdreg s2  }
0xa9: {  	[dreg:$0x3] =	wrdreg s4  }
0xaa: {  	[dreg:$0x4] =	wrdreg $0xC0  }
0xab: {  	_ =	task [dreg:s6], $0x5FFFF  }
0xac: {  	[dreg:$0x1] =	wrdreg $0xFFFFFFFF  }
0xad: {  	[dreg:$0x0] =	wrdreg $0x60  }
0xae: {  	[dreg:$0x2] =	wrdreg s24  }
0xaf: {  	[dreg:$0x3] =	wrdreg $0x9  }
0xb0: {  	_ =	task.clear_ibuf [dreg:s6], $0x4FFFF;
	_ =	strace $0x90000052  }
0xb1: {  	s29 =	simm.s32 $0x9;
	_ =	strace $0x80000054  }
0xb2: {  	_ =	swait.ge [sflag:s29], $0x1  }
0xb3: {  	[sflag:s29] =	ssyncadd.s32 $0xFFFFFFFF  }
0xb4: {  	_ =	strace $0x90000054  }
0xb5: {  	_ =	sfence  }
0xb6: {  	s30 =	sld [smem:$0x0];
	_ =	sdelay $0x2  }
0xb7: {  	s31 =	sshll.u32 s1, $0xD;
	s1 =	sshrl.u32 s1, $0x2  }
0xb8: {  	s3 =	sand.u32 $0x4000, s31;
	s1 =	sadd.s32 s1, s30  }
0xb9: {  	s0 =	sor.u32 s3, s0;
	s1 =	sshll.u32 s1, $0x11  }
0xba: {  	s0 =	sor.u32 s1, s0  }
0xbb: {  	s0 =	sadd.s32 $0x8F2B, s0  }
0xbc: {  	[sflag:s0] =	ssyncadd.remote.s32 $0x1  }
0xbd: {  	_ =	sfence.sel $0xFFFF  }
0xbe: {  	[dreg:$0x0] =	wrdreg $0xFFFFFFFF;
	(pc) =	sbr.abs _section_cstart, $3  }
0xbf: {  	[dreg:$0x1] =	wrdreg $0xFFFFFFFF  }
0xc0: {  	_ =	task.clear_ibuf [dreg:s6], $0x2FFFF;
	_ =	strace $0x9FFFFFFF  }
0xc1: {  	(tm) =	ssettm $0x7FFFFFFF  }
tec
execute0_lowered:
.L_overlay_start_1:
0x0: {  	(tag) =	ssettag $0x1  }
0x1: {  	s0 =	rddreg [dreg:$0x0];
	s1 =	srdreg.scid  }
0x2: {  	s2 =	simm.s32 $0x0;
	s4 =	stileid.u32;
	s15 =	simm.s32 $0x5  }
0x3: {  	s16 =	simm.s32 $0x100;
	s17 =	simm.s32 $0x50;
	s18 =	simm.s32 $0x200  }
0x4: {  	s19 =	simm.s32 $0x5200;
	s20 =	simm.s32 $0x80;
	s21 =	simm.s32 $0x180  }
0x5: {  	s22 =	simm.s32 $0x2A00;
	s23 =	simm.s32 $0x7A00;
	s24 =	simm.s32 $0x1  }
0x6: {  	s25 =	simm.s32 $0x3;
	s28 =	simm.s32 $0x4;
	s29 =	simm.s32 $0x0  }
0x7: {  	s1 =	sand.u32 $0x1, s1;
	[smem:$0x7FF] =	sst s2;
	s6 =	sadd.s32 $0x12C00, s0  }
0x8: {  	s8 =	sadd.s32 $0x92000, s0;
	s3 =	sshll.u32 s1, $0x4;
	_ =	strace $0x80000053  }
0x9: {  	s1 =	ssub.s32 $0x2, s1;
	s7 =	sor.u32 s4, s3;
	s3 =	sadd.s32 $0x43C00, s0  }
0xa: {  	s4 =	sadd.s32 $0x6AE00, s0;
	s26 =	sshrl.u32 s1, $0x1;
	s5 =	smul.u32 $0x2710, s7  }
0xb: {  	s9 =	smul.u32 $0x138800, s7;
	s7 =	sadd.s32 $0x8E00, s0;
	s0 =	ssub.s32 s1, s26  }
0xc: {  	s26 =	simm.s32 $0x2;
	s14 =	smax.u32 s0, $0x1;
	s30 =	sshrl.u32 s5, $0x3  }
0xd: {  	s9 =	sshrl.u32 s9, $0x3;
	s11 =	sadd.s32 $0x50, s5;
	s10 =	sadd.s32 s6, s30  }
0xe: {  	s1 =	sadd.s32 s7, s30;
	s31 =	sadd.s32 s8, s9;
	[dreg:$0x2] =	wrdreg s10  }
0xf: {  	s12 =	sadd.s32 $0xA0, s5;
	[dreg:$0x3] =	wrdreg s1;
	s13 =	sadd.s32 $0x26C00, s31  }
.LBB2_1:
0x10: {  	s0 =	rddreg [dreg:$0x2]  }
0x11: {  	[tilespmem:s2], [sflag:$0x5] =	stream.linear.gather [hbm4b:s0+s2], $0x50, $0x38;
	[tilespmem:$0xA200] =	vst v63  }
0x12: {  	_ =	swait.ge [sflag:s15], $0x50  }
0x13: {  	[sflag:s15] =	ssyncset.done $0x0  }
0x14: {  	s31 =	rddreg [dreg:$0x3];
	[sflag:s15] =	ssyncadd.s32 $0xFFFFFFB0  }
0x15: {  	[tilespmem:s16], [sflag:$0x5] =	stream.linear.gather [hbm4b:s31+s2], $0x50, $0x38;
	[tilespmem:$0xA200] =	vst v63  }
0x16: {  	_ =	swait.ge [sflag:s15], $0x50  }
0x17: {  	[sflag:s15] =	ssyncset.done $0x0  }
0x18: {  	[sflag:s15] =	ssyncadd.s32 $0xFFFFFFB0  }
0x19: {  	[tilespmem:s18], [sflag:$0x1] =	stream.indirect.gather [hbm4b:s3+s17], $0x80, s2, s17, $0xb8;
	[tilespmem:$0xA200] =	vst v63  }
0x1a: {  	s30 =	simm.s32 $0x0  }
0x1b: {  	[tilespmem:s19], [sflag:$0x1] =	stream.indirect.gather [hbm4b:s4+s17], $0x80, s16, s17, $0xb8;
	[tilespmem:$0xA200] =	vst v63  }
.LBB2_2:
0x1c: {  	s0 =	smul.u32 $0xA0, s30;
	p0 =	seq.s32 s30, $0x0  }
0x1d: {  	s1 =	simm.s32 @!p0 $0x4  }
0x1e: {  	s31 =	sadd.s32 s0, s11;
	_ =	swait.ge @!p0 [sflag:s1], $0x2800  }
0x1f: {  	[sflag:s1] =	ssyncset.done @!p0 $0x0;
	s9 =	sshrl.u32 s31, $0x3  }
0x20: {  	s10 =	simm.s32 $0x0;
	[sflag:s1] =	ssyncadd.s32 @!p0 $0xFFFFD800;
	s1 =	sadd.s32 s6, s9  }
0x21: {  	[tilespmem:s20], [sflag:$0x5] =	stream.linear.gather [hbm4b:s1+s10], $0x50, $0x38;
	[tilespmem:$0xA200] =	vst v63  }
0x22: {  	_ =	swait.ge [sflag:s15], $0x50  }
0x23: {  	[sflag:s15] =	ssyncset.done $0x0  }
0x24: {  	s9 =	sadd.s32 s7, s9;
	[sflag:s15] =	ssyncadd.s32 $0xFFFFFFB0  }
0x25: {  	[tilespmem:s21], [sflag:$0x5] =	stream.linear.gather [hbm4b:s9+s10], $0x50, $0x38;
	[tilespmem:$0xA200] =	vst v63  }
0x26: {  	_ =	swait.ge [sflag:s15], $0x50  }
0x27: {  	[sflag:s15] =	ssyncset.done $0x0  }
0x28: {  	[sflag:s15] =	ssyncadd.s32 $0xFFFFFFB0  }
0x29: {  	[tilespmem:s22], [sflag:$0x2] =	stream.indirect.gather [hbm4b:s3+s17], $0x80, s20, s17, $0xb8;
	[tilespmem:$0xA200] =	vst v63  }
0x2a: {  	_ = 	snop  }
0x2b: {  	[tilespmem:s23], [sflag:$0x2] =	stream.indirect.gather [hbm4b:s4+s17], $0x80, s21, s17, $0xb8;
	[tilespmem:$0xA200] =	vst v63  }
0x2c: {  	_ =	swait.ge [sflag:s24], $0x2800  }
0x2d: {  	[sflag:s24] =	ssyncset.done $0x0  }
0x2e: {  	[sflag:s24] =	ssyncadd.s32 $0xFFFFD800  }
0x2f: {  	_ =	swait.ge [sflag:s24], $0x2800  }
0x30: {  	[sflag:s24] =	ssyncset.done $0x0  }
0x31: {  	s1 =	simm.s32 $0x0;
	[sflag:s24] =	ssyncadd.s32 $0xFFFFD800  }
0x32: {  	v7 =	vld [tilespmem:s1+$0x5200]  }
0x33: {  	v11 =	vld [tilespmem:s1+$0x5210]  }
0x34: {  	v5 =	vld [tilespmem:s1+$0x5220]  }
0x35: {  	v4 =	vld [tilespmem:s1+$0x5230]  }
0x36: {  	v3 =	vld [tilespmem:s1+$0x5240]  }
0x37: {  	v2 =	vld [tilespmem:s1+$0x5250]  }
0x38: {  	v1 =	vld [tilespmem:s1+$0x5260]  }
0x39: {  	v0 =	vld [tilespmem:s1+$0x5270]  }
0x3a: {  	v12 =	vld [tilespmem:s1+$0x200]  }
0x3b: {  	v13 =	vld [tilespmem:s1+$0x210]  }
0x3c: {  	v10 =	vld [tilespmem:s1+$0x220]  }
0x3d: {  	v9 =	vld [tilespmem:s1+$0x230]  }
0x3e: {  	v8 =	vld [tilespmem:s1+$0x240]  }
0x3f: {  	v6 =	vld [tilespmem:s1+$0x250];
	v12 =	vadd.f32 v7, v12  }
0x40: {  	s9 =	simm.s32 $0x200;
	v11 =	vadd.f32 v11, v13;
	v7 =	vld [tilespmem:s1+$0x260]  }
.LBB2_3:
0x41: {  	s10 =	sshra.s32 s9, $0x2;
	p0 =	sne.s32 s9, $0x9E00;
	[tilespmem:s1+$0x200] =	vst v12;
	v5 =	vadd.f32 v5, v10;
	v10 =	vld [tilespmem:s1+$0x270]  }
0x42: {  	v12 =	vld [tilespmem:s10+$0x5200];
	[tilespmem:s1+$0x210] =	vst v11;
	v4 =	vadd.f32 v4, v9  }
0x43: {  	v11 =	vld [tilespmem:s10+$0x5210];
	[tilespmem:s1+$0x220] =	vst v5;
	v3 =	vadd.f32 v3, v8  }
0x44: {  	v5 =	vld [tilespmem:s10+$0x5220];
	[tilespmem:s1+$0x230] =	vst v4;
	v2 =	vadd.f32 v2, v6  }
0x45: {  	v4 =	vld [tilespmem:s10+$0x5230];
	[tilespmem:s1+$0x240] =	vst v3;
	v1 =	vadd.f32 v1, v7  }
0x46: {  	v3 =	vld [tilespmem:s10+$0x5240];
	[tilespmem:s1+$0x250] =	vst v2;
	v0 =	vadd.f32 v0, v10  }
0x47: {  	v2 =	vld [tilespmem:s10+$0x5250];
	[tilespmem:s1+$0x260] =	vst v1  }
0x48: {  	v1 =	vld [tilespmem:s10+$0x5260];
	[tilespmem:s1+$0x270] =	vst v0;
	s1 =	smov.u32 s10  }
0x49: {  	v0 =	vld [tilespmem:s1+$0x5270]  }
0x4a: {  	v6 =	vld [tilespmem:s1+$0x200]  }
0x4b: {  	v7 =	vld [tilespmem:s1+$0x210]  }
.Ltmp0:
0x4c: {  	v10 =	vld [tilespmem:s1+$0x220];
	(pc) =	sbr.rel @p0 .LBB2_3-.Ltmp0, $4  }
0x4d: {  	v9 =	vld [tilespmem:s1+$0x230]  }
0x4e: {  	v8 =	vld [tilespmem:s1+$0x240]  }
0x4f: {  	v12 =	vadd.f32 v12, v6;
	v6 =	vld [tilespmem:s1+$0x250]  }
0x50: {  	s9 =	sadd.s32 $0x200, s9;
	v11 =	vadd.f32 v11, v7;
	v7 =	vld [tilespmem:s1+$0x260]  }
0x51: {  	[tilespmem:s1+$0x200] =	vst v12;
	v5 =	vadd.f32 v5, v10;
	v10 =	vld [tilespmem:s1+$0x270]  }
0x52: {  	[tilespmem:s1+$0x210] =	vst v11;
	v4 =	vadd.f32 v4, v9  }
0x53: {  	[tilespmem:s1+$0x220] =	vst v5;
	v3 =	vadd.f32 v3, v8  }
0x54: {  	[tilespmem:s1+$0x230] =	vst v4;
	v2 =	vadd.f32 v2, v6  }
0x55: {  	[tilespmem:s1+$0x240] =	vst v3;
	v1 =	vadd.f32 v1, v7  }
0x56: {  	s9 =	sadd.s32 s5, s0;
	[tilespmem:s1+$0x250] =	vst v2;
	v0 =	vadd.f32 v0, v10  }
0x57: {  	s9 =	sshll.u32 s9, $0x4;
	[tilespmem:s1+$0x260] =	vst v1  }
0x58: {  	s10 =	sadd.s32 s8, s9;
	s9 =	simm.s32 $0x0;
	[tilespmem:s1+$0x270] =	vst v0  }
0x59: {  	[hbm4b:s10+s9] =	stream.linear.scatter [tilespmem:s18], [sflag:$0x3], $0x2800, $0x38;
	[tilespmem:$0xA200] =	vst v63  }
0x5a: {  	s1 =	sadd.s32 s0, s12;
	_ =	swait.ge [sflag:s25], $0x2800  }
0x5b: {  	s0 =	sshrl.u32 s1, $0x3;
	[sflag:s25] =	ssyncset.done $0x0  }
0x5c: {  	s10 =	sadd.s32 s6, s0;
	[sflag:s25] =	ssyncadd.s32 $0xFFFFD800  }
0x5d: {  	[tilespmem:s9], [sflag:$0x5] =	stream.linear.gather [hbm4b:s10+s9], $0x50, $0x38;
	[tilespmem:$0xA200] =	vst v63  }
0x5e: {  	_ =	swait.ge [sflag:s15], $0x50  }
0x5f: {  	[sflag:s15] =	ssyncset.done $0x0  }
0x60: {  	s0 =	sadd.s32 s7, s0;
	[sflag:s15] =	ssyncadd.s32 $0xFFFFFFB0  }
0x61: {  	[tilespmem:s16], [sflag:$0x5] =	stream.linear.gather [hbm4b:s0+s9], $0x50, $0x38;
	[tilespmem:$0xA200] =	vst v63  }
0x62: {  	_ =	swait.ge [sflag:s15], $0x50  }
0x63: {  	[sflag:s15] =	ssyncset.done $0x0  }
0x64: {  	[sflag:s15] =	ssyncadd.s32 $0xFFFFFFB0  }
0x65: {  	[tilespmem:s18], [sflag:$0x1] =	stream.indirect.gather [hbm4b:s3+s17], $0x80, s9, s17, $0xb8;
	[tilespmem:$0xA200] =	vst v63  }
0x66: {  	_ = 	snop  }
0x67: {  	[tilespmem:s19], [sflag:$0x1] =	stream.indirect.gather [hbm4b:s4+s17], $0x80, s16, s17, $0xb8;
	[tilespmem:$0xA200] =	vst v63  }
0x68: {  	_ =	swait.ge [sflag:s26], $0x2800  }
0x69: {  	[sflag:s26] =	ssyncset.done $0x0  }
0x6a: {  	[sflag:s26] =	ssyncadd.s32 $0xFFFFD800  }
0x6b: {  	_ =	swait.ge [sflag:s26], $0x2800  }
0x6c: {  	[sflag:s26] =	ssyncset.done $0x0  }
0x6d: {  	s0 =	simm.s32 $0x0;
	[sflag:s26] =	ssyncadd.s32 $0xFFFFD800  }
0x6e: {  	v7 =	vld [tilespmem:s0+$0x7A00]  }
0x6f: {  	v11 =	vld [tilespmem:s0+$0x7A10]  }
0x70: {  	v5 =	vld [tilespmem:s0+$0x7A20]  }
0x71: {  	v4 =	vld [tilespmem:s0+$0x7A30]  }
0x72: {  	v3 =	vld [tilespmem:s0+$0x7A40]  }
0x73: {  	v2 =	vld [tilespmem:s0+$0x7A50]  }
0x74: {  	v1 =	vld [tilespmem:s0+$0x7A60]  }
0x75: {  	v0 =	vld [tilespmem:s0+$0x7A70]  }
0x76: {  	v12 =	vld [tilespmem:s0+$0x2A00]  }
0x77: {  	v13 =	vld [tilespmem:s0+$0x2A10]  }
0x78: {  	v10 =	vld [tilespmem:s0+$0x2A20]  }
0x79: {  	v9 =	vld [tilespmem:s0+$0x2A30]  }
0x7a: {  	v8 =	vld [tilespmem:s0+$0x2A40]  }
0x7b: {  	v6 =	vld [tilespmem:s0+$0x2A50];
	v12 =	vadd.f32 v7, v12  }
0x7c: {  	s1 =	simm.s32 $0x200;
	v11 =	vadd.f32 v11, v13;
	v7 =	vld [tilespmem:s0+$0x2A60]  }
.LBB2_5:
0x7d: {  	s9 =	sshra.s32 s1, $0x2;
	p0 =	sne.s32 s1, $0x9E00;
	[tilespmem:s0+$0x2A00] =	vst v12;
	v5 =	vadd.f32 v5, v10;
	v10 =	vld [tilespmem:s0+$0x2A70]  }
0x7e: {  	v12 =	vld [tilespmem:s9+$0x7A00];
	[tilespmem:s0+$0x2A10] =	vst v11;
	v4 =	vadd.f32 v4, v9  }
0x7f: {  	v11 =	vld [tilespmem:s9+$0x7A10];
	[tilespmem:s0+$0x2A20] =	vst v5;
	v3 =	vadd.f32 v3, v8  }
0x80: {  	v5 =	vld [tilespmem:s9+$0x7A20];
	[tilespmem:s0+$0x2A30] =	vst v4;
	v2 =	vadd.f32 v2, v6  }
0x81: {  	v4 =	vld [tilespmem:s9+$0x7A30];
	[tilespmem:s0+$0x2A40] =	vst v3;
	v1 =	vadd.f32 v1, v7  }
0x82: {  	v3 =	vld [tilespmem:s9+$0x7A40];
	[tilespmem:s0+$0x2A50] =	vst v2;
	v0 =	vadd.f32 v0, v10  }
0x83: {  	v2 =	vld [tilespmem:s9+$0x7A50];
	[tilespmem:s0+$0x2A60] =	vst v1  }
0x84: {  	v1 =	vld [tilespmem:s9+$0x7A60];
	[tilespmem:s0+$0x2A70] =	vst v0;
	s0 =	smov.u32 s9  }
0x85: {  	v0 =	vld [tilespmem:s0+$0x7A70]  }
0x86: {  	v6 =	vld [tilespmem:s0+$0x2A00]  }
0x87: {  	v7 =	vld [tilespmem:s0+$0x2A10]  }
.Ltmp1:
0x88: {  	v10 =	vld [tilespmem:s0+$0x2A20];
	(pc) =	sbr.rel @p0 .LBB2_5-.Ltmp1, $4  }
0x89: {  	v9 =	vld [tilespmem:s0+$0x2A30]  }
0x8a: {  	v8 =	vld [tilespmem:s0+$0x2A40]  }
0x8b: {  	v12 =	vadd.f32 v12, v6;
	v6 =	vld [tilespmem:s0+$0x2A50]  }
0x8c: {  	s1 =	sadd.s32 $0x200, s1;
	v11 =	vadd.f32 v11, v7;
	v7 =	vld [tilespmem:s0+$0x2A60]  }
0x8d: {  	[tilespmem:s0+$0x2A00] =	vst v12;
	v5 =	vadd.f32 v5, v10;
	v63 =	vld [tilespmem:s0+$0x2A70]  }
0x8e: {  	[tilespmem:s0+$0x2A10] =	vst v11;
	v4 =	vadd.f32 v4, v9  }
0x8f: {  	s30 =	sadd.s32 $0x1, s30;
	[tilespmem:s0+$0x2A20] =	vst v5;
	v3 =	vadd.f32 v3, v8  }
0x90: {  	p0 =	sne.s32 s30, $0x3E;
	[tilespmem:s0+$0x2A30] =	vst v4;
	v2 =	vadd.f32 v2, v6  }
.Ltmp2:
0x91: {  	[tilespmem:s0+$0x2A40] =	vst v3;
	v1 =	vadd.f32 v1, v7;
	(pc) =	sbr.rel @p0 .LBB2_2-.Ltmp2, $4  }
0x92: {  	[tilespmem:s0+$0x2A50] =	vst v2;
	v0 =	vadd.f32 v0, v63  }
0x93: {  	s1 =	sshll.u32 s31, $0x4;
	[tilespmem:s0+$0x2A60] =	vst v1  }
0x94: {  	s31 =	sadd.s32 s8, s1;
	[tilespmem:s0+$0x2A70] =	vst v0  }
0x95: {  	[hbm4b:s31+s2] =	stream.linear.scatter [tilespmem:s22], [sflag:$0x4], $0x2800, $0x38;
	[tilespmem:$0xA200] =	vst v63  }
0x96: {  	_ =	swait.ge [sflag:s24], $0x2800  }
0x97: {  	[sflag:s24] =	ssyncset.done $0x0  }
0x98: {  	[sflag:s24] =	ssyncadd.s32 $0xFFFFD800  }
0x99: {  	_ =	swait.ge [sflag:s24], $0x2800  }
0x9a: {  	[sflag:s24] =	ssyncset.done $0x0  }
0x9b: {  	s0 =	simm.s32 $0x0;
	[sflag:s24] =	ssyncadd.s32 $0xFFFFD800  }
0x9c: {  	v7 =	vld [tilespmem:s0+$0x5200]  }
0x9d: {  	v11 =	vld [tilespmem:s0+$0x5210]  }
0x9e: {  	v5 =	vld [tilespmem:s0+$0x5220]  }
0x9f: {  	v4 =	vld [tilespmem:s0+$0x5230]  }
0xa0: {  	v3 =	vld [tilespmem:s0+$0x5240]  }
0xa1: {  	v2 =	vld [tilespmem:s0+$0x5250]  }
0xa2: {  	v1 =	vld [tilespmem:s0+$0x5260]  }
0xa3: {  	v0 =	vld [tilespmem:s0+$0x5270]  }
0xa4: {  	v12 =	vld [tilespmem:s0+$0x200]  }
0xa5: {  	v13 =	vld [tilespmem:s0+$0x210]  }
0xa6: {  	v10 =	vld [tilespmem:s0+$0x220]  }
0xa7: {  	v9 =	vld [tilespmem:s0+$0x230]  }
0xa8: {  	v8 =	vld [tilespmem:s0+$0x240]  }
0xa9: {  	v6 =	vld [tilespmem:s0+$0x250];
	v12 =	vadd.f32 v7, v12  }
0xaa: {  	s1 =	simm.s32 $0x200;
	v11 =	vadd.f32 v11, v13;
	v7 =	vld [tilespmem:s0+$0x260]  }
.LBB2_8:
0xab: {  	s9 =	sshra.s32 s1, $0x2;
	p0 =	sne.s32 s1, $0x9E00;
	[tilespmem:s0+$0x200] =	vst v12;
	v5 =	vadd.f32 v5, v10;
	v10 =	vld [tilespmem:s0+$0x270]  }
0xac: {  	v12 =	vld [tilespmem:s9+$0x5200];
	[tilespmem:s0+$0x210] =	vst v11;
	v4 =	vadd.f32 v4, v9  }
0xad: {  	v11 =	vld [tilespmem:s9+$0x5210];
	[tilespmem:s0+$0x220] =	vst v5;
	v3 =	vadd.f32 v3, v8  }
0xae: {  	v5 =	vld [tilespmem:s9+$0x5220];
	[tilespmem:s0+$0x230] =	vst v4;
	v2 =	vadd.f32 v2, v6  }
0xaf: {  	v4 =	vld [tilespmem:s9+$0x5230];
	[tilespmem:s0+$0x240] =	vst v3;
	v1 =	vadd.f32 v1, v7  }
0xb0: {  	v3 =	vld [tilespmem:s9+$0x5240];
	[tilespmem:s0+$0x250] =	vst v2;
	v0 =	vadd.f32 v0, v10  }
0xb1: {  	v2 =	vld [tilespmem:s9+$0x5250];
	[tilespmem:s0+$0x260] =	vst v1  }
0xb2: {  	v1 =	vld [tilespmem:s9+$0x5260];
	[tilespmem:s0+$0x270] =	vst v0;
	s0 =	smov.u32 s9  }
0xb3: {  	v0 =	vld [tilespmem:s0+$0x5270]  }
0xb4: {  	v6 =	vld [tilespmem:s0+$0x200]  }
0xb5: {  	v7 =	vld [tilespmem:s0+$0x210]  }
.Ltmp3:
0xb6: {  	v10 =	vld [tilespmem:s0+$0x220];
	(pc) =	sbr.rel @p0 .LBB2_8-.Ltmp3, $4  }
0xb7: {  	v9 =	vld [tilespmem:s0+$0x230]  }
0xb8: {  	v8 =	vld [tilespmem:s0+$0x240]  }
0xb9: {  	v12 =	vadd.f32 v12, v6;
	v6 =	vld [tilespmem:s0+$0x250]  }
0xba: {  	s1 =	sadd.s32 $0x200, s1;
	v11 =	vadd.f32 v11, v7;
	v7 =	vld [tilespmem:s0+$0x260]  }
0xbb: {  	[tilespmem:s0+$0x200] =	vst v12;
	v5 =	vadd.f32 v5, v10;
	v63 =	vld [tilespmem:s0+$0x270]  }
0xbc: {  	[tilespmem:s0+$0x210] =	vst v11;
	v4 =	vadd.f32 v4, v9  }
0xbd: {  	[tilespmem:s0+$0x220] =	vst v5;
	v3 =	vadd.f32 v3, v8  }
0xbe: {  	[tilespmem:s0+$0x230] =	vst v4;
	v2 =	vadd.f32 v2, v6  }
0xbf: {  	[tilespmem:s0+$0x240] =	vst v3;
	v1 =	vadd.f32 v1, v7  }
0xc0: {  	[tilespmem:s0+$0x250] =	vst v2;
	v0 =	vadd.f32 v0, v63  }
0xc1: {  	[tilespmem:s0+$0x260] =	vst v1  }
0xc2: {  	s29 =	sadd.s32 $0x1, s29;
	[tilespmem:s0+$0x270] =	vst v0  }
0xc3: {  	[hbm4b:s13+s2] =	stream.linear.scatter [tilespmem:s18], [sflag:$0x3], $0x2800, $0x38;
	[tilespmem:$0xA200] =	vst v63  }
0xc4: {  	p0 =	sne.s32 s29, s14;
	_ =	swait.ge [sflag:s25], $0x2800  }
.Ltmp4:
0xc5: {  	[sflag:s25] =	ssyncset.done $0x0;
	(pc) =	sbr.rel @p0 .LBB2_1-.Ltmp4, $4  }
0xc6: {  	[sflag:s25] =	ssyncadd.s32 $0xFFFFD800  }
0xc7: {  	_ =	swait.ge [sflag:s28], $0x2800  }
0xc8: {  	[sflag:s28] =	ssyncset.done $0x0  }
0xc9: {  	[sflag:s28] =	ssyncadd.s32 $0xFFFFD800  }
0xca: {  	_ =	sfence.sel $0x180000  }
0xcb: {  	[bflag:$0x0] =	sbarrier.arrive $0xFFFF  }
0xcc: {  	_ =	strace $0x90000053  }
0xcd: {  	s0 =	stileid.u32;
	[bflag:$0x2] =	sbarrier.arrive $0xFFFF  }
0xce: {  	p0 =	sne.s32 s0, $0x0;
	s0 =	rddreg [dreg:$0x1]  }
0xcf: {  	s0 =	sadd.s32 @!p0 $0x100000, s0  }
0xd0: {  	[sflag:s0] =	ssyncadd.tile.s32 @!p0 $0x1;
	_ =	shalt  }
.Lfunc_end2:
_tile_overlayer_lowered:
.L_overlay_start_2:
0xd1: {  	(tag) =	ssettag $0x2  }
0xd2: {  	s0 =	rddreg [dreg:$0x0];
	s2 =	stileid.u32  }
0xd3: {  	s1 =	rddreg [dreg:$0x1];
	p0 =	sne.s32 s2, $0x0  }
0xd4: {  	s3 =	rddreg [dreg:$0x2];
	[bflag:$0x3] =	sbarrier.arrive $0xFFFF;
	s2 =	simm.s32 @!p0 $0x1C05  }
0xd5: {  	[timem:s3], [sflag:s2] =	dma.local @!p0 [hbm:s0], s1  }
0xd6: {  	s0 =	simm.s32 @!p0 $0x5  }
0xd7: {  	_ =	swait.ge @!p0 [sflag:s0], s1  }
0xd8: {  	s1 =	ssub.s32 @!p0 $0x0, s1;
	[sflag:s0] =	ssyncset.done @!p0 $0x0  }
0xd9: {  	[sflag:s0] =	ssyncadd.s32 @!p0 s1  }
0xda: {  	[bflag:$0x3] =	sbarrier.arrive $0xFFFF  }
0xdb: {  	_ =	shalt  }

// kernel: kernel.30.cloned.1.call-start
scs
__scs_entry_jumppad:
0x0: {  	(pc) =	sbr.rel $0x88, $3  }
0x1: {  	(tag) =	ssettag $0x0;
	lr =	simm.s32 $0x1  }
0x2: {  	[smem:$0x3F84] =	sst lr;
	_ =	strace $0xD0000000  }
0x3: {  	_ = 	snop  }
0x4: {  	_ = 	snop  }
0x5: {  	_ = 	snop  }
0x6: {  	_ = 	snop  }
0x7: {  	_ = 	snop  }
__scs_overlays_trampoline_lowered:
0x8: {  	[smem:$0x3F93] =	sst s0  }
0x9: {  	[smem:$0x3F94] =	sst s1  }
0xa: {  	[smem:$0x3F95] =	sst s2  }
0xb: {  	[smem:$0x3F96] =	sst s3  }
0xc: {  	[smem:$0x3F97] =	sst s4  }
0xd: {  	[smem:$0x3F98] =	sst s5  }
0xe: {  	[smem:$0x3F99] =	sst s6  }
0xf: {  	[smem:$0x3F9A] =	sst s7  }
0x10: {  	[smem:$0x3F9B] =	sst s8  }
0x11: {  	[smem:$0x3F9C] =	sst s9;
	s0 =	simm.s32 @!p0 $0x0  }
0x12: {  	s1 =	sld [smem:$0x3F82];
	s0 =	simm.s32 @p0 $0x1  }
0x13: {  	[smem:$0x3F9D] =	sst s0;
	s0 =	simm.s32 @!p1 $0x0  }
0x14: {  	s2 =	sld [smem:$0x3F81];
	s0 =	simm.s32 @p1 $0x1  }
0x15: {  	[smem:$0x3F9E] =	sst s0;
	s0 =	simm.s32 @!p2 $0x0  }
0x16: {  	s3 =	sld [smem:$0x3FDB];
	s0 =	simm.s32 @p2 $0x1  }
0x17: {  	s4 =	simm.s32 $0x1BF5;
	[smem:$0x3FA0] =	sst s0  }
0x18: {  	s0 =	sld [smem:$0x3F83];
	_ =	swait.ge [sflag:s4], $0x0  }
0x19: {  	s7 =	sld [smem:$0x3F84]  }
0x1a: {  	s8 =	sadd.s32 $0xFFFFE003, lr  }
0x1b: {  	s9 =	sadd.s32 $0xFFFFFEF7, lr;
	s5 =	simm.s32 $0xFFFFFFFF;
	p2 =	slt.u32 s8, $0xFFFFF086  }
0x1c: {  	p1 =	slt.u32 s9, $0xF7A;
	s5 =	simm.s32 @!p2 $0x0  }
0x1d: {  	s5 =	simm.s32 @p1 $0x1;
	p0 =	seq.s32 s7, s2  }
0x1e: {  	s7 =	smul.u32 @!p0 $0xF7A, s2;
	p2 =	seq.s32 @!p0 s5, $0x0  }
0x1f: {  	s9 =	smul.u32 $0xF7A, s1;
	s8 =	simm.s32 @!p0 $0x1BF5;
	p2 =	por !p2, p0  }
0x20: {  	[sflag:s8] =	ssyncset.s32 @!p0 $0xFFFFF086;
	s6 =	sadd.s32 @!p0 s3, s7;
	s7 =	simm.s32 @!p0 $0x108  }
0x21: {  	s3 =	sadd.s32 s3, s9;
	s6 =	sadd.s32 @!p0 $0x88, s6;
	s7 =	simm.s32 @p2 $0x1082  }
0x22: {  	[simem:s7], [sflag:s8] =	dma.local @!p0 [hbm:s6], $0xF7A  }
0x23: {  	s9 =	sor.u32 $0xD0000000, s2;
	s6 =	simm.s32 $0x108;
	_ =	swait.ge @!p0 [sflag:s8], $0x0  }
0x24: {  	s3 =	sadd.s32 $0x88, s3;
	s6 =	simm.s32 @!p1 $0x1082;
	[sflag:s4] =	ssyncset.s32 $0xFFFFF086  }
0x25: {  	[simem:s6], [sflag:s4] =	dma.local [hbm:s3], $0xF7A  }
0x26: {  	[smem:$0x3F84] =	sst s1;
	(tag) =	ssettag s2;
	_ =	strace s9  }
0x27: {  	s1 =	sld [smem:$0x3F94]  }
0x28: {  	s2 =	sld [smem:$0x3F95]  }
0x29: {  	s4 =	sld [smem:$0x3F97]  }
0x2a: {  	p0 =	seq.s32 s5, $0x0;
	s5 =	sld [smem:$0x3F98]  }
0x2b: {  	s6 =	sld [smem:$0x3F99]  }
0x2c: {  	s7 =	sld [smem:$0x3F9A]  }
0x2d: {  	s3 =	simm.s32 $0x108;
	s8 =	sld [smem:$0x3F9B]  }
0x2e: {  	s3 =	simm.s32 @!p0 $0x1082;
	s9 =	sld [smem:$0x3F9C]  }
0x2f: {  	lr =	sadd.s32 s0, s3;
	s0 =	sld [smem:$0x3F93]  }
0x30: {  	s3 =	sld [smem:$0x3F96]  }
0x31: {  	[smem:$0x3F9F] =	sst s10  }
0x32: {  	s10 =	sld [smem:$0x3F9D];
	_ =	sdelay $0x3  }
0x33: {  	p0 =	seq.s32 s10, $0x1;
	s10 =	sld [smem:$0x3F9F];
	_ =	sdelay $0x3  }
0x34: {  	[smem:$0x3F9F] =	sst s10  }
0x35: {  	s10 =	sld [smem:$0x3F9E];
	_ =	sdelay $0x3  }
0x36: {  	p1 =	seq.s32 s10, $0x1;
	s10 =	sld [smem:$0x3F9F];
	_ =	sdelay $0x3  }
0x37: {  	[smem:$0x3F9F] =	sst s10  }
0x38: {  	s10 =	sld [smem:$0x3FA0]  }
0x39: {  	_ = 	snop;
	(pc) =	sbr.ind lr, $3  }
0x3a: {  	_ = 	snop  }
0x3b: {  	_ = 	snop  }
0x3c: {  	p2 =	seq.s32 s10, $0x1;
	s10 =	sld [smem:$0x3F9F]  }
0x3d: {  	_ =	shalt  }
0x3e: {  	_ =	shalt  }
0x3f: {  	_ =	shalt  }
0x40: {  	_ =	shalt  }
0x41: {  	_ =	shalt  }
0x42: {  	_ =	shalt  }
0x43: {  	_ =	shalt  }
0x44: {  	_ =	shalt  }
0x45: {  	_ =	shalt  }
0x46: {  	_ =	shalt  }
0x47: {  	_ =	shalt  }
0x48: {  	_ =	shalt  }
0x49: {  	_ =	shalt  }
0x4a: {  	_ =	shalt  }
0x4b: {  	_ =	shalt  }
0x4c: {  	_ =	shalt  }
0x4d: {  	_ =	shalt  }
0x4e: {  	_ =	shalt  }
0x4f: {  	_ =	shalt  }
0x50: {  	_ =	shalt  }
0x51: {  	_ =	shalt  }
0x52: {  	_ =	shalt  }
0x53: {  	_ =	shalt  }
0x54: {  	_ =	shalt  }
0x55: {  	_ =	shalt  }
0x56: {  	_ =	shalt  }
0x57: {  	_ =	shalt  }
0x58: {  	_ =	shalt  }
0x59: {  	_ =	shalt  }
0x5a: {  	_ =	shalt  }
0x5b: {  	_ =	shalt  }
0x5c: {  	_ =	shalt  }
0x5d: {  	_ =	shalt  }
0x5e: {  	_ =	shalt  }
0x5f: {  	_ =	shalt  }
0x60: {  	_ =	shalt  }
0x61: {  	_ =	shalt  }
0x62: {  	_ =	shalt  }
0x63: {  	_ =	shalt  }
0x64: {  	_ =	shalt  }
0x65: {  	_ =	shalt  }
0x66: {  	_ =	shalt  }
0x67: {  	_ =	shalt  }
0x68: {  	_ =	shalt  }
0x69: {  	_ =	shalt  }
0x6a: {  	_ =	shalt  }
0x6b: {  	_ =	shalt  }
0x6c: {  	_ =	shalt  }
0x6d: {  	_ =	shalt  }
0x6e: {  	_ =	shalt  }
0x6f: {  	_ =	shalt  }
0x70: {  	_ =	shalt  }
0x71: {  	_ =	shalt  }
0x72: {  	_ =	shalt  }
0x73: {  	_ =	shalt  }
0x74: {  	_ =	shalt  }
0x75: {  	_ =	shalt  }
0x76: {  	_ =	shalt  }
0x77: {  	_ =	shalt  }
0x78: {  	_ =	shalt  }
0x79: {  	_ =	shalt  }
0x7a: {  	_ =	shalt  }
0x7b: {  	_ =	shalt  }
0x7c: {  	_ =	shalt  }
0x7d: {  	_ =	shalt  }
0x7e: {  	_ =	shalt  }
0x7f: {  	_ =	shalt  }
0x80: {  	_ =	shalt  }
0x81: {  	_ =	shalt  }
0x82: {  	_ =	shalt  }
0x83: {  	_ =	shalt  }
0x84: {  	_ =	shalt  }
0x85: {  	_ =	shalt  }
0x86: {  	_ =	shalt  }
0x87: {  	_ =	shalt  }
.Lfunc_end0:
.L_simem_size_0:
called_computation.5_lowered:
.L_overlay_start_0:
0x88: {  	s2 =	sld [smem:$0x3FD9]  }
0x89: {  	s3 =	sld [smem:$0x3FFE];
	_ =	sdelay $0x1  }
0x8a: {  	s1 =	srdreg.scid  }
0x8b: {  	s0 =	sand.u32 $0x1, s1  }
0x8c: {  	s14 =	sshll.u32 s0, $0xA;
	s2 =	sadd.s32 s3, s2  }
0x8d: {  	s2 =	sadd.s32 s2, s14  }
0x8e: {  	[smem:$0x3FAB] =	sst s2  }
0x8f: {  	_ = 	snop  }
0x90: {  	s2 =	sld [smem:$0x3FD0];
	_ =	sdelay $0x2  }
0x91: {  	s15 =	simm.s32 $0xA;
	s4 =	simm.s32 $0x10  }
0x92: {  	[smem:s4], [sflag:s15] =	dma.local [hbm:s2], $0x1  }
0x93: {  	_ =	swait.eq [sflag:s15], $0x1  }
0x94: {  	[sflag:s15] =	ssyncset.done $0x0  }
0x95: {  	[sflag:s15] =	ssyncadd.s32 $0xFFFFFFFF  }
0x96: {  	s16 =	sld [smem:$0x11];
	(tm) =	ssettm $0x1  }
0x97: {  	s17 =	sld [smem:$0x3FFB];
	_ =	sdelay $0x3  }
0x98: {  	_ =	strace s17  }
0x99: {  	s3 =	sld [smem:$0x3FFC];
	_ =	sdelay $0x3  }
0x9a: {  	_ =	strace s3  }
0x9b: {  	s3 =	sld [smem:$0x3FFD];
	_ =	sdelay $0x3  }
0x9c: {  	_ =	strace s3  }
0x9d: {  	_ =	strace $0x8FFFFFFF  }
0x9e: {  	s18 =	sld [smem:$0x3FDB];
	_ =	sdelay $0x1  }
0x9f: {  	s19 =	simm.s32 $_scs_section_size  }
0xa0: {  	s5 =	simm.s32 $_size__tile_overlayer_lowered;
	s6 =	simm.s32 $_tile_overlayer_lowered  }
0xa1: {  	s22 =	simm.s32 $0x1BFF;
	s21 =	sshll.u32 s6, $0x1;
	s3 =	sadd.s32 s19, s18  }
0xa2: {  	s7 =	simm.s32 $0x0;
	s20 =	sshll.u32 s5, $0x1;
	s5 =	sadd.s32 s21, s3  }
0xa3: {  	[timem:s7], [sflag:s22] =	dma.local [hbm:s5], s20  }
0xa4: {  	_ =	swait.ge [sflag:s22], s20  }
0xa5: {  	s4 =	ssub.s32 $0x0, s20;
	[sflag:s22] =	ssyncset.done $0x0  }
0xa6: {  	[sflag:s22] =	ssyncadd.s32 s4;
	_ =	sdelay $0x1  }
0xa7: {  	s23 =	simm.s32 $0x1B8B  }
0xa8: {  	_ =	swait.ge [sflag:s23], $0x1  }
0xa9: {  	[sflag:s23] =	ssyncset.done $0x0  }
0xaa: {  	s25 =	simm.s32 $0x1B8E;
	s24 =	sld [smem:$0x3FFE];
	[sflag:s23] =	ssyncadd.s32 $0xFFFFFFFF  }
0xab: {  	s26 =	simm.s32 $execute0_lowered;
	[smem:$0x3FD2] =	sst s25  }
0xac: {  	s5 =	sshll.u32 s26, $0x1;
	_ =	strace $0x80000055;
	[dreg:$0x1] =	wrdreg $0xFFFFFFFF  }
0xad: {  	s28 =	simm.s32 $_size_execute0_lowered;
	s3 =	sadd.s32 s3, s5;
	[dreg:$0x0] =	wrdreg $0x0  }
0xae: {  	s5 =	sshll.u32 s28, $0x1;
	[dreg:$0x2] =	wrdreg s3  }
0xaf: {  	[dreg:$0x3] =	wrdreg s5  }
0xb0: {  	[dreg:$0x4] =	wrdreg $0xC0  }
0xb1: {  	_ =	task [dreg:s7], $0x5FFFF  }
0xb2: {  	[dreg:$0x1] =	wrdreg $0xFFFFFFFF  }
0xb3: {  	[dreg:$0x0] =	wrdreg $0x60  }
0xb4: {  	[dreg:$0x2] =	wrdreg s24  }
0xb5: {  	[dreg:$0x3] =	wrdreg s16  }
0xb6: {  	[dreg:$0x4] =	wrdreg $0xAA00  }
0xb7: {  	[dreg:$0x5] =	wrdreg $0x9  }
0xb8: {  	_ =	task.clear_ibuf [dreg:s7], $0x6FFFF;
	_ =	strace $0x90000055  }
0xb9: {  	s29 =	simm.s32 $0x9;
	_ =	strace $0x80000057  }
0xba: {  	_ =	swait.ge [sflag:s29], $0x1  }
0xbb: {  	[sflag:s29] =	ssyncadd.s32 $0xFFFFFFFF  }
0xbc: {  	_ =	strace $0x90000057  }
0xbd: {  	_ =	sfence  }
0xbe: {  	s30 =	sld [smem:$0x0];
	_ =	sdelay $0x2  }
0xbf: {  	s31 =	sshll.u32 s1, $0xD;
	s1 =	sshrl.u32 s1, $0x2  }
0xc0: {  	s3 =	sand.u32 $0x4000, s31;
	s1 =	sadd.s32 s1, s30  }
0xc1: {  	s0 =	sor.u32 s3, s0;
	s1 =	sshll.u32 s1, $0x11  }
0xc2: {  	s0 =	sor.u32 s1, s0  }
0xc3: {  	s0 =	sadd.s32 $0x8F2B, s0  }
0xc4: {  	[sflag:s0] =	ssyncadd.remote.s32 $0x1  }
0xc5: {  	_ =	sfence.sel $0xFFFF  }
0xc6: {  	[dreg:$0x0] =	wrdreg $0xFFFFFFFF;
	(pc) =	sbr.abs _section_cstart, $3  }
0xc7: {  	[dreg:$0x1] =	wrdreg $0xFFFFFFFF  }
0xc8: {  	_ =	task.clear_ibuf [dreg:s7], $0x2FFFF;
	_ =	strace $0x9FFFFFFF  }
0xc9: {  	(tm) =	ssettm $0x7FFFFFFF  }
tec
execute0_lowered:
.L_overlay_start_1:
0x0: {  	(tag) =	ssettag $0x1  }
0x1: {  	s0 =	rddreg [dreg:$0x0]  }
0x2: {  	s10 =	rddreg [dreg:$0x1]  }
0x3: {  	s2 =	rddreg [dreg:$0x2]  }
0x4: {  	s3 =	simm.s32 $0x0;
	s4 =	srdreg.scid;
	s22 =	stileid.u32  }
0x5: {  	s28 =	simm.s32 $0x3;
	s29 =	simm.s32 $0x2;
	s30 =	simm.s32 $0x4  }
0x6: {  	s31 =	simm.s32 $0x0;
	[smem:$0x7FF] =	sst s3;
	s1 =	sadd.s32 $0x43C00, s0  }
0x7: {  	s5 =	sadd.s32 $0x12C00, s0;
	s0 =	sadd.s32 $0x8E00, s0;
	s4 =	sand.u32 $0x1, s4  }
0x8: {  	s11 =	smul.u32 $0x2700, s22;
	s26 =	sshll.u32 s22, $0x6;
	s14 =	sadd.s32 $0x27000, s2  }
0x9: {  	s15 =	sadd.s32 $0x4E0, s10;
	s19 =	smul.u32 $0x2710, s22;
	p0 =	sne.s32 s22, $0xF  }
0xa: {  	_ =	strace $0x80000056;
	s6 =	ssub.s32 $0x2, s4;
	[dreg:$0x5] =	wrdreg s14  }
0xb: {  	s7 =	sshll.u32 s4, $0x4;
	s4 =	smul.u32 $0x27100, s4;
	[dreg:$0x6] =	wrdreg s15  }
0xc: {  	s8 =	sshrl.u32 s6, $0x1;
	s7 =	sor.u32 s22, s7;
	s9 =	sadd.s32 s11, s2  }
0xd: {  	s22 =	simm.s32 $0x5;
	s13 =	ssub.s32 s6, s8;
	s12 =	smul.u32 $0x2710, s7  }
0xe: {  	[dreg:$0x4] =	wrdreg s9;
	s6 =	sor.u32 $0x1C05, s26;
	s11 =	sadd.s32 s11, s4  }
0xf: {  	s7 =	smul.u32 $0x4E20, s7;
	s14 =	sshrl.u32 s4, $0x3;
	s11 =	sshrl.u32 s11, $0x3  }
0x10: {  	s18 =	sadd.s32 s0, s14;
	s13 =	smax.u32 s13, $0x1;
	s9 =	sshrl.u32 s12, $0x3  }
0x11: {  	s10 =	sadd.s32 s1, s7;
	s17 =	sadd.s32 $0x50, s12;
	s11 =	sadd.s32 s0, s11  }
0x12: {  	s0 =	sadd.s32 s19, s4;
	s16 =	sadd.s32 s5, s9;
	s20 =	sshrl.u32 s17, $0x3  }
0x13: {  	s7 =	sshll.u32 s17, $0x1;
	s19 =	sadd.s32 $0x140, s0;
	s0 =	sadd.s32 $0xF0, s0  }
0x14: {  	[dreg:$0x7] =	wrdreg s16;
	s16 =	sadd.s32 $0xA0, s12;
	s12 =	sadd.s32 $0x4E00, s18  }
0x15: {  	s14 =	sadd.s32 s5, s20;
	s15 =	sadd.s32 s1, s7;
	s24 =	sshll.u32 s19, $0x1  }
0x16: {  	s25 =	sshrl.u32 s19, $0x3;
	s26 =	sshll.u32 s0, $0x1;
	s0 =	sshrl.u32 s0, $0x3  }
0x17: {  	s21 =	sshrl.u32 s16, $0x3;
	s23 =	sshll.u32 s16, $0x1;
	s18 =	sadd.s32 s24, s1  }
0x18: {  	s19 =	sadd.s32 s25, s5;
	s20 =	sadd.s32 s26, s1;
	s24 =	simm.s32 $0x50  }
0x19: {  	s25 =	simm.s32 $0x5A0;
	s26 =	simm.s32 $0x1;
	s16 =	sadd.s32 s5, s21  }
0x1a: {  	s17 =	sadd.s32 s1, s23;
	s21 =	sadd.s32 s0, s5;
	s23 =	simm.s32 $0xA0  }
.LBB2_1:
0x1b: {  	s0 =	rddreg [dreg:$0x4]  }
0x1c: {  	s1 =	rddreg [dreg:$0x1];
	s0 =	sshrl.u32 s0, $0x3  }
0x1d: {  	[spmem:s0], [sflag:s6] =	dma.local [hbm:s1], $0x4E0  }
0x1e: {  	_ =	swait.ge [sflag:s22], $0x4E0  }
0x1f: {  	[sflag:s22] =	ssyncset.done $0x0;
	s1 =	rddreg [dreg:$0x5]  }
0x20: {  	[sflag:s22] =	ssyncadd.s32 $0xFFFFFB20;
	s4 =	sshrl.u32 @!p0 s1, $0x3;
	s1 =	rddreg [dreg:$0x6]  }
0x21: {  	[spmem:s4], [sflag:s6] =	dma.local @!p0 [hbm:s1], $0x20  }
0x22: {  	s1 =	simm.s32 @!p0 $0x5  }
0x23: {  	_ =	swait.ge @!p0 [sflag:s1], $0x20  }
0x24: {  	[sflag:s1] =	ssyncset.done @!p0 $0x0  }
0x25: {  	[sflag:s1] =	ssyncadd.s32 @!p0 $0xFFFFFFE0  }
0x26: {  	[bflag:$0x0] =	sbarrier.arrive $0xFFFF  }
0x27: {  	s7 =	rddreg [dreg:$0x7]  }
0x28: {  	[tilespmem:s3], [sflag:$0x5] =	stream.linear.gather [hbm4b:s7+s3], $0x50, $0x38;
	[tilespmem:$0x31B0] =	vst v63  }
0x29: {  	_ =	swait.ge [sflag:s22], $0x50  }
0x2a: {  	[sflag:s22] =	ssyncset.done $0x0  }
0x2b: {  	[sflag:s22] =	ssyncadd.s32 $0xFFFFFFB0  }
0x2c: {  	[tilespmem:s23], [sflag:$0x1] =	stream.linear.gather [hbm4b:s10+s3], $0x500, $0x38;
	[tilespmem:$0x31B0] =	vst v63  }
0x2d: {  	_ = 	snop  }
0x2e: {  	[tilespmem:s24], [sflag:$0x5] =	stream.linear.gather [hbm4b:s14+s3], $0x50, $0x38;
	[tilespmem:$0x31B0] =	vst v63  }
0x2f: {  	_ =	swait.ge [sflag:s22], $0x50  }
0x30: {  	[sflag:s22] =	ssyncset.done $0x0  }
0x31: {  	[sflag:s22] =	ssyncadd.s32 $0xFFFFFFB0  }
0x32: {  	[tilespmem:s25], [sflag:$0x2] =	stream.linear.gather [hbm4b:s15+s3], $0x500, $0x38;
	[tilespmem:$0x31B0] =	vst v63  }
0x33: {  	_ =	swait.ge [sflag:s26], $0x500  }
0x34: {  	[sflag:s26] =	ssyncset.done $0x0  }
0x35: {  	[sflag:s26] =	ssyncadd.s32 $0xFFFFFB00  }
0x36: {  	[spmem:s2] =	stream.indirect.scatter.add.f32 [tilespmem:s23], [sflag:$0x3], $0x10, s3, s24, $0xb8;
	[tilespmem:$0x31B0] =	vst v63  }
0x37: {  	_ =	swait.ge [sflag:s28], $0x500  }
0x38: {  	[sflag:s28] =	ssyncset.done $0x0  }
0x39: {  	[sflag:s28] =	ssyncadd.s32 $0xFFFFFB00  }
0x3a: {  	[tilespmem:s3], [sflag:$0x5] =	stream.linear.gather [hbm4b:s16+s3], $0x50, $0x38;
	[tilespmem:$0x31B0] =	vst v63  }
0x3b: {  	_ =	swait.ge [sflag:s22], $0x50  }
0x3c: {  	[sflag:s22] =	ssyncset.done $0x0  }
0x3d: {  	[sflag:s22] =	ssyncadd.s32 $0xFFFFFFB0  }
0x3e: {  	[tilespmem:s23], [sflag:$0x1] =	stream.linear.gather [hbm4b:s17+s3], $0x500, $0x38;
	[tilespmem:$0x31B0] =	vst v63  }
0x3f: {  	_ =	swait.ge [sflag:s29], $0x500  }
0x40: {  	[sflag:s29] =	ssyncset.done $0x0  }
0x41: {  	[sflag:s29] =	ssyncadd.s32 $0xFFFFFB00  }
0x42: {  	[spmem:s2] =	stream.indirect.scatter.add.f32 [tilespmem:s25], [sflag:$0x4], $0x10, s24, s24, $0xb8;
	[tilespmem:$0x31B0] =	vst v63  }
0x43: {  	_ =	swait.ge [sflag:s30], $0x500  }
0x44: {  	[sflag:s30] =	ssyncset.done $0x0  }
0x45: {  	s8 =	sadd.s32 $0x0, s21;
	[sflag:s30] =	ssyncadd.s32 $0xFFFFFB00  }
0x46: {  	[tilespmem:s24], [sflag:$0x5] =	stream.linear.gather [hbm4b:s8+s3], $0x50, $0x38;
	[tilespmem:$0x31B0] =	vst v63  }
0x47: {  	_ =	swait.ge [sflag:s22], $0x50  }
0x48: {  	[sflag:s22] =	ssyncset.done $0x0  }
0x49: {  	[sflag:s22] =	ssyncadd.s32 $0xFFFFFFB0  }
0x4a: {  	[tilespmem:s25], [sflag:$0x2] =	stream.linear.gather [hbm4b:s20+s3], $0x500, $0x38;
	[tilespmem:$0x31B0] =	vst v63  }
0x4b: {  	_ =	swait.ge [sflag:s26], $0x500  }
0x4c: {  	[sflag:s26] =	ssyncset.done $0x0  }
0x4d: {  	[sflag:s26] =	ssyncadd.s32 $0xFFFFFB00  }
0x4e: {  	[spmem:s2] =	stream.indirect.scatter.add.f32 [tilespmem:s23], [sflag:$0x3], $0x10, s3, s24, $0xb8;
	[tilespmem:$0x31B0] =	vst v63  }
0x4f: {  	_ =	swait.ge [sflag:s28], $0x500  }
0x50: {  	[sflag:s28] =	ssyncset.done $0x0  }
0x51: {  	s9 =	sadd.s32 $0x0, s19;
	[sflag:s28] =	ssyncadd.s32 $0xFFFFFB00  }
0x52: {  	[tilespmem:s3], [sflag:$0x5] =	stream.linear.gather [hbm4b:s9+s3], $0x50, $0x38;
	[tilespmem:$0x31B0] =	vst v63  }
0x53: {  	_ =	swait.ge [sflag:s22], $0x50  }
0x54: {  	[sflag:s22] =	ssyncset.done $0x0  }
0x55: {  	[sflag:s22] =	ssyncadd.s32 $0xFFFFFFB0  }
0x56: {  	[tilespmem:s23], [sflag:$0x1] =	stream.linear.gather [hbm4b:s18+s3], $0x500, $0x38;
	[tilespmem:$0x31B0] =	vst v63  }
0x57: {  	_ =	swait.ge [sflag:s29], $0x500  }
0x58: {  	s5 =	sadd.s32 $0x140, s18;
	[sflag:s29] =	ssyncset.done $0x0  }
0x59: {  	s1 =	simm.s32 $0x14;
	s7 =	sadd.s32 $0x140, s20;
	[sflag:s29] =	ssyncadd.s32 $0xFFFFFB00  }
.LBB2_2:
0x5a: {  	[spmem:s2] =	stream.indirect.scatter.add.f32 [tilespmem:s25], [sflag:$0x4], $0x10, s24, s24, $0xb8;
	[tilespmem:$0x31B0] =	vst v63  }
0x5b: {  	s8 =	smov.u32 s1  }
0x5c: {  	p1 =	sne.s32 s1, $0x4B0;
	s1 =	sadd.s32 $0x14, s1;
	_ =	swait.ge [sflag:s30], $0x500  }
0x5d: {  	[sflag:s30] =	ssyncset.done $0x0  }
0x5e: {  	s9 =	sadd.s32 s8, s21;
	[sflag:s30] =	ssyncadd.s32 $0xFFFFFB00  }
0x5f: {  	[tilespmem:s24], [sflag:$0x5] =	stream.linear.gather [hbm4b:s9+s3], $0x50, $0x38;
	[tilespmem:$0x31B0] =	vst v63  }
0x60: {  	_ =	swait.ge [sflag:s22], $0x50  }
0x61: {  	[sflag:s22] =	ssyncset.done $0x0  }
0x62: {  	[sflag:s22] =	ssyncadd.s32 $0xFFFFFFB0  }
0x63: {  	[tilespmem:s25], [sflag:$0x2] =	stream.linear.gather [hbm4b:s7+s3], $0x500, $0x38;
	[tilespmem:$0x31B0] =	vst v63  }
0x64: {  	_ =	swait.ge [sflag:s26], $0x500  }
0x65: {  	[sflag:s26] =	ssyncset.done $0x0  }
0x66: {  	[sflag:s26] =	ssyncadd.s32 $0xFFFFFB00  }
0x67: {  	[spmem:s2] =	stream.indirect.scatter.add.f32 [tilespmem:s23], [sflag:$0x3], $0x10, s3, s24, $0xb8;
	[tilespmem:$0x31B0] =	vst v63  }
0x68: {  	_ =	swait.ge [sflag:s28], $0x500  }
0x69: {  	[sflag:s28] =	ssyncset.done $0x0  }
0x6a: {  	s8 =	sadd.s32 s8, s19;
	[sflag:s28] =	ssyncadd.s32 $0xFFFFFB00  }
0x6b: {  	[tilespmem:s3], [sflag:$0x5] =	stream.linear.gather [hbm4b:s8+s3], $0x50, $0x38;
	[tilespmem:$0x31B0] =	vst v63  }
0x6c: {  	_ =	swait.ge [sflag:s22], $0x50  }
0x6d: {  	[sflag:s22] =	ssyncset.done $0x0  }
.Ltmp0:
0x6e: {  	[sflag:s22] =	ssyncadd.s32 $0xFFFFFFB0;
	(pc) =	sbr.rel @p1 .LBB2_2-.Ltmp0, $4  }
0x6f: {  	[tilespmem:s23], [sflag:$0x1] =	stream.linear.gather [hbm4b:s5+s3], $0x500, $0x38;
	[tilespmem:$0x31B0] =	vst v63  }
0x70: {  	_ =	swait.ge [sflag:s29], $0x500  }
0x71: {  	[sflag:s29] =	ssyncset.done $0x0  }
0x72: {  	s7 =	sadd.s32 $0x140, s7;
	s5 =	sadd.s32 $0x140, s5;
	[sflag:s29] =	ssyncadd.s32 $0xFFFFFB00  }
0x73: {  	[spmem:s2] =	stream.indirect.scatter.add.f32 [tilespmem:s25], [sflag:$0x4], $0x10, s24, s24, $0xb8;
	[tilespmem:$0x31B0] =	vst v63  }
0x74: {  	_ =	swait.ge [sflag:s26], $0x500  }
0x75: {  	[sflag:s26] =	ssyncset.done $0x0  }
0x76: {  	[sflag:s26] =	ssyncadd.s32 $0xFFFFFB00  }
0x77: {  	[spmem:s2] =	stream.indirect.scatter.add.f32 [tilespmem:s23], [sflag:$0x3], $0x10, s3, s24, $0xb8;
	[tilespmem:$0x31B0] =	vst v63  }
0x78: {  	_ =	swait.ge [sflag:s28], $0x500  }
0x79: {  	[sflag:s28] =	ssyncset.done $0x0  }
0x7a: {  	[sflag:s28] =	ssyncadd.s32 $0xFFFFFB00  }
0x7b: {  	_ =	swait.ge [sflag:s30], $0x500  }
0x7c: {  	[sflag:s30] =	ssyncset.done $0x0  }
0x7d: {  	[sflag:s30] =	ssyncadd.s32 $0xFFFFFB00  }
0x7e: {  	[bflag:$0x0] =	sbarrier.arrive $0xFFFF  }
0x7f: {  	[hbm:s11], [sflag:s6] =	dma.local [spmem:s0], $0x4E0  }
0x80: {  	s31 =	sadd.s32 $0x1, s31;
	_ =	swait.ge [sflag:s22], $0x4E0  }
0x81: {  	p1 =	sne.s32 s31, s13;
	[sflag:s22] =	ssyncset.done $0x0  }
.Ltmp1:
0x82: {  	s0 =	simm.s32 @!p0 $0x5;
	[sflag:s22] =	ssyncadd.s32 $0xFFFFFB20;
	(pc) =	sbr.rel @p1 .LBB2_1-.Ltmp1, $4  }
0x83: {  	[hbm:s12], [sflag:s6] =	dma.local @!p0 [spmem:s4], $0x20  }
0x84: {  	_ =	swait.ge @!p0 [sflag:s0], $0x20  }
0x85: {  	[sflag:s0] =	ssyncset.done @!p0 $0x0  }
0x86: {  	[sflag:s0] =	ssyncadd.s32 @!p0 $0xFFFFFFE0  }
0x87: {  	_ =	sfence.sel $0x180000  }
0x88: {  	[bflag:$0x0] =	sbarrier.arrive $0xFFFF  }
0x89: {  	_ =	strace $0x90000056  }
0x8a: {  	s0 =	stileid.u32;
	[bflag:$0x2] =	sbarrier.arrive $0xFFFF  }
0x8b: {  	p0 =	sne.s32 s0, $0x0;
	s0 =	rddreg [dreg:$0x3]  }
0x8c: {  	s0 =	sadd.s32 @!p0 $0x100000, s0  }
0x8d: {  	[sflag:s0] =	ssyncadd.tile.s32 @!p0 $0x1;
	_ =	shalt  }
.Lfunc_end2:
_tile_overlayer_lowered:
.L_overlay_start_2:
0x8e: {  	(tag) =	ssettag $0x2  }
0x8f: {  	s0 =	rddreg [dreg:$0x0];
	s2 =	stileid.u32  }
0x90: {  	s1 =	rddreg [dreg:$0x1];
	p0 =	sne.s32 s2, $0x0  }
0x91: {  	s3 =	rddreg [dreg:$0x2];
	[bflag:$0x3] =	sbarrier.arrive $0xFFFF;
	s2 =	simm.s32 @!p0 $0x1C05  }
0x92: {  	[timem:s3], [sflag:s2] =	dma.local @!p0 [hbm:s0], s1  }
0x93: {  	s0 =	simm.s32 @!p0 $0x5  }
0x94: {  	_ =	swait.ge @!p0 [sflag:s0], s1  }
0x95: {  	s1 =	ssub.s32 @!p0 $0x0, s1;
	[sflag:s0] =	ssyncset.done @!p0 $0x0  }
0x96: {  	[sflag:s0] =	ssyncadd.s32 @!p0 s1  }
0x97: {  	[bflag:$0x3] =	sbarrier.arrive $0xFFFF  }
0x98: {  	_ =	shalt  }

</sc_bundles>
